<compile_context>
chip_gen: v7x
topology: tpu7x:2x2x1
jax: 0.10.2.dev20260603
libtpu: 0.0.44.dev20260713+nightly
codegen_flags: <defaults>
</compile_context>

<pallas_src>
import functools

import jax
import jax.numpy as jnp
from jax import lax
from jax.experimental import pallas as pl
from jax.experimental.pallas import tpu as pltpu
from jax.experimental.pallas import tpu_sc as plsc

M, C_IN, C_OUT, F, FP, K = 2, 128, 128, 50000, 25000, 16
G = K + 1

NC, NS = 2, 16
NW = NC * NS
FP_PAD = 26624
TOT = M * FP_PAD
RPT = TOT // NW
RPTM = FP_PAD // 16
NB = 16
CPT = RPT // NB

F_PAD = 50176
BF = 7168
BFP4 = 2048
BST = 5000


def _mm_body(fea_ref, w_ref, out_ref):
    x = fea_ref[0]
    w = w_ref[...]
    out_ref[0] = lax.dot_general(
        x, w, (((0,), (1,)), ((), ())), preferred_element_type=jnp.float32)
    nj = pl.num_programs(1)

    @pl.when(pl.program_id(1) == nj - 1)
    def _():
        out_ref[0, pl.ds(F - (nj - 1) * BF, F_PAD - F), :] = jnp.zeros(
            (F_PAD - F, C_OUT), jnp.float32)


def _matmul(fea, W):
    return pl.pallas_call(
        _mm_body,
        grid=(M, F_PAD // BF),
        in_specs=[
            pl.BlockSpec((1, C_IN, BF), lambda m, j: (m, 0, j)),
            pl.BlockSpec((C_OUT, C_IN), lambda m, j: (0, 0)),
        ],
        out_specs=pl.BlockSpec((1, BF, C_OUT), lambda m, j: (m, j, 0)),
        out_shape=jax.ShapeDtypeStruct((M, F_PAD, C_OUT), jnp.float32),
    )(fea, W)


_mesh = plsc.VectorSubcoreMesh(core_axis_name="c", subcore_axis_name="s")


@functools.partial(
    pl.kernel,
    mesh=_mesh,
    out_type=jax.ShapeDtypeStruct((TOT, C_OUT), jnp.float32),
    scratch_types=[
        pltpu.VMEM((RPT,), jnp.int32),
        pltpu.VMEM((K, RPT), jnp.int32),
        pltpu.VMEM((2, G * NB, C_OUT), jnp.float32),
        pltpu.VMEM((2, NB, C_OUT), jnp.float32),
        pltpu.SemaphoreType.DMA,
        pltpu.SemaphoreType.DMA,
        pltpu.SemaphoreType.DMA,
    ],
)
def _gather_sum(pre_hbm, pool_hbm, ring_hbm, out_hbm,
                pool_v, ring_v, gbuf, out_v, lsem, gsem, ssem):
    wid = lax.axis_index("s") * NC + lax.axis_index("c")
    m = lax.div(wid, 16)
    fp_base = lax.rem(wid, 16) * RPTM
    rbase = wid * RPT

    cps = [pltpu.make_async_copy(
        pool_hbm.at[pl.ds(rbase, RPT)], pool_v, lsem)]
    for k in range(K):
        cps.append(pltpu.make_async_copy(
            ring_hbm.at[k, m, pl.ds(fp_base, RPT)], ring_v.at[k], lsem))
    for cp in cps:
        cp.start()
    for cp in cps:
        cp.wait()

    def _gathers(c):
        p = lax.rem(c, 2)
        fsl = pl.ds(c * NB, NB)
        gs = [pltpu.make_async_copy(
            pre_hbm.at[pool_v.at[fsl]], gbuf.at[p, pl.ds(K * NB, NB)], gsem)]
        for k in range(K):
            gs.append(pltpu.make_async_copy(
                pre_hbm.at[ring_v.at[k, fsl]],
                gbuf.at[p, pl.ds(k * NB, NB)], gsem))
        return gs

    def _store(c):
        return pltpu.make_async_copy(
            out_v.at[lax.rem(c, 2)],
            out_hbm.at[pl.ds(rbase + c * NB, NB)], ssem)

    for cp in _gathers(0):
        cp.start()

    def chunk_body(c, carry):
        p = lax.rem(c, 2)

        @pl.when(c + 1 < CPT)
        def _():
            for cp in _gathers(c + 1):
                cp.start()

        for cp in _gathers(c):
            cp.wait()

        @pl.when(c >= 2)
        def _():
            _store(0).wait()

        def face_body(i, acc):
            for j in range(8):
                sl = pl.ds(j * 16, 16)
                v = gbuf[p, K * NB + i, sl]
                for k in range(K):
                    v = v + gbuf[p, k * NB + i, sl]
                out_v[p, i, sl] = v
            return acc

        lax.fori_loop(0, NB, face_body, 0, unroll=False)
        _store(c).start()
        return carry

    lax.fori_loop(0, CPT, chunk_body, 0, unroll=False)

    _store(0).wait()
    _store(0).wait()


def _stats_body(s_ref, gamma_ref, beta_ref, a_ref, c_ref, acc_ref):
    mi = pl.program_id(0)
    j = pl.program_id(1)
    nj = pl.num_programs(1)

    @pl.when((mi == 0) & (j == 0))
    def _():
        acc_ref[...] = jnp.zeros_like(acc_ref)

    x = s_ref[0]
    acc_ref[0:1, :] += jnp.sum(x, axis=0, keepdims=True)
    acc_ref[1:2, :] += jnp.sum(x * x, axis=0, keepdims=True)

    @pl.when((mi == M - 1) & (j == nj - 1))
    def _():
        n = float(M * FP)
        mean = acc_ref[0:1, :] / n
        var = acc_ref[1:2, :] / n - mean * mean
        a = gamma_ref[...] * lax.rsqrt(var + 1e-5)
        a_ref[...] = a
        c_ref[...] = beta_ref[...] - mean * a


def _stats(s3, gamma, beta):
    return pl.pallas_call(
        _stats_body,
        grid=(M, FP // BST),
        in_specs=[
            pl.BlockSpec((1, BST, C_OUT), lambda m, j: (m, j, 0)),
            pl.BlockSpec((1, C_OUT), lambda m, j: (0, 0)),
            pl.BlockSpec((1, C_OUT), lambda m, j: (0, 0)),
        ],
        out_specs=[
            pl.BlockSpec((1, C_OUT), lambda m, j: (0, 0)),
            pl.BlockSpec((1, C_OUT), lambda m, j: (0, 0)),
        ],
        out_shape=[
            jax.ShapeDtypeStruct((1, C_OUT), jnp.float32),
            jax.ShapeDtypeStruct((1, C_OUT), jnp.float32),
        ],
        scratch_shapes=[pltpu.VMEM((8, C_OUT), jnp.float32)],
    )(s3, gamma, beta)


def _norm_body(s_ref, a_ref, c_ref, out_ref):
    x = s_ref[0]
    y = jnp.maximum(x * a_ref[...] + c_ref[...], 0.0)
    out_ref[0] = y.T


def _normalize(s3, a, c):
    return pl.pallas_call(
        _norm_body,
        grid=(M, FP_PAD // BFP4),
        in_specs=[
            pl.BlockSpec((1, BFP4, C_OUT), lambda m, j: (m, j, 0)),
            pl.BlockSpec((1, C_OUT), lambda m, j: (0, 0)),
            pl.BlockSpec((1, C_OUT), lambda m, j: (0, 0)),
        ],
        out_specs=pl.BlockSpec((1, C_OUT, BFP4), lambda m, j: (m, 0, j)),
        out_shape=jax.ShapeDtypeStruct((M, C_OUT, FP), jnp.float32),
    )(s3, a, c)


def kernel(fea, ring_n, pool_idx, W, b, gamma, beta):
    del b
    pre = _matmul(fea, W).reshape(M * F_PAD, C_OUT)

    offs = jnp.arange(M, dtype=jnp.int32) * F_PAD
    ramp = jnp.arange(FP, FP_PAD, dtype=jnp.int32)
    ring_km = jnp.concatenate(
        [jnp.transpose(ring_n, (2, 0, 1)),
         jnp.broadcast_to(ramp[None, None, :], (K, M, FP_PAD - FP))], axis=2)
    ring_km = ring_km + offs[None, :, None]
    pool_off = (jnp.concatenate([pool_idx, ramp])[None, :]
                + offs[:, None]).reshape(TOT)

    s = _gather_sum(pre, pool_off, ring_km)
    s3 = s.reshape(M, FP_PAD, C_OUT)
    a, c = _stats(s3, gamma.reshape(1, C_OUT), beta.reshape(1, C_OUT))
    return _normalize(s3, a, c)

# --- scband reference (transcript-rebuilt; emitter-appended) ---
"""Pipeline reference for scband-conv-face-11441792876787 (READ-ONLY COPY).

The authoritative reference and input builder live on the scoring server;
editing this copy changes nothing except your own understanding.
"""

import jax, jax.numpy as jnp
import numpy as np

M, C_IN, C_OUT, F, FP, K = 2, 128, 128, 50000, 25000, 16

def setup_inputs(seed: int = 0):
    key = jax.random.key(seed)
    k1, k2, k3, k4 = jax.random.split(key, 4)
    fea = jax.random.normal(k1, (M, C_IN, F), dtype=jnp.float32)
    ring_n = jax.random.randint(k2, (M, FP, K), 0, F, dtype=jnp.int32)
    pool_idx = jax.random.randint(k3, (FP,), 0, F, dtype=jnp.int32)
    # learned params: Conv1d(128,128,1) weight/bias, BatchNorm1d(128) gamma/beta
    W = jax.random.normal(k4, (C_OUT, C_IN), dtype=jnp.float32) * (1.0 / np.sqrt(C_IN))
    b = jnp.zeros((C_OUT,), dtype=jnp.float32)
    gamma = jnp.ones((C_OUT,), dtype=jnp.float32)
    beta = jnp.zeros((C_OUT,), dtype=jnp.float32)
    return {"fea": fea, "ring_n": ring_n, "pool_idx": pool_idx, "W": W, "b": b, "gamma": gamma, "beta": beta}

def reference(fea, ring_n, pool_idx, W, b, gamma, beta):
    m, c, f = fea.shape
    _, fp, k = ring_n.shape
    # gather neighbor features: [M, C, FP, K]
    mi = jnp.arange(m)[:, None, None, None]
    ci = jnp.arange(c)[None, :, None, None]
    neighbor_fea = fea[mi, ci, ring_n[:, None, :, :]]
    # spatial pooling gather: [M, C, FP]
    pooled = jnp.take(fea, pool_idx, axis=2)
    # cat([pooled, neighbor], dim=3) then sum over dim 3 == pooled + sum(neighbor)
    summed = pooled + jnp.sum(neighbor_fea, axis=3)
    # Conv1d kernel size 1 == channel matmul
    out = jnp.einsum('oc,mcf->mof', W, summed) + b[None, :, None]
    # BatchNorm1d (training mode: batch statistics, biased variance, eps=1e-5)
    mean = jnp.mean(out, axis=(0, 2), keepdims=True)
    var = jnp.var(out, axis=(0, 2), keepdims=True)
    out = (out - mean) / jnp.sqrt(var + 1e-5)
    out = out * gamma[None, :, None] + beta[None, :, None]
    return jnp.maximum(out, 0.0)

if __name__ == "__main__":
    import jax
    _d = setup_inputs()
    print(jax.jit(kernel)(*tuple(_d.values())))

</pallas_src>

<mosaic_0001>
#map = affine_map<(d0, d1) -> (0, 0)>
#map1 = affine_map<(d0, d1) -> (0)>
#map2 = affine_map<(d0, d1) -> (0, 0, 0)>
module attributes {stable_mosaic.version = 14 : i64} {
  func.func @_gather_sum(%arg0: i32, %arg1: i32, %arg2: memref<100352x128xf32, #tpu.memory_space<hbm>>, %arg3: memref<53248xi32, #tpu.memory_space<hbm>>, %arg4: memref<16x2x26624xi32, #tpu.memory_space<hbm>>, %arg5: memref<53248x128xf32, #tpu.memory_space<hbm>>, %arg6: memref<1664xi32, #tpu.memory_space<vmem>>, %arg7: memref<16x1664xi32, #tpu.memory_space<vmem>>, %arg8: memref<2x272x128xf32, #tpu.memory_space<vmem>>, %arg9: memref<2x16x128xf32, #tpu.memory_space<vmem>>, %arg10: memref<!tpu.dma_semaphore, #tpu.memory_space<semaphore_mem>>, %arg11: memref<!tpu.dma_semaphore, #tpu.memory_space<semaphore_mem>>, %arg12: memref<!tpu.dma_semaphore, #tpu.memory_space<semaphore_mem>>) attributes {dimension_semantics = [#tpu.dimension_semantics<core_parallel>, #tpu.dimension_semantics<subcore_parallel>], iteration_bounds = array<i64: 2, 16>, scalar_prefetch = 0 : i64, scratch_operands = 7 : i64, tpu.core_type = #tpu.core_type<sc_vector_subcore>, window_params = [{transform_indices = #map}, {transform_indices = #map1}, {transform_indices = #map2}, {transform_indices = #map}]} {
    %mul3A = arith.constant 2 : i32
    %mul3A_0 = arith.muli %arg1, %mul3A : i32
    %add3A = arith.addi %mul3A_0, %arg0 : i32
    %div3A = arith.constant 16 : i32
    %div3A_1 = arith.divsi %add3A, %div3A : i32
    %rem3A = arith.constant 16 : i32
    %rem3A_2 = arith.remsi %add3A, %rem3A : i32
    %mul3A_3 = arith.constant 1664 : i32
    %mul3A_4 = arith.muli %rem3A_2, %mul3A_3 : i32
    %mul3A_5 = arith.constant 1664 : i32
    %mul3A_6 = arith.muli %add3A, %mul3A_5 : i32
    %dma_start3A = tpu.memref_slice %arg3[%mul3A_6] : memref<53248xi32, #tpu.memory_space<hbm>> -> memref<1664xi32, #tpu.memory_space<hbm>>
    %dma_start3A_7 = tpu.memref_slice %arg3[%mul3A_6] : memref<53248xi32, #tpu.memory_space<hbm>> -> memref<1664xi32, #tpu.memory_space<hbm>>
    tpu.enqueue_dma source(%dma_start3A_7 : memref<1664xi32, #tpu.memory_space<hbm>>) target(%arg6 : memref<1664xi32, #tpu.memory_space<vmem>>) target_semaphore(%arg10 : memref<!tpu.dma_semaphore, #tpu.memory_space<semaphore_mem>>)
    %dma_start3A_8 = arith.constant 0 : i32
    %dma_start3A_9 = arith.constant 0 : i32
    %dma_start3A_10 = arith.constant 0 : i32
    %dma_start3A_11 = tpu.memref_slice %arg7[%dma_start3A_9, %dma_start3A_10] : memref<16x1664xi32, #tpu.memory_space<vmem>> -> memref<1x1664xi32, #tpu.memory_space<vmem>>
    %dma_start3A_12 = tpu.memref_squeeze %dma_start3A_11 : memref<1x1664xi32, #tpu.memory_space<vmem>> -> memref<1664xi32, #tpu.memory_space<vmem>>
    %dma_start3A_13 = tpu.memref_slice %arg4[%dma_start3A_8, %div3A_1, %mul3A_4] : memref<16x2x26624xi32, #tpu.memory_space<hbm>> -> memref<1x1x1664xi32, #tpu.memory_space<hbm>>
    %dma_start3A_14 = tpu.memref_squeeze %dma_start3A_13 : memref<1x1x1664xi32, #tpu.memory_space<hbm>> -> memref<1664xi32, #tpu.memory_space<hbm>>
    %dma_start3A_15 = arith.constant 0 : i32
    %dma_start3A_16 = tpu.memref_slice %arg7[%dma_start3A_9, %dma_start3A_15] : memref<16x1664xi32, #tpu.memory_space<vmem>> -> memref<1x1664xi32, #tpu.memory_space<vmem>>
    %dma_start3A_17 = tpu.memref_squeeze %dma_start3A_16 : memref<1x1664xi32, #tpu.memory_space<vmem>> -> memref<1664xi32, #tpu.memory_space<vmem>>
    %dma_start3A_18 = tpu.memref_slice %arg4[%dma_start3A_8, %div3A_1, %mul3A_4] : memref<16x2x26624xi32, #tpu.memory_space<hbm>> -> memref<1x1x1664xi32, #tpu.memory_space<hbm>>
    %dma_start3A_19 = tpu.memref_squeeze %dma_start3A_18 : memref<1x1x1664xi32, #tpu.memory_space<hbm>> -> memref<1664xi32, #tpu.memory_space<hbm>>
    tpu.enqueue_dma source(%dma_start3A_19 : memref<1664xi32, #tpu.memory_space<hbm>>) target(%dma_start3A_17 : memref<1664xi32, #tpu.memory_space<vmem>>) target_semaphore(%arg10 : memref<!tpu.dma_semaphore, #tpu.memory_space<semaphore_mem>>)
    %dma_start3A_20 = arith.constant 1 : i32
    %dma_start3A_21 = arith.constant 1 : i32
    %dma_start3A_22 = arith.constant 0 : i32
    %dma_start3A_23 = tpu.memref_slice %arg7[%dma_start3A_21, %dma_start3A_22] : memref<16x1664xi32, #tpu.memory_space<vmem>> -> memref<1x1664xi32, #tpu.memory_space<vmem>>
    %dma_start3A_24 = tpu.memref_squeeze %dma_start3A_23 : memref<1x1664xi32, #tpu.memory_space<vmem>> -> memref<1664xi32, #tpu.memory_space<vmem>>
    %dma_start3A_25 = tpu.memref_slice %arg4[%dma_start3A_20, %div3A_1, %mul3A_4] : memref<16x2x26624xi32, #tpu.memory_space<hbm>> -> memref<1x1x1664xi32, #tpu.memory_space<hbm>>
    %dma_start3A_26 = tpu.memref_squeeze %dma_start3A_25 : memref<1x1x1664xi32, #tpu.memory_space<hbm>> -> memref<1664xi32, #tpu.memory_space<hbm>>
    %dma_start3A_27 = arith.constant 0 : i32
    %dma_start3A_28 = tpu.memref_slice %arg7[%dma_start3A_21, %dma_start3A_27] : memref<16x1664xi32, #tpu.memory_space<vmem>> -> memref<1x1664xi32, #tpu.memory_space<vmem>>
    %dma_start3A_29 = tpu.memref_squeeze %dma_start3A_28 : memref<1x1664xi32, #tpu.memory_space<vmem>> -> memref<1664xi32, #tpu.memory_space<vmem>>
    %dma_start3A_30 = tpu.memref_slice %arg4[%dma_start3A_20, %div3A_1, %mul3A_4] : memref<16x2x26624xi32, #tpu.memory_space<hbm>> -> memref<1x1x1664xi32, #tpu.memory_space<hbm>>
    %dma_start3A_31 = tpu.memref_squeeze %dma_start3A_30 : memref<1x1x1664xi32, #tpu.memory_space<hbm>> -> memref<1664xi32, #tpu.memory_space<hbm>>
    tpu.enqueue_dma source(%dma_start3A_31 : memref<1664xi32, #tpu.memory_space<hbm>>) target(%dma_start3A_29 : memref<1664xi32, #tpu.memory_space<vmem>>) target_semaphore(%arg10 : memref<!tpu.dma_semaphore, #tpu.memory_space<semaphore_mem>>)
    %dma_start3A_32 = arith.constant 2 : i32
    %dma_start3A_33 = arith.constant 2 : i32
    %dma_start3A_34 = arith.constant 0 : i32
    %dma_start3A_35 = tpu.memref_slice %arg7[%dma_start3A_33, %dma_start3A_34] : memref<16x1664xi32, #tpu.memory_space<vmem>> -> memref<1x1664xi32, #tpu.memory_space<vmem>>
    %dma_start3A_36 = tpu.memref_squeeze %dma_start3A_35 : memref<1x1664xi32, #tpu.memory_space<vmem>> -> memref<1664xi32, #tpu.memory_space<vmem>>
    %dma_start3A_37 = tpu.memref_slice %arg4[%dma_start3A_32, %div3A_1, %mul3A_4] : memref<16x2x26624xi32, #tpu.memory_space<hbm>> -> memref<1x1x1664xi32, #tpu.memory_space<hbm>>
    %dma_start3A_38 = tpu.memref_squeeze %dma_start3A_37 : memref<1x1x1664xi32, #tpu.memory_space<hbm>> -> memref<1664xi32, #tpu.memory_space<hbm>>
    %dma_start3A_39 = arith.constant 0 : i32
    %dma_start3A_40 = tpu.memref_slice %arg7[%dma_start3A_33, %dma_start3A_39] : memref<16x1664xi32, #tpu.memory_space<vmem>> -> memref<1x1664xi32, #tpu.memory_space<vmem>>
    %dma_start3A_41 = tpu.memref_squeeze %dma_start3A_40 : memref<1x1664xi32, #tpu.memory_space<vmem>> -> memref<1664xi32, #tpu.memory_space<vmem>>
    %dma_start3A_42 = tpu.memref_slice %arg4[%dma_start3A_32, %div3A_1, %mul3A_4] : memref<16x2x26624xi32, #tpu.memory_space<hbm>> -> memref<1x1x1664xi32, #tpu.memory_space<hbm>>
    %dma_start3A_43 = tpu.memref_squeeze %dma_start3A_42 : memref<1x1x1664xi32, #tpu.memory_space<hbm>> -> memref<1664xi32, #tpu.memory_space<hbm>>
    tpu.enqueue_dma source(%dma_start3A_43 : memref<1664xi32, #tpu.memory_space<hbm>>) target(%dma_start3A_41 : memref<1664xi32, #tpu.memory_space<vmem>>) target_semaphore(%arg10 : memref<!tpu.dma_semaphore, #tpu.memory_space<semaphore_mem>>)
    %dma_start3A_44 = arith.constant 3 : i32
    %dma_start3A_45 = arith.constant 3 : i32
    %dma_start3A_46 = arith.constant 0 : i32
    %dma_start3A_47 = tpu.memref_slice %arg7[%dma_start3A_45, %dma_start3A_46] : memref<16x1664xi32, #tpu.memory_space<vmem>> -> memref<1x1664xi32, #tpu.memory_space<vmem>>
    %dma_start3A_48 = tpu.memref_squeeze %dma_start3A_47 : memref<1x1664xi32, #tpu.memory_space<vmem>> -> memref<1664xi32, #tpu.memory_space<vmem>>
    %dma_start3A_49 = tpu.memref_slice %arg4[%dma_start3A_44, %div3A_1, %mul3A_4] : memref<16x2x26624xi32, #tpu.memory_space<hbm>> -> memref<1x1x1664xi32, #tpu.memory_space<hbm>>
    %dma_start3A_50 = tpu.memref_squeeze %dma_start3A_49 : memref<1x1x1664xi32, #tpu.memory_space<hbm>> -> memref<1664xi32, #tpu.memory_space<hbm>>
    %dma_start3A_51 = arith.constant 0 : i32
    %dma_start3A_52 = tpu.memref_slice %arg7[%dma_start3A_45, %dma_start3A_51] : memref<16x1664xi32, #tpu.memory_space<vmem>> -> memref<1x1664xi32, #tpu.memory_space<vmem>>
    %dma_start3A_53 = tpu.memref_squeeze %dma_start3A_52 : memref<1x1664xi32, #tpu.memory_space<vmem>> -> memref<1664xi32, #tpu.memory_space<vmem>>
    %dma_start3A_54 = tpu.memref_slice %arg4[%dma_start3A_44, %div3A_1, %mul3A_4] : memref<16x2x26624xi32, #tpu.memory_space<hbm>> -> memref<1x1x1664xi32, #tpu.memory_space<hbm>>
    %dma_start3A_55 = tpu.memref_squeeze %dma_start3A_54 : memref<1x1x1664xi32, #tpu.memory_space<hbm>> -> memref<1664xi32, #tpu.memory_space<hbm>>
    tpu.enqueue_dma source(%dma_start3A_55 : memref<1664xi32, #tpu.memory_space<hbm>>) target(%dma_start3A_53 : memref<1664xi32, #tpu.memory_space<vmem>>) target_semaphore(%arg10 : memref<!tpu.dma_semaphore, #tpu.memory_space<semaphore_mem>>)
    %dma_start3A_56 = arith.constant 4 : i32
    %dma_start3A_57 = arith.constant 4 : i32
    %dma_start3A_58 = arith.constant 0 : i32
    %dma_start3A_59 = tpu.memref_slice %arg7[%dma_start3A_57, %dma_start3A_58] : memref<16x1664xi32, #tpu.memory_space<vmem>> -> memref<1x1664xi32, #tpu.memory_space<vmem>>
    %dma_start3A_60 = tpu.memref_squeeze %dma_start3A_59 : memref<1x1664xi32, #tpu.memory_space<vmem>> -> memref<1664xi32, #tpu.memory_space<vmem>>
    %dma_start3A_61 = tpu.memref_slice %arg4[%dma_start3A_56, %div3A_1, %mul3A_4] : memref<16x2x26624xi32, #tpu.memory_space<hbm>> -> memref<1x1x1664xi32, #tpu.memory_space<hbm>>
    %dma_start3A_62 = tpu.memref_squeeze %dma_start3A_61 : memref<1x1x1664xi32, #tpu.memory_space<hbm>> -> memref<1664xi32, #tpu.memory_space<hbm>>
    %dma_start3A_63 = arith.constant 0 : i32
    %dma_start3A_64 = tpu.memref_slice %arg7[%dma_start3A_57, %dma_start3A_63] : memref<16x1664xi32, #tpu.memory_space<vmem>> -> memref<1x1664xi32, #tpu.memory_space<vmem>>
    %dma_start3A_65 = tpu.memref_squeeze %dma_start3A_64 : memref<1x1664xi32, #tpu.memory_space<vmem>> -> memref<1664xi32, #tpu.memory_space<vmem>>
    %dma_start3A_66 = tpu.memref_slice %arg4[%dma_start3A_56, %div3A_1, %mul3A_4] : memref<16x2x26624xi32, #tpu.memory_space<hbm>> -> memref<1x1x1664xi32, #tpu.memory_space<hbm>>
    %dma_start3A_67 = tpu.memref_squeeze %dma_start3A_66 : memref<1x1x1664xi32, #tpu.memory_space<hbm>> -> memref<1664xi32, #tpu.memory_space<hbm>>
    tpu.enqueue_dma source(%dma_start3A_67 : memref<1664xi32, #tpu.memory_space<hbm>>) target(%dma_start3A_65 : memref<1664xi32, #tpu.memory_space<vmem>>) target_semaphore(%arg10 : memref<!tpu.dma_semaphore, #tpu.memory_space<semaphore_mem>>)
    %dma_start3A_68 = arith.constant 5 : i32
    %dma_start3A_69 = arith.constant 5 : i32
    %dma_start3A_70 = arith.constant 0 : i32
    %dma_start3A_71 = tpu.memref_slice %arg7[%dma_start3A_69, %dma_start3A_70] : memref<16x1664xi32, #tpu.memory_space<vmem>> -> memref<1x1664xi32, #tpu.memory_space<vmem>>
    %dma_start3A_72 = tpu.memref_squeeze %dma_start3A_71 : memref<1x1664xi32, #tpu.memory_space<vmem>> -> memref<1664xi32, #tpu.memory_space<vmem>>
    %dma_start3A_73 = tpu.memref_slice %arg4[%dma_start3A_68, %div3A_1, %mul3A_4] : memref<16x2x26624xi32, #tpu.memory_space<hbm>> -> memref<1x1x1664xi32, #tpu.memory_space<hbm>>
    %dma_start3A_74 = tpu.memref_squeeze %dma_start3A_73 : memref<1x1x1664xi32, #tpu.memory_space<hbm>> -> memref<1664xi32, #tpu.memory_space<hbm>>
    %dma_start3A_75 = arith.constant 0 : i32
    %dma_start3A_76 = tpu.memref_slice %arg7[%dma_start3A_69, %dma_start3A_75] : memref<16x1664xi32, #tpu.memory_space<vmem>> -> memref<1x1664xi32, #tpu.memory_space<vmem>>
    %dma_start3A_77 = tpu.memref_squeeze %dma_start3A_76 : memref<1x1664xi32, #tpu.memory_space<vmem>> -> memref<1664xi32, #tpu.memory_space<vmem>>
    %dma_start3A_78 = tpu.memref_slice %arg4[%dma_start3A_68, %div3A_1, %mul3A_4] : memref<16x2x26624xi32, #tpu.memory_space<hbm>> -> memref<1x1x1664xi32, #tpu.memory_space<hbm>>
    %dma_start3A_79 = tpu.memref_squeeze %dma_start3A_78 : memref<1x1x1664xi32, #tpu.memory_space<hbm>> -> memref<1664xi32, #tpu.memory_space<hbm>>
    tpu.enqueue_dma source(%dma_start3A_79 : memref<1664xi32, #tpu.memory_space<hbm>>) target(%dma_start3A_77 : memref<1664xi32, #tpu.memory_space<vmem>>) target_semaphore(%arg10 : memref<!tpu.dma_semaphore, #tpu.memory_space<semaphore_mem>>)
    %dma_start3A_80 = arith.constant 6 : i32
    %dma_start3A_81 = arith.constant 6 : i32
    %dma_start3A_82 = arith.constant 0 : i32
    %dma_start3A_83 = tpu.memref_slice %arg7[%dma_start3A_81, %dma_start3A_82] : memref<16x1664xi32, #tpu.memory_space<vmem>> -> memref<1x1664xi32, #tpu.memory_space<vmem>>
    %dma_start3A_84 = tpu.memref_squeeze %dma_start3A_83 : memref<1x1664xi32, #tpu.memory_space<vmem>> -> memref<1664xi32, #tpu.memory_space<vmem>>
    %dma_start3A_85 = tpu.memref_slice %arg4[%dma_start3A_80, %div3A_1, %mul3A_4] : memref<16x2x26624xi32, #tpu.memory_space<hbm>> -> memref<1x1x1664xi32, #tpu.memory_space<hbm>>
    %dma_start3A_86 = tpu.memref_squeeze %dma_start3A_85 : memref<1x1x1664xi32, #tpu.memory_space<hbm>> -> memref<1664xi32, #tpu.memory_space<hbm>>
    %dma_start3A_87 = arith.constant 0 : i32
    %dma_start3A_88 = tpu.memref_slice %arg7[%dma_start3A_81, %dma_start3A_87] : memref<16x1664xi32, #tpu.memory_space<vmem>> -> memref<1x1664xi32, #tpu.memory_space<vmem>>
    %dma_start3A_89 = tpu.memref_squeeze %dma_start3A_88 : memref<1x1664xi32, #tpu.memory_space<vmem>> -> memref<1664xi32, #tpu.memory_space<vmem>>
    %dma_start3A_90 = tpu.memref_slice %arg4[%dma_start3A_80, %div3A_1, %mul3A_4] : memref<16x2x26624xi32, #tpu.memory_space<hbm>> -> memref<1x1x1664xi32, #tpu.memory_space<hbm>>
    %dma_start3A_91 = tpu.memref_squeeze %dma_start3A_90 : memref<1x1x1664xi32, #tpu.memory_space<hbm>> -> memref<1664xi32, #tpu.memory_space<hbm>>
    tpu.enqueue_dma source(%dma_start3A_91 : memref<1664xi32, #tpu.memory_space<hbm>>) target(%dma_start3A_89 : memref<1664xi32, #tpu.memory_space<vmem>>) target_semaphore(%arg10 : memref<!tpu.dma_semaphore, #tpu.memory_space<semaphore_mem>>)
    %dma_start3A_92 = arith.constant 7 : i32
    %dma_start3A_93 = arith.constant 7 : i32
    %dma_start3A_94 = arith.constant 0 : i32
    %dma_start3A_95 = tpu.memref_slice %arg7[%dma_start3A_93, %dma_start3A_94] : memref<16x1664xi32, #tpu.memory_space<vmem>> -> memref<1x1664xi32, #tpu.memory_space<vmem>>
    %dma_start3A_96 = tpu.memref_squeeze %dma_start3A_95 : memref<1x1664xi32, #tpu.memory_space<vmem>> -> memref<1664xi32, #tpu.memory_space<vmem>>
    %dma_start3A_97 = tpu.memref_slice %arg4[%dma_start3A_92, %div3A_1, %mul3A_4] : memref<16x2x26624xi32, #tpu.memory_space<hbm>> -> memref<1x1x1664xi32, #tpu.memory_space<hbm>>
    %dma_start3A_98 = tpu.memref_squeeze %dma_start3A_97 : memref<1x1x1664xi32, #tpu.memory_space<hbm>> -> memref<1664xi32, #tpu.memory_space<hbm>>
    %dma_start3A_99 = arith.constant 0 : i32
    %dma_start3A_100 = tpu.memref_slice %arg7[%dma_start3A_93, %dma_start3A_99] : memref<16x1664xi32, #tpu.memory_space<vmem>> -> memref<1x1664xi32, #tpu.memory_space<vmem>>
    %dma_start3A_101 = tpu.memref_squeeze %dma_start3A_100 : memref<1x1664xi32, #tpu.memory_space<vmem>> -> memref<1664xi32, #tpu.memory_space<vmem>>
    %dma_start3A_102 = tpu.memref_slice %arg4[%dma_start3A_92, %div3A_1, %mul3A_4] : memref<16x2x26624xi32, #tpu.memory_space<hbm>> -> memref<1x1x1664xi32, #tpu.memory_space<hbm>>
    %dma_start3A_103 = tpu.memref_squeeze %dma_start3A_102 : memref<1x1x1664xi32, #tpu.memory_space<hbm>> -> memref<1664xi32, #tpu.memory_space<hbm>>
    tpu.enqueue_dma source(%dma_start3A_103 : memref<1664xi32, #tpu.memory_space<hbm>>) target(%dma_start3A_101 : memref<1664xi32, #tpu.memory_space<vmem>>) target_semaphore(%arg10 : memref<!tpu.dma_semaphore, #tpu.memory_space<semaphore_mem>>)
    %dma_start3A_104 = arith.constant 8 : i32
    %dma_start3A_105 = arith.constant 8 : i32
    %dma_start3A_106 = arith.constant 0 : i32
    %dma_start3A_107 = tpu.memref_slice %arg7[%dma_start3A_105, %dma_start3A_106] : memref<16x1664xi32, #tpu.memory_space<vmem>> -> memref<1x1664xi32, #tpu.memory_space<vmem>>
    %dma_start3A_108 = tpu.memref_squeeze %dma_start3A_107 : memref<1x1664xi32, #tpu.memory_space<vmem>> -> memref<1664xi32, #tpu.memory_space<vmem>>
    %dma_start3A_109 = tpu.memref_slice %arg4[%dma_start3A_104, %div3A_1, %mul3A_4] : memref<16x2x26624xi32, #tpu.memory_space<hbm>> -> memref<1x1x1664xi32, #tpu.memory_space<hbm>>
    %dma_start3A_110 = tpu.memref_squeeze %dma_start3A_109 : memref<1x1x1664xi32, #tpu.memory_space<hbm>> -> memref<1664xi32, #tpu.memory_space<hbm>>
    %dma_start3A_111 = arith.constant 0 : i32
    %dma_start3A_112 = tpu.memref_slice %arg7[%dma_start3A_105, %dma_start3A_111] : memref<16x1664xi32, #tpu.memory_space<vmem>> -> memref<1x1664xi32, #tpu.memory_space<vmem>>
    %dma_start3A_113 = tpu.memref_squeeze %dma_start3A_112 : memref<1x1664xi32, #tpu.memory_space<vmem>> -> memref<1664xi32, #tpu.memory_space<vmem>>
    %dma_start3A_114 = tpu.memref_slice %arg4[%dma_start3A_104, %div3A_1, %mul3A_4] : memref<16x2x26624xi32, #tpu.memory_space<hbm>> -> memref<1x1x1664xi32, #tpu.memory_space<hbm>>
    %dma_start3A_115 = tpu.memref_squeeze %dma_start3A_114 : memref<1x1x1664xi32, #tpu.memory_space<hbm>> -> memref<1664xi32, #tpu.memory_space<hbm>>
    tpu.enqueue_dma source(%dma_start3A_115 : memref<1664xi32, #tpu.memory_space<hbm>>) target(%dma_start3A_113 : memref<1664xi32, #tpu.memory_space<vmem>>) target_semaphore(%arg10 : memref<!tpu.dma_semaphore, #tpu.memory_space<semaphore_mem>>)
    %dma_start3A_116 = arith.constant 9 : i32
    %dma_start3A_117 = arith.constant 9 : i32
    %dma_start3A_118 = arith.constant 0 : i32
    %dma_start3A_119 = tpu.memref_slice %arg7[%dma_start3A_117, %dma_start3A_118] : memref<16x1664xi32, #tpu.memory_space<vmem>> -> memref<1x1664xi32, #tpu.memory_space<vmem>>
    %dma_start3A_120 = tpu.memref_squeeze %dma_start3A_119 : memref<1x1664xi32, #tpu.memory_space<vmem>> -> memref<1664xi32, #tpu.memory_space<vmem>>
    %dma_start3A_121 = tpu.memref_slice %arg4[%dma_start3A_116, %div3A_1, %mul3A_4] : memref<16x2x26624xi32, #tpu.memory_space<hbm>> -> memref<1x1x1664xi32, #tpu.memory_space<hbm>>
    %dma_start3A_122 = tpu.memref_squeeze %dma_start3A_121 : memref<1x1x1664xi32, #tpu.memory_space<hbm>> -> memref<1664xi32, #tpu.memory_space<hbm>>
    %dma_start3A_123 = arith.constant 0 : i32
    %dma_start3A_124 = tpu.memref_slice %arg7[%dma_start3A_117, %dma_start3A_123] : memref<16x1664xi32, #tpu.memory_space<vmem>> -> memref<1x1664xi32, #tpu.memory_space<vmem>>
    %dma_start3A_125 = tpu.memref_squeeze %dma_start3A_124 : memref<1x1664xi32, #tpu.memory_space<vmem>> -> memref<1664xi32, #tpu.memory_space<vmem>>
    %dma_start3A_126 = tpu.memref_slice %arg4[%dma_start3A_116, %div3A_1, %mul3A_4] : memref<16x2x26624xi32, #tpu.memory_space<hbm>> -> memref<1x1x1664xi32, #tpu.memory_space<hbm>>
    %dma_start3A_127 = tpu.memref_squeeze %dma_start3A_126 : memref<1x1x1664xi32, #tpu.memory_space<hbm>> -> memref<1664xi32, #tpu.memory_space<hbm>>
    tpu.enqueue_dma source(%dma_start3A_127 : memref<1664xi32, #tpu.memory_space<hbm>>) target(%dma_start3A_125 : memref<1664xi32, #tpu.memory_space<vmem>>) target_semaphore(%arg10 : memref<!tpu.dma_semaphore, #tpu.memory_space<semaphore_mem>>)
    %dma_start3A_128 = arith.constant 10 : i32
    %dma_start3A_129 = arith.constant 10 : i32
    %dma_start3A_130 = arith.constant 0 : i32
    %dma_start3A_131 = tpu.memref_slice %arg7[%dma_start3A_129, %dma_start3A_130] : memref<16x1664xi32, #tpu.memory_space<vmem>> -> memref<1x1664xi32, #tpu.memory_space<vmem>>
    %dma_start3A_132 = tpu.memref_squeeze %dma_start3A_131 : memref<1x1664xi32, #tpu.memory_space<vmem>> -> memref<1664xi32, #tpu.memory_space<vmem>>
    %dma_start3A_133 = tpu.memref_slice %arg4[%dma_start3A_128, %div3A_1, %mul3A_4] : memref<16x2x26624xi32, #tpu.memory_space<hbm>> -> memref<1x1x1664xi32, #tpu.memory_space<hbm>>
    %dma_start3A_134 = tpu.memref_squeeze %dma_start3A_133 : memref<1x1x1664xi32, #tpu.memory_space<hbm>> -> memref<1664xi32, #tpu.memory_space<hbm>>
    %dma_start3A_135 = arith.constant 0 : i32
    %dma_start3A_136 = tpu.memref_slice %arg7[%dma_start3A_129, %dma_start3A_135] : memref<16x1664xi32, #tpu.memory_space<vmem>> -> memref<1x1664xi32, #tpu.memory_space<vmem>>
    %dma_start3A_137 = tpu.memref_squeeze %dma_start3A_136 : memref<1x1664xi32, #tpu.memory_space<vmem>> -> memref<1664xi32, #tpu.memory_space<vmem>>
    %dma_start3A_138 = tpu.memref_slice %arg4[%dma_start3A_128, %div3A_1, %mul3A_4] : memref<16x2x26624xi32, #tpu.memory_space<hbm>> -> memref<1x1x1664xi32, #tpu.memory_space<hbm>>
    %dma_start3A_139 = tpu.memref_squeeze %dma_start3A_138 : memref<1x1x1664xi32, #tpu.memory_space<hbm>> -> memref<1664xi32, #tpu.memory_space<hbm>>
    tpu.enqueue_dma source(%dma_start3A_139 : memref<1664xi32, #tpu.memory_space<hbm>>) target(%dma_start3A_137 : memref<1664xi32, #tpu.memory_space<vmem>>) target_semaphore(%arg10 : memref<!tpu.dma_semaphore, #tpu.memory_space<semaphore_mem>>)
    %dma_start3A_140 = arith.constant 11 : i32
    %dma_start3A_141 = arith.constant 11 : i32
    %dma_start3A_142 = arith.constant 0 : i32
    %dma_start3A_143 = tpu.memref_slice %arg7[%dma_start3A_141, %dma_start3A_142] : memref<16x1664xi32, #tpu.memory_space<vmem>> -> memref<1x1664xi32, #tpu.memory_space<vmem>>
    %dma_start3A_144 = tpu.memref_squeeze %dma_start3A_143 : memref<1x1664xi32, #tpu.memory_space<vmem>> -> memref<1664xi32, #tpu.memory_space<vmem>>
    %dma_start3A_145 = tpu.memref_slice %arg4[%dma_start3A_140, %div3A_1, %mul3A_4] : memref<16x2x26624xi32, #tpu.memory_space<hbm>> -> memref<1x1x1664xi32, #tpu.memory_space<hbm>>
    %dma_start3A_146 = tpu.memref_squeeze %dma_start3A_145 : memref<1x1x1664xi32, #tpu.memory_space<hbm>> -> memref<1664xi32, #tpu.memory_space<hbm>>
    %dma_start3A_147 = arith.constant 0 : i32
    %dma_start3A_148 = tpu.memref_slice %arg7[%dma_start3A_141, %dma_start3A_147] : memref<16x1664xi32, #tpu.memory_space<vmem>> -> memref<1x1664xi32, #tpu.memory_space<vmem>>
    %dma_start3A_149 = tpu.memref_squeeze %dma_start3A_148 : memref<1x1664xi32, #tpu.memory_space<vmem>> -> memref<1664xi32, #tpu.memory_space<vmem>>
    %dma_start3A_150 = tpu.memref_slice %arg4[%dma_start3A_140, %div3A_1, %mul3A_4] : memref<16x2x26624xi32, #tpu.memory_space<hbm>> -> memref<1x1x1664xi32, #tpu.memory_space<hbm>>
    %dma_start3A_151 = tpu.memref_squeeze %dma_start3A_150 : memref<1x1x1664xi32, #tpu.memory_space<hbm>> -> memref<1664xi32, #tpu.memory_space<hbm>>
    tpu.enqueue_dma source(%dma_start3A_151 : memref<1664xi32, #tpu.memory_space<hbm>>) target(%dma_start3A_149 : memref<1664xi32, #tpu.memory_space<vmem>>) target_semaphore(%arg10 : memref<!tpu.dma_semaphore, #tpu.memory_space<semaphore_mem>>)
    %dma_start3A_152 = arith.constant 12 : i32
    %dma_start3A_153 = arith.constant 12 : i32
    %dma_start3A_154 = arith.constant 0 : i32
    %dma_start3A_155 = tpu.memref_slice %arg7[%dma_start3A_153, %dma_start3A_154] : memref<16x1664xi32, #tpu.memory_space<vmem>> -> memref<1x1664xi32, #tpu.memory_space<vmem>>
    %dma_start3A_156 = tpu.memref_squeeze %dma_start3A_155 : memref<1x1664xi32, #tpu.memory_space<vmem>> -> memref<1664xi32, #tpu.memory_space<vmem>>
    %dma_start3A_157 = tpu.memref_slice %arg4[%dma_start3A_152, %div3A_1, %mul3A_4] : memref<16x2x26624xi32, #tpu.memory_space<hbm>> -> memref<1x1x1664xi32, #tpu.memory_space<hbm>>
    %dma_start3A_158 = tpu.memref_squeeze %dma_start3A_157 : memref<1x1x1664xi32, #tpu.memory_space<hbm>> -> memref<1664xi32, #tpu.memory_space<hbm>>
    %dma_start3A_159 = arith.constant 0 : i32
    %dma_start3A_160 = tpu.memref_slice %arg7[%dma_start3A_153, %dma_start3A_159] : memref<16x1664xi32, #tpu.memory_space<vmem>> -> memref<1x1664xi32, #tpu.memory_space<vmem>>
    %dma_start3A_161 = tpu.memref_squeeze %dma_start3A_160 : memref<1x1664xi32, #tpu.memory_space<vmem>> -> memref<1664xi32, #tpu.memory_space<vmem>>
    %dma_start3A_162 = tpu.memref_slice %arg4[%dma_start3A_152, %div3A_1, %mul3A_4] : memref<16x2x26624xi32, #tpu.memory_space<hbm>> -> memref<1x1x1664xi32, #tpu.memory_space<hbm>>
    %dma_start3A_163 = tpu.memref_squeeze %dma_start3A_162 : memref<1x1x1664xi32, #tpu.memory_space<hbm>> -> memref<1664xi32, #tpu.memory_space<hbm>>
    tpu.enqueue_dma source(%dma_start3A_163 : memref<1664xi32, #tpu.memory_space<hbm>>) target(%dma_start3A_161 : memref<1664xi32, #tpu.memory_space<vmem>>) target_semaphore(%arg10 : memref<!tpu.dma_semaphore, #tpu.memory_space<semaphore_mem>>)
    %dma_start3A_164 = arith.constant 13 : i32
    %dma_start3A_165 = arith.constant 13 : i32
    %dma_start3A_166 = arith.constant 0 : i32
    %dma_start3A_167 = tpu.memref_slice %arg7[%dma_start3A_165, %dma_start3A_166] : memref<16x1664xi32, #tpu.memory_space<vmem>> -> memref<1x1664xi32, #tpu.memory_space<vmem>>
    %dma_start3A_168 = tpu.memref_squeeze %dma_start3A_167 : memref<1x1664xi32, #tpu.memory_space<vmem>> -> memref<1664xi32, #tpu.memory_space<vmem>>
    %dma_start3A_169 = tpu.memref_slice %arg4[%dma_start3A_164, %div3A_1, %mul3A_4] : memref<16x2x26624xi32, #tpu.memory_space<hbm>> -> memref<1x1x1664xi32, #tpu.memory_space<hbm>>
    %dma_start3A_170 = tpu.memref_squeeze %dma_start3A_169 : memref<1x1x1664xi32, #tpu.memory_space<hbm>> -> memref<1664xi32, #tpu.memory_space<hbm>>
    %dma_start3A_171 = arith.constant 0 : i32
    %dma_start3A_172 = tpu.memref_slice %arg7[%dma_start3A_165, %dma_start3A_171] : memref<16x1664xi32, #tpu.memory_space<vmem>> -> memref<1x1664xi32, #tpu.memory_space<vmem>>
    %dma_start3A_173 = tpu.memref_squeeze %dma_start3A_172 : memref<1x1664xi32, #tpu.memory_space<vmem>> -> memref<1664xi32, #tpu.memory_space<vmem>>
    %dma_start3A_174 = tpu.memref_slice %arg4[%dma_start3A_164, %div3A_1, %mul3A_4] : memref<16x2x26624xi32, #tpu.memory_space<hbm>> -> memref<1x1x1664xi32, #tpu.memory_space<hbm>>
    %dma_start3A_175 = tpu.memref_squeeze %dma_start3A_174 : memref<1x1x1664xi32, #tpu.memory_space<hbm>> -> memref<1664xi32, #tpu.memory_space<hbm>>
    tpu.enqueue_dma source(%dma_start3A_175 : memref<1664xi32, #tpu.memory_space<hbm>>) target(%dma_start3A_173 : memref<1664xi32, #tpu.memory_space<vmem>>) target_semaphore(%arg10 : memref<!tpu.dma_semaphore, #tpu.memory_space<semaphore_mem>>)
    %dma_start3A_176 = arith.constant 14 : i32
    %dma_start3A_177 = arith.constant 14 : i32
    %dma_start3A_178 = arith.constant 0 : i32
    %dma_start3A_179 = tpu.memref_slice %arg7[%dma_start3A_177, %dma_start3A_178] : memref<16x1664xi32, #tpu.memory_space<vmem>> -> memref<1x1664xi32, #tpu.memory_space<vmem>>
    %dma_start3A_180 = tpu.memref_squeeze %dma_start3A_179 : memref<1x1664xi32, #tpu.memory_space<vmem>> -> memref<1664xi32, #tpu.memory_space<vmem>>
    %dma_start3A_181 = tpu.memref_slice %arg4[%dma_start3A_176, %div3A_1, %mul3A_4] : memref<16x2x26624xi32, #tpu.memory_space<hbm>> -> memref<1x1x1664xi32, #tpu.memory_space<hbm>>
    %dma_start3A_182 = tpu.memref_squeeze %dma_start3A_181 : memref<1x1x1664xi32, #tpu.memory_space<hbm>> -> memref<1664xi32, #tpu.memory_space<hbm>>
    %dma_start3A_183 = arith.constant 0 : i32
    %dma_start3A_184 = tpu.memref_slice %arg7[%dma_start3A_177, %dma_start3A_183] : memref<16x1664xi32, #tpu.memory_space<vmem>> -> memref<1x1664xi32, #tpu.memory_space<vmem>>
    %dma_start3A_185 = tpu.memref_squeeze %dma_start3A_184 : memref<1x1664xi32, #tpu.memory_space<vmem>> -> memref<1664xi32, #tpu.memory_space<vmem>>
    %dma_start3A_186 = tpu.memref_slice %arg4[%dma_start3A_176, %div3A_1, %mul3A_4] : memref<16x2x26624xi32, #tpu.memory_space<hbm>> -> memref<1x1x1664xi32, #tpu.memory_space<hbm>>
    %dma_start3A_187 = tpu.memref_squeeze %dma_start3A_186 : memref<1x1x1664xi32, #tpu.memory_space<hbm>> -> memref<1664xi32, #tpu.memory_space<hbm>>
    tpu.enqueue_dma source(%dma_start3A_187 : memref<1664xi32, #tpu.memory_space<hbm>>) target(%dma_start3A_185 : memref<1664xi32, #tpu.memory_space<vmem>>) target_semaphore(%arg10 : memref<!tpu.dma_semaphore, #tpu.memory_space<semaphore_mem>>)
    %dma_start3A_188 = arith.constant 15 : i32
    %dma_start3A_189 = arith.constant 15 : i32
    %dma_start3A_190 = arith.constant 0 : i32
    %dma_start3A_191 = tpu.memref_slice %arg7[%dma_start3A_189, %dma_start3A_190] : memref<16x1664xi32, #tpu.memory_space<vmem>> -> memref<1x1664xi32, #tpu.memory_space<vmem>>
    %dma_start3A_192 = tpu.memref_squeeze %dma_start3A_191 : memref<1x1664xi32, #tpu.memory_space<vmem>> -> memref<1664xi32, #tpu.memory_space<vmem>>
    %dma_start3A_193 = tpu.memref_slice %arg4[%dma_start3A_188, %div3A_1, %mul3A_4] : memref<16x2x26624xi32, #tpu.memory_space<hbm>> -> memref<1x1x1664xi32, #tpu.memory_space<hbm>>
    %dma_start3A_194 = tpu.memref_squeeze %dma_start3A_193 : memref<1x1x1664xi32, #tpu.memory_space<hbm>> -> memref<1664xi32, #tpu.memory_space<hbm>>
    %dma_start3A_195 = arith.constant 0 : i32
    %dma_start3A_196 = tpu.memref_slice %arg7[%dma_start3A_189, %dma_start3A_195] : memref<16x1664xi32, #tpu.memory_space<vmem>> -> memref<1x1664xi32, #tpu.memory_space<vmem>>
    %dma_start3A_197 = tpu.memref_squeeze %dma_start3A_196 : memref<1x1664xi32, #tpu.memory_space<vmem>> -> memref<1664xi32, #tpu.memory_space<vmem>>
    %dma_start3A_198 = tpu.memref_slice %arg4[%dma_start3A_188, %div3A_1, %mul3A_4] : memref<16x2x26624xi32, #tpu.memory_space<hbm>> -> memref<1x1x1664xi32, #tpu.memory_space<hbm>>
    %dma_start3A_199 = tpu.memref_squeeze %dma_start3A_198 : memref<1x1x1664xi32, #tpu.memory_space<hbm>> -> memref<1664xi32, #tpu.memory_space<hbm>>
    tpu.enqueue_dma source(%dma_start3A_199 : memref<1664xi32, #tpu.memory_space<hbm>>) target(%dma_start3A_197 : memref<1664xi32, #tpu.memory_space<vmem>>) target_semaphore(%arg10 : memref<!tpu.dma_semaphore, #tpu.memory_space<semaphore_mem>>)
    %dma_wait3A = tpu.memref_slice %arg3[%mul3A_6] : memref<53248xi32, #tpu.memory_space<hbm>> -> memref<1664xi32, #tpu.memory_space<hbm>>
    %dma_wait3A_200 = tpu.memref_slice %arg3[%mul3A_6] : memref<53248xi32, #tpu.memory_space<hbm>> -> memref<1664xi32, #tpu.memory_space<hbm>>
    tpu.wait_dma2 semaphore(%arg10 : memref<!tpu.dma_semaphore, #tpu.memory_space<semaphore_mem>>) src(%dma_wait3A_200 : memref<1664xi32, #tpu.memory_space<hbm>>) dst(%arg6 : memref<1664xi32, #tpu.memory_space<vmem>>)
    %dma_wait3A_201 = arith.constant 0 : i32
    %dma_wait3A_202 = arith.constant 0 : i32
    %dma_wait3A_203 = arith.constant 0 : i32
    %dma_wait3A_204 = tpu.memref_slice %arg7[%dma_wait3A_202, %dma_wait3A_203] : memref<16x1664xi32, #tpu.memory_space<vmem>> -> memref<1x1664xi32, #tpu.memory_space<vmem>>
    %dma_wait3A_205 = tpu.memref_squeeze %dma_wait3A_204 : memref<1x1664xi32, #tpu.memory_space<vmem>> -> memref<1664xi32, #tpu.memory_space<vmem>>
    %dma_wait3A_206 = tpu.memref_slice %arg4[%dma_wait3A_201, %div3A_1, %mul3A_4] : memref<16x2x26624xi32, #tpu.memory_space<hbm>> -> memref<1x1x1664xi32, #tpu.memory_space<hbm>>
    %dma_wait3A_207 = tpu.memref_squeeze %dma_wait3A_206 : memref<1x1x1664xi32, #tpu.memory_space<hbm>> -> memref<1664xi32, #tpu.memory_space<hbm>>
    %dma_wait3A_208 = arith.constant 0 : i32
    %dma_wait3A_209 = tpu.memref_slice %arg7[%dma_wait3A_202, %dma_wait3A_208] : memref<16x1664xi32, #tpu.memory_space<vmem>> -> memref<1x1664xi32, #tpu.memory_space<vmem>>
    %dma_wait3A_210 = tpu.memref_squeeze %dma_wait3A_209 : memref<1x1664xi32, #tpu.memory_space<vmem>> -> memref<1664xi32, #tpu.memory_space<vmem>>
    %dma_wait3A_211 = tpu.memref_slice %arg4[%dma_wait3A_201, %div3A_1, %mul3A_4] : memref<16x2x26624xi32, #tpu.memory_space<hbm>> -> memref<1x1x1664xi32, #tpu.memory_space<hbm>>
    %dma_wait3A_212 = tpu.memref_squeeze %dma_wait3A_211 : memref<1x1x1664xi32, #tpu.memory_space<hbm>> -> memref<1664xi32, #tpu.memory_space<hbm>>
    tpu.wait_dma2 semaphore(%arg10 : memref<!tpu.dma_semaphore, #tpu.memory_space<semaphore_mem>>) src(%dma_wait3A_212 : memref<1664xi32, #tpu.memory_space<hbm>>) dst(%dma_wait3A_210 : memref<1664xi32, #tpu.memory_space<vmem>>)
    %dma_wait3A_213 = arith.constant 1 : i32
    %dma_wait3A_214 = arith.constant 1 : i32
    %dma_wait3A_215 = arith.constant 0 : i32
    %dma_wait3A_216 = tpu.memref_slice %arg7[%dma_wait3A_214, %dma_wait3A_215] : memref<16x1664xi32, #tpu.memory_space<vmem>> -> memref<1x1664xi32, #tpu.memory_space<vmem>>
    %dma_wait3A_217 = tpu.memref_squeeze %dma_wait3A_216 : memref<1x1664xi32, #tpu.memory_space<vmem>> -> memref<1664xi32, #tpu.memory_space<vmem>>
    %dma_wait3A_218 = tpu.memref_slice %arg4[%dma_wait3A_213, %div3A_1, %mul3A_4] : memref<16x2x26624xi32, #tpu.memory_space<hbm>> -> memref<1x1x1664xi32, #tpu.memory_space<hbm>>
    %dma_wait3A_219 = tpu.memref_squeeze %dma_wait3A_218 : memref<1x1x1664xi32, #tpu.memory_space<hbm>> -> memref<1664xi32, #tpu.memory_space<hbm>>
    %dma_wait3A_220 = arith.constant 0 : i32
    %dma_wait3A_221 = tpu.memref_slice %arg7[%dma_wait3A_214, %dma_wait3A_220] : memref<16x1664xi32, #tpu.memory_space<vmem>> -> memref<1x1664xi32, #tpu.memory_space<vmem>>
    %dma_wait3A_222 = tpu.memref_squeeze %dma_wait3A_221 : memref<1x1664xi32, #tpu.memory_space<vmem>> -> memref<1664xi32, #tpu.memory_space<vmem>>
    %dma_wait3A_223 = tpu.memref_slice %arg4[%dma_wait3A_213, %div3A_1, %mul3A_4] : memref<16x2x26624xi32, #tpu.memory_space<hbm>> -> memref<1x1x1664xi32, #tpu.memory_space<hbm>>
    %dma_wait3A_224 = tpu.memref_squeeze %dma_wait3A_223 : memref<1x1x1664xi32, #tpu.memory_space<hbm>> -> memref<1664xi32, #tpu.memory_space<hbm>>
    tpu.wait_dma2 semaphore(%arg10 : memref<!tpu.dma_semaphore, #tpu.memory_space<semaphore_mem>>) src(%dma_wait3A_224 : memref<1664xi32, #tpu.memory_space<hbm>>) dst(%dma_wait3A_222 : memref<1664xi32, #tpu.memory_space<vmem>>)
    %dma_wait3A_225 = arith.constant 2 : i32
    %dma_wait3A_226 = arith.constant 2 : i32
    %dma_wait3A_227 = arith.constant 0 : i32
    %dma_wait3A_228 = tpu.memref_slice %arg7[%dma_wait3A_226, %dma_wait3A_227] : memref<16x1664xi32, #tpu.memory_space<vmem>> -> memref<1x1664xi32, #tpu.memory_space<vmem>>
    %dma_wait3A_229 = tpu.memref_squeeze %dma_wait3A_228 : memref<1x1664xi32, #tpu.memory_space<vmem>> -> memref<1664xi32, #tpu.memory_space<vmem>>
    %dma_wait3A_230 = tpu.memref_slice %arg4[%dma_wait3A_225, %div3A_1, %mul3A_4] : memref<16x2x26624xi32, #tpu.memory_space<hbm>> -> memref<1x1x1664xi32, #tpu.memory_space<hbm>>
    %dma_wait3A_231 = tpu.memref_squeeze %dma_wait3A_230 : memref<1x1x1664xi32, #tpu.memory_space<hbm>> -> memref<1664xi32, #tpu.memory_space<hbm>>
    %dma_wait3A_232 = arith.constant 0 : i32
    %dma_wait3A_233 = tpu.memref_slice %arg7[%dma_wait3A_226, %dma_wait3A_232] : memref<16x1664xi32, #tpu.memory_space<vmem>> -> memref<1x1664xi32, #tpu.memory_space<vmem>>
    %dma_wait3A_234 = tpu.memref_squeeze %dma_wait3A_233 : memref<1x1664xi32, #tpu.memory_space<vmem>> -> memref<1664xi32, #tpu.memory_space<vmem>>
    %dma_wait3A_235 = tpu.memref_slice %arg4[%dma_wait3A_225, %div3A_1, %mul3A_4] : memref<16x2x26624xi32, #tpu.memory_space<hbm>> -> memref<1x1x1664xi32, #tpu.memory_space<hbm>>
    %dma_wait3A_236 = tpu.memref_squeeze %dma_wait3A_235 : memref<1x1x1664xi32, #tpu.memory_space<hbm>> -> memref<1664xi32, #tpu.memory_space<hbm>>
    tpu.wait_dma2 semaphore(%arg10 : memref<!tpu.dma_semaphore, #tpu.memory_space<semaphore_mem>>) src(%dma_wait3A_236 : memref<1664xi32, #tpu.memory_space<hbm>>) dst(%dma_wait3A_234 : memref<1664xi32, #tpu.memory_space<vmem>>)
    %dma_wait3A_237 = arith.constant 3 : i32
    %dma_wait3A_238 = arith.constant 3 : i32
    %dma_wait3A_239 = arith.constant 0 : i32
    %dma_wait3A_240 = tpu.memref_slice %arg7[%dma_wait3A_238, %dma_wait3A_239] : memref<16x1664xi32, #tpu.memory_space<vmem>> -> memref<1x1664xi32, #tpu.memory_space<vmem>>
    %dma_wait3A_241 = tpu.memref_squeeze %dma_wait3A_240 : memref<1x1664xi32, #tpu.memory_space<vmem>> -> memref<1664xi32, #tpu.memory_space<vmem>>
    %dma_wait3A_242 = tpu.memref_slice %arg4[%dma_wait3A_237, %div3A_1, %mul3A_4] : memref<16x2x26624xi32, #tpu.memory_space<hbm>> -> memref<1x1x1664xi32, #tpu.memory_space<hbm>>
    %dma_wait3A_243 = tpu.memref_squeeze %dma_wait3A_242 : memref<1x1x1664xi32, #tpu.memory_space<hbm>> -> memref<1664xi32, #tpu.memory_space<hbm>>
    %dma_wait3A_244 = arith.constant 0 : i32
    %dma_wait3A_245 = tpu.memref_slice %arg7[%dma_wait3A_238, %dma_wait3A_244] : memref<16x1664xi32, #tpu.memory_space<vmem>> -> memref<1x1664xi32, #tpu.memory_space<vmem>>
    %dma_wait3A_246 = tpu.memref_squeeze %dma_wait3A_245 : memref<1x1664xi32, #tpu.memory_space<vmem>> -> memref<1664xi32, #tpu.memory_space<vmem>>
    %dma_wait3A_247 = tpu.memref_slice %arg4[%dma_wait3A_237, %div3A_1, %mul3A_4] : memref<16x2x26624xi32, #tpu.memory_space<hbm>> -> memref<1x1x1664xi32, #tpu.memory_space<hbm>>
    %dma_wait3A_248 = tpu.memref_squeeze %dma_wait3A_247 : memref<1x1x1664xi32, #tpu.memory_space<hbm>> -> memref<1664xi32, #tpu.memory_space<hbm>>
    tpu.wait_dma2 semaphore(%arg10 : memref<!tpu.dma_semaphore, #tpu.memory_space<semaphore_mem>>) src(%dma_wait3A_248 : memref<1664xi32, #tpu.memory_space<hbm>>) dst(%dma_wait3A_246 : memref<1664xi32, #tpu.memory_space<vmem>>)
    %dma_wait3A_249 = arith.constant 4 : i32
    %dma_wait3A_250 = arith.constant 4 : i32
    %dma_wait3A_251 = arith.constant 0 : i32
    %dma_wait3A_252 = tpu.memref_slice %arg7[%dma_wait3A_250, %dma_wait3A_251] : memref<16x1664xi32, #tpu.memory_space<vmem>> -> memref<1x1664xi32, #tpu.memory_space<vmem>>
    %dma_wait3A_253 = tpu.memref_squeeze %dma_wait3A_252 : memref<1x1664xi32, #tpu.memory_space<vmem>> -> memref<1664xi32, #tpu.memory_space<vmem>>
    %dma_wait3A_254 = tpu.memref_slice %arg4[%dma_wait3A_249, %div3A_1, %mul3A_4] : memref<16x2x26624xi32, #tpu.memory_space<hbm>> -> memref<1x1x1664xi32, #tpu.memory_space<hbm>>
    %dma_wait3A_255 = tpu.memref_squeeze %dma_wait3A_254 : memref<1x1x1664xi32, #tpu.memory_space<hbm>> -> memref<1664xi32, #tpu.memory_space<hbm>>
    %dma_wait3A_256 = arith.constant 0 : i32
    %dma_wait3A_257 = tpu.memref_slice %arg7[%dma_wait3A_250, %dma_wait3A_256] : memref<16x1664xi32, #tpu.memory_space<vmem>> -> memref<1x1664xi32, #tpu.memory_space<vmem>>
    %dma_wait3A_258 = tpu.memref_squeeze %dma_wait3A_257 : memref<1x1664xi32, #tpu.memory_space<vmem>> -> memref<1664xi32, #tpu.memory_space<vmem>>
    %dma_wait3A_259 = tpu.memref_slice %arg4[%dma_wait3A_249, %div3A_1, %mul3A_4] : memref<16x2x26624xi32, #tpu.memory_space<hbm>> -> memref<1x1x1664xi32, #tpu.memory_space<hbm>>
    %dma_wait3A_260 = tpu.memref_squeeze %dma_wait3A_259 : memref<1x1x1664xi32, #tpu.memory_space<hbm>> -> memref<1664xi32, #tpu.memory_space<hbm>>
    tpu.wait_dma2 semaphore(%arg10 : memref<!tpu.dma_semaphore, #tpu.memory_space<semaphore_mem>>) src(%dma_wait3A_260 : memref<1664xi32, #tpu.memory_space<hbm>>) dst(%dma_wait3A_258 : memref<1664xi32, #tpu.memory_space<vmem>>)
    %dma_wait3A_261 = arith.constant 5 : i32
    %dma_wait3A_262 = arith.constant 5 : i32
    %dma_wait3A_263 = arith.constant 0 : i32
    %dma_wait3A_264 = tpu.memref_slice %arg7[%dma_wait3A_262, %dma_wait3A_263] : memref<16x1664xi32, #tpu.memory_space<vmem>> -> memref<1x1664xi32, #tpu.memory_space<vmem>>
    %dma_wait3A_265 = tpu.memref_squeeze %dma_wait3A_264 : memref<1x1664xi32, #tpu.memory_space<vmem>> -> memref<1664xi32, #tpu.memory_space<vmem>>
    %dma_wait3A_266 = tpu.memref_slice %arg4[%dma_wait3A_261, %div3A_1, %mul3A_4] : memref<16x2x26624xi32, #tpu.memory_space<hbm>> -> memref<1x1x1664xi32, #tpu.memory_space<hbm>>
    %dma_wait3A_267 = tpu.memref_squeeze %dma_wait3A_266 : memref<1x1x1664xi32, #tpu.memory_space<hbm>> -> memref<1664xi32, #tpu.memory_space<hbm>>
    %dma_wait3A_268 = arith.constant 0 : i32
    %dma_wait3A_269 = tpu.memref_slice %arg7[%dma_wait3A_262, %dma_wait3A_268] : memref<16x1664xi32, #tpu.memory_space<vmem>> -> memref<1x1664xi32, #tpu.memory_space<vmem>>
    %dma_wait3A_270 = tpu.memref_squeeze %dma_wait3A_269 : memref<1x1664xi32, #tpu.memory_space<vmem>> -> memref<1664xi32, #tpu.memory_space<vmem>>
    %dma_wait3A_271 = tpu.memref_slice %arg4[%dma_wait3A_261, %div3A_1, %mul3A_4] : memref<16x2x26624xi32, #tpu.memory_space<hbm>> -> memref<1x1x1664xi32, #tpu.memory_space<hbm>>
    %dma_wait3A_272 = tpu.memref_squeeze %dma_wait3A_271 : memref<1x1x1664xi32, #tpu.memory_space<hbm>> -> memref<1664xi32, #tpu.memory_space<hbm>>
    tpu.wait_dma2 semaphore(%arg10 : memref<!tpu.dma_semaphore, #tpu.memory_space<semaphore_mem>>) src(%dma_wait3A_272 : memref<1664xi32, #tpu.memory_space<hbm>>) dst(%dma_wait3A_270 : memref<1664xi32, #tpu.memory_space<vmem>>)
    %dma_wait3A_273 = arith.constant 6 : i32
    %dma_wait3A_274 = arith.constant 6 : i32
    %dma_wait3A_275 = arith.constant 0 : i32
    %dma_wait3A_276 = tpu.memref_slice %arg7[%dma_wait3A_274, %dma_wait3A_275] : memref<16x1664xi32, #tpu.memory_space<vmem>> -> memref<1x1664xi32, #tpu.memory_space<vmem>>
    %dma_wait3A_277 = tpu.memref_squeeze %dma_wait3A_276 : memref<1x1664xi32, #tpu.memory_space<vmem>> -> memref<1664xi32, #tpu.memory_space<vmem>>
    %dma_wait3A_278 = tpu.memref_slice %arg4[%dma_wait3A_273, %div3A_1, %mul3A_4] : memref<16x2x26624xi32, #tpu.memory_space<hbm>> -> memref<1x1x1664xi32, #tpu.memory_space<hbm>>
    %dma_wait3A_279 = tpu.memref_squeeze %dma_wait3A_278 : memref<1x1x1664xi32, #tpu.memory_space<hbm>> -> memref<1664xi32, #tpu.memory_space<hbm>>
    %dma_wait3A_280 = arith.constant 0 : i32
    %dma_wait3A_281 = tpu.memref_slice %arg7[%dma_wait3A_274, %dma_wait3A_280] : memref<16x1664xi32, #tpu.memory_space<vmem>> -> memref<1x1664xi32, #tpu.memory_space<vmem>>
    %dma_wait3A_282 = tpu.memref_squeeze %dma_wait3A_281 : memref<1x1664xi32, #tpu.memory_space<vmem>> -> memref<1664xi32, #tpu.memory_space<vmem>>
    %dma_wait3A_283 = tpu.memref_slice %arg4[%dma_wait3A_273, %div3A_1, %mul3A_4] : memref<16x2x26624xi32, #tpu.memory_space<hbm>> -> memref<1x1x1664xi32, #tpu.memory_space<hbm>>
    %dma_wait3A_284 = tpu.memref_squeeze %dma_wait3A_283 : memref<1x1x1664xi32, #tpu.memory_space<hbm>> -> memref<1664xi32, #tpu.memory_space<hbm>>
    tpu.wait_dma2 semaphore(%arg10 : memref<!tpu.dma_semaphore, #tpu.memory_space<semaphore_mem>>) src(%dma_wait3A_284 : memref<1664xi32, #tpu.memory_space<hbm>>) dst(%dma_wait3A_282 : memref<1664xi32, #tpu.memory_space<vmem>>)
    %dma_wait3A_285 = arith.constant 7 : i32
    %dma_wait3A_286 = arith.constant 7 : i32
    %dma_wait3A_287 = arith.constant 0 : i32
    %dma_wait3A_288 = tpu.memref_slice %arg7[%dma_wait3A_286, %dma_wait3A_287] : memref<16x1664xi32, #tpu.memory_space<vmem>> -> memref<1x1664xi32, #tpu.memory_space<vmem>>
    %dma_wait3A_289 = tpu.memref_squeeze %dma_wait3A_288 : memref<1x1664xi32, #tpu.memory_space<vmem>> -> memref<1664xi32, #tpu.memory_space<vmem>>
    %dma_wait3A_290 = tpu.memref_slice %arg4[%dma_wait3A_285, %div3A_1, %mul3A_4] : memref<16x2x26624xi32, #tpu.memory_space<hbm>> -> memref<1x1x1664xi32, #tpu.memory_space<hbm>>
    %dma_wait3A_291 = tpu.memref_squeeze %dma_wait3A_290 : memref<1x1x1664xi32, #tpu.memory_space<hbm>> -> memref<1664xi32, #tpu.memory_space<hbm>>
    %dma_wait3A_292 = arith.constant 0 : i32
    %dma_wait3A_293 = tpu.memref_slice %arg7[%dma_wait3A_286, %dma_wait3A_292] : memref<16x1664xi32, #tpu.memory_space<vmem>> -> memref<1x1664xi32, #tpu.memory_space<vmem>>
    %dma_wait3A_294 = tpu.memref_squeeze %dma_wait3A_293 : memref<1x1664xi32, #tpu.memory_space<vmem>> -> memref<1664xi32, #tpu.memory_space<vmem>>
    %dma_wait3A_295 = tpu.memref_slice %arg4[%dma_wait3A_285, %div3A_1, %mul3A_4] : memref<16x2x26624xi32, #tpu.memory_space<hbm>> -> memref<1x1x1664xi32, #tpu.memory_space<hbm>>
    %dma_wait3A_296 = tpu.memref_squeeze %dma_wait3A_295 : memref<1x1x1664xi32, #tpu.memory_space<hbm>> -> memref<1664xi32, #tpu.memory_space<hbm>>
    tpu.wait_dma2 semaphore(%arg10 : memref<!tpu.dma_semaphore, #tpu.memory_space<semaphore_mem>>) src(%dma_wait3A_296 : memref<1664xi32, #tpu.memory_space<hbm>>) dst(%dma_wait3A_294 : memref<1664xi32, #tpu.memory_space<vmem>>)
    %dma_wait3A_297 = arith.constant 8 : i32
    %dma_wait3A_298 = arith.constant 8 : i32
    %dma_wait3A_299 = arith.constant 0 : i32
    %dma_wait3A_300 = tpu.memref_slice %arg7[%dma_wait3A_298, %dma_wait3A_299] : memref<16x1664xi32, #tpu.memory_space<vmem>> -> memref<1x1664xi32, #tpu.memory_space<vmem>>
    %dma_wait3A_301 = tpu.memref_squeeze %dma_wait3A_300 : memref<1x1664xi32, #tpu.memory_space<vmem>> -> memref<1664xi32, #tpu.memory_space<vmem>>
    %dma_wait3A_302 = tpu.memref_slice %arg4[%dma_wait3A_297, %div3A_1, %mul3A_4] : memref<16x2x26624xi32, #tpu.memory_space<hbm>> -> memref<1x1x1664xi32, #tpu.memory_space<hbm>>
    %dma_wait3A_303 = tpu.memref_squeeze %dma_wait3A_302 : memref<1x1x1664xi32, #tpu.memory_space<hbm>> -> memref<1664xi32, #tpu.memory_space<hbm>>
    %dma_wait3A_304 = arith.constant 0 : i32
    %dma_wait3A_305 = tpu.memref_slice %arg7[%dma_wait3A_298, %dma_wait3A_304] : memref<16x1664xi32, #tpu.memory_space<vmem>> -> memref<1x1664xi32, #tpu.memory_space<vmem>>
    %dma_wait3A_306 = tpu.memref_squeeze %dma_wait3A_305 : memref<1x1664xi32, #tpu.memory_space<vmem>> -> memref<1664xi32, #tpu.memory_space<vmem>>
    %dma_wait3A_307 = tpu.memref_slice %arg4[%dma_wait3A_297, %div3A_1, %mul3A_4] : memref<16x2x26624xi32, #tpu.memory_space<hbm>> -> memref<1x1x1664xi32, #tpu.memory_space<hbm>>
    %dma_wait3A_308 = tpu.memref_squeeze %dma_wait3A_307 : memref<1x1x1664xi32, #tpu.memory_space<hbm>> -> memref<1664xi32, #tpu.memory_space<hbm>>
    tpu.wait_dma2 semaphore(%arg10 : memref<!tpu.dma_semaphore, #tpu.memory_space<semaphore_mem>>) src(%dma_wait3A_308 : memref<1664xi32, #tpu.memory_space<hbm>>) dst(%dma_wait3A_306 : memref<1664xi32, #tpu.memory_space<vmem>>)
    %dma_wait3A_309 = arith.constant 9 : i32
    %dma_wait3A_310 = arith.constant 9 : i32
    %dma_wait3A_311 = arith.constant 0 : i32
    %dma_wait3A_312 = tpu.memref_slice %arg7[%dma_wait3A_310, %dma_wait3A_311] : memref<16x1664xi32, #tpu.memory_space<vmem>> -> memref<1x1664xi32, #tpu.memory_space<vmem>>
    %dma_wait3A_313 = tpu.memref_squeeze %dma_wait3A_312 : memref<1x1664xi32, #tpu.memory_space<vmem>> -> memref<1664xi32, #tpu.memory_space<vmem>>
    %dma_wait3A_314 = tpu.memref_slice %arg4[%dma_wait3A_309, %div3A_1, %mul3A_4] : memref<16x2x26624xi32, #tpu.memory_space<hbm>> -> memref<1x1x1664xi32, #tpu.memory_space<hbm>>
    %dma_wait3A_315 = tpu.memref_squeeze %dma_wait3A_314 : memref<1x1x1664xi32, #tpu.memory_space<hbm>> -> memref<1664xi32, #tpu.memory_space<hbm>>
    %dma_wait3A_316 = arith.constant 0 : i32
    %dma_wait3A_317 = tpu.memref_slice %arg7[%dma_wait3A_310, %dma_wait3A_316] : memref<16x1664xi32, #tpu.memory_space<vmem>> -> memref<1x1664xi32, #tpu.memory_space<vmem>>
    %dma_wait3A_318 = tpu.memref_squeeze %dma_wait3A_317 : memref<1x1664xi32, #tpu.memory_space<vmem>> -> memref<1664xi32, #tpu.memory_space<vmem>>
    %dma_wait3A_319 = tpu.memref_slice %arg4[%dma_wait3A_309, %div3A_1, %mul3A_4] : memref<16x2x26624xi32, #tpu.memory_space<hbm>> -> memref<1x1x1664xi32, #tpu.memory_space<hbm>>
    %dma_wait3A_320 = tpu.memref_squeeze %dma_wait3A_319 : memref<1x1x1664xi32, #tpu.memory_space<hbm>> -> memref<1664xi32, #tpu.memory_space<hbm>>
    tpu.wait_dma2 semaphore(%arg10 : memref<!tpu.dma_semaphore, #tpu.memory_space<semaphore_mem>>) src(%dma_wait3A_320 : memref<1664xi32, #tpu.memory_space<hbm>>) dst(%dma_wait3A_318 : memref<1664xi32, #tpu.memory_space<vmem>>)
    %dma_wait3A_321 = arith.constant 10 : i32
    %dma_wait3A_322 = arith.constant 10 : i32
    %dma_wait3A_323 = arith.constant 0 : i32
    %dma_wait3A_324 = tpu.memref_slice %arg7[%dma_wait3A_322, %dma_wait3A_323] : memref<16x1664xi32, #tpu.memory_space<vmem>> -> memref<1x1664xi32, #tpu.memory_space<vmem>>
    %dma_wait3A_325 = tpu.memref_squeeze %dma_wait3A_324 : memref<1x1664xi32, #tpu.memory_space<vmem>> -> memref<1664xi32, #tpu.memory_space<vmem>>
    %dma_wait3A_326 = tpu.memref_slice %arg4[%dma_wait3A_321, %div3A_1, %mul3A_4] : memref<16x2x26624xi32, #tpu.memory_space<hbm>> -> memref<1x1x1664xi32, #tpu.memory_space<hbm>>
    %dma_wait3A_327 = tpu.memref_squeeze %dma_wait3A_326 : memref<1x1x1664xi32, #tpu.memory_space<hbm>> -> memref<1664xi32, #tpu.memory_space<hbm>>
    %dma_wait3A_328 = arith.constant 0 : i32
    %dma_wait3A_329 = tpu.memref_slice %arg7[%dma_wait3A_322, %dma_wait3A_328] : memref<16x1664xi32, #tpu.memory_space<vmem>> -> memref<1x1664xi32, #tpu.memory_space<vmem>>
    %dma_wait3A_330 = tpu.memref_squeeze %dma_wait3A_329 : memref<1x1664xi32, #tpu.memory_space<vmem>> -> memref<1664xi32, #tpu.memory_space<vmem>>
    %dma_wait3A_331 = tpu.memref_slice %arg4[%dma_wait3A_321, %div3A_1, %mul3A_4] : memref<16x2x26624xi32, #tpu.memory_space<hbm>> -> memref<1x1x1664xi32, #tpu.memory_space<hbm>>
    %dma_wait3A_332 = tpu.memref_squeeze %dma_wait3A_331 : memref<1x1x1664xi32, #tpu.memory_space<hbm>> -> memref<1664xi32, #tpu.memory_space<hbm>>
    tpu.wait_dma2 semaphore(%arg10 : memref<!tpu.dma_semaphore, #tpu.memory_space<semaphore_mem>>) src(%dma_wait3A_332 : memref<1664xi32, #tpu.memory_space<hbm>>) dst(%dma_wait3A_330 : memref<1664xi32, #tpu.memory_space<vmem>>)
    %dma_wait3A_333 = arith.constant 11 : i32
    %dma_wait3A_334 = arith.constant 11 : i32
    %dma_wait3A_335 = arith.constant 0 : i32
    %dma_wait3A_336 = tpu.memref_slice %arg7[%dma_wait3A_334, %dma_wait3A_335] : memref<16x1664xi32, #tpu.memory_space<vmem>> -> memref<1x1664xi32, #tpu.memory_space<vmem>>
    %dma_wait3A_337 = tpu.memref_squeeze %dma_wait3A_336 : memref<1x1664xi32, #tpu.memory_space<vmem>> -> memref<1664xi32, #tpu.memory_space<vmem>>
    %dma_wait3A_338 = tpu.memref_slice %arg4[%dma_wait3A_333, %div3A_1, %mul3A_4] : memref<16x2x26624xi32, #tpu.memory_space<hbm>> -> memref<1x1x1664xi32, #tpu.memory_space<hbm>>
    %dma_wait3A_339 = tpu.memref_squeeze %dma_wait3A_338 : memref<1x1x1664xi32, #tpu.memory_space<hbm>> -> memref<1664xi32, #tpu.memory_space<hbm>>
    %dma_wait3A_340 = arith.constant 0 : i32
    %dma_wait3A_341 = tpu.memref_slice %arg7[%dma_wait3A_334, %dma_wait3A_340] : memref<16x1664xi32, #tpu.memory_space<vmem>> -> memref<1x1664xi32, #tpu.memory_space<vmem>>
    %dma_wait3A_342 = tpu.memref_squeeze %dma_wait3A_341 : memref<1x1664xi32, #tpu.memory_space<vmem>> -> memref<1664xi32, #tpu.memory_space<vmem>>
    %dma_wait3A_343 = tpu.memref_slice %arg4[%dma_wait3A_333, %div3A_1, %mul3A_4] : memref<16x2x26624xi32, #tpu.memory_space<hbm>> -> memref<1x1x1664xi32, #tpu.memory_space<hbm>>
    %dma_wait3A_344 = tpu.memref_squeeze %dma_wait3A_343 : memref<1x1x1664xi32, #tpu.memory_space<hbm>> -> memref<1664xi32, #tpu.memory_space<hbm>>
    tpu.wait_dma2 semaphore(%arg10 : memref<!tpu.dma_semaphore, #tpu.memory_space<semaphore_mem>>) src(%dma_wait3A_344 : memref<1664xi32, #tpu.memory_space<hbm>>) dst(%dma_wait3A_342 : memref<1664xi32, #tpu.memory_space<vmem>>)
    %dma_wait3A_345 = arith.constant 12 : i32
    %dma_wait3A_346 = arith.constant 12 : i32
    %dma_wait3A_347 = arith.constant 0 : i32
    %dma_wait3A_348 = tpu.memref_slice %arg7[%dma_wait3A_346, %dma_wait3A_347] : memref<16x1664xi32, #tpu.memory_space<vmem>> -> memref<1x1664xi32, #tpu.memory_space<vmem>>
    %dma_wait3A_349 = tpu.memref_squeeze %dma_wait3A_348 : memref<1x1664xi32, #tpu.memory_space<vmem>> -> memref<1664xi32, #tpu.memory_space<vmem>>
    %dma_wait3A_350 = tpu.memref_slice %arg4[%dma_wait3A_345, %div3A_1, %mul3A_4] : memref<16x2x26624xi32, #tpu.memory_space<hbm>> -> memref<1x1x1664xi32, #tpu.memory_space<hbm>>
    %dma_wait3A_351 = tpu.memref_squeeze %dma_wait3A_350 : memref<1x1x1664xi32, #tpu.memory_space<hbm>> -> memref<1664xi32, #tpu.memory_space<hbm>>
    %dma_wait3A_352 = arith.constant 0 : i32
    %dma_wait3A_353 = tpu.memref_slice %arg7[%dma_wait3A_346, %dma_wait3A_352] : memref<16x1664xi32, #tpu.memory_space<vmem>> -> memref<1x1664xi32, #tpu.memory_space<vmem>>
    %dma_wait3A_354 = tpu.memref_squeeze %dma_wait3A_353 : memref<1x1664xi32, #tpu.memory_space<vmem>> -> memref<1664xi32, #tpu.memory_space<vmem>>
    %dma_wait3A_355 = tpu.memref_slice %arg4[%dma_wait3A_345, %div3A_1, %mul3A_4] : memref<16x2x26624xi32, #tpu.memory_space<hbm>> -> memref<1x1x1664xi32, #tpu.memory_space<hbm>>
    %dma_wait3A_356 = tpu.memref_squeeze %dma_wait3A_355 : memref<1x1x1664xi32, #tpu.memory_space<hbm>> -> memref<1664xi32, #tpu.memory_space<hbm>>
    tpu.wait_dma2 semaphore(%arg10 : memref<!tpu.dma_semaphore, #tpu.memory_space<semaphore_mem>>) src(%dma_wait3A_356 : memref<1664xi32, #tpu.memory_space<hbm>>) dst(%dma_wait3A_354 : memref<1664xi32, #tpu.memory_space<vmem>>)
    %dma_wait3A_357 = arith.constant 13 : i32
    %dma_wait3A_358 = arith.constant 13 : i32
    %dma_wait3A_359 = arith.constant 0 : i32
    %dma_wait3A_360 = tpu.memref_slice %arg7[%dma_wait3A_358, %dma_wait3A_359] : memref<16x1664xi32, #tpu.memory_space<vmem>> -> memref<1x1664xi32, #tpu.memory_space<vmem>>
    %dma_wait3A_361 = tpu.memref_squeeze %dma_wait3A_360 : memref<1x1664xi32, #tpu.memory_space<vmem>> -> memref<1664xi32, #tpu.memory_space<vmem>>
    %dma_wait3A_362 = tpu.memref_slice %arg4[%dma_wait3A_357, %div3A_1, %mul3A_4] : memref<16x2x26624xi32, #tpu.memory_space<hbm>> -> memref<1x1x1664xi32, #tpu.memory_space<hbm>>
    %dma_wait3A_363 = tpu.memref_squeeze %dma_wait3A_362 : memref<1x1x1664xi32, #tpu.memory_space<hbm>> -> memref<1664xi32, #tpu.memory_space<hbm>>
    %dma_wait3A_364 = arith.constant 0 : i32
    %dma_wait3A_365 = tpu.memref_slice %arg7[%dma_wait3A_358, %dma_wait3A_364] : memref<16x1664xi32, #tpu.memory_space<vmem>> -> memref<1x1664xi32, #tpu.memory_space<vmem>>
    %dma_wait3A_366 = tpu.memref_squeeze %dma_wait3A_365 : memref<1x1664xi32, #tpu.memory_space<vmem>> -> memref<1664xi32, #tpu.memory_space<vmem>>
    %dma_wait3A_367 = tpu.memref_slice %arg4[%dma_wait3A_357, %div3A_1, %mul3A_4] : memref<16x2x26624xi32, #tpu.memory_space<hbm>> -> memref<1x1x1664xi32, #tpu.memory_space<hbm>>
    %dma_wait3A_368 = tpu.memref_squeeze %dma_wait3A_367 : memref<1x1x1664xi32, #tpu.memory_space<hbm>> -> memref<1664xi32, #tpu.memory_space<hbm>>
    tpu.wait_dma2 semaphore(%arg10 : memref<!tpu.dma_semaphore, #tpu.memory_space<semaphore_mem>>) src(%dma_wait3A_368 : memref<1664xi32, #tpu.memory_space<hbm>>) dst(%dma_wait3A_366 : memref<1664xi32, #tpu.memory_space<vmem>>)
    %dma_wait3A_369 = arith.constant 14 : i32
    %dma_wait3A_370 = arith.constant 14 : i32
    %dma_wait3A_371 = arith.constant 0 : i32
    %dma_wait3A_372 = tpu.memref_slice %arg7[%dma_wait3A_370, %dma_wait3A_371] : memref<16x1664xi32, #tpu.memory_space<vmem>> -> memref<1x1664xi32, #tpu.memory_space<vmem>>
    %dma_wait3A_373 = tpu.memref_squeeze %dma_wait3A_372 : memref<1x1664xi32, #tpu.memory_space<vmem>> -> memref<1664xi32, #tpu.memory_space<vmem>>
    %dma_wait3A_374 = tpu.memref_slice %arg4[%dma_wait3A_369, %div3A_1, %mul3A_4] : memref<16x2x26624xi32, #tpu.memory_space<hbm>> -> memref<1x1x1664xi32, #tpu.memory_space<hbm>>
    %dma_wait3A_375 = tpu.memref_squeeze %dma_wait3A_374 : memref<1x1x1664xi32, #tpu.memory_space<hbm>> -> memref<1664xi32, #tpu.memory_space<hbm>>
    %dma_wait3A_376 = arith.constant 0 : i32
    %dma_wait3A_377 = tpu.memref_slice %arg7[%dma_wait3A_370, %dma_wait3A_376] : memref<16x1664xi32, #tpu.memory_space<vmem>> -> memref<1x1664xi32, #tpu.memory_space<vmem>>
    %dma_wait3A_378 = tpu.memref_squeeze %dma_wait3A_377 : memref<1x1664xi32, #tpu.memory_space<vmem>> -> memref<1664xi32, #tpu.memory_space<vmem>>
    %dma_wait3A_379 = tpu.memref_slice %arg4[%dma_wait3A_369, %div3A_1, %mul3A_4] : memref<16x2x26624xi32, #tpu.memory_space<hbm>> -> memref<1x1x1664xi32, #tpu.memory_space<hbm>>
    %dma_wait3A_380 = tpu.memref_squeeze %dma_wait3A_379 : memref<1x1x1664xi32, #tpu.memory_space<hbm>> -> memref<1664xi32, #tpu.memory_space<hbm>>
    tpu.wait_dma2 semaphore(%arg10 : memref<!tpu.dma_semaphore, #tpu.memory_space<semaphore_mem>>) src(%dma_wait3A_380 : memref<1664xi32, #tpu.memory_space<hbm>>) dst(%dma_wait3A_378 : memref<1664xi32, #tpu.memory_space<vmem>>)
    %dma_wait3A_381 = arith.constant 15 : i32
    %dma_wait3A_382 = arith.constant 15 : i32
    %dma_wait3A_383 = arith.constant 0 : i32
    %dma_wait3A_384 = tpu.memref_slice %arg7[%dma_wait3A_382, %dma_wait3A_383] : memref<16x1664xi32, #tpu.memory_space<vmem>> -> memref<1x1664xi32, #tpu.memory_space<vmem>>
    %dma_wait3A_385 = tpu.memref_squeeze %dma_wait3A_384 : memref<1x1664xi32, #tpu.memory_space<vmem>> -> memref<1664xi32, #tpu.memory_space<vmem>>
    %dma_wait3A_386 = tpu.memref_slice %arg4[%dma_wait3A_381, %div3A_1, %mul3A_4] : memref<16x2x26624xi32, #tpu.memory_space<hbm>> -> memref<1x1x1664xi32, #tpu.memory_space<hbm>>
    %dma_wait3A_387 = tpu.memref_squeeze %dma_wait3A_386 : memref<1x1x1664xi32, #tpu.memory_space<hbm>> -> memref<1664xi32, #tpu.memory_space<hbm>>
    %dma_wait3A_388 = arith.constant 0 : i32
    %dma_wait3A_389 = tpu.memref_slice %arg7[%dma_wait3A_382, %dma_wait3A_388] : memref<16x1664xi32, #tpu.memory_space<vmem>> -> memref<1x1664xi32, #tpu.memory_space<vmem>>
    %dma_wait3A_390 = tpu.memref_squeeze %dma_wait3A_389 : memref<1x1664xi32, #tpu.memory_space<vmem>> -> memref<1664xi32, #tpu.memory_space<vmem>>
    %dma_wait3A_391 = tpu.memref_slice %arg4[%dma_wait3A_381, %div3A_1, %mul3A_4] : memref<16x2x26624xi32, #tpu.memory_space<hbm>> -> memref<1x1x1664xi32, #tpu.memory_space<hbm>>
    %dma_wait3A_392 = tpu.memref_squeeze %dma_wait3A_391 : memref<1x1x1664xi32, #tpu.memory_space<hbm>> -> memref<1664xi32, #tpu.memory_space<hbm>>
    tpu.wait_dma2 semaphore(%arg10 : memref<!tpu.dma_semaphore, #tpu.memory_space<semaphore_mem>>) src(%dma_wait3A_392 : memref<1664xi32, #tpu.memory_space<hbm>>) dst(%dma_wait3A_390 : memref<1664xi32, #tpu.memory_space<vmem>>)
    %rem3A_393 = arith.constant 0 : i32
    %rem3A_394 = arith.constant 2 : i32
    %rem3A_395 = arith.remsi %rem3A_393, %rem3A_394 : i32
    %dma_start3A_396 = arith.constant 256 : i32
    %dma_start3A_397 = arith.constant 0 : i32
    %dma_start3A_398 = tpu.memref_slice %arg8[%rem3A_395, %dma_start3A_396, %dma_start3A_397] : memref<2x272x128xf32, #tpu.memory_space<vmem>> -> memref<1x16x128xf32, #tpu.memory_space<vmem>>
    %dma_start3A_399 = tpu.memref_squeeze %dma_start3A_398 : memref<1x16x128xf32, #tpu.memory_space<vmem>> -> memref<16x128xf32, #tpu.memory_space<vmem>>
    %dma_start3A_400 = arith.constant 0 : i32
    %dma_start3A_401 = tpu.memref_slice %arg6[%dma_start3A_400] : memref<1664xi32, #tpu.memory_space<vmem>> -> memref<16xi32, #tpu.memory_space<vmem>>
    %dma_start3A_402 = arith.constant 0 : i32
    %dma_start3A_403 = arith.constant 0 : i32
    %dma_start3A_404 = tpu.memref_slice %arg2[%dma_start3A_402, %dma_start3A_403] : memref<100352x128xf32, #tpu.memory_space<hbm>> -> memref<100352x128xf32, #tpu.memory_space<hbm>>
    tpu.enqueue_indirect_dma source(%dma_start3A_404 : memref<100352x128xf32, #tpu.memory_space<hbm>>) target(%dma_start3A_399 : memref<16x128xf32, #tpu.memory_space<vmem>>) offsets(%dma_start3A_401 : memref<16xi32, #tpu.memory_space<vmem>>) semaphore(%arg11 : memref<!tpu.dma_semaphore, #tpu.memory_space<semaphore_mem>>)
    %dma_start3A_405 = arith.constant 0 : i32
    %dma_start3A_406 = arith.constant 0 : i32
    %dma_start3A_407 = arith.constant 0 : i32
    %dma_start3A_408 = tpu.memref_slice %arg8[%rem3A_395, %dma_start3A_406, %dma_start3A_407] : memref<2x272x128xf32, #tpu.memory_space<vmem>> -> memref<1x16x128xf32, #tpu.memory_space<vmem>>
    %dma_start3A_409 = tpu.memref_squeeze %dma_start3A_408 : memref<1x16x128xf32, #tpu.memory_space<vmem>> -> memref<16x128xf32, #tpu.memory_space<vmem>>
    %dma_start3A_410 = arith.constant 0 : i32
    %dma_start3A_411 = tpu.memref_slice %arg7[%dma_start3A_405, %dma_start3A_410] : memref<16x1664xi32, #tpu.memory_space<vmem>> -> memref<1x16xi32, #tpu.memory_space<vmem>>
    %dma_start3A_412 = tpu.memref_squeeze %dma_start3A_411 : memref<1x16xi32, #tpu.memory_space<vmem>> -> memref<16xi32, #tpu.memory_space<vmem>>
    %dma_start3A_413 = arith.constant 0 : i32
    %dma_start3A_414 = arith.constant 0 : i32
    %dma_start3A_415 = tpu.memref_slice %arg2[%dma_start3A_413, %dma_start3A_414] : memref<100352x128xf32, #tpu.memory_space<hbm>> -> memref<100352x128xf32, #tpu.memory_space<hbm>>
    tpu.enqueue_indirect_dma source(%dma_start3A_415 : memref<100352x128xf32, #tpu.memory_space<hbm>>) target(%dma_start3A_409 : memref<16x128xf32, #tpu.memory_space<vmem>>) offsets(%dma_start3A_412 : memref<16xi32, #tpu.memory_space<vmem>>) semaphore(%arg11 : memref<!tpu.dma_semaphore, #tpu.memory_space<semaphore_mem>>)
    %dma_start3A_416 = arith.constant 1 : i32
    %dma_start3A_417 = arith.constant 16 : i32
    %dma_start3A_418 = arith.constant 0 : i32
    %dma_start3A_419 = tpu.memref_slice %arg8[%rem3A_395, %dma_start3A_417, %dma_start3A_418] : memref<2x272x128xf32, #tpu.memory_space<vmem>> -> memref<1x16x128xf32, #tpu.memory_space<vmem>>
    %dma_start3A_420 = tpu.memref_squeeze %dma_start3A_419 : memref<1x16x128xf32, #tpu.memory_space<vmem>> -> memref<16x128xf32, #tpu.memory_space<vmem>>
    %dma_start3A_421 = arith.constant 0 : i32
    %dma_start3A_422 = tpu.memref_slice %arg7[%dma_start3A_416, %dma_start3A_421] : memref<16x1664xi32, #tpu.memory_space<vmem>> -> memref<1x16xi32, #tpu.memory_space<vmem>>
    %dma_start3A_423 = tpu.memref_squeeze %dma_start3A_422 : memref<1x16xi32, #tpu.memory_space<vmem>> -> memref<16xi32, #tpu.memory_space<vmem>>
    %dma_start3A_424 = arith.constant 0 : i32
    %dma_start3A_425 = arith.constant 0 : i32
    %dma_start3A_426 = tpu.memref_slice %arg2[%dma_start3A_424, %dma_start3A_425] : memref<100352x128xf32, #tpu.memory_space<hbm>> -> memref<100352x128xf32, #tpu.memory_space<hbm>>
    tpu.enqueue_indirect_dma source(%dma_start3A_426 : memref<100352x128xf32, #tpu.memory_space<hbm>>) target(%dma_start3A_420 : memref<16x128xf32, #tpu.memory_space<vmem>>) offsets(%dma_start3A_423 : memref<16xi32, #tpu.memory_space<vmem>>) semaphore(%arg11 : memref<!tpu.dma_semaphore, #tpu.memory_space<semaphore_mem>>)
    %dma_start3A_427 = arith.constant 2 : i32
    %dma_start3A_428 = arith.constant 32 : i32
    %dma_start3A_429 = arith.constant 0 : i32
    %dma_start3A_430 = tpu.memref_slice %arg8[%rem3A_395, %dma_start3A_428, %dma_start3A_429] : memref<2x272x128xf32, #tpu.memory_space<vmem>> -> memref<1x16x128xf32, #tpu.memory_space<vmem>>
    %dma_start3A_431 = tpu.memref_squeeze %dma_start3A_430 : memref<1x16x128xf32, #tpu.memory_space<vmem>> -> memref<16x128xf32, #tpu.memory_space<vmem>>
    %dma_start3A_432 = arith.constant 0 : i32
    %dma_start3A_433 = tpu.memref_slice %arg7[%dma_start3A_427, %dma_start3A_432] : memref<16x1664xi32, #tpu.memory_space<vmem>> -> memref<1x16xi32, #tpu.memory_space<vmem>>
    %dma_start3A_434 = tpu.memref_squeeze %dma_start3A_433 : memref<1x16xi32, #tpu.memory_space<vmem>> -> memref<16xi32, #tpu.memory_space<vmem>>
    %dma_start3A_435 = arith.constant 0 : i32
    %dma_start3A_436 = arith.constant 0 : i32
    %dma_start3A_437 = tpu.memref_slice %arg2[%dma_start3A_435, %dma_start3A_436] : memref<100352x128xf32, #tpu.memory_space<hbm>> -> memref<100352x128xf32, #tpu.memory_space<hbm>>
    tpu.enqueue_indirect_dma source(%dma_start3A_437 : memref<100352x128xf32, #tpu.memory_space<hbm>>) target(%dma_start3A_431 : memref<16x128xf32, #tpu.memory_space<vmem>>) offsets(%dma_start3A_434 : memref<16xi32, #tpu.memory_space<vmem>>) semaphore(%arg11 : memref<!tpu.dma_semaphore, #tpu.memory_space<semaphore_mem>>)
    %dma_start3A_438 = arith.constant 3 : i32
    %dma_start3A_439 = arith.constant 48 : i32
    %dma_start3A_440 = arith.constant 0 : i32
    %dma_start3A_441 = tpu.memref_slice %arg8[%rem3A_395, %dma_start3A_439, %dma_start3A_440] : memref<2x272x128xf32, #tpu.memory_space<vmem>> -> memref<1x16x128xf32, #tpu.memory_space<vmem>>
    %dma_start3A_442 = tpu.memref_squeeze %dma_start3A_441 : memref<1x16x128xf32, #tpu.memory_space<vmem>> -> memref<16x128xf32, #tpu.memory_space<vmem>>
    %dma_start3A_443 = arith.constant 0 : i32
    %dma_start3A_444 = tpu.memref_slice %arg7[%dma_start3A_438, %dma_start3A_443] : memref<16x1664xi32, #tpu.memory_space<vmem>> -> memref<1x16xi32, #tpu.memory_space<vmem>>
    %dma_start3A_445 = tpu.memref_squeeze %dma_start3A_444 : memref<1x16xi32, #tpu.memory_space<vmem>> -> memref<16xi32, #tpu.memory_space<vmem>>
    %dma_start3A_446 = arith.constant 0 : i32
    %dma_start3A_447 = arith.constant 0 : i32
    %dma_start3A_448 = tpu.memref_slice %arg2[%dma_start3A_446, %dma_start3A_447] : memref<100352x128xf32, #tpu.memory_space<hbm>> -> memref<100352x128xf32, #tpu.memory_space<hbm>>
    tpu.enqueue_indirect_dma source(%dma_start3A_448 : memref<100352x128xf32, #tpu.memory_space<hbm>>) target(%dma_start3A_442 : memref<16x128xf32, #tpu.memory_space<vmem>>) offsets(%dma_start3A_445 : memref<16xi32, #tpu.memory_space<vmem>>) semaphore(%arg11 : memref<!tpu.dma_semaphore, #tpu.memory_space<semaphore_mem>>)
    %dma_start3A_449 = arith.constant 4 : i32
    %dma_start3A_450 = arith.constant 64 : i32
    %dma_start3A_451 = arith.constant 0 : i32
    %dma_start3A_452 = tpu.memref_slice %arg8[%rem3A_395, %dma_start3A_450, %dma_start3A_451] : memref<2x272x128xf32, #tpu.memory_space<vmem>> -> memref<1x16x128xf32, #tpu.memory_space<vmem>>
    %dma_start3A_453 = tpu.memref_squeeze %dma_start3A_452 : memref<1x16x128xf32, #tpu.memory_space<vmem>> -> memref<16x128xf32, #tpu.memory_space<vmem>>
    %dma_start3A_454 = arith.constant 0 : i32
    %dma_start3A_455 = tpu.memref_slice %arg7[%dma_start3A_449, %dma_start3A_454] : memref<16x1664xi32, #tpu.memory_space<vmem>> -> memref<1x16xi32, #tpu.memory_space<vmem>>
    %dma_start3A_456 = tpu.memref_squeeze %dma_start3A_455 : memref<1x16xi32, #tpu.memory_space<vmem>> -> memref<16xi32, #tpu.memory_space<vmem>>
    %dma_start3A_457 = arith.constant 0 : i32
    %dma_start3A_458 = arith.constant 0 : i32
    %dma_start3A_459 = tpu.memref_slice %arg2[%dma_start3A_457, %dma_start3A_458] : memref<100352x128xf32, #tpu.memory_space<hbm>> -> memref<100352x128xf32, #tpu.memory_space<hbm>>
    tpu.enqueue_indirect_dma source(%dma_start3A_459 : memref<100352x128xf32, #tpu.memory_space<hbm>>) target(%dma_start3A_453 : memref<16x128xf32, #tpu.memory_space<vmem>>) offsets(%dma_start3A_456 : memref<16xi32, #tpu.memory_space<vmem>>) semaphore(%arg11 : memref<!tpu.dma_semaphore, #tpu.memory_space<semaphore_mem>>)
    %dma_start3A_460 = arith.constant 5 : i32
    %dma_start3A_461 = arith.constant 80 : i32
    %dma_start3A_462 = arith.constant 0 : i32
    %dma_start3A_463 = tpu.memref_slice %arg8[%rem3A_395, %dma_start3A_461, %dma_start3A_462] : memref<2x272x128xf32, #tpu.memory_space<vmem>> -> memref<1x16x128xf32, #tpu.memory_space<vmem>>
    %dma_start3A_464 = tpu.memref_squeeze %dma_start3A_463 : memref<1x16x128xf32, #tpu.memory_space<vmem>> -> memref<16x128xf32, #tpu.memory_space<vmem>>
    %dma_start3A_465 = arith.constant 0 : i32
    %dma_start3A_466 = tpu.memref_slice %arg7[%dma_start3A_460, %dma_start3A_465] : memref<16x1664xi32, #tpu.memory_space<vmem>> -> memref<1x16xi32, #tpu.memory_space<vmem>>
    %dma_start3A_467 = tpu.memref_squeeze %dma_start3A_466 : memref<1x16xi32, #tpu.memory_space<vmem>> -> memref<16xi32, #tpu.memory_space<vmem>>
    %dma_start3A_468 = arith.constant 0 : i32
    %dma_start3A_469 = arith.constant 0 : i32
    %dma_start3A_470 = tpu.memref_slice %arg2[%dma_start3A_468, %dma_start3A_469] : memref<100352x128xf32, #tpu.memory_space<hbm>> -> memref<100352x128xf32, #tpu.memory_space<hbm>>
    tpu.enqueue_indirect_dma source(%dma_start3A_470 : memref<100352x128xf32, #tpu.memory_space<hbm>>) target(%dma_start3A_464 : memref<16x128xf32, #tpu.memory_space<vmem>>) offsets(%dma_start3A_467 : memref<16xi32, #tpu.memory_space<vmem>>) semaphore(%arg11 : memref<!tpu.dma_semaphore, #tpu.memory_space<semaphore_mem>>)
    %dma_start3A_471 = arith.constant 6 : i32
    %dma_start3A_472 = arith.constant 96 : i32
    %dma_start3A_473 = arith.constant 0 : i32
    %dma_start3A_474 = tpu.memref_slice %arg8[%rem3A_395, %dma_start3A_472, %dma_start3A_473] : memref<2x272x128xf32, #tpu.memory_space<vmem>> -> memref<1x16x128xf32, #tpu.memory_space<vmem>>
    %dma_start3A_475 = tpu.memref_squeeze %dma_start3A_474 : memref<1x16x128xf32, #tpu.memory_space<vmem>> -> memref<16x128xf32, #tpu.memory_space<vmem>>
    %dma_start3A_476 = arith.constant 0 : i32
    %dma_start3A_477 = tpu.memref_slice %arg7[%dma_start3A_471, %dma_start3A_476] : memref<16x1664xi32, #tpu.memory_space<vmem>> -> memref<1x16xi32, #tpu.memory_space<vmem>>
    %dma_start3A_478 = tpu.memref_squeeze %dma_start3A_477 : memref<1x16xi32, #tpu.memory_space<vmem>> -> memref<16xi32, #tpu.memory_space<vmem>>
    %dma_start3A_479 = arith.constant 0 : i32
    %dma_start3A_480 = arith.constant 0 : i32
    %dma_start3A_481 = tpu.memref_slice %arg2[%dma_start3A_479, %dma_start3A_480] : memref<100352x128xf32, #tpu.memory_space<hbm>> -> memref<100352x128xf32, #tpu.memory_space<hbm>>
    tpu.enqueue_indirect_dma source(%dma_start3A_481 : memref<100352x128xf32, #tpu.memory_space<hbm>>) target(%dma_start3A_475 : memref<16x128xf32, #tpu.memory_space<vmem>>) offsets(%dma_start3A_478 : memref<16xi32, #tpu.memory_space<vmem>>) semaphore(%arg11 : memref<!tpu.dma_semaphore, #tpu.memory_space<semaphore_mem>>)
    %dma_start3A_482 = arith.constant 7 : i32
    %dma_start3A_483 = arith.constant 112 : i32
    %dma_start3A_484 = arith.constant 0 : i32
    %dma_start3A_485 = tpu.memref_slice %arg8[%rem3A_395, %dma_start3A_483, %dma_start3A_484] : memref<2x272x128xf32, #tpu.memory_space<vmem>> -> memref<1x16x128xf32, #tpu.memory_space<vmem>>
    %dma_start3A_486 = tpu.memref_squeeze %dma_start3A_485 : memref<1x16x128xf32, #tpu.memory_space<vmem>> -> memref<16x128xf32, #tpu.memory_space<vmem>>
    %dma_start3A_487 = arith.constant 0 : i32
    %dma_start3A_488 = tpu.memref_slice %arg7[%dma_start3A_482, %dma_start3A_487] : memref<16x1664xi32, #tpu.memory_space<vmem>> -> memref<1x16xi32, #tpu.memory_space<vmem>>
    %dma_start3A_489 = tpu.memref_squeeze %dma_start3A_488 : memref<1x16xi32, #tpu.memory_space<vmem>> -> memref<16xi32, #tpu.memory_space<vmem>>
    %dma_start3A_490 = arith.constant 0 : i32
    %dma_start3A_491 = arith.constant 0 : i32
    %dma_start3A_492 = tpu.memref_slice %arg2[%dma_start3A_490, %dma_start3A_491] : memref<100352x128xf32, #tpu.memory_space<hbm>> -> memref<100352x128xf32, #tpu.memory_space<hbm>>
    tpu.enqueue_indirect_dma source(%dma_start3A_492 : memref<100352x128xf32, #tpu.memory_space<hbm>>) target(%dma_start3A_486 : memref<16x128xf32, #tpu.memory_space<vmem>>) offsets(%dma_start3A_489 : memref<16xi32, #tpu.memory_space<vmem>>) semaphore(%arg11 : memref<!tpu.dma_semaphore, #tpu.memory_space<semaphore_mem>>)
    %dma_start3A_493 = arith.constant 8 : i32
    %dma_start3A_494 = arith.constant 128 : i32
    %dma_start3A_495 = arith.constant 0 : i32
    %dma_start3A_496 = tpu.memref_slice %arg8[%rem3A_395, %dma_start3A_494, %dma_start3A_495] : memref<2x272x128xf32, #tpu.memory_space<vmem>> -> memref<1x16x128xf32, #tpu.memory_space<vmem>>
    %dma_start3A_497 = tpu.memref_squeeze %dma_start3A_496 : memref<1x16x128xf32, #tpu.memory_space<vmem>> -> memref<16x128xf32, #tpu.memory_space<vmem>>
    %dma_start3A_498 = arith.constant 0 : i32
    %dma_start3A_499 = tpu.memref_slice %arg7[%dma_start3A_493, %dma_start3A_498] : memref<16x1664xi32, #tpu.memory_space<vmem>> -> memref<1x16xi32, #tpu.memory_space<vmem>>
    %dma_start3A_500 = tpu.memref_squeeze %dma_start3A_499 : memref<1x16xi32, #tpu.memory_space<vmem>> -> memref<16xi32, #tpu.memory_space<vmem>>
    %dma_start3A_501 = arith.constant 0 : i32
    %dma_start3A_502 = arith.constant 0 : i32
    %dma_start3A_503 = tpu.memref_slice %arg2[%dma_start3A_501, %dma_start3A_502] : memref<100352x128xf32, #tpu.memory_space<hbm>> -> memref<100352x128xf32, #tpu.memory_space<hbm>>
    tpu.enqueue_indirect_dma source(%dma_start3A_503 : memref<100352x128xf32, #tpu.memory_space<hbm>>) target(%dma_start3A_497 : memref<16x128xf32, #tpu.memory_space<vmem>>) offsets(%dma_start3A_500 : memref<16xi32, #tpu.memory_space<vmem>>) semaphore(%arg11 : memref<!tpu.dma_semaphore, #tpu.memory_space<semaphore_mem>>)
    %dma_start3A_504 = arith.constant 9 : i32
    %dma_start3A_505 = arith.constant 144 : i32
    %dma_start3A_506 = arith.constant 0 : i32
    %dma_start3A_507 = tpu.memref_slice %arg8[%rem3A_395, %dma_start3A_505, %dma_start3A_506] : memref<2x272x128xf32, #tpu.memory_space<vmem>> -> memref<1x16x128xf32, #tpu.memory_space<vmem>>
    %dma_start3A_508 = tpu.memref_squeeze %dma_start3A_507 : memref<1x16x128xf32, #tpu.memory_space<vmem>> -> memref<16x128xf32, #tpu.memory_space<vmem>>
    %dma_start3A_509 = arith.constant 0 : i32
    %dma_start3A_510 = tpu.memref_slice %arg7[%dma_start3A_504, %dma_start3A_509] : memref<16x1664xi32, #tpu.memory_space<vmem>> -> memref<1x16xi32, #tpu.memory_space<vmem>>
    %dma_start3A_511 = tpu.memref_squeeze %dma_start3A_510 : memref<1x16xi32, #tpu.memory_space<vmem>> -> memref<16xi32, #tpu.memory_space<vmem>>
    %dma_start3A_512 = arith.constant 0 : i32
    %dma_start3A_513 = arith.constant 0 : i32
    %dma_start3A_514 = tpu.memref_slice %arg2[%dma_start3A_512, %dma_start3A_513] : memref<100352x128xf32, #tpu.memory_space<hbm>> -> memref<100352x128xf32, #tpu.memory_space<hbm>>
    tpu.enqueue_indirect_dma source(%dma_start3A_514 : memref<100352x128xf32, #tpu.memory_space<hbm>>) target(%dma_start3A_508 : memref<16x128xf32, #tpu.memory_space<vmem>>) offsets(%dma_start3A_511 : memref<16xi32, #tpu.memory_space<vmem>>) semaphore(%arg11 : memref<!tpu.dma_semaphore, #tpu.memory_space<semaphore_mem>>)
    %dma_start3A_515 = arith.constant 10 : i32
    %dma_start3A_516 = arith.constant 160 : i32
    %dma_start3A_517 = arith.constant 0 : i32
    %dma_start3A_518 = tpu.memref_slice %arg8[%rem3A_395, %dma_start3A_516, %dma_start3A_517] : memref<2x272x128xf32, #tpu.memory_space<vmem>> -> memref<1x16x128xf32, #tpu.memory_space<vmem>>
    %dma_start3A_519 = tpu.memref_squeeze %dma_start3A_518 : memref<1x16x128xf32, #tpu.memory_space<vmem>> -> memref<16x128xf32, #tpu.memory_space<vmem>>
    %dma_start3A_520 = arith.constant 0 : i32
    %dma_start3A_521 = tpu.memref_slice %arg7[%dma_start3A_515, %dma_start3A_520] : memref<16x1664xi32, #tpu.memory_space<vmem>> -> memref<1x16xi32, #tpu.memory_space<vmem>>
    %dma_start3A_522 = tpu.memref_squeeze %dma_start3A_521 : memref<1x16xi32, #tpu.memory_space<vmem>> -> memref<16xi32, #tpu.memory_space<vmem>>
    %dma_start3A_523 = arith.constant 0 : i32
    %dma_start3A_524 = arith.constant 0 : i32
    %dma_start3A_525 = tpu.memref_slice %arg2[%dma_start3A_523, %dma_start3A_524] : memref<100352x128xf32, #tpu.memory_space<hbm>> -> memref<100352x128xf32, #tpu.memory_space<hbm>>
    tpu.enqueue_indirect_dma source(%dma_start3A_525 : memref<100352x128xf32, #tpu.memory_space<hbm>>) target(%dma_start3A_519 : memref<16x128xf32, #tpu.memory_space<vmem>>) offsets(%dma_start3A_522 : memref<16xi32, #tpu.memory_space<vmem>>) semaphore(%arg11 : memref<!tpu.dma_semaphore, #tpu.memory_space<semaphore_mem>>)
    %dma_start3A_526 = arith.constant 11 : i32
    %dma_start3A_527 = arith.constant 176 : i32
    %dma_start3A_528 = arith.constant 0 : i32
    %dma_start3A_529 = tpu.memref_slice %arg8[%rem3A_395, %dma_start3A_527, %dma_start3A_528] : memref<2x272x128xf32, #tpu.memory_space<vmem>> -> memref<1x16x128xf32, #tpu.memory_space<vmem>>
    %dma_start3A_530 = tpu.memref_squeeze %dma_start3A_529 : memref<1x16x128xf32, #tpu.memory_space<vmem>> -> memref<16x128xf32, #tpu.memory_space<vmem>>
    %dma_start3A_531 = arith.constant 0 : i32
    %dma_start3A_532 = tpu.memref_slice %arg7[%dma_start3A_526, %dma_start3A_531] : memref<16x1664xi32, #tpu.memory_space<vmem>> -> memref<1x16xi32, #tpu.memory_space<vmem>>
    %dma_start3A_533 = tpu.memref_squeeze %dma_start3A_532 : memref<1x16xi32, #tpu.memory_space<vmem>> -> memref<16xi32, #tpu.memory_space<vmem>>
    %dma_start3A_534 = arith.constant 0 : i32
    %dma_start3A_535 = arith.constant 0 : i32
    %dma_start3A_536 = tpu.memref_slice %arg2[%dma_start3A_534, %dma_start3A_535] : memref<100352x128xf32, #tpu.memory_space<hbm>> -> memref<100352x128xf32, #tpu.memory_space<hbm>>
    tpu.enqueue_indirect_dma source(%dma_start3A_536 : memref<100352x128xf32, #tpu.memory_space<hbm>>) target(%dma_start3A_530 : memref<16x128xf32, #tpu.memory_space<vmem>>) offsets(%dma_start3A_533 : memref<16xi32, #tpu.memory_space<vmem>>) semaphore(%arg11 : memref<!tpu.dma_semaphore, #tpu.memory_space<semaphore_mem>>)
    %dma_start3A_537 = arith.constant 12 : i32
    %dma_start3A_538 = arith.constant 192 : i32
    %dma_start3A_539 = arith.constant 0 : i32
    %dma_start3A_540 = tpu.memref_slice %arg8[%rem3A_395, %dma_start3A_538, %dma_start3A_539] : memref<2x272x128xf32, #tpu.memory_space<vmem>> -> memref<1x16x128xf32, #tpu.memory_space<vmem>>
    %dma_start3A_541 = tpu.memref_squeeze %dma_start3A_540 : memref<1x16x128xf32, #tpu.memory_space<vmem>> -> memref<16x128xf32, #tpu.memory_space<vmem>>
    %dma_start3A_542 = arith.constant 0 : i32
    %dma_start3A_543 = tpu.memref_slice %arg7[%dma_start3A_537, %dma_start3A_542] : memref<16x1664xi32, #tpu.memory_space<vmem>> -> memref<1x16xi32, #tpu.memory_space<vmem>>
    %dma_start3A_544 = tpu.memref_squeeze %dma_start3A_543 : memref<1x16xi32, #tpu.memory_space<vmem>> -> memref<16xi32, #tpu.memory_space<vmem>>
    %dma_start3A_545 = arith.constant 0 : i32
    %dma_start3A_546 = arith.constant 0 : i32
    %dma_start3A_547 = tpu.memref_slice %arg2[%dma_start3A_545, %dma_start3A_546] : memref<100352x128xf32, #tpu.memory_space<hbm>> -> memref<100352x128xf32, #tpu.memory_space<hbm>>
    tpu.enqueue_indirect_dma source(%dma_start3A_547 : memref<100352x128xf32, #tpu.memory_space<hbm>>) target(%dma_start3A_541 : memref<16x128xf32, #tpu.memory_space<vmem>>) offsets(%dma_start3A_544 : memref<16xi32, #tpu.memory_space<vmem>>) semaphore(%arg11 : memref<!tpu.dma_semaphore, #tpu.memory_space<semaphore_mem>>)
    %dma_start3A_548 = arith.constant 13 : i32
    %dma_start3A_549 = arith.constant 208 : i32
    %dma_start3A_550 = arith.constant 0 : i32
    %dma_start3A_551 = tpu.memref_slice %arg8[%rem3A_395, %dma_start3A_549, %dma_start3A_550] : memref<2x272x128xf32, #tpu.memory_space<vmem>> -> memref<1x16x128xf32, #tpu.memory_space<vmem>>
    %dma_start3A_552 = tpu.memref_squeeze %dma_start3A_551 : memref<1x16x128xf32, #tpu.memory_space<vmem>> -> memref<16x128xf32, #tpu.memory_space<vmem>>
    %dma_start3A_553 = arith.constant 0 : i32
    %dma_start3A_554 = tpu.memref_slice %arg7[%dma_start3A_548, %dma_start3A_553] : memref<16x1664xi32, #tpu.memory_space<vmem>> -> memref<1x16xi32, #tpu.memory_space<vmem>>
    %dma_start3A_555 = tpu.memref_squeeze %dma_start3A_554 : memref<1x16xi32, #tpu.memory_space<vmem>> -> memref<16xi32, #tpu.memory_space<vmem>>
    %dma_start3A_556 = arith.constant 0 : i32
    %dma_start3A_557 = arith.constant 0 : i32
    %dma_start3A_558 = tpu.memref_slice %arg2[%dma_start3A_556, %dma_start3A_557] : memref<100352x128xf32, #tpu.memory_space<hbm>> -> memref<100352x128xf32, #tpu.memory_space<hbm>>
    tpu.enqueue_indirect_dma source(%dma_start3A_558 : memref<100352x128xf32, #tpu.memory_space<hbm>>) target(%dma_start3A_552 : memref<16x128xf32, #tpu.memory_space<vmem>>) offsets(%dma_start3A_555 : memref<16xi32, #tpu.memory_space<vmem>>) semaphore(%arg11 : memref<!tpu.dma_semaphore, #tpu.memory_space<semaphore_mem>>)
    %dma_start3A_559 = arith.constant 14 : i32
    %dma_start3A_560 = arith.constant 224 : i32
    %dma_start3A_561 = arith.constant 0 : i32
    %dma_start3A_562 = tpu.memref_slice %arg8[%rem3A_395, %dma_start3A_560, %dma_start3A_561] : memref<2x272x128xf32, #tpu.memory_space<vmem>> -> memref<1x16x128xf32, #tpu.memory_space<vmem>>
    %dma_start3A_563 = tpu.memref_squeeze %dma_start3A_562 : memref<1x16x128xf32, #tpu.memory_space<vmem>> -> memref<16x128xf32, #tpu.memory_space<vmem>>
    %dma_start3A_564 = arith.constant 0 : i32
    %dma_start3A_565 = tpu.memref_slice %arg7[%dma_start3A_559, %dma_start3A_564] : memref<16x1664xi32, #tpu.memory_space<vmem>> -> memref<1x16xi32, #tpu.memory_space<vmem>>
    %dma_start3A_566 = tpu.memref_squeeze %dma_start3A_565 : memref<1x16xi32, #tpu.memory_space<vmem>> -> memref<16xi32, #tpu.memory_space<vmem>>
    %dma_start3A_567 = arith.constant 0 : i32
    %dma_start3A_568 = arith.constant 0 : i32
    %dma_start3A_569 = tpu.memref_slice %arg2[%dma_start3A_567, %dma_start3A_568] : memref<100352x128xf32, #tpu.memory_space<hbm>> -> memref<100352x128xf32, #tpu.memory_space<hbm>>
    tpu.enqueue_indirect_dma source(%dma_start3A_569 : memref<100352x128xf32, #tpu.memory_space<hbm>>) target(%dma_start3A_563 : memref<16x128xf32, #tpu.memory_space<vmem>>) offsets(%dma_start3A_566 : memref<16xi32, #tpu.memory_space<vmem>>) semaphore(%arg11 : memref<!tpu.dma_semaphore, #tpu.memory_space<semaphore_mem>>)
    %dma_start3A_570 = arith.constant 15 : i32
    %dma_start3A_571 = arith.constant 240 : i32
    %dma_start3A_572 = arith.constant 0 : i32
    %dma_start3A_573 = tpu.memref_slice %arg8[%rem3A_395, %dma_start3A_571, %dma_start3A_572] : memref<2x272x128xf32, #tpu.memory_space<vmem>> -> memref<1x16x128xf32, #tpu.memory_space<vmem>>
    %dma_start3A_574 = tpu.memref_squeeze %dma_start3A_573 : memref<1x16x128xf32, #tpu.memory_space<vmem>> -> memref<16x128xf32, #tpu.memory_space<vmem>>
    %dma_start3A_575 = arith.constant 0 : i32
    %dma_start3A_576 = tpu.memref_slice %arg7[%dma_start3A_570, %dma_start3A_575] : memref<16x1664xi32, #tpu.memory_space<vmem>> -> memref<1x16xi32, #tpu.memory_space<vmem>>
    %dma_start3A_577 = tpu.memref_squeeze %dma_start3A_576 : memref<1x16xi32, #tpu.memory_space<vmem>> -> memref<16xi32, #tpu.memory_space<vmem>>
    %dma_start3A_578 = arith.constant 0 : i32
    %dma_start3A_579 = arith.constant 0 : i32
    %dma_start3A_580 = tpu.memref_slice %arg2[%dma_start3A_578, %dma_start3A_579] : memref<100352x128xf32, #tpu.memory_space<hbm>> -> memref<100352x128xf32, #tpu.memory_space<hbm>>
    tpu.enqueue_indirect_dma source(%dma_start3A_580 : memref<100352x128xf32, #tpu.memory_space<hbm>>) target(%dma_start3A_574 : memref<16x128xf32, #tpu.memory_space<vmem>>) offsets(%dma_start3A_577 : memref<16xi32, #tpu.memory_space<vmem>>) semaphore(%arg11 : memref<!tpu.dma_semaphore, #tpu.memory_space<semaphore_mem>>)
    %scan3A = arith.constant 0 : i32
    %scan3A_581 = arith.constant 0 : i32
    %scan3A_582 = arith.constant 104 : i32
    %scan3A_583 = arith.addi %scan3A_581, %scan3A_582 : i32
    %scan3A_584 = arith.constant 1 : i32
    scf.for %scan3A_620 = %scan3A_581 to %scan3A_583 step %scan3A_584  : i32 {
      %rem3A_621 = arith.constant 2 : i32
      %rem3A_622 = arith.remsi %scan3A_620, %rem3A_621 : i32
      %add3A_623 = arith.constant 1 : i32
      %add3A_624 = arith.addi %scan3A_620, %add3A_623 : i32
      %lt3A = arith.constant 104 : i32
      %lt3A_625 = arith.cmpi slt, %add3A_624, %lt3A : i32
      %convert_element_type3A = arith.extui %lt3A_625 : i1 to i32
      %cond3A = arith.constant 0 : i32
      %cond3A_626 = arith.cmpi ne, %convert_element_type3A, %cond3A : i32
      scf.if %cond3A_626 {
        %add3A_826 = arith.constant 1 : i32
        %add3A_827 = arith.addi %scan3A_620, %add3A_826 : i32
        %rem3A_828 = arith.constant 2 : i32
        %rem3A_829 = arith.remsi %add3A_827, %rem3A_828 : i32
        %mul3A_830 = arith.constant 16 : i32
        %mul3A_831 = arith.muli %add3A_827, %mul3A_830 : i32
        %dma_start3A_832 = arith.constant 256 : i32
        %dma_start3A_833 = arith.constant 0 : i32
        %dma_start3A_834 = tpu.memref_slice %arg8[%rem3A_829, %dma_start3A_832, %dma_start3A_833] : memref<2x272x128xf32, #tpu.memory_space<vmem>> -> memref<1x16x128xf32, #tpu.memory_space<vmem>>
        %dma_start3A_835 = tpu.memref_squeeze %dma_start3A_834 : memref<1x16x128xf32, #tpu.memory_space<vmem>> -> memref<16x128xf32, #tpu.memory_space<vmem>>
        %dma_start3A_836 = tpu.memref_slice %arg6[%mul3A_831] : memref<1664xi32, #tpu.memory_space<vmem>> -> memref<16xi32, #tpu.memory_space<vmem>>
        %dma_start3A_837 = arith.constant 0 : i32
        %dma_start3A_838 = arith.constant 0 : i32
        %dma_start3A_839 = tpu.memref_slice %arg2[%dma_start3A_837, %dma_start3A_838] : memref<100352x128xf32, #tpu.memory_space<hbm>> -> memref<100352x128xf32, #tpu.memory_space<hbm>>
        tpu.enqueue_indirect_dma source(%dma_start3A_839 : memref<100352x128xf32, #tpu.memory_space<hbm>>) target(%dma_start3A_835 : memref<16x128xf32, #tpu.memory_space<vmem>>) offsets(%dma_start3A_836 : memref<16xi32, #tpu.memory_space<vmem>>) semaphore(%arg11 : memref<!tpu.dma_semaphore, #tpu.memory_space<semaphore_mem>>)
        %dma_start3A_840 = arith.constant 0 : i32
        %dma_start3A_841 = arith.constant 0 : i32
        %dma_start3A_842 = arith.constant 0 : i32
        %dma_start3A_843 = tpu.memref_slice %arg8[%rem3A_829, %dma_start3A_841, %dma_start3A_842] : memref<2x272x128xf32, #tpu.memory_space<vmem>> -> memref<1x16x128xf32, #tpu.memory_space<vmem>>
        %dma_start3A_844 = tpu.memref_squeeze %dma_start3A_843 : memref<1x16x128xf32, #tpu.memory_space<vmem>> -> memref<16x128xf32, #tpu.memory_space<vmem>>
        %dma_start3A_845 = tpu.memref_slice %arg7[%dma_start3A_840, %mul3A_831] : memref<16x1664xi32, #tpu.memory_space<vmem>> -> memref<1x16xi32, #tpu.memory_space<vmem>>
        %dma_start3A_846 = tpu.memref_squeeze %dma_start3A_845 : memref<1x16xi32, #tpu.memory_space<vmem>> -> memref<16xi32, #tpu.memory_space<vmem>>
        %dma_start3A_847 = arith.constant 0 : i32
        %dma_start3A_848 = arith.constant 0 : i32
        %dma_start3A_849 = tpu.memref_slice %arg2[%dma_start3A_847, %dma_start3A_848] : memref<100352x128xf32, #tpu.memory_space<hbm>> -> memref<100352x128xf32, #tpu.memory_space<hbm>>
        tpu.enqueue_indirect_dma source(%dma_start3A_849 : memref<100352x128xf32, #tpu.memory_space<hbm>>) target(%dma_start3A_844 : memref<16x128xf32, #tpu.memory_space<vmem>>) offsets(%dma_start3A_846 : memref<16xi32, #tpu.memory_space<vmem>>) semaphore(%arg11 : memref<!tpu.dma_semaphore, #tpu.memory_space<semaphore_mem>>)
        %dma_start3A_850 = arith.constant 1 : i32
        %dma_start3A_851 = arith.constant 16 : i32
        %dma_start3A_852 = arith.constant 0 : i32
        %dma_start3A_853 = tpu.memref_slice %arg8[%rem3A_829, %dma_start3A_851, %dma_start3A_852] : memref<2x272x128xf32, #tpu.memory_space<vmem>> -> memref<1x16x128xf32, #tpu.memory_space<vmem>>
        %dma_start3A_854 = tpu.memref_squeeze %dma_start3A_853 : memref<1x16x128xf32, #tpu.memory_space<vmem>> -> memref<16x128xf32, #tpu.memory_space<vmem>>
        %dma_start3A_855 = tpu.memref_slice %arg7[%dma_start3A_850, %mul3A_831] : memref<16x1664xi32, #tpu.memory_space<vmem>> -> memref<1x16xi32, #tpu.memory_space<vmem>>
        %dma_start3A_856 = tpu.memref_squeeze %dma_start3A_855 : memref<1x16xi32, #tpu.memory_space<vmem>> -> memref<16xi32, #tpu.memory_space<vmem>>
        %dma_start3A_857 = arith.constant 0 : i32
        %dma_start3A_858 = arith.constant 0 : i32
        %dma_start3A_859 = tpu.memref_slice %arg2[%dma_start3A_857, %dma_start3A_858] : memref<100352x128xf32, #tpu.memory_space<hbm>> -> memref<100352x128xf32, #tpu.memory_space<hbm>>
        tpu.enqueue_indirect_dma source(%dma_start3A_859 : memref<100352x128xf32, #tpu.memory_space<hbm>>) target(%dma_start3A_854 : memref<16x128xf32, #tpu.memory_space<vmem>>) offsets(%dma_start3A_856 : memref<16xi32, #tpu.memory_space<vmem>>) semaphore(%arg11 : memref<!tpu.dma_semaphore, #tpu.memory_space<semaphore_mem>>)
        %dma_start3A_860 = arith.constant 2 : i32
        %dma_start3A_861 = arith.constant 32 : i32
        %dma_start3A_862 = arith.constant 0 : i32
        %dma_start3A_863 = tpu.memref_slice %arg8[%rem3A_829, %dma_start3A_861, %dma_start3A_862] : memref<2x272x128xf32, #tpu.memory_space<vmem>> -> memref<1x16x128xf32, #tpu.memory_space<vmem>>
        %dma_start3A_864 = tpu.memref_squeeze %dma_start3A_863 : memref<1x16x128xf32, #tpu.memory_space<vmem>> -> memref<16x128xf32, #tpu.memory_space<vmem>>
        %dma_start3A_865 = tpu.memref_slice %arg7[%dma_start3A_860, %mul3A_831] : memref<16x1664xi32, #tpu.memory_space<vmem>> -> memref<1x16xi32, #tpu.memory_space<vmem>>
        %dma_start3A_866 = tpu.memref_squeeze %dma_start3A_865 : memref<1x16xi32, #tpu.memory_space<vmem>> -> memref<16xi32, #tpu.memory_space<vmem>>
        %dma_start3A_867 = arith.constant 0 : i32
        %dma_start3A_868 = arith.constant 0 : i32
        %dma_start3A_869 = tpu.memref_slice %arg2[%dma_start3A_867, %dma_start3A_868] : memref<100352x128xf32, #tpu.memory_space<hbm>> -> memref<100352x128xf32, #tpu.memory_space<hbm>>
        tpu.enqueue_indirect_dma source(%dma_start3A_869 : memref<100352x128xf32, #tpu.memory_space<hbm>>) target(%dma_start3A_864 : memref<16x128xf32, #tpu.memory_space<vmem>>) offsets(%dma_start3A_866 : memref<16xi32, #tpu.memory_space<vmem>>) semaphore(%arg11 : memref<!tpu.dma_semaphore, #tpu.memory_space<semaphore_mem>>)
        %dma_start3A_870 = arith.constant 3 : i32
        %dma_start3A_871 = arith.constant 48 : i32
        %dma_start3A_872 = arith.constant 0 : i32
        %dma_start3A_873 = tpu.memref_slice %arg8[%rem3A_829, %dma_start3A_871, %dma_start3A_872] : memref<2x272x128xf32, #tpu.memory_space<vmem>> -> memref<1x16x128xf32, #tpu.memory_space<vmem>>
        %dma_start3A_874 = tpu.memref_squeeze %dma_start3A_873 : memref<1x16x128xf32, #tpu.memory_space<vmem>> -> memref<16x128xf32, #tpu.memory_space<vmem>>
        %dma_start3A_875 = tpu.memref_slice %arg7[%dma_start3A_870, %mul3A_831] : memref<16x1664xi32, #tpu.memory_space<vmem>> -> memref<1x16xi32, #tpu.memory_space<vmem>>
        %dma_start3A_876 = tpu.memref_squeeze %dma_start3A_875 : memref<1x16xi32, #tpu.memory_space<vmem>> -> memref<16xi32, #tpu.memory_space<vmem>>
        %dma_start3A_877 = arith.constant 0 : i32
        %dma_start3A_878 = arith.constant 0 : i32
        %dma_start3A_879 = tpu.memref_slice %arg2[%dma_start3A_877, %dma_start3A_878] : memref<100352x128xf32, #tpu.memory_space<hbm>> -> memref<100352x128xf32, #tpu.memory_space<hbm>>
        tpu.enqueue_indirect_dma source(%dma_start3A_879 : memref<100352x128xf32, #tpu.memory_space<hbm>>) target(%dma_start3A_874 : memref<16x128xf32, #tpu.memory_space<vmem>>) offsets(%dma_start3A_876 : memref<16xi32, #tpu.memory_space<vmem>>) semaphore(%arg11 : memref<!tpu.dma_semaphore, #tpu.memory_space<semaphore_mem>>)
        %dma_start3A_880 = arith.constant 4 : i32
        %dma_start3A_881 = arith.constant 64 : i32
        %dma_start3A_882 = arith.constant 0 : i32
        %dma_start3A_883 = tpu.memref_slice %arg8[%rem3A_829, %dma_start3A_881, %dma_start3A_882] : memref<2x272x128xf32, #tpu.memory_space<vmem>> -> memref<1x16x128xf32, #tpu.memory_space<vmem>>
        %dma_start3A_884 = tpu.memref_squeeze %dma_start3A_883 : memref<1x16x128xf32, #tpu.memory_space<vmem>> -> memref<16x128xf32, #tpu.memory_space<vmem>>
        %dma_start3A_885 = tpu.memref_slice %arg7[%dma_start3A_880, %mul3A_831] : memref<16x1664xi32, #tpu.memory_space<vmem>> -> memref<1x16xi32, #tpu.memory_space<vmem>>
        %dma_start3A_886 = tpu.memref_squeeze %dma_start3A_885 : memref<1x16xi32, #tpu.memory_space<vmem>> -> memref<16xi32, #tpu.memory_space<vmem>>
        %dma_start3A_887 = arith.constant 0 : i32
        %dma_start3A_888 = arith.constant 0 : i32
        %dma_start3A_889 = tpu.memref_slice %arg2[%dma_start3A_887, %dma_start3A_888] : memref<100352x128xf32, #tpu.memory_space<hbm>> -> memref<100352x128xf32, #tpu.memory_space<hbm>>
        tpu.enqueue_indirect_dma source(%dma_start3A_889 : memref<100352x128xf32, #tpu.memory_space<hbm>>) target(%dma_start3A_884 : memref<16x128xf32, #tpu.memory_space<vmem>>) offsets(%dma_start3A_886 : memref<16xi32, #tpu.memory_space<vmem>>) semaphore(%arg11 : memref<!tpu.dma_semaphore, #tpu.memory_space<semaphore_mem>>)
        %dma_start3A_890 = arith.constant 5 : i32
        %dma_start3A_891 = arith.constant 80 : i32
        %dma_start3A_892 = arith.constant 0 : i32
        %dma_start3A_893 = tpu.memref_slice %arg8[%rem3A_829, %dma_start3A_891, %dma_start3A_892] : memref<2x272x128xf32, #tpu.memory_space<vmem>> -> memref<1x16x128xf32, #tpu.memory_space<vmem>>
        %dma_start3A_894 = tpu.memref_squeeze %dma_start3A_893 : memref<1x16x128xf32, #tpu.memory_space<vmem>> -> memref<16x128xf32, #tpu.memory_space<vmem>>
        %dma_start3A_895 = tpu.memref_slice %arg7[%dma_start3A_890, %mul3A_831] : memref<16x1664xi32, #tpu.memory_space<vmem>> -> memref<1x16xi32, #tpu.memory_space<vmem>>
        %dma_start3A_896 = tpu.memref_squeeze %dma_start3A_895 : memref<1x16xi32, #tpu.memory_space<vmem>> -> memref<16xi32, #tpu.memory_space<vmem>>
        %dma_start3A_897 = arith.constant 0 : i32
        %dma_start3A_898 = arith.constant 0 : i32
        %dma_start3A_899 = tpu.memref_slice %arg2[%dma_start3A_897, %dma_start3A_898] : memref<100352x128xf32, #tpu.memory_space<hbm>> -> memref<100352x128xf32, #tpu.memory_space<hbm>>
        tpu.enqueue_indirect_dma source(%dma_start3A_899 : memref<100352x128xf32, #tpu.memory_space<hbm>>) target(%dma_start3A_894 : memref<16x128xf32, #tpu.memory_space<vmem>>) offsets(%dma_start3A_896 : memref<16xi32, #tpu.memory_space<vmem>>) semaphore(%arg11 : memref<!tpu.dma_semaphore, #tpu.memory_space<semaphore_mem>>)
        %dma_start3A_900 = arith.constant 6 : i32
        %dma_start3A_901 = arith.constant 96 : i32
        %dma_start3A_902 = arith.constant 0 : i32
        %dma_start3A_903 = tpu.memref_slice %arg8[%rem3A_829, %dma_start3A_901, %dma_start3A_902] : memref<2x272x128xf32, #tpu.memory_space<vmem>> -> memref<1x16x128xf32, #tpu.memory_space<vmem>>
        %dma_start3A_904 = tpu.memref_squeeze %dma_start3A_903 : memref<1x16x128xf32, #tpu.memory_space<vmem>> -> memref<16x128xf32, #tpu.memory_space<vmem>>
        %dma_start3A_905 = tpu.memref_slice %arg7[%dma_start3A_900, %mul3A_831] : memref<16x1664xi32, #tpu.memory_space<vmem>> -> memref<1x16xi32, #tpu.memory_space<vmem>>
        %dma_start3A_906 = tpu.memref_squeeze %dma_start3A_905 : memref<1x16xi32, #tpu.memory_space<vmem>> -> memref<16xi32, #tpu.memory_space<vmem>>
        %dma_start3A_907 = arith.constant 0 : i32
        %dma_start3A_908 = arith.constant 0 : i32
        %dma_start3A_909 = tpu.memref_slice %arg2[%dma_start3A_907, %dma_start3A_908] : memref<100352x128xf32, #tpu.memory_space<hbm>> -> memref<100352x128xf32, #tpu.memory_space<hbm>>
        tpu.enqueue_indirect_dma source(%dma_start3A_909 : memref<100352x128xf32, #tpu.memory_space<hbm>>) target(%dma_start3A_904 : memref<16x128xf32, #tpu.memory_space<vmem>>) offsets(%dma_start3A_906 : memref<16xi32, #tpu.memory_space<vmem>>) semaphore(%arg11 : memref<!tpu.dma_semaphore, #tpu.memory_space<semaphore_mem>>)
        %dma_start3A_910 = arith.constant 7 : i32
        %dma_start3A_911 = arith.constant 112 : i32
        %dma_start3A_912 = arith.constant 0 : i32
        %dma_start3A_913 = tpu.memref_slice %arg8[%rem3A_829, %dma_start3A_911, %dma_start3A_912] : memref<2x272x128xf32, #tpu.memory_space<vmem>> -> memref<1x16x128xf32, #tpu.memory_space<vmem>>
        %dma_start3A_914 = tpu.memref_squeeze %dma_start3A_913 : memref<1x16x128xf32, #tpu.memory_space<vmem>> -> memref<16x128xf32, #tpu.memory_space<vmem>>
        %dma_start3A_915 = tpu.memref_slice %arg7[%dma_start3A_910, %mul3A_831] : memref<16x1664xi32, #tpu.memory_space<vmem>> -> memref<1x16xi32, #tpu.memory_space<vmem>>
        %dma_start3A_916 = tpu.memref_squeeze %dma_start3A_915 : memref<1x16xi32, #tpu.memory_space<vmem>> -> memref<16xi32, #tpu.memory_space<vmem>>
        %dma_start3A_917 = arith.constant 0 : i32
        %dma_start3A_918 = arith.constant 0 : i32
        %dma_start3A_919 = tpu.memref_slice %arg2[%dma_start3A_917, %dma_start3A_918] : memref<100352x128xf32, #tpu.memory_space<hbm>> -> memref<100352x128xf32, #tpu.memory_space<hbm>>
        tpu.enqueue_indirect_dma source(%dma_start3A_919 : memref<100352x128xf32, #tpu.memory_space<hbm>>) target(%dma_start3A_914 : memref<16x128xf32, #tpu.memory_space<vmem>>) offsets(%dma_start3A_916 : memref<16xi32, #tpu.memory_space<vmem>>) semaphore(%arg11 : memref<!tpu.dma_semaphore, #tpu.memory_space<semaphore_mem>>)
        %dma_start3A_920 = arith.constant 8 : i32
        %dma_start3A_921 = arith.constant 128 : i32
        %dma_start3A_922 = arith.constant 0 : i32
        %dma_start3A_923 = tpu.memref_slice %arg8[%rem3A_829, %dma_start3A_921, %dma_start3A_922] : memref<2x272x128xf32, #tpu.memory_space<vmem>> -> memref<1x16x128xf32, #tpu.memory_space<vmem>>
        %dma_start3A_924 = tpu.memref_squeeze %dma_start3A_923 : memref<1x16x128xf32, #tpu.memory_space<vmem>> -> memref<16x128xf32, #tpu.memory_space<vmem>>
        %dma_start3A_925 = tpu.memref_slice %arg7[%dma_start3A_920, %mul3A_831] : memref<16x1664xi32, #tpu.memory_space<vmem>> -> memref<1x16xi32, #tpu.memory_space<vmem>>
        %dma_start3A_926 = tpu.memref_squeeze %dma_start3A_925 : memref<1x16xi32, #tpu.memory_space<vmem>> -> memref<16xi32, #tpu.memory_space<vmem>>
        %dma_start3A_927 = arith.constant 0 : i32
        %dma_start3A_928 = arith.constant 0 : i32
        %dma_start3A_929 = tpu.memref_slice %arg2[%dma_start3A_927, %dma_start3A_928] : memref<100352x128xf32, #tpu.memory_space<hbm>> -> memref<100352x128xf32, #tpu.memory_space<hbm>>
        tpu.enqueue_indirect_dma source(%dma_start3A_929 : memref<100352x128xf32, #tpu.memory_space<hbm>>) target(%dma_start3A_924 : memref<16x128xf32, #tpu.memory_space<vmem>>) offsets(%dma_start3A_926 : memref<16xi32, #tpu.memory_space<vmem>>) semaphore(%arg11 : memref<!tpu.dma_semaphore, #tpu.memory_space<semaphore_mem>>)
        %dma_start3A_930 = arith.constant 9 : i32
        %dma_start3A_931 = arith.constant 144 : i32
        %dma_start3A_932 = arith.constant 0 : i32
        %dma_start3A_933 = tpu.memref_slice %arg8[%rem3A_829, %dma_start3A_931, %dma_start3A_932] : memref<2x272x128xf32, #tpu.memory_space<vmem>> -> memref<1x16x128xf32, #tpu.memory_space<vmem>>
        %dma_start3A_934 = tpu.memref_squeeze %dma_start3A_933 : memref<1x16x128xf32, #tpu.memory_space<vmem>> -> memref<16x128xf32, #tpu.memory_space<vmem>>
        %dma_start3A_935 = tpu.memref_slice %arg7[%dma_start3A_930, %mul3A_831] : memref<16x1664xi32, #tpu.memory_space<vmem>> -> memref<1x16xi32, #tpu.memory_space<vmem>>
        %dma_start3A_936 = tpu.memref_squeeze %dma_start3A_935 : memref<1x16xi32, #tpu.memory_space<vmem>> -> memref<16xi32, #tpu.memory_space<vmem>>
        %dma_start3A_937 = arith.constant 0 : i32
        %dma_start3A_938 = arith.constant 0 : i32
        %dma_start3A_939 = tpu.memref_slice %arg2[%dma_start3A_937, %dma_start3A_938] : memref<100352x128xf32, #tpu.memory_space<hbm>> -> memref<100352x128xf32, #tpu.memory_space<hbm>>
        tpu.enqueue_indirect_dma source(%dma_start3A_939 : memref<100352x128xf32, #tpu.memory_space<hbm>>) target(%dma_start3A_934 : memref<16x128xf32, #tpu.memory_space<vmem>>) offsets(%dma_start3A_936 : memref<16xi32, #tpu.memory_space<vmem>>) semaphore(%arg11 : memref<!tpu.dma_semaphore, #tpu.memory_space<semaphore_mem>>)
        %dma_start3A_940 = arith.constant 10 : i32
        %dma_start3A_941 = arith.constant 160 : i32
        %dma_start3A_942 = arith.constant 0 : i32
        %dma_start3A_943 = tpu.memref_slice %arg8[%rem3A_829, %dma_start3A_941, %dma_start3A_942] : memref<2x272x128xf32, #tpu.memory_space<vmem>> -> memref<1x16x128xf32, #tpu.memory_space<vmem>>
        %dma_start3A_944 = tpu.memref_squeeze %dma_start3A_943 : memref<1x16x128xf32, #tpu.memory_space<vmem>> -> memref<16x128xf32, #tpu.memory_space<vmem>>
        %dma_start3A_945 = tpu.memref_slice %arg7[%dma_start3A_940, %mul3A_831] : memref<16x1664xi32, #tpu.memory_space<vmem>> -> memref<1x16xi32, #tpu.memory_space<vmem>>
        %dma_start3A_946 = tpu.memref_squeeze %dma_start3A_945 : memref<1x16xi32, #tpu.memory_space<vmem>> -> memref<16xi32, #tpu.memory_space<vmem>>
        %dma_start3A_947 = arith.constant 0 : i32
        %dma_start3A_948 = arith.constant 0 : i32
        %dma_start3A_949 = tpu.memref_slice %arg2[%dma_start3A_947, %dma_start3A_948] : memref<100352x128xf32, #tpu.memory_space<hbm>> -> memref<100352x128xf32, #tpu.memory_space<hbm>>
        tpu.enqueue_indirect_dma source(%dma_start3A_949 : memref<100352x128xf32, #tpu.memory_space<hbm>>) target(%dma_start3A_944 : memref<16x128xf32, #tpu.memory_space<vmem>>) offsets(%dma_start3A_946 : memref<16xi32, #tpu.memory_space<vmem>>) semaphore(%arg11 : memref<!tpu.dma_semaphore, #tpu.memory_space<semaphore_mem>>)
        %dma_start3A_950 = arith.constant 11 : i32
        %dma_start3A_951 = arith.constant 176 : i32
        %dma_start3A_952 = arith.constant 0 : i32
        %dma_start3A_953 = tpu.memref_slice %arg8[%rem3A_829, %dma_start3A_951, %dma_start3A_952] : memref<2x272x128xf32, #tpu.memory_space<vmem>> -> memref<1x16x128xf32, #tpu.memory_space<vmem>>
        %dma_start3A_954 = tpu.memref_squeeze %dma_start3A_953 : memref<1x16x128xf32, #tpu.memory_space<vmem>> -> memref<16x128xf32, #tpu.memory_space<vmem>>
        %dma_start3A_955 = tpu.memref_slice %arg7[%dma_start3A_950, %mul3A_831] : memref<16x1664xi32, #tpu.memory_space<vmem>> -> memref<1x16xi32, #tpu.memory_space<vmem>>
        %dma_start3A_956 = tpu.memref_squeeze %dma_start3A_955 : memref<1x16xi32, #tpu.memory_space<vmem>> -> memref<16xi32, #tpu.memory_space<vmem>>
        %dma_start3A_957 = arith.constant 0 : i32
        %dma_start3A_958 = arith.constant 0 : i32
        %dma_start3A_959 = tpu.memref_slice %arg2[%dma_start3A_957, %dma_start3A_958] : memref<100352x128xf32, #tpu.memory_space<hbm>> -> memref<100352x128xf32, #tpu.memory_space<hbm>>
        tpu.enqueue_indirect_dma source(%dma_start3A_959 : memref<100352x128xf32, #tpu.memory_space<hbm>>) target(%dma_start3A_954 : memref<16x128xf32, #tpu.memory_space<vmem>>) offsets(%dma_start3A_956 : memref<16xi32, #tpu.memory_space<vmem>>) semaphore(%arg11 : memref<!tpu.dma_semaphore, #tpu.memory_space<semaphore_mem>>)
        %dma_start3A_960 = arith.constant 12 : i32
        %dma_start3A_961 = arith.constant 192 : i32
        %dma_start3A_962 = arith.constant 0 : i32
        %dma_start3A_963 = tpu.memref_slice %arg8[%rem3A_829, %dma_start3A_961, %dma_start3A_962] : memref<2x272x128xf32, #tpu.memory_space<vmem>> -> memref<1x16x128xf32, #tpu.memory_space<vmem>>
        %dma_start3A_964 = tpu.memref_squeeze %dma_start3A_963 : memref<1x16x128xf32, #tpu.memory_space<vmem>> -> memref<16x128xf32, #tpu.memory_space<vmem>>
        %dma_start3A_965 = tpu.memref_slice %arg7[%dma_start3A_960, %mul3A_831] : memref<16x1664xi32, #tpu.memory_space<vmem>> -> memref<1x16xi32, #tpu.memory_space<vmem>>
        %dma_start3A_966 = tpu.memref_squeeze %dma_start3A_965 : memref<1x16xi32, #tpu.memory_space<vmem>> -> memref<16xi32, #tpu.memory_space<vmem>>
        %dma_start3A_967 = arith.constant 0 : i32
        %dma_start3A_968 = arith.constant 0 : i32
        %dma_start3A_969 = tpu.memref_slice %arg2[%dma_start3A_967, %dma_start3A_968] : memref<100352x128xf32, #tpu.memory_space<hbm>> -> memref<100352x128xf32, #tpu.memory_space<hbm>>
        tpu.enqueue_indirect_dma source(%dma_start3A_969 : memref<100352x128xf32, #tpu.memory_space<hbm>>) target(%dma_start3A_964 : memref<16x128xf32, #tpu.memory_space<vmem>>) offsets(%dma_start3A_966 : memref<16xi32, #tpu.memory_space<vmem>>) semaphore(%arg11 : memref<!tpu.dma_semaphore, #tpu.memory_space<semaphore_mem>>)
        %dma_start3A_970 = arith.constant 13 : i32
        %dma_start3A_971 = arith.constant 208 : i32
        %dma_start3A_972 = arith.constant 0 : i32
        %dma_start3A_973 = tpu.memref_slice %arg8[%rem3A_829, %dma_start3A_971, %dma_start3A_972] : memref<2x272x128xf32, #tpu.memory_space<vmem>> -> memref<1x16x128xf32, #tpu.memory_space<vmem>>
        %dma_start3A_974 = tpu.memref_squeeze %dma_start3A_973 : memref<1x16x128xf32, #tpu.memory_space<vmem>> -> memref<16x128xf32, #tpu.memory_space<vmem>>
        %dma_start3A_975 = tpu.memref_slice %arg7[%dma_start3A_970, %mul3A_831] : memref<16x1664xi32, #tpu.memory_space<vmem>> -> memref<1x16xi32, #tpu.memory_space<vmem>>
        %dma_start3A_976 = tpu.memref_squeeze %dma_start3A_975 : memref<1x16xi32, #tpu.memory_space<vmem>> -> memref<16xi32, #tpu.memory_space<vmem>>
        %dma_start3A_977 = arith.constant 0 : i32
        %dma_start3A_978 = arith.constant 0 : i32
        %dma_start3A_979 = tpu.memref_slice %arg2[%dma_start3A_977, %dma_start3A_978] : memref<100352x128xf32, #tpu.memory_space<hbm>> -> memref<100352x128xf32, #tpu.memory_space<hbm>>
        tpu.enqueue_indirect_dma source(%dma_start3A_979 : memref<100352x128xf32, #tpu.memory_space<hbm>>) target(%dma_start3A_974 : memref<16x128xf32, #tpu.memory_space<vmem>>) offsets(%dma_start3A_976 : memref<16xi32, #tpu.memory_space<vmem>>) semaphore(%arg11 : memref<!tpu.dma_semaphore, #tpu.memory_space<semaphore_mem>>)
        %dma_start3A_980 = arith.constant 14 : i32
        %dma_start3A_981 = arith.constant 224 : i32
        %dma_start3A_982 = arith.constant 0 : i32
        %dma_start3A_983 = tpu.memref_slice %arg8[%rem3A_829, %dma_start3A_981, %dma_start3A_982] : memref<2x272x128xf32, #tpu.memory_space<vmem>> -> memref<1x16x128xf32, #tpu.memory_space<vmem>>
        %dma_start3A_984 = tpu.memref_squeeze %dma_start3A_983 : memref<1x16x128xf32, #tpu.memory_space<vmem>> -> memref<16x128xf32, #tpu.memory_space<vmem>>
        %dma_start3A_985 = tpu.memref_slice %arg7[%dma_start3A_980, %mul3A_831] : memref<16x1664xi32, #tpu.memory_space<vmem>> -> memref<1x16xi32, #tpu.memory_space<vmem>>
        %dma_start3A_986 = tpu.memref_squeeze %dma_start3A_985 : memref<1x16xi32, #tpu.memory_space<vmem>> -> memref<16xi32, #tpu.memory_space<vmem>>
        %dma_start3A_987 = arith.constant 0 : i32
        %dma_start3A_988 = arith.constant 0 : i32
        %dma_start3A_989 = tpu.memref_slice %arg2[%dma_start3A_987, %dma_start3A_988] : memref<100352x128xf32, #tpu.memory_space<hbm>> -> memref<100352x128xf32, #tpu.memory_space<hbm>>
        tpu.enqueue_indirect_dma source(%dma_start3A_989 : memref<100352x128xf32, #tpu.memory_space<hbm>>) target(%dma_start3A_984 : memref<16x128xf32, #tpu.memory_space<vmem>>) offsets(%dma_start3A_986 : memref<16xi32, #tpu.memory_space<vmem>>) semaphore(%arg11 : memref<!tpu.dma_semaphore, #tpu.memory_space<semaphore_mem>>)
        %dma_start3A_990 = arith.constant 15 : i32
        %dma_start3A_991 = arith.constant 240 : i32
        %dma_start3A_992 = arith.constant 0 : i32
        %dma_start3A_993 = tpu.memref_slice %arg8[%rem3A_829, %dma_start3A_991, %dma_start3A_992] : memref<2x272x128xf32, #tpu.memory_space<vmem>> -> memref<1x16x128xf32, #tpu.memory_space<vmem>>
        %dma_start3A_994 = tpu.memref_squeeze %dma_start3A_993 : memref<1x16x128xf32, #tpu.memory_space<vmem>> -> memref<16x128xf32, #tpu.memory_space<vmem>>
        %dma_start3A_995 = tpu.memref_slice %arg7[%dma_start3A_990, %mul3A_831] : memref<16x1664xi32, #tpu.memory_space<vmem>> -> memref<1x16xi32, #tpu.memory_space<vmem>>
        %dma_start3A_996 = tpu.memref_squeeze %dma_start3A_995 : memref<1x16xi32, #tpu.memory_space<vmem>> -> memref<16xi32, #tpu.memory_space<vmem>>
        %dma_start3A_997 = arith.constant 0 : i32
        %dma_start3A_998 = arith.constant 0 : i32
        %dma_start3A_999 = tpu.memref_slice %arg2[%dma_start3A_997, %dma_start3A_998] : memref<100352x128xf32, #tpu.memory_space<hbm>> -> memref<100352x128xf32, #tpu.memory_space<hbm>>
        tpu.enqueue_indirect_dma source(%dma_start3A_999 : memref<100352x128xf32, #tpu.memory_space<hbm>>) target(%dma_start3A_994 : memref<16x128xf32, #tpu.memory_space<vmem>>) offsets(%dma_start3A_996 : memref<16xi32, #tpu.memory_space<vmem>>) semaphore(%arg11 : memref<!tpu.dma_semaphore, #tpu.memory_space<semaphore_mem>>)
      } else {
      }
      %rem3A_627 = arith.constant 2 : i32
      %rem3A_628 = arith.remsi %scan3A_620, %rem3A_627 : i32
      %mul3A_629 = arith.constant 16 : i32
      %mul3A_630 = arith.muli %scan3A_620, %mul3A_629 : i32
      %dma_wait3A_631 = arith.constant 256 : i32
      %dma_wait3A_632 = arith.constant 0 : i32
      %dma_wait3A_633 = tpu.memref_slice %arg8[%rem3A_628, %dma_wait3A_631, %dma_wait3A_632] : memref<2x272x128xf32, #tpu.memory_space<vmem>> -> memref<1x16x128xf32, #tpu.memory_space<vmem>>
      %dma_wait3A_634 = tpu.memref_squeeze %dma_wait3A_633 : memref<1x16x128xf32, #tpu.memory_space<vmem>> -> memref<16x128xf32, #tpu.memory_space<vmem>>
      %dma_wait3A_635 = tpu.memref_slice %arg6[%mul3A_630] : memref<1664xi32, #tpu.memory_space<vmem>> -> memref<16xi32, #tpu.memory_space<vmem>>
      %dma_wait3A_636 = arith.constant 0 : i32
      %dma_wait3A_637 = arith.constant 0 : i32
      %dma_wait3A_638 = tpu.memref_slice %arg2[%dma_wait3A_636, %dma_wait3A_637] : memref<100352x128xf32, #tpu.memory_space<hbm>> -> memref<100352x128xf32, #tpu.memory_space<hbm>>
      tpu.wait_indirect_dma semaphore(%arg11 : memref<!tpu.dma_semaphore, #tpu.memory_space<semaphore_mem>>) src(%dma_wait3A_638 : memref<100352x128xf32, #tpu.memory_space<hbm>>) dst(%dma_wait3A_634 : memref<16x128xf32, #tpu.memory_space<vmem>>)
      %dma_wait3A_639 = arith.constant 0 : i32
      %dma_wait3A_640 = arith.constant 0 : i32
      %dma_wait3A_641 = arith.constant 0 : i32
      %dma_wait3A_642 = tpu.memref_slice %arg8[%rem3A_628, %dma_wait3A_640, %dma_wait3A_641] : memref<2x272x128xf32, #tpu.memory_space<vmem>> -> memref<1x16x128xf32, #tpu.memory_space<vmem>>
      %dma_wait3A_643 = tpu.memref_squeeze %dma_wait3A_642 : memref<1x16x128xf32, #tpu.memory_space<vmem>> -> memref<16x128xf32, #tpu.memory_space<vmem>>
      %dma_wait3A_644 = tpu.memref_slice %arg7[%dma_wait3A_639, %mul3A_630] : memref<16x1664xi32, #tpu.memory_space<vmem>> -> memref<1x16xi32, #tpu.memory_space<vmem>>
      %dma_wait3A_645 = tpu.memref_squeeze %dma_wait3A_644 : memref<1x16xi32, #tpu.memory_space<vmem>> -> memref<16xi32, #tpu.memory_space<vmem>>
      %dma_wait3A_646 = arith.constant 0 : i32
      %dma_wait3A_647 = arith.constant 0 : i32
      %dma_wait3A_648 = tpu.memref_slice %arg2[%dma_wait3A_646, %dma_wait3A_647] : memref<100352x128xf32, #tpu.memory_space<hbm>> -> memref<100352x128xf32, #tpu.memory_space<hbm>>
      tpu.wait_indirect_dma semaphore(%arg11 : memref<!tpu.dma_semaphore, #tpu.memory_space<semaphore_mem>>) src(%dma_wait3A_648 : memref<100352x128xf32, #tpu.memory_space<hbm>>) dst(%dma_wait3A_643 : memref<16x128xf32, #tpu.memory_space<vmem>>)
      %dma_wait3A_649 = arith.constant 1 : i32
      %dma_wait3A_650 = arith.constant 16 : i32
      %dma_wait3A_651 = arith.constant 0 : i32
      %dma_wait3A_652 = tpu.memref_slice %arg8[%rem3A_628, %dma_wait3A_650, %dma_wait3A_651] : memref<2x272x128xf32, #tpu.memory_space<vmem>> -> memref<1x16x128xf32, #tpu.memory_space<vmem>>
      %dma_wait3A_653 = tpu.memref_squeeze %dma_wait3A_652 : memref<1x16x128xf32, #tpu.memory_space<vmem>> -> memref<16x128xf32, #tpu.memory_space<vmem>>
      %dma_wait3A_654 = tpu.memref_slice %arg7[%dma_wait3A_649, %mul3A_630] : memref<16x1664xi32, #tpu.memory_space<vmem>> -> memref<1x16xi32, #tpu.memory_space<vmem>>
      %dma_wait3A_655 = tpu.memref_squeeze %dma_wait3A_654 : memref<1x16xi32, #tpu.memory_space<vmem>> -> memref<16xi32, #tpu.memory_space<vmem>>
      %dma_wait3A_656 = arith.constant 0 : i32
      %dma_wait3A_657 = arith.constant 0 : i32
      %dma_wait3A_658 = tpu.memref_slice %arg2[%dma_wait3A_656, %dma_wait3A_657] : memref<100352x128xf32, #tpu.memory_space<hbm>> -> memref<100352x128xf32, #tpu.memory_space<hbm>>
      tpu.wait_indirect_dma semaphore(%arg11 : memref<!tpu.dma_semaphore, #tpu.memory_space<semaphore_mem>>) src(%dma_wait3A_658 : memref<100352x128xf32, #tpu.memory_space<hbm>>) dst(%dma_wait3A_653 : memref<16x128xf32, #tpu.memory_space<vmem>>)
      %dma_wait3A_659 = arith.constant 2 : i32
      %dma_wait3A_660 = arith.constant 32 : i32
      %dma_wait3A_661 = arith.constant 0 : i32
      %dma_wait3A_662 = tpu.memref_slice %arg8[%rem3A_628, %dma_wait3A_660, %dma_wait3A_661] : memref<2x272x128xf32, #tpu.memory_space<vmem>> -> memref<1x16x128xf32, #tpu.memory_space<vmem>>
      %dma_wait3A_663 = tpu.memref_squeeze %dma_wait3A_662 : memref<1x16x128xf32, #tpu.memory_space<vmem>> -> memref<16x128xf32, #tpu.memory_space<vmem>>
      %dma_wait3A_664 = tpu.memref_slice %arg7[%dma_wait3A_659, %mul3A_630] : memref<16x1664xi32, #tpu.memory_space<vmem>> -> memref<1x16xi32, #tpu.memory_space<vmem>>
      %dma_wait3A_665 = tpu.memref_squeeze %dma_wait3A_664 : memref<1x16xi32, #tpu.memory_space<vmem>> -> memref<16xi32, #tpu.memory_space<vmem>>
      %dma_wait3A_666 = arith.constant 0 : i32
      %dma_wait3A_667 = arith.constant 0 : i32
      %dma_wait3A_668 = tpu.memref_slice %arg2[%dma_wait3A_666, %dma_wait3A_667] : memref<100352x128xf32, #tpu.memory_space<hbm>> -> memref<100352x128xf32, #tpu.memory_space<hbm>>
      tpu.wait_indirect_dma semaphore(%arg11 : memref<!tpu.dma_semaphore, #tpu.memory_space<semaphore_mem>>) src(%dma_wait3A_668 : memref<100352x128xf32, #tpu.memory_space<hbm>>) dst(%dma_wait3A_663 : memref<16x128xf32, #tpu.memory_space<vmem>>)
      %dma_wait3A_669 = arith.constant 3 : i32
      %dma_wait3A_670 = arith.constant 48 : i32
      %dma_wait3A_671 = arith.constant 0 : i32
      %dma_wait3A_672 = tpu.memref_slice %arg8[%rem3A_628, %dma_wait3A_670, %dma_wait3A_671] : memref<2x272x128xf32, #tpu.memory_space<vmem>> -> memref<1x16x128xf32, #tpu.memory_space<vmem>>
      %dma_wait3A_673 = tpu.memref_squeeze %dma_wait3A_672 : memref<1x16x128xf32, #tpu.memory_space<vmem>> -> memref<16x128xf32, #tpu.memory_space<vmem>>
      %dma_wait3A_674 = tpu.memref_slice %arg7[%dma_wait3A_669, %mul3A_630] : memref<16x1664xi32, #tpu.memory_space<vmem>> -> memref<1x16xi32, #tpu.memory_space<vmem>>
      %dma_wait3A_675 = tpu.memref_squeeze %dma_wait3A_674 : memref<1x16xi32, #tpu.memory_space<vmem>> -> memref<16xi32, #tpu.memory_space<vmem>>
      %dma_wait3A_676 = arith.constant 0 : i32
      %dma_wait3A_677 = arith.constant 0 : i32
      %dma_wait3A_678 = tpu.memref_slice %arg2[%dma_wait3A_676, %dma_wait3A_677] : memref<100352x128xf32, #tpu.memory_space<hbm>> -> memref<100352x128xf32, #tpu.memory_space<hbm>>
      tpu.wait_indirect_dma semaphore(%arg11 : memref<!tpu.dma_semaphore, #tpu.memory_space<semaphore_mem>>) src(%dma_wait3A_678 : memref<100352x128xf32, #tpu.memory_space<hbm>>) dst(%dma_wait3A_673 : memref<16x128xf32, #tpu.memory_space<vmem>>)
      %dma_wait3A_679 = arith.constant 4 : i32
      %dma_wait3A_680 = arith.constant 64 : i32
      %dma_wait3A_681 = arith.constant 0 : i32
      %dma_wait3A_682 = tpu.memref_slice %arg8[%rem3A_628, %dma_wait3A_680, %dma_wait3A_681] : memref<2x272x128xf32, #tpu.memory_space<vmem>> -> memref<1x16x128xf32, #tpu.memory_space<vmem>>
      %dma_wait3A_683 = tpu.memref_squeeze %dma_wait3A_682 : memref<1x16x128xf32, #tpu.memory_space<vmem>> -> memref<16x128xf32, #tpu.memory_space<vmem>>
      %dma_wait3A_684 = tpu.memref_slice %arg7[%dma_wait3A_679, %mul3A_630] : memref<16x1664xi32, #tpu.memory_space<vmem>> -> memref<1x16xi32, #tpu.memory_space<vmem>>
      %dma_wait3A_685 = tpu.memref_squeeze %dma_wait3A_684 : memref<1x16xi32, #tpu.memory_space<vmem>> -> memref<16xi32, #tpu.memory_space<vmem>>
      %dma_wait3A_686 = arith.constant 0 : i32
      %dma_wait3A_687 = arith.constant 0 : i32
      %dma_wait3A_688 = tpu.memref_slice %arg2[%dma_wait3A_686, %dma_wait3A_687] : memref<100352x128xf32, #tpu.memory_space<hbm>> -> memref<100352x128xf32, #tpu.memory_space<hbm>>
      tpu.wait_indirect_dma semaphore(%arg11 : memref<!tpu.dma_semaphore, #tpu.memory_space<semaphore_mem>>) src(%dma_wait3A_688 : memref<100352x128xf32, #tpu.memory_space<hbm>>) dst(%dma_wait3A_683 : memref<16x128xf32, #tpu.memory_space<vmem>>)
      %dma_wait3A_689 = arith.constant 5 : i32
      %dma_wait3A_690 = arith.constant 80 : i32
      %dma_wait3A_691 = arith.constant 0 : i32
      %dma_wait3A_692 = tpu.memref_slice %arg8[%rem3A_628, %dma_wait3A_690, %dma_wait3A_691] : memref<2x272x128xf32, #tpu.memory_space<vmem>> -> memref<1x16x128xf32, #tpu.memory_space<vmem>>
      %dma_wait3A_693 = tpu.memref_squeeze %dma_wait3A_692 : memref<1x16x128xf32, #tpu.memory_space<vmem>> -> memref<16x128xf32, #tpu.memory_space<vmem>>
      %dma_wait3A_694 = tpu.memref_slice %arg7[%dma_wait3A_689, %mul3A_630] : memref<16x1664xi32, #tpu.memory_space<vmem>> -> memref<1x16xi32, #tpu.memory_space<vmem>>
      %dma_wait3A_695 = tpu.memref_squeeze %dma_wait3A_694 : memref<1x16xi32, #tpu.memory_space<vmem>> -> memref<16xi32, #tpu.memory_space<vmem>>
      %dma_wait3A_696 = arith.constant 0 : i32
      %dma_wait3A_697 = arith.constant 0 : i32
      %dma_wait3A_698 = tpu.memref_slice %arg2[%dma_wait3A_696, %dma_wait3A_697] : memref<100352x128xf32, #tpu.memory_space<hbm>> -> memref<100352x128xf32, #tpu.memory_space<hbm>>
      tpu.wait_indirect_dma semaphore(%arg11 : memref<!tpu.dma_semaphore, #tpu.memory_space<semaphore_mem>>) src(%dma_wait3A_698 : memref<100352x128xf32, #tpu.memory_space<hbm>>) dst(%dma_wait3A_693 : memref<16x128xf32, #tpu.memory_space<vmem>>)
      %dma_wait3A_699 = arith.constant 6 : i32
      %dma_wait3A_700 = arith.constant 96 : i32
      %dma_wait3A_701 = arith.constant 0 : i32
      %dma_wait3A_702 = tpu.memref_slice %arg8[%rem3A_628, %dma_wait3A_700, %dma_wait3A_701] : memref<2x272x128xf32, #tpu.memory_space<vmem>> -> memref<1x16x128xf32, #tpu.memory_space<vmem>>
      %dma_wait3A_703 = tpu.memref_squeeze %dma_wait3A_702 : memref<1x16x128xf32, #tpu.memory_space<vmem>> -> memref<16x128xf32, #tpu.memory_space<vmem>>
      %dma_wait3A_704 = tpu.memref_slice %arg7[%dma_wait3A_699, %mul3A_630] : memref<16x1664xi32, #tpu.memory_space<vmem>> -> memref<1x16xi32, #tpu.memory_space<vmem>>
      %dma_wait3A_705 = tpu.memref_squeeze %dma_wait3A_704 : memref<1x16xi32, #tpu.memory_space<vmem>> -> memref<16xi32, #tpu.memory_space<vmem>>
      %dma_wait3A_706 = arith.constant 0 : i32
      %dma_wait3A_707 = arith.constant 0 : i32
      %dma_wait3A_708 = tpu.memref_slice %arg2[%dma_wait3A_706, %dma_wait3A_707] : memref<100352x128xf32, #tpu.memory_space<hbm>> -> memref<100352x128xf32, #tpu.memory_space<hbm>>
      tpu.wait_indirect_dma semaphore(%arg11 : memref<!tpu.dma_semaphore, #tpu.memory_space<semaphore_mem>>) src(%dma_wait3A_708 : memref<100352x128xf32, #tpu.memory_space<hbm>>) dst(%dma_wait3A_703 : memref<16x128xf32, #tpu.memory_space<vmem>>)
      %dma_wait3A_709 = arith.constant 7 : i32
      %dma_wait3A_710 = arith.constant 112 : i32
      %dma_wait3A_711 = arith.constant 0 : i32
      %dma_wait3A_712 = tpu.memref_slice %arg8[%rem3A_628, %dma_wait3A_710, %dma_wait3A_711] : memref<2x272x128xf32, #tpu.memory_space<vmem>> -> memref<1x16x128xf32, #tpu.memory_space<vmem>>
      %dma_wait3A_713 = tpu.memref_squeeze %dma_wait3A_712 : memref<1x16x128xf32, #tpu.memory_space<vmem>> -> memref<16x128xf32, #tpu.memory_space<vmem>>
      %dma_wait3A_714 = tpu.memref_slice %arg7[%dma_wait3A_709, %mul3A_630] : memref<16x1664xi32, #tpu.memory_space<vmem>> -> memref<1x16xi32, #tpu.memory_space<vmem>>
      %dma_wait3A_715 = tpu.memref_squeeze %dma_wait3A_714 : memref<1x16xi32, #tpu.memory_space<vmem>> -> memref<16xi32, #tpu.memory_space<vmem>>
      %dma_wait3A_716 = arith.constant 0 : i32
      %dma_wait3A_717 = arith.constant 0 : i32
      %dma_wait3A_718 = tpu.memref_slice %arg2[%dma_wait3A_716, %dma_wait3A_717] : memref<100352x128xf32, #tpu.memory_space<hbm>> -> memref<100352x128xf32, #tpu.memory_space<hbm>>
      tpu.wait_indirect_dma semaphore(%arg11 : memref<!tpu.dma_semaphore, #tpu.memory_space<semaphore_mem>>) src(%dma_wait3A_718 : memref<100352x128xf32, #tpu.memory_space<hbm>>) dst(%dma_wait3A_713 : memref<16x128xf32, #tpu.memory_space<vmem>>)
      %dma_wait3A_719 = arith.constant 8 : i32
      %dma_wait3A_720 = arith.constant 128 : i32
      %dma_wait3A_721 = arith.constant 0 : i32
      %dma_wait3A_722 = tpu.memref_slice %arg8[%rem3A_628, %dma_wait3A_720, %dma_wait3A_721] : memref<2x272x128xf32, #tpu.memory_space<vmem>> -> memref<1x16x128xf32, #tpu.memory_space<vmem>>
      %dma_wait3A_723 = tpu.memref_squeeze %dma_wait3A_722 : memref<1x16x128xf32, #tpu.memory_space<vmem>> -> memref<16x128xf32, #tpu.memory_space<vmem>>
      %dma_wait3A_724 = tpu.memref_slice %arg7[%dma_wait3A_719, %mul3A_630] : memref<16x1664xi32, #tpu.memory_space<vmem>> -> memref<1x16xi32, #tpu.memory_space<vmem>>
      %dma_wait3A_725 = tpu.memref_squeeze %dma_wait3A_724 : memref<1x16xi32, #tpu.memory_space<vmem>> -> memref<16xi32, #tpu.memory_space<vmem>>
      %dma_wait3A_726 = arith.constant 0 : i32
      %dma_wait3A_727 = arith.constant 0 : i32
      %dma_wait3A_728 = tpu.memref_slice %arg2[%dma_wait3A_726, %dma_wait3A_727] : memref<100352x128xf32, #tpu.memory_space<hbm>> -> memref<100352x128xf32, #tpu.memory_space<hbm>>
      tpu.wait_indirect_dma semaphore(%arg11 : memref<!tpu.dma_semaphore, #tpu.memory_space<semaphore_mem>>) src(%dma_wait3A_728 : memref<100352x128xf32, #tpu.memory_space<hbm>>) dst(%dma_wait3A_723 : memref<16x128xf32, #tpu.memory_space<vmem>>)
      %dma_wait3A_729 = arith.constant 9 : i32
      %dma_wait3A_730 = arith.constant 144 : i32
      %dma_wait3A_731 = arith.constant 0 : i32
      %dma_wait3A_732 = tpu.memref_slice %arg8[%rem3A_628, %dma_wait3A_730, %dma_wait3A_731] : memref<2x272x128xf32, #tpu.memory_space<vmem>> -> memref<1x16x128xf32, #tpu.memory_space<vmem>>
      %dma_wait3A_733 = tpu.memref_squeeze %dma_wait3A_732 : memref<1x16x128xf32, #tpu.memory_space<vmem>> -> memref<16x128xf32, #tpu.memory_space<vmem>>
      %dma_wait3A_734 = tpu.memref_slice %arg7[%dma_wait3A_729, %mul3A_630] : memref<16x1664xi32, #tpu.memory_space<vmem>> -> memref<1x16xi32, #tpu.memory_space<vmem>>
      %dma_wait3A_735 = tpu.memref_squeeze %dma_wait3A_734 : memref<1x16xi32, #tpu.memory_space<vmem>> -> memref<16xi32, #tpu.memory_space<vmem>>
      %dma_wait3A_736 = arith.constant 0 : i32
      %dma_wait3A_737 = arith.constant 0 : i32
      %dma_wait3A_738 = tpu.memref_slice %arg2[%dma_wait3A_736, %dma_wait3A_737] : memref<100352x128xf32, #tpu.memory_space<hbm>> -> memref<100352x128xf32, #tpu.memory_space<hbm>>
      tpu.wait_indirect_dma semaphore(%arg11 : memref<!tpu.dma_semaphore, #tpu.memory_space<semaphore_mem>>) src(%dma_wait3A_738 : memref<100352x128xf32, #tpu.memory_space<hbm>>) dst(%dma_wait3A_733 : memref<16x128xf32, #tpu.memory_space<vmem>>)
      %dma_wait3A_739 = arith.constant 10 : i32
      %dma_wait3A_740 = arith.constant 160 : i32
      %dma_wait3A_741 = arith.constant 0 : i32
      %dma_wait3A_742 = tpu.memref_slice %arg8[%rem3A_628, %dma_wait3A_740, %dma_wait3A_741] : memref<2x272x128xf32, #tpu.memory_space<vmem>> -> memref<1x16x128xf32, #tpu.memory_space<vmem>>
      %dma_wait3A_743 = tpu.memref_squeeze %dma_wait3A_742 : memref<1x16x128xf32, #tpu.memory_space<vmem>> -> memref<16x128xf32, #tpu.memory_space<vmem>>
      %dma_wait3A_744 = tpu.memref_slice %arg7[%dma_wait3A_739, %mul3A_630] : memref<16x1664xi32, #tpu.memory_space<vmem>> -> memref<1x16xi32, #tpu.memory_space<vmem>>
      %dma_wait3A_745 = tpu.memref_squeeze %dma_wait3A_744 : memref<1x16xi32, #tpu.memory_space<vmem>> -> memref<16xi32, #tpu.memory_space<vmem>>
      %dma_wait3A_746 = arith.constant 0 : i32
      %dma_wait3A_747 = arith.constant 0 : i32
      %dma_wait3A_748 = tpu.memref_slice %arg2[%dma_wait3A_746, %dma_wait3A_747] : memref<100352x128xf32, #tpu.memory_space<hbm>> -> memref<100352x128xf32, #tpu.memory_space<hbm>>
      tpu.wait_indirect_dma semaphore(%arg11 : memref<!tpu.dma_semaphore, #tpu.memory_space<semaphore_mem>>) src(%dma_wait3A_748 : memref<100352x128xf32, #tpu.memory_space<hbm>>) dst(%dma_wait3A_743 : memref<16x128xf32, #tpu.memory_space<vmem>>)
      %dma_wait3A_749 = arith.constant 11 : i32
      %dma_wait3A_750 = arith.constant 176 : i32
      %dma_wait3A_751 = arith.constant 0 : i32
      %dma_wait3A_752 = tpu.memref_slice %arg8[%rem3A_628, %dma_wait3A_750, %dma_wait3A_751] : memref<2x272x128xf32, #tpu.memory_space<vmem>> -> memref<1x16x128xf32, #tpu.memory_space<vmem>>
      %dma_wait3A_753 = tpu.memref_squeeze %dma_wait3A_752 : memref<1x16x128xf32, #tpu.memory_space<vmem>> -> memref<16x128xf32, #tpu.memory_space<vmem>>
      %dma_wait3A_754 = tpu.memref_slice %arg7[%dma_wait3A_749, %mul3A_630] : memref<16x1664xi32, #tpu.memory_space<vmem>> -> memref<1x16xi32, #tpu.memory_space<vmem>>
      %dma_wait3A_755 = tpu.memref_squeeze %dma_wait3A_754 : memref<1x16xi32, #tpu.memory_space<vmem>> -> memref<16xi32, #tpu.memory_space<vmem>>
      %dma_wait3A_756 = arith.constant 0 : i32
      %dma_wait3A_757 = arith.constant 0 : i32
      %dma_wait3A_758 = tpu.memref_slice %arg2[%dma_wait3A_756, %dma_wait3A_757] : memref<100352x128xf32, #tpu.memory_space<hbm>> -> memref<100352x128xf32, #tpu.memory_space<hbm>>
      tpu.wait_indirect_dma semaphore(%arg11 : memref<!tpu.dma_semaphore, #tpu.memory_space<semaphore_mem>>) src(%dma_wait3A_758 : memref<100352x128xf32, #tpu.memory_space<hbm>>) dst(%dma_wait3A_753 : memref<16x128xf32, #tpu.memory_space<vmem>>)
      %dma_wait3A_759 = arith.constant 12 : i32
      %dma_wait3A_760 = arith.constant 192 : i32
      %dma_wait3A_761 = arith.constant 0 : i32
      %dma_wait3A_762 = tpu.memref_slice %arg8[%rem3A_628, %dma_wait3A_760, %dma_wait3A_761] : memref<2x272x128xf32, #tpu.memory_space<vmem>> -> memref<1x16x128xf32, #tpu.memory_space<vmem>>
      %dma_wait3A_763 = tpu.memref_squeeze %dma_wait3A_762 : memref<1x16x128xf32, #tpu.memory_space<vmem>> -> memref<16x128xf32, #tpu.memory_space<vmem>>
      %dma_wait3A_764 = tpu.memref_slice %arg7[%dma_wait3A_759, %mul3A_630] : memref<16x1664xi32, #tpu.memory_space<vmem>> -> memref<1x16xi32, #tpu.memory_space<vmem>>
      %dma_wait3A_765 = tpu.memref_squeeze %dma_wait3A_764 : memref<1x16xi32, #tpu.memory_space<vmem>> -> memref<16xi32, #tpu.memory_space<vmem>>
      %dma_wait3A_766 = arith.constant 0 : i32
      %dma_wait3A_767 = arith.constant 0 : i32
      %dma_wait3A_768 = tpu.memref_slice %arg2[%dma_wait3A_766, %dma_wait3A_767] : memref<100352x128xf32, #tpu.memory_space<hbm>> -> memref<100352x128xf32, #tpu.memory_space<hbm>>
      tpu.wait_indirect_dma semaphore(%arg11 : memref<!tpu.dma_semaphore, #tpu.memory_space<semaphore_mem>>) src(%dma_wait3A_768 : memref<100352x128xf32, #tpu.memory_space<hbm>>) dst(%dma_wait3A_763 : memref<16x128xf32, #tpu.memory_space<vmem>>)
      %dma_wait3A_769 = arith.constant 13 : i32
      %dma_wait3A_770 = arith.constant 208 : i32
      %dma_wait3A_771 = arith.constant 0 : i32
      %dma_wait3A_772 = tpu.memref_slice %arg8[%rem3A_628, %dma_wait3A_770, %dma_wait3A_771] : memref<2x272x128xf32, #tpu.memory_space<vmem>> -> memref<1x16x128xf32, #tpu.memory_space<vmem>>
      %dma_wait3A_773 = tpu.memref_squeeze %dma_wait3A_772 : memref<1x16x128xf32, #tpu.memory_space<vmem>> -> memref<16x128xf32, #tpu.memory_space<vmem>>
      %dma_wait3A_774 = tpu.memref_slice %arg7[%dma_wait3A_769, %mul3A_630] : memref<16x1664xi32, #tpu.memory_space<vmem>> -> memref<1x16xi32, #tpu.memory_space<vmem>>
      %dma_wait3A_775 = tpu.memref_squeeze %dma_wait3A_774 : memref<1x16xi32, #tpu.memory_space<vmem>> -> memref<16xi32, #tpu.memory_space<vmem>>
      %dma_wait3A_776 = arith.constant 0 : i32
      %dma_wait3A_777 = arith.constant 0 : i32
      %dma_wait3A_778 = tpu.memref_slice %arg2[%dma_wait3A_776, %dma_wait3A_777] : memref<100352x128xf32, #tpu.memory_space<hbm>> -> memref<100352x128xf32, #tpu.memory_space<hbm>>
      tpu.wait_indirect_dma semaphore(%arg11 : memref<!tpu.dma_semaphore, #tpu.memory_space<semaphore_mem>>) src(%dma_wait3A_778 : memref<100352x128xf32, #tpu.memory_space<hbm>>) dst(%dma_wait3A_773 : memref<16x128xf32, #tpu.memory_space<vmem>>)
      %dma_wait3A_779 = arith.constant 14 : i32
      %dma_wait3A_780 = arith.constant 224 : i32
      %dma_wait3A_781 = arith.constant 0 : i32
      %dma_wait3A_782 = tpu.memref_slice %arg8[%rem3A_628, %dma_wait3A_780, %dma_wait3A_781] : memref<2x272x128xf32, #tpu.memory_space<vmem>> -> memref<1x16x128xf32, #tpu.memory_space<vmem>>
      %dma_wait3A_783 = tpu.memref_squeeze %dma_wait3A_782 : memref<1x16x128xf32, #tpu.memory_space<vmem>> -> memref<16x128xf32, #tpu.memory_space<vmem>>
      %dma_wait3A_784 = tpu.memref_slice %arg7[%dma_wait3A_779, %mul3A_630] : memref<16x1664xi32, #tpu.memory_space<vmem>> -> memref<1x16xi32, #tpu.memory_space<vmem>>
      %dma_wait3A_785 = tpu.memref_squeeze %dma_wait3A_784 : memref<1x16xi32, #tpu.memory_space<vmem>> -> memref<16xi32, #tpu.memory_space<vmem>>
      %dma_wait3A_786 = arith.constant 0 : i32
      %dma_wait3A_787 = arith.constant 0 : i32
      %dma_wait3A_788 = tpu.memref_slice %arg2[%dma_wait3A_786, %dma_wait3A_787] : memref<100352x128xf32, #tpu.memory_space<hbm>> -> memref<100352x128xf32, #tpu.memory_space<hbm>>
      tpu.wait_indirect_dma semaphore(%arg11 : memref<!tpu.dma_semaphore, #tpu.memory_space<semaphore_mem>>) src(%dma_wait3A_788 : memref<100352x128xf32, #tpu.memory_space<hbm>>) dst(%dma_wait3A_783 : memref<16x128xf32, #tpu.memory_space<vmem>>)
      %dma_wait3A_789 = arith.constant 15 : i32
      %dma_wait3A_790 = arith.constant 240 : i32
      %dma_wait3A_791 = arith.constant 0 : i32
      %dma_wait3A_792 = tpu.memref_slice %arg8[%rem3A_628, %dma_wait3A_790, %dma_wait3A_791] : memref<2x272x128xf32, #tpu.memory_space<vmem>> -> memref<1x16x128xf32, #tpu.memory_space<vmem>>
      %dma_wait3A_793 = tpu.memref_squeeze %dma_wait3A_792 : memref<1x16x128xf32, #tpu.memory_space<vmem>> -> memref<16x128xf32, #tpu.memory_space<vmem>>
      %dma_wait3A_794 = tpu.memref_slice %arg7[%dma_wait3A_789, %mul3A_630] : memref<16x1664xi32, #tpu.memory_space<vmem>> -> memref<1x16xi32, #tpu.memory_space<vmem>>
      %dma_wait3A_795 = tpu.memref_squeeze %dma_wait3A_794 : memref<1x16xi32, #tpu.memory_space<vmem>> -> memref<16xi32, #tpu.memory_space<vmem>>
      %dma_wait3A_796 = arith.constant 0 : i32
      %dma_wait3A_797 = arith.constant 0 : i32
      %dma_wait3A_798 = tpu.memref_slice %arg2[%dma_wait3A_796, %dma_wait3A_797] : memref<100352x128xf32, #tpu.memory_space<hbm>> -> memref<100352x128xf32, #tpu.memory_space<hbm>>
      tpu.wait_indirect_dma semaphore(%arg11 : memref<!tpu.dma_semaphore, #tpu.memory_space<semaphore_mem>>) src(%dma_wait3A_798 : memref<100352x128xf32, #tpu.memory_space<hbm>>) dst(%dma_wait3A_793 : memref<16x128xf32, #tpu.memory_space<vmem>>)
      %ge3A = arith.constant 2 : i32
      %ge3A_799 = arith.cmpi sge, %scan3A_620, %ge3A : i32
      %convert_element_type3A_800 = arith.extui %ge3A_799 : i1 to i32
      %cond3A_801 = arith.constant 0 : i32
      %cond3A_802 = arith.cmpi ne, %convert_element_type3A_800, %cond3A_801 : i32
      scf.if %cond3A_802 {
        %rem3A_826 = arith.constant 0 : i32
        %rem3A_827 = arith.constant 2 : i32
        %rem3A_828 = arith.remsi %rem3A_826, %rem3A_827 : i32
        %add3A_829 = arith.constant 0 : i32
        %add3A_830 = arith.addi %mul3A_6, %add3A_829 : i32
        %dma_wait3A_831 = arith.constant 0 : i32
        %dma_wait3A_832 = arith.constant 0 : i32
        %dma_wait3A_833 = tpu.memref_slice %arg9[%rem3A_828, %dma_wait3A_831, %dma_wait3A_832] : memref<2x16x128xf32, #tpu.memory_space<vmem>> -> memref<1x16x128xf32, #tpu.memory_space<vmem>>
        %dma_wait3A_834 = tpu.memref_squeeze %dma_wait3A_833 : memref<1x16x128xf32, #tpu.memory_space<vmem>> -> memref<16x128xf32, #tpu.memory_space<vmem>>
        %dma_wait3A_835 = arith.constant 0 : i32
        %dma_wait3A_836 = tpu.memref_slice %arg5[%add3A_830, %dma_wait3A_835] : memref<53248x128xf32, #tpu.memory_space<hbm>> -> memref<16x128xf32, #tpu.memory_space<hbm>>
        %dma_wait3A_837 = arith.constant 0 : i32
        %dma_wait3A_838 = tpu.memref_slice %arg5[%add3A_830, %dma_wait3A_837] : memref<53248x128xf32, #tpu.memory_space<hbm>> -> memref<16x128xf32, #tpu.memory_space<hbm>>
        %dma_wait3A_839 = arith.constant 0 : i32
        %dma_wait3A_840 = arith.constant 0 : i32
        %dma_wait3A_841 = tpu.memref_slice %arg9[%rem3A_828, %dma_wait3A_839, %dma_wait3A_840] : memref<2x16x128xf32, #tpu.memory_space<vmem>> -> memref<1x16x128xf32, #tpu.memory_space<vmem>>
        %dma_wait3A_842 = tpu.memref_squeeze %dma_wait3A_841 : memref<1x16x128xf32, #tpu.memory_space<vmem>> -> memref<16x128xf32, #tpu.memory_space<vmem>>
        tpu.wait_dma2 semaphore(%arg12 : memref<!tpu.dma_semaphore, #tpu.memory_space<semaphore_mem>>) src(%dma_wait3A_842 : memref<16x128xf32, #tpu.memory_space<vmem>>) dst(%dma_wait3A_838 : memref<16x128xf32, #tpu.memory_space<hbm>>)
      } else {
      }
      %scan3A_803 = arith.constant 0 : i32
      %scan3A_804 = arith.constant 0 : i32
      %scan3A_805 = arith.constant 16 : i32
      %scan3A_806 = arith.addi %scan3A_804, %scan3A_805 : i32
      %scan3A_807 = arith.constant 1 : i32
      scf.for %scan3A_826 = %scan3A_804 to %scan3A_806 step %scan3A_807  : i32 {
        %add3A_827 = arith.constant 256 : i32
        %add3A_828 = arith.addi %add3A_827, %scan3A_826 : i32
        %get3A = arith.index_cast %rem3A_622 : i32 to index
        %get3A_829 = arith.index_cast %add3A_828 : i32 to index
        %get3A_830 = arith.constant 0 : index
        %get3A_831 = tpu.vector_load %arg8[%get3A, %get3A_829, %get3A_830] {strides = array<i32>} : memref<2x272x128xf32, #tpu.memory_space<vmem>>, vector<1x1x16xf32>,
        %get3A_832 = vector.shape_cast %get3A_831 : vector<1x1x16xf32> to vector<16xf32>
        %add3A_833 = arith.constant 0 : i32
        %add3A_834 = arith.addi %add3A_833, %scan3A_826 : i32
        %get3A_835 = arith.index_cast %rem3A_622 : i32 to index
        %get3A_836 = arith.index_cast %add3A_834 : i32 to index
        %get3A_837 = arith.constant 0 : index
        %get3A_838 = tpu.vector_load %arg8[%get3A_835, %get3A_836, %get3A_837] {strides = array<i32>} : memref<2x272x128xf32, #tpu.memory_space<vmem>>, vector<1x1x16xf32>,
        %get3A_839 = vector.shape_cast %get3A_838 : vector<1x1x16xf32> to vector<16xf32>
        %add3A_840 = arith.addf %get3A_832, %get3A_839 : vector<16xf32>
        %add3A_841 = arith.constant 16 : i32
        %add3A_842 = arith.addi %add3A_841, %scan3A_826 : i32
        %get3A_843 = arith.index_cast %rem3A_622 : i32 to index
        %get3A_844 = arith.index_cast %add3A_842 : i32 to index
        %get3A_845 = arith.constant 0 : index
        %get3A_846 = tpu.vector_load %arg8[%get3A_843, %get3A_844, %get3A_845] {strides = array<i32>} : memref<2x272x128xf32, #tpu.memory_space<vmem>>, vector<1x1x16xf32>,
        %get3A_847 = vector.shape_cast %get3A_846 : vector<1x1x16xf32> to vector<16xf32>
        %add3A_848 = arith.addf %add3A_840, %get3A_847 : vector<16xf32>
        %add3A_849 = arith.constant 32 : i32
        %add3A_850 = arith.addi %add3A_849, %scan3A_826 : i32
        %get3A_851 = arith.index_cast %rem3A_622 : i32 to index
        %get3A_852 = arith.index_cast %add3A_850 : i32 to index
        %get3A_853 = arith.constant 0 : index
        %get3A_854 = tpu.vector_load %arg8[%get3A_851, %get3A_852, %get3A_853] {strides = array<i32>} : memref<2x272x128xf32, #tpu.memory_space<vmem>>, vector<1x1x16xf32>,
        %get3A_855 = vector.shape_cast %get3A_854 : vector<1x1x16xf32> to vector<16xf32>
        %add3A_856 = arith.addf %add3A_848, %get3A_855 : vector<16xf32>
        %add3A_857 = arith.constant 48 : i32
        %add3A_858 = arith.addi %add3A_857, %scan3A_826 : i32
        %get3A_859 = arith.index_cast %rem3A_622 : i32 to index
        %get3A_860 = arith.index_cast %add3A_858 : i32 to index
        %get3A_861 = arith.constant 0 : index
        %get3A_862 = tpu.vector_load %arg8[%get3A_859, %get3A_860, %get3A_861] {strides = array<i32>} : memref<2x272x128xf32, #tpu.memory_space<vmem>>, vector<1x1x16xf32>,
        %get3A_863 = vector.shape_cast %get3A_862 : vector<1x1x16xf32> to vector<16xf32>
        %add3A_864 = arith.addf %add3A_856, %get3A_863 : vector<16xf32>
        %add3A_865 = arith.constant 64 : i32
        %add3A_866 = arith.addi %add3A_865, %scan3A_826 : i32
        %get3A_867 = arith.index_cast %rem3A_622 : i32 to index
        %get3A_868 = arith.index_cast %add3A_866 : i32 to index
        %get3A_869 = arith.constant 0 : index
        %get3A_870 = tpu.vector_load %arg8[%get3A_867, %get3A_868, %get3A_869] {strides = array<i32>} : memref<2x272x128xf32, #tpu.memory_space<vmem>>, vector<1x1x16xf32>,
        %get3A_871 = vector.shape_cast %get3A_870 : vector<1x1x16xf32> to vector<16xf32>
        %add3A_872 = arith.addf %add3A_864, %get3A_871 : vector<16xf32>
        %add3A_873 = arith.constant 80 : i32
        %add3A_874 = arith.addi %add3A_873, %scan3A_826 : i32
        %get3A_875 = arith.index_cast %rem3A_622 : i32 to index
        %get3A_876 = arith.index_cast %add3A_874 : i32 to index
        %get3A_877 = arith.constant 0 : index
        %get3A_878 = tpu.vector_load %arg8[%get3A_875, %get3A_876, %get3A_877] {strides = array<i32>} : memref<2x272x128xf32, #tpu.memory_space<vmem>>, vector<1x1x16xf32>,
        %get3A_879 = vector.shape_cast %get3A_878 : vector<1x1x16xf32> to vector<16xf32>
        %add3A_880 = arith.addf %add3A_872, %get3A_879 : vector<16xf32>
        %add3A_881 = arith.constant 96 : i32
        %add3A_882 = arith.addi %add3A_881, %scan3A_826 : i32
        %get3A_883 = arith.index_cast %rem3A_622 : i32 to index
        %get3A_884 = arith.index_cast %add3A_882 : i32 to index
        %get3A_885 = arith.constant 0 : index
        %get3A_886 = tpu.vector_load %arg8[%get3A_883, %get3A_884, %get3A_885] {strides = array<i32>} : memref<2x272x128xf32, #tpu.memory_space<vmem>>, vector<1x1x16xf32>,
        %get3A_887 = vector.shape_cast %get3A_886 : vector<1x1x16xf32> to vector<16xf32>
        %add3A_888 = arith.addf %add3A_880, %get3A_887 : vector<16xf32>
        %add3A_889 = arith.constant 112 : i32
        %add3A_890 = arith.addi %add3A_889, %scan3A_826 : i32
        %get3A_891 = arith.index_cast %rem3A_622 : i32 to index
        %get3A_892 = arith.index_cast %add3A_890 : i32 to index
        %get3A_893 = arith.constant 0 : index
        %get3A_894 = tpu.vector_load %arg8[%get3A_891, %get3A_892, %get3A_893] {strides = array<i32>} : memref<2x272x128xf32, #tpu.memory_space<vmem>>, vector<1x1x16xf32>,
        %get3A_895 = vector.shape_cast %get3A_894 : vector<1x1x16xf32> to vector<16xf32>
        %add3A_896 = arith.addf %add3A_888, %get3A_895 : vector<16xf32>
        %add3A_897 = arith.constant 128 : i32
        %add3A_898 = arith.addi %add3A_897, %scan3A_826 : i32
        %get3A_899 = arith.index_cast %rem3A_622 : i32 to index
        %get3A_900 = arith.index_cast %add3A_898 : i32 to index
        %get3A_901 = arith.constant 0 : index
        %get3A_902 = tpu.vector_load %arg8[%get3A_899, %get3A_900, %get3A_901] {strides = array<i32>} : memref<2x272x128xf32, #tpu.memory_space<vmem>>, vector<1x1x16xf32>,
        %get3A_903 = vector.shape_cast %get3A_902 : vector<1x1x16xf32> to vector<16xf32>
        %add3A_904 = arith.addf %add3A_896, %get3A_903 : vector<16xf32>
        %add3A_905 = arith.constant 144 : i32
        %add3A_906 = arith.addi %add3A_905, %scan3A_826 : i32
        %get3A_907 = arith.index_cast %rem3A_622 : i32 to index
        %get3A_908 = arith.index_cast %add3A_906 : i32 to index
        %get3A_909 = arith.constant 0 : index
        %get3A_910 = tpu.vector_load %arg8[%get3A_907, %get3A_908, %get3A_909] {strides = array<i32>} : memref<2x272x128xf32, #tpu.memory_space<vmem>>, vector<1x1x16xf32>,
        %get3A_911 = vector.shape_cast %get3A_910 : vector<1x1x16xf32> to vector<16xf32>
        %add3A_912 = arith.addf %add3A_904, %get3A_911 : vector<16xf32>
        %add3A_913 = arith.constant 160 : i32
        %add3A_914 = arith.addi %add3A_913, %scan3A_826 : i32
        %get3A_915 = arith.index_cast %rem3A_622 : i32 to index
        %get3A_916 = arith.index_cast %add3A_914 : i32 to index
        %get3A_917 = arith.constant 0 : index
        %get3A_918 = tpu.vector_load %arg8[%get3A_915, %get3A_916, %get3A_917] {strides = array<i32>} : memref<2x272x128xf32, #tpu.memory_space<vmem>>, vector<1x1x16xf32>,
        %get3A_919 = vector.shape_cast %get3A_918 : vector<1x1x16xf32> to vector<16xf32>
        %add3A_920 = arith.addf %add3A_912, %get3A_919 : vector<16xf32>
        %add3A_921 = arith.constant 176 : i32
        %add3A_922 = arith.addi %add3A_921, %scan3A_826 : i32
        %get3A_923 = arith.index_cast %rem3A_622 : i32 to index
        %get3A_924 = arith.index_cast %add3A_922 : i32 to index
        %get3A_925 = arith.constant 0 : index
        %get3A_926 = tpu.vector_load %arg8[%get3A_923, %get3A_924, %get3A_925] {strides = array<i32>} : memref<2x272x128xf32, #tpu.memory_space<vmem>>, vector<1x1x16xf32>,
        %get3A_927 = vector.shape_cast %get3A_926 : vector<1x1x16xf32> to vector<16xf32>
        %add3A_928 = arith.addf %add3A_920, %get3A_927 : vector<16xf32>
        %add3A_929 = arith.constant 192 : i32
        %add3A_930 = arith.addi %add3A_929, %scan3A_826 : i32
        %get3A_931 = arith.index_cast %rem3A_622 : i32 to index
        %get3A_932 = arith.index_cast %add3A_930 : i32 to index
        %get3A_933 = arith.constant 0 : index
        %get3A_934 = tpu.vector_load %arg8[%get3A_931, %get3A_932, %get3A_933] {strides = array<i32>} : memref<2x272x128xf32, #tpu.memory_space<vmem>>, vector<1x1x16xf32>,
        %get3A_935 = vector.shape_cast %get3A_934 : vector<1x1x16xf32> to vector<16xf32>
        %add3A_936 = arith.addf %add3A_928, %get3A_935 : vector<16xf32>
        %add3A_937 = arith.constant 208 : i32
        %add3A_938 = arith.addi %add3A_937, %scan3A_826 : i32
        %get3A_939 = arith.index_cast %rem3A_622 : i32 to index
        %get3A_940 = arith.index_cast %add3A_938 : i32 to index
        %get3A_941 = arith.constant 0 : index
        %get3A_942 = tpu.vector_load %arg8[%get3A_939, %get3A_940, %get3A_941] {strides = array<i32>} : memref<2x272x128xf32, #tpu.memory_space<vmem>>, vector<1x1x16xf32>,
        %get3A_943 = vector.shape_cast %get3A_942 : vector<1x1x16xf32> to vector<16xf32>
        %add3A_944 = arith.addf %add3A_936, %get3A_943 : vector<16xf32>
        %add3A_945 = arith.constant 224 : i32
        %add3A_946 = arith.addi %add3A_945, %scan3A_826 : i32
        %get3A_947 = arith.index_cast %rem3A_622 : i32 to index
        %get3A_948 = arith.index_cast %add3A_946 : i32 to index
        %get3A_949 = arith.constant 0 : index
        %get3A_950 = tpu.vector_load %arg8[%get3A_947, %get3A_948, %get3A_949] {strides = array<i32>} : memref<2x272x128xf32, #tpu.memory_space<vmem>>, vector<1x1x16xf32>,
        %get3A_951 = vector.shape_cast %get3A_950 : vector<1x1x16xf32> to vector<16xf32>
        %add3A_952 = arith.addf %add3A_944, %get3A_951 : vector<16xf32>
        %add3A_953 = arith.constant 240 : i32
        %add3A_954 = arith.addi %add3A_953, %scan3A_826 : i32
        %get3A_955 = arith.index_cast %rem3A_622 : i32 to index
        %get3A_956 = arith.index_cast %add3A_954 : i32 to index
        %get3A_957 = arith.constant 0 : index
        %get3A_958 = tpu.vector_load %arg8[%get3A_955, %get3A_956, %get3A_957] {strides = array<i32>} : memref<2x272x128xf32, #tpu.memory_space<vmem>>, vector<1x1x16xf32>,
        %get3A_959 = vector.shape_cast %get3A_958 : vector<1x1x16xf32> to vector<16xf32>
        %add3A_960 = arith.addf %add3A_952, %get3A_959 : vector<16xf32>
        %swap3A = arith.index_cast %rem3A_622 : i32 to index
        %swap3A_961 = arith.index_cast %scan3A_826 : i32 to index
        %swap3A_962 = arith.constant 0 : index
        %swap3A_963 = tpu.vector_load %arg9[%swap3A, %swap3A_961, %swap3A_962] {strides = array<i32>} : memref<2x16x128xf32, #tpu.memory_space<vmem>>, vector<1x1x16xf32>,
        %swap3A_964 = vector.shape_cast %swap3A_963 : vector<1x1x16xf32> to vector<16xf32>
        %swap3A_965 = vector.shape_cast %add3A_960 : vector<16xf32> to vector<1x1x16xf32>
        tpu.vector_store %arg9[%swap3A, %swap3A_961, %swap3A_962], %swap3A_965 {strides = array<i32>} : memref<2x16x128xf32, #tpu.memory_space<vmem>>, vector<1x1x16xf32>,
        %add3A_966 = arith.constant 256 : i32
        %add3A_967 = arith.addi %add3A_966, %scan3A_826 : i32
        %get3A_968 = arith.index_cast %rem3A_622 : i32 to index
        %get3A_969 = arith.index_cast %add3A_967 : i32 to index
        %get3A_970 = arith.constant 16 : index
        %get3A_971 = tpu.vector_load %arg8[%get3A_968, %get3A_969, %get3A_970] {strides = array<i32>} : memref<2x272x128xf32, #tpu.memory_space<vmem>>, vector<1x1x16xf32>,
        %get3A_972 = vector.shape_cast %get3A_971 : vector<1x1x16xf32> to vector<16xf32>
        %add3A_973 = arith.constant 0 : i32
        %add3A_974 = arith.addi %add3A_973, %scan3A_826 : i32
        %get3A_975 = arith.index_cast %rem3A_622 : i32 to index
        %get3A_976 = arith.index_cast %add3A_974 : i32 to index
        %get3A_977 = arith.constant 16 : index
        %get3A_978 = tpu.vector_load %arg8[%get3A_975, %get3A_976, %get3A_977] {strides = array<i32>} : memref<2x272x128xf32, #tpu.memory_space<vmem>>, vector<1x1x16xf32>,
        %get3A_979 = vector.shape_cast %get3A_978 : vector<1x1x16xf32> to vector<16xf32>
        %add3A_980 = arith.addf %get3A_972, %get3A_979 : vector<16xf32>
        %add3A_981 = arith.constant 16 : i32
        %add3A_982 = arith.addi %add3A_981, %scan3A_826 : i32
        %get3A_983 = arith.index_cast %rem3A_622 : i32 to index
        %get3A_984 = arith.index_cast %add3A_982 : i32 to index
        %get3A_985 = arith.constant 16 : index
        %get3A_986 = tpu.vector_load %arg8[%get3A_983, %get3A_984, %get3A_985] {strides = array<i32>} : memref<2x272x128xf32, #tpu.memory_space<vmem>>, vector<1x1x16xf32>,
        %get3A_987 = vector.shape_cast %get3A_986 : vector<1x1x16xf32> to vector<16xf32>
        %add3A_988 = arith.addf %add3A_980, %get3A_987 : vector<16xf32>
        %add3A_989 = arith.constant 32 : i32
        %add3A_990 = arith.addi %add3A_989, %scan3A_826 : i32
        %get3A_991 = arith.index_cast %rem3A_622 : i32 to index
        %get3A_992 = arith.index_cast %add3A_990 : i32 to index
        %get3A_993 = arith.constant 16 : index
        %get3A_994 = tpu.vector_load %arg8[%get3A_991, %get3A_992, %get3A_993] {strides = array<i32>} : memref<2x272x128xf32, #tpu.memory_space<vmem>>, vector<1x1x16xf32>,
        %get3A_995 = vector.shape_cast %get3A_994 : vector<1x1x16xf32> to vector<16xf32>
        %add3A_996 = arith.addf %add3A_988, %get3A_995 : vector<16xf32>
        %add3A_997 = arith.constant 48 : i32
        %add3A_998 = arith.addi %add3A_997, %scan3A_826 : i32
        %get3A_999 = arith.index_cast %rem3A_622 : i32 to index
        %get3A_1000 = arith.index_cast %add3A_998 : i32 to index
        %get3A_1001 = arith.constant 16 : index
        %get3A_1002 = tpu.vector_load %arg8[%get3A_999, %get3A_1000, %get3A_1001] {strides = array<i32>} : memref<2x272x128xf32, #tpu.memory_space<vmem>>, vector<1x1x16xf32>,
        %get3A_1003 = vector.shape_cast %get3A_1002 : vector<1x1x16xf32> to vector<16xf32>
        %add3A_1004 = arith.addf %add3A_996, %get3A_1003 : vector<16xf32>
        %add3A_1005 = arith.constant 64 : i32
        %add3A_1006 = arith.addi %add3A_1005, %scan3A_826 : i32
        %get3A_1007 = arith.index_cast %rem3A_622 : i32 to index
        %get3A_1008 = arith.index_cast %add3A_1006 : i32 to index
        %get3A_1009 = arith.constant 16 : index
        %get3A_1010 = tpu.vector_load %arg8[%get3A_1007, %get3A_1008, %get3A_1009] {strides = array<i32>} : memref<2x272x128xf32, #tpu.memory_space<vmem>>, vector<1x1x16xf32>,
        %get3A_1011 = vector.shape_cast %get3A_1010 : vector<1x1x16xf32> to vector<16xf32>
        %add3A_1012 = arith.addf %add3A_1004, %get3A_1011 : vector<16xf32>
        %add3A_1013 = arith.constant 80 : i32
        %add3A_1014 = arith.addi %add3A_1013, %scan3A_826 : i32
        %get3A_1015 = arith.index_cast %rem3A_622 : i32 to index
        %get3A_1016 = arith.index_cast %add3A_1014 : i32 to index
        %get3A_1017 = arith.constant 16 : index
        %get3A_1018 = tpu.vector_load %arg8[%get3A_1015, %get3A_1016, %get3A_1017] {strides = array<i32>} : memref<2x272x128xf32, #tpu.memory_space<vmem>>, vector<1x1x16xf32>,
        %get3A_1019 = vector.shape_cast %get3A_1018 : vector<1x1x16xf32> to vector<16xf32>
        %add3A_1020 = arith.addf %add3A_1012, %get3A_1019 : vector<16xf32>
        %add3A_1021 = arith.constant 96 : i32
        %add3A_1022 = arith.addi %add3A_1021, %scan3A_826 : i32
        %get3A_1023 = arith.index_cast %rem3A_622 : i32 to index
        %get3A_1024 = arith.index_cast %add3A_1022 : i32 to index
        %get3A_1025 = arith.constant 16 : index
        %get3A_1026 = tpu.vector_load %arg8[%get3A_1023, %get3A_1024, %get3A_1025] {strides = array<i32>} : memref<2x272x128xf32, #tpu.memory_space<vmem>>, vector<1x1x16xf32>,
        %get3A_1027 = vector.shape_cast %get3A_1026 : vector<1x1x16xf32> to vector<16xf32>
        %add3A_1028 = arith.addf %add3A_1020, %get3A_1027 : vector<16xf32>
        %add3A_1029 = arith.constant 112 : i32
        %add3A_1030 = arith.addi %add3A_1029, %scan3A_826 : i32
        %get3A_1031 = arith.index_cast %rem3A_622 : i32 to index
        %get3A_1032 = arith.index_cast %add3A_1030 : i32 to index
        %get3A_1033 = arith.constant 16 : index
        %get3A_1034 = tpu.vector_load %arg8[%get3A_1031, %get3A_1032, %get3A_1033] {strides = array<i32>} : memref<2x272x128xf32, #tpu.memory_space<vmem>>, vector<1x1x16xf32>,
        %get3A_1035 = vector.shape_cast %get3A_1034 : vector<1x1x16xf32> to vector<16xf32>
        %add3A_1036 = arith.addf %add3A_1028, %get3A_1035 : vector<16xf32>
        %add3A_1037 = arith.constant 128 : i32
        %add3A_1038 = arith.addi %add3A_1037, %scan3A_826 : i32
        %get3A_1039 = arith.index_cast %rem3A_622 : i32 to index
        %get3A_1040 = arith.index_cast %add3A_1038 : i32 to index
        %get3A_1041 = arith.constant 16 : index
        %get3A_1042 = tpu.vector_load %arg8[%get3A_1039, %get3A_1040, %get3A_1041] {strides = array<i32>} : memref<2x272x128xf32, #tpu.memory_space<vmem>>, vector<1x1x16xf32>,
        %get3A_1043 = vector.shape_cast %get3A_1042 : vector<1x1x16xf32> to vector<16xf32>
        %add3A_1044 = arith.addf %add3A_1036, %get3A_1043 : vector<16xf32>
        %add3A_1045 = arith.constant 144 : i32
        %add3A_1046 = arith.addi %add3A_1045, %scan3A_826 : i32
        %get3A_1047 = arith.index_cast %rem3A_622 : i32 to index
        %get3A_1048 = arith.index_cast %add3A_1046 : i32 to index
        %get3A_1049 = arith.constant 16 : index
        %get3A_1050 = tpu.vector_load %arg8[%get3A_1047, %get3A_1048, %get3A_1049] {strides = array<i32>} : memref<2x272x128xf32, #tpu.memory_space<vmem>>, vector<1x1x16xf32>,
        %get3A_1051 = vector.shape_cast %get3A_1050 : vector<1x1x16xf32> to vector<16xf32>
        %add3A_1052 = arith.addf %add3A_1044, %get3A_1051 : vector<16xf32>
        %add3A_1053 = arith.constant 160 : i32
        %add3A_1054 = arith.addi %add3A_1053, %scan3A_826 : i32
        %get3A_1055 = arith.index_cast %rem3A_622 : i32 to index
        %get3A_1056 = arith.index_cast %add3A_1054 : i32 to index
        %get3A_1057 = arith.constant 16 : index
        %get3A_1058 = tpu.vector_load %arg8[%get3A_1055, %get3A_1056, %get3A_1057] {strides = array<i32>} : memref<2x272x128xf32, #tpu.memory_space<vmem>>, vector<1x1x16xf32>,
        %get3A_1059 = vector.shape_cast %get3A_1058 : vector<1x1x16xf32> to vector<16xf32>
        %add3A_1060 = arith.addf %add3A_1052, %get3A_1059 : vector<16xf32>
        %add3A_1061 = arith.constant 176 : i32
        %add3A_1062 = arith.addi %add3A_1061, %scan3A_826 : i32
        %get3A_1063 = arith.index_cast %rem3A_622 : i32 to index
        %get3A_1064 = arith.index_cast %add3A_1062 : i32 to index
        %get3A_1065 = arith.constant 16 : index
        %get3A_1066 = tpu.vector_load %arg8[%get3A_1063, %get3A_1064, %get3A_1065] {strides = array<i32>} : memref<2x272x128xf32, #tpu.memory_space<vmem>>, vector<1x1x16xf32>,
        %get3A_1067 = vector.shape_cast %get3A_1066 : vector<1x1x16xf32> to vector<16xf32>
        %add3A_1068 = arith.addf %add3A_1060, %get3A_1067 : vector<16xf32>
        %add3A_1069 = arith.constant 192 : i32
        %add3A_1070 = arith.addi %add3A_1069, %scan3A_826 : i32
        %get3A_1071 = arith.index_cast %rem3A_622 : i32 to index
        %get3A_1072 = arith.index_cast %add3A_1070 : i32 to index
        %get3A_1073 = arith.constant 16 : index
        %get3A_1074 = tpu.vector_load %arg8[%get3A_1071, %get3A_1072, %get3A_1073] {strides = array<i32>} : memref<2x272x128xf32, #tpu.memory_space<vmem>>, vector<1x1x16xf32>,
        %get3A_1075 = vector.shape_cast %get3A_1074 : vector<1x1x16xf32> to vector<16xf32>
        %add3A_1076 = arith.addf %add3A_1068, %get3A_1075 : vector<16xf32>
        %add3A_1077 = arith.constant 208 : i32
        %add3A_1078 = arith.addi %add3A_1077, %scan3A_826 : i32
        %get3A_1079 = arith.index_cast %rem3A_622 : i32 to index
        %get3A_1080 = arith.index_cast %add3A_1078 : i32 to index
        %get3A_1081 = arith.constant 16 : index
        %get3A_1082 = tpu.vector_load %arg8[%get3A_1079, %get3A_1080, %get3A_1081] {strides = array<i32>} : memref<2x272x128xf32, #tpu.memory_space<vmem>>, vector<1x1x16xf32>,
        %get3A_1083 = vector.shape_cast %get3A_1082 : vector<1x1x16xf32> to vector<16xf32>
        %add3A_1084 = arith.addf %add3A_1076, %get3A_1083 : vector<16xf32>
        %add3A_1085 = arith.constant 224 : i32
        %add3A_1086 = arith.addi %add3A_1085, %scan3A_826 : i32
        %get3A_1087 = arith.index_cast %rem3A_622 : i32 to index
        %get3A_1088 = arith.index_cast %add3A_1086 : i32 to index
        %get3A_1089 = arith.constant 16 : index
        %get3A_1090 = tpu.vector_load %arg8[%get3A_1087, %get3A_1088, %get3A_1089] {strides = array<i32>} : memref<2x272x128xf32, #tpu.memory_space<vmem>>, vector<1x1x16xf32>,
        %get3A_1091 = vector.shape_cast %get3A_1090 : vector<1x1x16xf32> to vector<16xf32>
        %add3A_1092 = arith.addf %add3A_1084, %get3A_1091 : vector<16xf32>
        %add3A_1093 = arith.constant 240 : i32
        %add3A_1094 = arith.addi %add3A_1093, %scan3A_826 : i32
        %get3A_1095 = arith.index_cast %rem3A_622 : i32 to index
        %get3A_1096 = arith.index_cast %add3A_1094 : i32 to index
        %get3A_1097 = arith.constant 16 : index
        %get3A_1098 = tpu.vector_load %arg8[%get3A_1095, %get3A_1096, %get3A_1097] {strides = array<i32>} : memref<2x272x128xf32, #tpu.memory_space<vmem>>, vector<1x1x16xf32>,
        %get3A_1099 = vector.shape_cast %get3A_1098 : vector<1x1x16xf32> to vector<16xf32>
        %add3A_1100 = arith.addf %add3A_1092, %get3A_1099 : vector<16xf32>
        %swap3A_1101 = arith.index_cast %rem3A_622 : i32 to index
        %swap3A_1102 = arith.index_cast %scan3A_826 : i32 to index
        %swap3A_1103 = arith.constant 16 : index
        %swap3A_1104 = tpu.vector_load %arg9[%swap3A_1101, %swap3A_1102, %swap3A_1103] {strides = array<i32>} : memref<2x16x128xf32, #tpu.memory_space<vmem>>, vector<1x1x16xf32>,
        %swap3A_1105 = vector.shape_cast %swap3A_1104 : vector<1x1x16xf32> to vector<16xf32>
        %swap3A_1106 = vector.shape_cast %add3A_1100 : vector<16xf32> to vector<1x1x16xf32>
        tpu.vector_store %arg9[%swap3A_1101, %swap3A_1102, %swap3A_1103], %swap3A_1106 {strides = array<i32>} : memref<2x16x128xf32, #tpu.memory_space<vmem>>, vector<1x1x16xf32>,
        %add3A_1107 = arith.constant 256 : i32
        %add3A_1108 = arith.addi %add3A_1107, %scan3A_826 : i32
        %get3A_1109 = arith.index_cast %rem3A_622 : i32 to index
        %get3A_1110 = arith.index_cast %add3A_1108 : i32 to index
        %get3A_1111 = arith.constant 32 : index
        %get3A_1112 = tpu.vector_load %arg8[%get3A_1109, %get3A_1110, %get3A_1111] {strides = array<i32>} : memref<2x272x128xf32, #tpu.memory_space<vmem>>, vector<1x1x16xf32>,
        %get3A_1113 = vector.shape_cast %get3A_1112 : vector<1x1x16xf32> to vector<16xf32>
        %add3A_1114 = arith.constant 0 : i32
        %add3A_1115 = arith.addi %add3A_1114, %scan3A_826 : i32
        %get3A_1116 = arith.index_cast %rem3A_622 : i32 to index
        %get3A_1117 = arith.index_cast %add3A_1115 : i32 to index
        %get3A_1118 = arith.constant 32 : index
        %get3A_1119 = tpu.vector_load %arg8[%get3A_1116, %get3A_1117, %get3A_1118] {strides = array<i32>} : memref<2x272x128xf32, #tpu.memory_space<vmem>>, vector<1x1x16xf32>,
        %get3A_1120 = vector.shape_cast %get3A_1119 : vector<1x1x16xf32> to vector<16xf32>
        %add3A_1121 = arith.addf %get3A_1113, %get3A_1120 : vector<16xf32>
        %add3A_1122 = arith.constant 16 : i32
        %add3A_1123 = arith.addi %add3A_1122, %scan3A_826 : i32
        %get3A_1124 = arith.index_cast %rem3A_622 : i32 to index
        %get3A_1125 = arith.index_cast %add3A_1123 : i32 to index
        %get3A_1126 = arith.constant 32 : index
        %get3A_1127 = tpu.vector_load %arg8[%get3A_1124, %get3A_1125, %get3A_1126] {strides = array<i32>} : memref<2x272x128xf32, #tpu.memory_space<vmem>>, vector<1x1x16xf32>,
        %get3A_1128 = vector.shape_cast %get3A_1127 : vector<1x1x16xf32> to vector<16xf32>
        %add3A_1129 = arith.addf %add3A_1121, %get3A_1128 : vector<16xf32>
        %add3A_1130 = arith.constant 32 : i32
        %add3A_1131 = arith.addi %add3A_1130, %scan3A_826 : i32
        %get3A_1132 = arith.index_cast %rem3A_622 : i32 to index
        %get3A_1133 = arith.index_cast %add3A_1131 : i32 to index
        %get3A_1134 = arith.constant 32 : index
        %get3A_1135 = tpu.vector_load %arg8[%get3A_1132, %get3A_1133, %get3A_1134] {strides = array<i32>} : memref<2x272x128xf32, #tpu.memory_space<vmem>>, vector<1x1x16xf32>,
        %get3A_1136 = vector.shape_cast %get3A_1135 : vector<1x1x16xf32> to vector<16xf32>
        %add3A_1137 = arith.addf %add3A_1129, %get3A_1136 : vector<16xf32>
        %add3A_1138 = arith.constant 48 : i32
        %add3A_1139 = arith.addi %add3A_1138, %scan3A_826 : i32
        %get3A_1140 = arith.index_cast %rem3A_622 : i32 to index
        %get3A_1141 = arith.index_cast %add3A_1139 : i32 to index
        %get3A_1142 = arith.constant 32 : index
        %get3A_1143 = tpu.vector_load %arg8[%get3A_1140, %get3A_1141, %get3A_1142] {strides = array<i32>} : memref<2x272x128xf32, #tpu.memory_space<vmem>>, vector<1x1x16xf32>,
        %get3A_1144 = vector.shape_cast %get3A_1143 : vector<1x1x16xf32> to vector<16xf32>
        %add3A_1145 = arith.addf %add3A_1137, %get3A_1144 : vector<16xf32>
        %add3A_1146 = arith.constant 64 : i32
        %add3A_1147 = arith.addi %add3A_1146, %scan3A_826 : i32
        %get3A_1148 = arith.index_cast %rem3A_622 : i32 to index
        %get3A_1149 = arith.index_cast %add3A_1147 : i32 to index
        %get3A_1150 = arith.constant 32 : index
        %get3A_1151 = tpu.vector_load %arg8[%get3A_1148, %get3A_1149, %get3A_1150] {strides = array<i32>} : memref<2x272x128xf32, #tpu.memory_space<vmem>>, vector<1x1x16xf32>,
        %get3A_1152 = vector.shape_cast %get3A_1151 : vector<1x1x16xf32> to vector<16xf32>
        %add3A_1153 = arith.addf %add3A_1145, %get3A_1152 : vector<16xf32>
        %add3A_1154 = arith.constant 80 : i32
        %add3A_1155 = arith.addi %add3A_1154, %scan3A_826 : i32
        %get3A_1156 = arith.index_cast %rem3A_622 : i32 to index
        %get3A_1157 = arith.index_cast %add3A_1155 : i32 to index
        %get3A_1158 = arith.constant 32 : index
        %get3A_1159 = tpu.vector_load %arg8[%get3A_1156, %get3A_1157, %get3A_1158] {strides = array<i32>} : memref<2x272x128xf32, #tpu.memory_space<vmem>>, vector<1x1x16xf32>,
        %get3A_1160 = vector.shape_cast %get3A_1159 : vector<1x1x16xf32> to vector<16xf32>
        %add3A_1161 = arith.addf %add3A_1153, %get3A_1160 : vector<16xf32>
        %add3A_1162 = arith.constant 96 : i32
        %add3A_1163 = arith.addi %add3A_1162, %scan3A_826 : i32
        %get3A_1164 = arith.index_cast %rem3A_622 : i32 to index
        %get3A_1165 = arith.index_cast %add3A_1163 : i32 to index
        %get3A_1166 = arith.constant 32 : index
        %get3A_1167 = tpu.vector_load %arg8[%get3A_1164, %get3A_1165, %get3A_1166] {strides = array<i32>} : memref<2x272x128xf32, #tpu.memory_space<vmem>>, vector<1x1x16xf32>,
        %get3A_1168 = vector.shape_cast %get3A_1167 : vector<1x1x16xf32> to vector<16xf32>
        %add3A_1169 = arith.addf %add3A_1161, %get3A_1168 : vector<16xf32>
        %add3A_1170 = arith.constant 112 : i32
        %add3A_1171 = arith.addi %add3A_1170, %scan3A_826 : i32
        %get3A_1172 = arith.index_cast %rem3A_622 : i32 to index
        %get3A_1173 = arith.index_cast %add3A_1171 : i32 to index
        %get3A_1174 = arith.constant 32 : index
        %get3A_1175 = tpu.vector_load %arg8[%get3A_1172, %get3A_1173, %get3A_1174] {strides = array<i32>} : memref<2x272x128xf32, #tpu.memory_space<vmem>>, vector<1x1x16xf32>,
        %get3A_1176 = vector.shape_cast %get3A_1175 : vector<1x1x16xf32> to vector<16xf32>
        %add3A_1177 = arith.addf %add3A_1169, %get3A_1176 : vector<16xf32>
        %add3A_1178 = arith.constant 128 : i32
        %add3A_1179 = arith.addi %add3A_1178, %scan3A_826 : i32
        %get3A_1180 = arith.index_cast %rem3A_622 : i32 to index
        %get3A_1181 = arith.index_cast %add3A_1179 : i32 to index
        %get3A_1182 = arith.constant 32 : index
        %get3A_1183 = tpu.vector_load %arg8[%get3A_1180, %get3A_1181, %get3A_1182] {strides = array<i32>} : memref<2x272x128xf32, #tpu.memory_space<vmem>>, vector<1x1x16xf32>,
        %get3A_1184 = vector.shape_cast %get3A_1183 : vector<1x1x16xf32> to vector<16xf32>
        %add3A_1185 = arith.addf %add3A_1177, %get3A_1184 : vector<16xf32>
        %add3A_1186 = arith.constant 144 : i32
        %add3A_1187 = arith.addi %add3A_1186, %scan3A_826 : i32
        %get3A_1188 = arith.index_cast %rem3A_622 : i32 to index
        %get3A_1189 = arith.index_cast %add3A_1187 : i32 to index
        %get3A_1190 = arith.constant 32 : index
        %get3A_1191 = tpu.vector_load %arg8[%get3A_1188, %get3A_1189, %get3A_1190] {strides = array<i32>} : memref<2x272x128xf32, #tpu.memory_space<vmem>>, vector<1x1x16xf32>,
        %get3A_1192 = vector.shape_cast %get3A_1191 : vector<1x1x16xf32> to vector<16xf32>
        %add3A_1193 = arith.addf %add3A_1185, %get3A_1192 : vector<16xf32>
        %add3A_1194 = arith.constant 160 : i32
        %add3A_1195 = arith.addi %add3A_1194, %scan3A_826 : i32
        %get3A_1196 = arith.index_cast %rem3A_622 : i32 to index
        %get3A_1197 = arith.index_cast %add3A_1195 : i32 to index
        %get3A_1198 = arith.constant 32 : index
        %get3A_1199 = tpu.vector_load %arg8[%get3A_1196, %get3A_1197, %get3A_1198] {strides = array<i32>} : memref<2x272x128xf32, #tpu.memory_space<vmem>>, vector<1x1x16xf32>,
        %get3A_1200 = vector.shape_cast %get3A_1199 : vector<1x1x16xf32> to vector<16xf32>
        %add3A_1201 = arith.addf %add3A_1193, %get3A_1200 : vector<16xf32>
        %add3A_1202 = arith.constant 176 : i32
        %add3A_1203 = arith.addi %add3A_1202, %scan3A_826 : i32
        %get3A_1204 = arith.index_cast %rem3A_622 : i32 to index
        %get3A_1205 = arith.index_cast %add3A_1203 : i32 to index
        %get3A_1206 = arith.constant 32 : index
        %get3A_1207 = tpu.vector_load %arg8[%get3A_1204, %get3A_1205, %get3A_1206] {strides = array<i32>} : memref<2x272x128xf32, #tpu.memory_space<vmem>>, vector<1x1x16xf32>,
        %get3A_1208 = vector.shape_cast %get3A_1207 : vector<1x1x16xf32> to vector<16xf32>
        %add3A_1209 = arith.addf %add3A_1201, %get3A_1208 : vector<16xf32>
        %add3A_1210 = arith.constant 192 : i32
        %add3A_1211 = arith.addi %add3A_1210, %scan3A_826 : i32
        %get3A_1212 = arith.index_cast %rem3A_622 : i32 to index
        %get3A_1213 = arith.index_cast %add3A_1211 : i32 to index
        %get3A_1214 = arith.constant 32 : index
        %get3A_1215 = tpu.vector_load %arg8[%get3A_1212, %get3A_1213, %get3A_1214] {strides = array<i32>} : memref<2x272x128xf32, #tpu.memory_space<vmem>>, vector<1x1x16xf32>,
        %get3A_1216 = vector.shape_cast %get3A_1215 : vector<1x1x16xf32> to vector<16xf32>
        %add3A_1217 = arith.addf %add3A_1209, %get3A_1216 : vector<16xf32>
        %add3A_1218 = arith.constant 208 : i32
        %add3A_1219 = arith.addi %add3A_1218, %scan3A_826 : i32
        %get3A_1220 = arith.index_cast %rem3A_622 : i32 to index
        %get3A_1221 = arith.index_cast %add3A_1219 : i32 to index
        %get3A_1222 = arith.constant 32 : index
        %get3A_1223 = tpu.vector_load %arg8[%get3A_1220, %get3A_1221, %get3A_1222] {strides = array<i32>} : memref<2x272x128xf32, #tpu.memory_space<vmem>>, vector<1x1x16xf32>,
        %get3A_1224 = vector.shape_cast %get3A_1223 : vector<1x1x16xf32> to vector<16xf32>
        %add3A_1225 = arith.addf %add3A_1217, %get3A_1224 : vector<16xf32>
        %add3A_1226 = arith.constant 224 : i32
        %add3A_1227 = arith.addi %add3A_1226, %scan3A_826 : i32
        %get3A_1228 = arith.index_cast %rem3A_622 : i32 to index
        %get3A_1229 = arith.index_cast %add3A_1227 : i32 to index
        %get3A_1230 = arith.constant 32 : index
        %get3A_1231 = tpu.vector_load %arg8[%get3A_1228, %get3A_1229, %get3A_1230] {strides = array<i32>} : memref<2x272x128xf32, #tpu.memory_space<vmem>>, vector<1x1x16xf32>,
        %get3A_1232 = vector.shape_cast %get3A_1231 : vector<1x1x16xf32> to vector<16xf32>
        %add3A_1233 = arith.addf %add3A_1225, %get3A_1232 : vector<16xf32>
        %add3A_1234 = arith.constant 240 : i32
        %add3A_1235 = arith.addi %add3A_1234, %scan3A_826 : i32
        %get3A_1236 = arith.index_cast %rem3A_622 : i32 to index
        %get3A_1237 = arith.index_cast %add3A_1235 : i32 to index
        %get3A_1238 = arith.constant 32 : index
        %get3A_1239 = tpu.vector_load %arg8[%get3A_1236, %get3A_1237, %get3A_1238] {strides = array<i32>} : memref<2x272x128xf32, #tpu.memory_space<vmem>>, vector<1x1x16xf32>,
        %get3A_1240 = vector.shape_cast %get3A_1239 : vector<1x1x16xf32> to vector<16xf32>
        %add3A_1241 = arith.addf %add3A_1233, %get3A_1240 : vector<16xf32>
        %swap3A_1242 = arith.index_cast %rem3A_622 : i32 to index
        %swap3A_1243 = arith.index_cast %scan3A_826 : i32 to index
        %swap3A_1244 = arith.constant 32 : index
        %swap3A_1245 = tpu.vector_load %arg9[%swap3A_1242, %swap3A_1243, %swap3A_1244] {strides = array<i32>} : memref<2x16x128xf32, #tpu.memory_space<vmem>>, vector<1x1x16xf32>,
        %swap3A_1246 = vector.shape_cast %swap3A_1245 : vector<1x1x16xf32> to vector<16xf32>
        %swap3A_1247 = vector.shape_cast %add3A_1241 : vector<16xf32> to vector<1x1x16xf32>
        tpu.vector_store %arg9[%swap3A_1242, %swap3A_1243, %swap3A_1244], %swap3A_1247 {strides = array<i32>} : memref<2x16x128xf32, #tpu.memory_space<vmem>>, vector<1x1x16xf32>,
        %add3A_1248 = arith.constant 256 : i32
        %add3A_1249 = arith.addi %add3A_1248, %scan3A_826 : i32
        %get3A_1250 = arith.index_cast %rem3A_622 : i32 to index
        %get3A_1251 = arith.index_cast %add3A_1249 : i32 to index
        %get3A_1252 = arith.constant 48 : index
        %get3A_1253 = tpu.vector_load %arg8[%get3A_1250, %get3A_1251, %get3A_1252] {strides = array<i32>} : memref<2x272x128xf32, #tpu.memory_space<vmem>>, vector<1x1x16xf32>,
        %get3A_1254 = vector.shape_cast %get3A_1253 : vector<1x1x16xf32> to vector<16xf32>
        %add3A_1255 = arith.constant 0 : i32
        %add3A_1256 = arith.addi %add3A_1255, %scan3A_826 : i32
        %get3A_1257 = arith.index_cast %rem3A_622 : i32 to index
        %get3A_1258 = arith.index_cast %add3A_1256 : i32 to index
        %get3A_1259 = arith.constant 48 : index
        %get3A_1260 = tpu.vector_load %arg8[%get3A_1257, %get3A_1258, %get3A_1259] {strides = array<i32>} : memref<2x272x128xf32, #tpu.memory_space<vmem>>, vector<1x1x16xf32>,
        %get3A_1261 = vector.shape_cast %get3A_1260 : vector<1x1x16xf32> to vector<16xf32>
        %add3A_1262 = arith.addf %get3A_1254, %get3A_1261 : vector<16xf32>
        %add3A_1263 = arith.constant 16 : i32
        %add3A_1264 = arith.addi %add3A_1263, %scan3A_826 : i32
        %get3A_1265 = arith.index_cast %rem3A_622 : i32 to index
        %get3A_1266 = arith.index_cast %add3A_1264 : i32 to index
        %get3A_1267 = arith.constant 48 : index
        %get3A_1268 = tpu.vector_load %arg8[%get3A_1265, %get3A_1266, %get3A_1267] {strides = array<i32>} : memref<2x272x128xf32, #tpu.memory_space<vmem>>, vector<1x1x16xf32>,
        %get3A_1269 = vector.shape_cast %get3A_1268 : vector<1x1x16xf32> to vector<16xf32>
        %add3A_1270 = arith.addf %add3A_1262, %get3A_1269 : vector<16xf32>
        %add3A_1271 = arith.constant 32 : i32
        %add3A_1272 = arith.addi %add3A_1271, %scan3A_826 : i32
        %get3A_1273 = arith.index_cast %rem3A_622 : i32 to index
        %get3A_1274 = arith.index_cast %add3A_1272 : i32 to index
        %get3A_1275 = arith.constant 48 : index
        %get3A_1276 = tpu.vector_load %arg8[%get3A_1273, %get3A_1274, %get3A_1275] {strides = array<i32>} : memref<2x272x128xf32, #tpu.memory_space<vmem>>, vector<1x1x16xf32>,
        %get3A_1277 = vector.shape_cast %get3A_1276 : vector<1x1x16xf32> to vector<16xf32>
        %add3A_1278 = arith.addf %add3A_1270, %get3A_1277 : vector<16xf32>
        %add3A_1279 = arith.constant 48 : i32
        %add3A_1280 = arith.addi %add3A_1279, %scan3A_826 : i32
        %get3A_1281 = arith.index_cast %rem3A_622 : i32 to index
        %get3A_1282 = arith.index_cast %add3A_1280 : i32 to index
        %get3A_1283 = arith.constant 48 : index
        %get3A_1284 = tpu.vector_load %arg8[%get3A_1281, %get3A_1282, %get3A_1283] {strides = array<i32>} : memref<2x272x128xf32, #tpu.memory_space<vmem>>, vector<1x1x16xf32>,
        %get3A_1285 = vector.shape_cast %get3A_1284 : vector<1x1x16xf32> to vector<16xf32>
        %add3A_1286 = arith.addf %add3A_1278, %get3A_1285 : vector<16xf32>
        %add3A_1287 = arith.constant 64 : i32
        %add3A_1288 = arith.addi %add3A_1287, %scan3A_826 : i32
        %get3A_1289 = arith.index_cast %rem3A_622 : i32 to index
        %get3A_1290 = arith.index_cast %add3A_1288 : i32 to index
        %get3A_1291 = arith.constant 48 : index
        %get3A_1292 = tpu.vector_load %arg8[%get3A_1289, %get3A_1290, %get3A_1291] {strides = array<i32>} : memref<2x272x128xf32, #tpu.memory_space<vmem>>, vector<1x1x16xf32>,
        %get3A_1293 = vector.shape_cast %get3A_1292 : vector<1x1x16xf32> to vector<16xf32>
        %add3A_1294 = arith.addf %add3A_1286, %get3A_1293 : vector<16xf32>
        %add3A_1295 = arith.constant 80 : i32
        %add3A_1296 = arith.addi %add3A_1295, %scan3A_826 : i32
        %get3A_1297 = arith.index_cast %rem3A_622 : i32 to index
        %get3A_1298 = arith.index_cast %add3A_1296 : i32 to index
        %get3A_1299 = arith.constant 48 : index
        %get3A_1300 = tpu.vector_load %arg8[%get3A_1297, %get3A_1298, %get3A_1299] {strides = array<i32>} : memref<2x272x128xf32, #tpu.memory_space<vmem>>, vector<1x1x16xf32>,
        %get3A_1301 = vector.shape_cast %get3A_1300 : vector<1x1x16xf32> to vector<16xf32>
        %add3A_1302 = arith.addf %add3A_1294, %get3A_1301 : vector<16xf32>
        %add3A_1303 = arith.constant 96 : i32
        %add3A_1304 = arith.addi %add3A_1303, %scan3A_826 : i32
        %get3A_1305 = arith.index_cast %rem3A_622 : i32 to index
        %get3A_1306 = arith.index_cast %add3A_1304 : i32 to index
        %get3A_1307 = arith.constant 48 : index
        %get3A_1308 = tpu.vector_load %arg8[%get3A_1305, %get3A_1306, %get3A_1307] {strides = array<i32>} : memref<2x272x128xf32, #tpu.memory_space<vmem>>, vector<1x1x16xf32>,
        %get3A_1309 = vector.shape_cast %get3A_1308 : vector<1x1x16xf32> to vector<16xf32>
        %add3A_1310 = arith.addf %add3A_1302, %get3A_1309 : vector<16xf32>
        %add3A_1311 = arith.constant 112 : i32
        %add3A_1312 = arith.addi %add3A_1311, %scan3A_826 : i32
        %get3A_1313 = arith.index_cast %rem3A_622 : i32 to index
        %get3A_1314 = arith.index_cast %add3A_1312 : i32 to index
        %get3A_1315 = arith.constant 48 : index
        %get3A_1316 = tpu.vector_load %arg8[%get3A_1313, %get3A_1314, %get3A_1315] {strides = array<i32>} : memref<2x272x128xf32, #tpu.memory_space<vmem>>, vector<1x1x16xf32>,
        %get3A_1317 = vector.shape_cast %get3A_1316 : vector<1x1x16xf32> to vector<16xf32>
        %add3A_1318 = arith.addf %add3A_1310, %get3A_1317 : vector<16xf32>
        %add3A_1319 = arith.constant 128 : i32
        %add3A_1320 = arith.addi %add3A_1319, %scan3A_826 : i32
        %get3A_1321 = arith.index_cast %rem3A_622 : i32 to index
        %get3A_1322 = arith.index_cast %add3A_1320 : i32 to index
        %get3A_1323 = arith.constant 48 : index
        %get3A_1324 = tpu.vector_load %arg8[%get3A_1321, %get3A_1322, %get3A_1323] {strides = array<i32>} : memref<2x272x128xf32, #tpu.memory_space<vmem>>, vector<1x1x16xf32>,
        %get3A_1325 = vector.shape_cast %get3A_1324 : vector<1x1x16xf32> to vector<16xf32>
        %add3A_1326 = arith.addf %add3A_1318, %get3A_1325 : vector<16xf32>
        %add3A_1327 = arith.constant 144 : i32
        %add3A_1328 = arith.addi %add3A_1327, %scan3A_826 : i32
        %get3A_1329 = arith.index_cast %rem3A_622 : i32 to index
        %get3A_1330 = arith.index_cast %add3A_1328 : i32 to index
        %get3A_1331 = arith.constant 48 : index
        %get3A_1332 = tpu.vector_load %arg8[%get3A_1329, %get3A_1330, %get3A_1331] {strides = array<i32>} : memref<2x272x128xf32, #tpu.memory_space<vmem>>, vector<1x1x16xf32>,
        %get3A_1333 = vector.shape_cast %get3A_1332 : vector<1x1x16xf32> to vector<16xf32>
        %add3A_1334 = arith.addf %add3A_1326, %get3A_1333 : vector<16xf32>
        %add3A_1335 = arith.constant 160 : i32
        %add3A_1336 = arith.addi %add3A_1335, %scan3A_826 : i32
        %get3A_1337 = arith.index_cast %rem3A_622 : i32 to index
        %get3A_1338 = arith.index_cast %add3A_1336 : i32 to index
        %get3A_1339 = arith.constant 48 : index
        %get3A_1340 = tpu.vector_load %arg8[%get3A_1337, %get3A_1338, %get3A_1339] {strides = array<i32>} : memref<2x272x128xf32, #tpu.memory_space<vmem>>, vector<1x1x16xf32>,
        %get3A_1341 = vector.shape_cast %get3A_1340 : vector<1x1x16xf32> to vector<16xf32>
        %add3A_1342 = arith.addf %add3A_1334, %get3A_1341 : vector<16xf32>
        %add3A_1343 = arith.constant 176 : i32
        %add3A_1344 = arith.addi %add3A_1343, %scan3A_826 : i32
        %get3A_1345 = arith.index_cast %rem3A_622 : i32 to index
        %get3A_1346 = arith.index_cast %add3A_1344 : i32 to index
        %get3A_1347 = arith.constant 48 : index
        %get3A_1348 = tpu.vector_load %arg8[%get3A_1345, %get3A_1346, %get3A_1347] {strides = array<i32>} : memref<2x272x128xf32, #tpu.memory_space<vmem>>, vector<1x1x16xf32>,
        %get3A_1349 = vector.shape_cast %get3A_1348 : vector<1x1x16xf32> to vector<16xf32>
        %add3A_1350 = arith.addf %add3A_1342, %get3A_1349 : vector<16xf32>
        %add3A_1351 = arith.constant 192 : i32
        %add3A_1352 = arith.addi %add3A_1351, %scan3A_826 : i32
        %get3A_1353 = arith.index_cast %rem3A_622 : i32 to index
        %get3A_1354 = arith.index_cast %add3A_1352 : i32 to index
        %get3A_1355 = arith.constant 48 : index
        %get3A_1356 = tpu.vector_load %arg8[%get3A_1353, %get3A_1354, %get3A_1355] {strides = array<i32>} : memref<2x272x128xf32, #tpu.memory_space<vmem>>, vector<1x1x16xf32>,
        %get3A_1357 = vector.shape_cast %get3A_1356 : vector<1x1x16xf32> to vector<16xf32>
        %add3A_1358 = arith.addf %add3A_1350, %get3A_1357 : vector<16xf32>
        %add3A_1359 = arith.constant 208 : i32
        %add3A_1360 = arith.addi %add3A_1359, %scan3A_826 : i32
        %get3A_1361 = arith.index_cast %rem3A_622 : i32 to index
        %get3A_1362 = arith.index_cast %add3A_1360 : i32 to index
        %get3A_1363 = arith.constant 48 : index
        %get3A_1364 = tpu.vector_load %arg8[%get3A_1361, %get3A_1362, %get3A_1363] {strides = array<i32>} : memref<2x272x128xf32, #tpu.memory_space<vmem>>, vector<1x1x16xf32>,
        %get3A_1365 = vector.shape_cast %get3A_1364 : vector<1x1x16xf32> to vector<16xf32>
        %add3A_1366 = arith.addf %add3A_1358, %get3A_1365 : vector<16xf32>
        %add3A_1367 = arith.constant 224 : i32
        %add3A_1368 = arith.addi %add3A_1367, %scan3A_826 : i32
        %get3A_1369 = arith.index_cast %rem3A_622 : i32 to index
        %get3A_1370 = arith.index_cast %add3A_1368 : i32 to index
        %get3A_1371 = arith.constant 48 : index
        %get3A_1372 = tpu.vector_load %arg8[%get3A_1369, %get3A_1370, %get3A_1371] {strides = array<i32>} : memref<2x272x128xf32, #tpu.memory_space<vmem>>, vector<1x1x16xf32>,
        %get3A_1373 = vector.shape_cast %get3A_1372 : vector<1x1x16xf32> to vector<16xf32>
        %add3A_1374 = arith.addf %add3A_1366, %get3A_1373 : vector<16xf32>
        %add3A_1375 = arith.constant 240 : i32
        %add3A_1376 = arith.addi %add3A_1375, %scan3A_826 : i32
        %get3A_1377 = arith.index_cast %rem3A_622 : i32 to index
        %get3A_1378 = arith.index_cast %add3A_1376 : i32 to index
        %get3A_1379 = arith.constant 48 : index
        %get3A_1380 = tpu.vector_load %arg8[%get3A_1377, %get3A_1378, %get3A_1379] {strides = array<i32>} : memref<2x272x128xf32, #tpu.memory_space<vmem>>, vector<1x1x16xf32>,
        %get3A_1381 = vector.shape_cast %get3A_1380 : vector<1x1x16xf32> to vector<16xf32>
        %add3A_1382 = arith.addf %add3A_1374, %get3A_1381 : vector<16xf32>
        %swap3A_1383 = arith.index_cast %rem3A_622 : i32 to index
        %swap3A_1384 = arith.index_cast %scan3A_826 : i32 to index
        %swap3A_1385 = arith.constant 48 : index
        %swap3A_1386 = tpu.vector_load %arg9[%swap3A_1383, %swap3A_1384, %swap3A_1385] {strides = array<i32>} : memref<2x16x128xf32, #tpu.memory_space<vmem>>, vector<1x1x16xf32>,
        %swap3A_1387 = vector.shape_cast %swap3A_1386 : vector<1x1x16xf32> to vector<16xf32>
        %swap3A_1388 = vector.shape_cast %add3A_1382 : vector<16xf32> to vector<1x1x16xf32>
        tpu.vector_store %arg9[%swap3A_1383, %swap3A_1384, %swap3A_1385], %swap3A_1388 {strides = array<i32>} : memref<2x16x128xf32, #tpu.memory_space<vmem>>, vector<1x1x16xf32>,
        %add3A_1389 = arith.constant 256 : i32
        %add3A_1390 = arith.addi %add3A_1389, %scan3A_826 : i32
        %get3A_1391 = arith.index_cast %rem3A_622 : i32 to index
        %get3A_1392 = arith.index_cast %add3A_1390 : i32 to index
        %get3A_1393 = arith.constant 64 : index
        %get3A_1394 = tpu.vector_load %arg8[%get3A_1391, %get3A_1392, %get3A_1393] {strides = array<i32>} : memref<2x272x128xf32, #tpu.memory_space<vmem>>, vector<1x1x16xf32>,
        %get3A_1395 = vector.shape_cast %get3A_1394 : vector<1x1x16xf32> to vector<16xf32>
        %add3A_1396 = arith.constant 0 : i32
        %add3A_1397 = arith.addi %add3A_1396, %scan3A_826 : i32
        %get3A_1398 = arith.index_cast %rem3A_622 : i32 to index
        %get3A_1399 = arith.index_cast %add3A_1397 : i32 to index
        %get3A_1400 = arith.constant 64 : index
        %get3A_1401 = tpu.vector_load %arg8[%get3A_1398, %get3A_1399, %get3A_1400] {strides = array<i32>} : memref<2x272x128xf32, #tpu.memory_space<vmem>>, vector<1x1x16xf32>,
        %get3A_1402 = vector.shape_cast %get3A_1401 : vector<1x1x16xf32> to vector<16xf32>
        %add3A_1403 = arith.addf %get3A_1395, %get3A_1402 : vector<16xf32>
        %add3A_1404 = arith.constant 16 : i32
        %add3A_1405 = arith.addi %add3A_1404, %scan3A_826 : i32
        %get3A_1406 = arith.index_cast %rem3A_622 : i32 to index
        %get3A_1407 = arith.index_cast %add3A_1405 : i32 to index
        %get3A_1408 = arith.constant 64 : index
        %get3A_1409 = tpu.vector_load %arg8[%get3A_1406, %get3A_1407, %get3A_1408] {strides = array<i32>} : memref<2x272x128xf32, #tpu.memory_space<vmem>>, vector<1x1x16xf32>,
        %get3A_1410 = vector.shape_cast %get3A_1409 : vector<1x1x16xf32> to vector<16xf32>
        %add3A_1411 = arith.addf %add3A_1403, %get3A_1410 : vector<16xf32>
        %add3A_1412 = arith.constant 32 : i32
        %add3A_1413 = arith.addi %add3A_1412, %scan3A_826 : i32
        %get3A_1414 = arith.index_cast %rem3A_622 : i32 to index
        %get3A_1415 = arith.index_cast %add3A_1413 : i32 to index
        %get3A_1416 = arith.constant 64 : index
        %get3A_1417 = tpu.vector_load %arg8[%get3A_1414, %get3A_1415, %get3A_1416] {strides = array<i32>} : memref<2x272x128xf32, #tpu.memory_space<vmem>>, vector<1x1x16xf32>,
        %get3A_1418 = vector.shape_cast %get3A_1417 : vector<1x1x16xf32> to vector<16xf32>
        %add3A_1419 = arith.addf %add3A_1411, %get3A_1418 : vector<16xf32>
        %add3A_1420 = arith.constant 48 : i32
        %add3A_1421 = arith.addi %add3A_1420, %scan3A_826 : i32
        %get3A_1422 = arith.index_cast %rem3A_622 : i32 to index
        %get3A_1423 = arith.index_cast %add3A_1421 : i32 to index
        %get3A_1424 = arith.constant 64 : index
        %get3A_1425 = tpu.vector_load %arg8[%get3A_1422, %get3A_1423, %get3A_1424] {strides = array<i32>} : memref<2x272x128xf32, #tpu.memory_space<vmem>>, vector<1x1x16xf32>,
        %get3A_1426 = vector.shape_cast %get3A_1425 : vector<1x1x16xf32> to vector<16xf32>
        %add3A_1427 = arith.addf %add3A_1419, %get3A_1426 : vector<16xf32>
        %add3A_1428 = arith.constant 64 : i32
        %add3A_1429 = arith.addi %add3A_1428, %scan3A_826 : i32
        %get3A_1430 = arith.index_cast %rem3A_622 : i32 to index
        %get3A_1431 = arith.index_cast %add3A_1429 : i32 to index
        %get3A_1432 = arith.constant 64 : index
        %get3A_1433 = tpu.vector_load %arg8[%get3A_1430, %get3A_1431, %get3A_1432] {strides = array<i32>} : memref<2x272x128xf32, #tpu.memory_space<vmem>>, vector<1x1x16xf32>,
        %get3A_1434 = vector.shape_cast %get3A_1433 : vector<1x1x16xf32> to vector<16xf32>
        %add3A_1435 = arith.addf %add3A_1427, %get3A_1434 : vector<16xf32>
        %add3A_1436 = arith.constant 80 : i32
        %add3A_1437 = arith.addi %add3A_1436, %scan3A_826 : i32
        %get3A_1438 = arith.index_cast %rem3A_622 : i32 to index
        %get3A_1439 = arith.index_cast %add3A_1437 : i32 to index
        %get3A_1440 = arith.constant 64 : index
        %get3A_1441 = tpu.vector_load %arg8[%get3A_1438, %get3A_1439, %get3A_1440] {strides = array<i32>} : memref<2x272x128xf32, #tpu.memory_space<vmem>>, vector<1x1x16xf32>,
        %get3A_1442 = vector.shape_cast %get3A_1441 : vector<1x1x16xf32> to vector<16xf32>
        %add3A_1443 = arith.addf %add3A_1435, %get3A_1442 : vector<16xf32>
        %add3A_1444 = arith.constant 96 : i32
        %add3A_1445 = arith.addi %add3A_1444, %scan3A_826 : i32
        %get3A_1446 = arith.index_cast %rem3A_622 : i32 to index
        %get3A_1447 = arith.index_cast %add3A_1445 : i32 to index
        %get3A_1448 = arith.constant 64 : index
        %get3A_1449 = tpu.vector_load %arg8[%get3A_1446, %get3A_1447, %get3A_1448] {strides = array<i32>} : memref<2x272x128xf32, #tpu.memory_space<vmem>>, vector<1x1x16xf32>,
        %get3A_1450 = vector.shape_cast %get3A_1449 : vector<1x1x16xf32> to vector<16xf32>
        %add3A_1451 = arith.addf %add3A_1443, %get3A_1450 : vector<16xf32>
        %add3A_1452 = arith.constant 112 : i32
        %add3A_1453 = arith.addi %add3A_1452, %scan3A_826 : i32
        %get3A_1454 = arith.index_cast %rem3A_622 : i32 to index
        %get3A_1455 = arith.index_cast %add3A_1453 : i32 to index
        %get3A_1456 = arith.constant 64 : index
        %get3A_1457 = tpu.vector_load %arg8[%get3A_1454, %get3A_1455, %get3A_1456] {strides = array<i32>} : memref<2x272x128xf32, #tpu.memory_space<vmem>>, vector<1x1x16xf32>,
        %get3A_1458 = vector.shape_cast %get3A_1457 : vector<1x1x16xf32> to vector<16xf32>
        %add3A_1459 = arith.addf %add3A_1451, %get3A_1458 : vector<16xf32>
        %add3A_1460 = arith.constant 128 : i32
        %add3A_1461 = arith.addi %add3A_1460, %scan3A_826 : i32
        %get3A_1462 = arith.index_cast %rem3A_622 : i32 to index
        %get3A_1463 = arith.index_cast %add3A_1461 : i32 to index
        %get3A_1464 = arith.constant 64 : index
        %get3A_1465 = tpu.vector_load %arg8[%get3A_1462, %get3A_1463, %get3A_1464] {strides = array<i32>} : memref<2x272x128xf32, #tpu.memory_space<vmem>>, vector<1x1x16xf32>,
        %get3A_1466 = vector.shape_cast %get3A_1465 : vector<1x1x16xf32> to vector<16xf32>
        %add3A_1467 = arith.addf %add3A_1459, %get3A_1466 : vector<16xf32>
        %add3A_1468 = arith.constant 144 : i32
        %add3A_1469 = arith.addi %add3A_1468, %scan3A_826 : i32
        %get3A_1470 = arith.index_cast %rem3A_622 : i32 to index
        %get3A_1471 = arith.index_cast %add3A_1469 : i32 to index
        %get3A_1472 = arith.constant 64 : index
        %get3A_1473 = tpu.vector_load %arg8[%get3A_1470, %get3A_1471, %get3A_1472] {strides = array<i32>} : memref<2x272x128xf32, #tpu.memory_space<vmem>>, vector<1x1x16xf32>,
        %get3A_1474 = vector.shape_cast %get3A_1473 : vector<1x1x16xf32> to vector<16xf32>
        %add3A_1475 = arith.addf %add3A_1467, %get3A_1474 : vector<16xf32>
        %add3A_1476 = arith.constant 160 : i32
        %add3A_1477 = arith.addi %add3A_1476, %scan3A_826 : i32
        %get3A_1478 = arith.index_cast %rem3A_622 : i32 to index
        %get3A_1479 = arith.index_cast %add3A_1477 : i32 to index
        %get3A_1480 = arith.constant 64 : index
        %get3A_1481 = tpu.vector_load %arg8[%get3A_1478, %get3A_1479, %get3A_1480] {strides = array<i32>} : memref<2x272x128xf32, #tpu.memory_space<vmem>>, vector<1x1x16xf32>,
        %get3A_1482 = vector.shape_cast %get3A_1481 : vector<1x1x16xf32> to vector<16xf32>
        %add3A_1483 = arith.addf %add3A_1475, %get3A_1482 : vector<16xf32>
        %add3A_1484 = arith.constant 176 : i32
        %add3A_1485 = arith.addi %add3A_1484, %scan3A_826 : i32
        %get3A_1486 = arith.index_cast %rem3A_622 : i32 to index
        %get3A_1487 = arith.index_cast %add3A_1485 : i32 to index
        %get3A_1488 = arith.constant 64 : index
        %get3A_1489 = tpu.vector_load %arg8[%get3A_1486, %get3A_1487, %get3A_1488] {strides = array<i32>} : memref<2x272x128xf32, #tpu.memory_space<vmem>>, vector<1x1x16xf32>,
        %get3A_1490 = vector.shape_cast %get3A_1489 : vector<1x1x16xf32> to vector<16xf32>
        %add3A_1491 = arith.addf %add3A_1483, %get3A_1490 : vector<16xf32>
        %add3A_1492 = arith.constant 192 : i32
        %add3A_1493 = arith.addi %add3A_1492, %scan3A_826 : i32
        %get3A_1494 = arith.index_cast %rem3A_622 : i32 to index
        %get3A_1495 = arith.index_cast %add3A_1493 : i32 to index
        %get3A_1496 = arith.constant 64 : index
        %get3A_1497 = tpu.vector_load %arg8[%get3A_1494, %get3A_1495, %get3A_1496] {strides = array<i32>} : memref<2x272x128xf32, #tpu.memory_space<vmem>>, vector<1x1x16xf32>,
        %get3A_1498 = vector.shape_cast %get3A_1497 : vector<1x1x16xf32> to vector<16xf32>
        %add3A_1499 = arith.addf %add3A_1491, %get3A_1498 : vector<16xf32>
        %add3A_1500 = arith.constant 208 : i32
        %add3A_1501 = arith.addi %add3A_1500, %scan3A_826 : i32
        %get3A_1502 = arith.index_cast %rem3A_622 : i32 to index
        %get3A_1503 = arith.index_cast %add3A_1501 : i32 to index
        %get3A_1504 = arith.constant 64 : index
        %get3A_1505 = tpu.vector_load %arg8[%get3A_1502, %get3A_1503, %get3A_1504] {strides = array<i32>} : memref<2x272x128xf32, #tpu.memory_space<vmem>>, vector<1x1x16xf32>,
        %get3A_1506 = vector.shape_cast %get3A_1505 : vector<1x1x16xf32> to vector<16xf32>
        %add3A_1507 = arith.addf %add3A_1499, %get3A_1506 : vector<16xf32>
        %add3A_1508 = arith.constant 224 : i32
        %add3A_1509 = arith.addi %add3A_1508, %scan3A_826 : i32
        %get3A_1510 = arith.index_cast %rem3A_622 : i32 to index
        %get3A_1511 = arith.index_cast %add3A_1509 : i32 to index
        %get3A_1512 = arith.constant 64 : index
        %get3A_1513 = tpu.vector_load %arg8[%get3A_1510, %get3A_1511, %get3A_1512] {strides = array<i32>} : memref<2x272x128xf32, #tpu.memory_space<vmem>>, vector<1x1x16xf32>,
        %get3A_1514 = vector.shape_cast %get3A_1513 : vector<1x1x16xf32> to vector<16xf32>
        %add3A_1515 = arith.addf %add3A_1507, %get3A_1514 : vector<16xf32>
        %add3A_1516 = arith.constant 240 : i32
        %add3A_1517 = arith.addi %add3A_1516, %scan3A_826 : i32
        %get3A_1518 = arith.index_cast %rem3A_622 : i32 to index
        %get3A_1519 = arith.index_cast %add3A_1517 : i32 to index
        %get3A_1520 = arith.constant 64 : index
        %get3A_1521 = tpu.vector_load %arg8[%get3A_1518, %get3A_1519, %get3A_1520] {strides = array<i32>} : memref<2x272x128xf32, #tpu.memory_space<vmem>>, vector<1x1x16xf32>,
        %get3A_1522 = vector.shape_cast %get3A_1521 : vector<1x1x16xf32> to vector<16xf32>
        %add3A_1523 = arith.addf %add3A_1515, %get3A_1522 : vector<16xf32>
        %swap3A_1524 = arith.index_cast %rem3A_622 : i32 to index
        %swap3A_1525 = arith.index_cast %scan3A_826 : i32 to index
        %swap3A_1526 = arith.constant 64 : index
        %swap3A_1527 = tpu.vector_load %arg9[%swap3A_1524, %swap3A_1525, %swap3A_1526] {strides = array<i32>} : memref<2x16x128xf32, #tpu.memory_space<vmem>>, vector<1x1x16xf32>,
        %swap3A_1528 = vector.shape_cast %swap3A_1527 : vector<1x1x16xf32> to vector<16xf32>
        %swap3A_1529 = vector.shape_cast %add3A_1523 : vector<16xf32> to vector<1x1x16xf32>
        tpu.vector_store %arg9[%swap3A_1524, %swap3A_1525, %swap3A_1526], %swap3A_1529 {strides = array<i32>} : memref<2x16x128xf32, #tpu.memory_space<vmem>>, vector<1x1x16xf32>,
        %add3A_1530 = arith.constant 256 : i32
        %add3A_1531 = arith.addi %add3A_1530, %scan3A_826 : i32
        %get3A_1532 = arith.index_cast %rem3A_622 : i32 to index
        %get3A_1533 = arith.index_cast %add3A_1531 : i32 to index
        %get3A_1534 = arith.constant 80 : index
        %get3A_1535 = tpu.vector_load %arg8[%get3A_1532, %get3A_1533, %get3A_1534] {strides = array<i32>} : memref<2x272x128xf32, #tpu.memory_space<vmem>>, vector<1x1x16xf32>,
        %get3A_1536 = vector.shape_cast %get3A_1535 : vector<1x1x16xf32> to vector<16xf32>
        %add3A_1537 = arith.constant 0 : i32
        %add3A_1538 = arith.addi %add3A_1537, %scan3A_826 : i32
        %get3A_1539 = arith.index_cast %rem3A_622 : i32 to index
        %get3A_1540 = arith.index_cast %add3A_1538 : i32 to index
        %get3A_1541 = arith.constant 80 : index
        %get3A_1542 = tpu.vector_load %arg8[%get3A_1539, %get3A_1540, %get3A_1541] {strides = array<i32>} : memref<2x272x128xf32, #tpu.memory_space<vmem>>, vector<1x1x16xf32>,
        %get3A_1543 = vector.shape_cast %get3A_1542 : vector<1x1x16xf32> to vector<16xf32>
        %add3A_1544 = arith.addf %get3A_1536, %get3A_1543 : vector<16xf32>
        %add3A_1545 = arith.constant 16 : i32
        %add3A_1546 = arith.addi %add3A_1545, %scan3A_826 : i32
        %get3A_1547 = arith.index_cast %rem3A_622 : i32 to index
        %get3A_1548 = arith.index_cast %add3A_1546 : i32 to index
        %get3A_1549 = arith.constant 80 : index
        %get3A_1550 = tpu.vector_load %arg8[%get3A_1547, %get3A_1548, %get3A_1549] {strides = array<i32>} : memref<2x272x128xf32, #tpu.memory_space<vmem>>, vector<1x1x16xf32>,
        %get3A_1551 = vector.shape_cast %get3A_1550 : vector<1x1x16xf32> to vector<16xf32>
        %add3A_1552 = arith.addf %add3A_1544, %get3A_1551 : vector<16xf32>
        %add3A_1553 = arith.constant 32 : i32
        %add3A_1554 = arith.addi %add3A_1553, %scan3A_826 : i32
        %get3A_1555 = arith.index_cast %rem3A_622 : i32 to index
        %get3A_1556 = arith.index_cast %add3A_1554 : i32 to index
        %get3A_1557 = arith.constant 80 : index
        %get3A_1558 = tpu.vector_load %arg8[%get3A_1555, %get3A_1556, %get3A_1557] {strides = array<i32>} : memref<2x272x128xf32, #tpu.memory_space<vmem>>, vector<1x1x16xf32>,
        %get3A_1559 = vector.shape_cast %get3A_1558 : vector<1x1x16xf32> to vector<16xf32>
        %add3A_1560 = arith.addf %add3A_1552, %get3A_1559 : vector<16xf32>
        %add3A_1561 = arith.constant 48 : i32
        %add3A_1562 = arith.addi %add3A_1561, %scan3A_826 : i32
        %get3A_1563 = arith.index_cast %rem3A_622 : i32 to index
        %get3A_1564 = arith.index_cast %add3A_1562 : i32 to index
        %get3A_1565 = arith.constant 80 : index
        %get3A_1566 = tpu.vector_load %arg8[%get3A_1563, %get3A_1564, %get3A_1565] {strides = array<i32>} : memref<2x272x128xf32, #tpu.memory_space<vmem>>, vector<1x1x16xf32>,
        %get3A_1567 = vector.shape_cast %get3A_1566 : vector<1x1x16xf32> to vector<16xf32>
        %add3A_1568 = arith.addf %add3A_1560, %get3A_1567 : vector<16xf32>
        %add3A_1569 = arith.constant 64 : i32
        %add3A_1570 = arith.addi %add3A_1569, %scan3A_826 : i32
        %get3A_1571 = arith.index_cast %rem3A_622 : i32 to index
        %get3A_1572 = arith.index_cast %add3A_1570 : i32 to index
        %get3A_1573 = arith.constant 80 : index
        %get3A_1574 = tpu.vector_load %arg8[%get3A_1571, %get3A_1572, %get3A_1573] {strides = array<i32>} : memref<2x272x128xf32, #tpu.memory_space<vmem>>, vector<1x1x16xf32>,
        %get3A_1575 = vector.shape_cast %get3A_1574 : vector<1x1x16xf32> to vector<16xf32>
        %add3A_1576 = arith.addf %add3A_1568, %get3A_1575 : vector<16xf32>
        %add3A_1577 = arith.constant 80 : i32
        %add3A_1578 = arith.addi %add3A_1577, %scan3A_826 : i32
        %get3A_1579 = arith.index_cast %rem3A_622 : i32 to index
        %get3A_1580 = arith.index_cast %add3A_1578 : i32 to index
        %get3A_1581 = arith.constant 80 : index
        %get3A_1582 = tpu.vector_load %arg8[%get3A_1579, %get3A_1580, %get3A_1581] {strides = array<i32>} : memref<2x272x128xf32, #tpu.memory_space<vmem>>, vector<1x1x16xf32>,
        %get3A_1583 = vector.shape_cast %get3A_1582 : vector<1x1x16xf32> to vector<16xf32>
        %add3A_1584 = arith.addf %add3A_1576, %get3A_1583 : vector<16xf32>
        %add3A_1585 = arith.constant 96 : i32
        %add3A_1586 = arith.addi %add3A_1585, %scan3A_826 : i32
        %get3A_1587 = arith.index_cast %rem3A_622 : i32 to index
        %get3A_1588 = arith.index_cast %add3A_1586 : i32 to index
        %get3A_1589 = arith.constant 80 : index
        %get3A_1590 = tpu.vector_load %arg8[%get3A_1587, %get3A_1588, %get3A_1589] {strides = array<i32>} : memref<2x272x128xf32, #tpu.memory_space<vmem>>, vector<1x1x16xf32>,
        %get3A_1591 = vector.shape_cast %get3A_1590 : vector<1x1x16xf32> to vector<16xf32>
        %add3A_1592 = arith.addf %add3A_1584, %get3A_1591 : vector<16xf32>
        %add3A_1593 = arith.constant 112 : i32
        %add3A_1594 = arith.addi %add3A_1593, %scan3A_826 : i32
        %get3A_1595 = arith.index_cast %rem3A_622 : i32 to index
        %get3A_1596 = arith.index_cast %add3A_1594 : i32 to index
        %get3A_1597 = arith.constant 80 : index
        %get3A_1598 = tpu.vector_load %arg8[%get3A_1595, %get3A_1596, %get3A_1597] {strides = array<i32>} : memref<2x272x128xf32, #tpu.memory_space<vmem>>, vector<1x1x16xf32>,
        %get3A_1599 = vector.shape_cast %get3A_1598 : vector<1x1x16xf32> to vector<16xf32>
        %add3A_1600 = arith.addf %add3A_1592, %get3A_1599 : vector<16xf32>
        %add3A_1601 = arith.constant 128 : i32
        %add3A_1602 = arith.addi %add3A_1601, %scan3A_826 : i32
        %get3A_1603 = arith.index_cast %rem3A_622 : i32 to index
        %get3A_1604 = arith.index_cast %add3A_1602 : i32 to index
        %get3A_1605 = arith.constant 80 : index
        %get3A_1606 = tpu.vector_load %arg8[%get3A_1603, %get3A_1604, %get3A_1605] {strides = array<i32>} : memref<2x272x128xf32, #tpu.memory_space<vmem>>, vector<1x1x16xf32>,
        %get3A_1607 = vector.shape_cast %get3A_1606 : vector<1x1x16xf32> to vector<16xf32>
        %add3A_1608 = arith.addf %add3A_1600, %get3A_1607 : vector<16xf32>
        %add3A_1609 = arith.constant 144 : i32
        %add3A_1610 = arith.addi %add3A_1609, %scan3A_826 : i32
        %get3A_1611 = arith.index_cast %rem3A_622 : i32 to index
        %get3A_1612 = arith.index_cast %add3A_1610 : i32 to index
        %get3A_1613 = arith.constant 80 : index
        %get3A_1614 = tpu.vector_load %arg8[%get3A_1611, %get3A_1612, %get3A_1613] {strides = array<i32>} : memref<2x272x128xf32, #tpu.memory_space<vmem>>, vector<1x1x16xf32>,
        %get3A_1615 = vector.shape_cast %get3A_1614 : vector<1x1x16xf32> to vector<16xf32>
        %add3A_1616 = arith.addf %add3A_1608, %get3A_1615 : vector<16xf32>
        %add3A_1617 = arith.constant 160 : i32
        %add3A_1618 = arith.addi %add3A_1617, %scan3A_826 : i32
        %get3A_1619 = arith.index_cast %rem3A_622 : i32 to index
        %get3A_1620 = arith.index_cast %add3A_1618 : i32 to index
        %get3A_1621 = arith.constant 80 : index
        %get3A_1622 = tpu.vector_load %arg8[%get3A_1619, %get3A_1620, %get3A_1621] {strides = array<i32>} : memref<2x272x128xf32, #tpu.memory_space<vmem>>, vector<1x1x16xf32>,
        %get3A_1623 = vector.shape_cast %get3A_1622 : vector<1x1x16xf32> to vector<16xf32>
        %add3A_1624 = arith.addf %add3A_1616, %get3A_1623 : vector<16xf32>
        %add3A_1625 = arith.constant 176 : i32
        %add3A_1626 = arith.addi %add3A_1625, %scan3A_826 : i32
        %get3A_1627 = arith.index_cast %rem3A_622 : i32 to index
        %get3A_1628 = arith.index_cast %add3A_1626 : i32 to index
        %get3A_1629 = arith.constant 80 : index
        %get3A_1630 = tpu.vector_load %arg8[%get3A_1627, %get3A_1628, %get3A_1629] {strides = array<i32>} : memref<2x272x128xf32, #tpu.memory_space<vmem>>, vector<1x1x16xf32>,
        %get3A_1631 = vector.shape_cast %get3A_1630 : vector<1x1x16xf32> to vector<16xf32>
        %add3A_1632 = arith.addf %add3A_1624, %get3A_1631 : vector<16xf32>
        %add3A_1633 = arith.constant 192 : i32
        %add3A_1634 = arith.addi %add3A_1633, %scan3A_826 : i32
        %get3A_1635 = arith.index_cast %rem3A_622 : i32 to index
        %get3A_1636 = arith.index_cast %add3A_1634 : i32 to index
        %get3A_1637 = arith.constant 80 : index
        %get3A_1638 = tpu.vector_load %arg8[%get3A_1635, %get3A_1636, %get3A_1637] {strides = array<i32>} : memref<2x272x128xf32, #tpu.memory_space<vmem>>, vector<1x1x16xf32>,
        %get3A_1639 = vector.shape_cast %get3A_1638 : vector<1x1x16xf32> to vector<16xf32>
        %add3A_1640 = arith.addf %add3A_1632, %get3A_1639 : vector<16xf32>
        %add3A_1641 = arith.constant 208 : i32
        %add3A_1642 = arith.addi %add3A_1641, %scan3A_826 : i32
        %get3A_1643 = arith.index_cast %rem3A_622 : i32 to index
        %get3A_1644 = arith.index_cast %add3A_1642 : i32 to index
        %get3A_1645 = arith.constant 80 : index
        %get3A_1646 = tpu.vector_load %arg8[%get3A_1643, %get3A_1644, %get3A_1645] {strides = array<i32>} : memref<2x272x128xf32, #tpu.memory_space<vmem>>, vector<1x1x16xf32>,
        %get3A_1647 = vector.shape_cast %get3A_1646 : vector<1x1x16xf32> to vector<16xf32>
        %add3A_1648 = arith.addf %add3A_1640, %get3A_1647 : vector<16xf32>
        %add3A_1649 = arith.constant 224 : i32
        %add3A_1650 = arith.addi %add3A_1649, %scan3A_826 : i32
        %get3A_1651 = arith.index_cast %rem3A_622 : i32 to index
        %get3A_1652 = arith.index_cast %add3A_1650 : i32 to index
        %get3A_1653 = arith.constant 80 : index
        %get3A_1654 = tpu.vector_load %arg8[%get3A_1651, %get3A_1652, %get3A_1653] {strides = array<i32>} : memref<2x272x128xf32, #tpu.memory_space<vmem>>, vector<1x1x16xf32>,
        %get3A_1655 = vector.shape_cast %get3A_1654 : vector<1x1x16xf32> to vector<16xf32>
        %add3A_1656 = arith.addf %add3A_1648, %get3A_1655 : vector<16xf32>
        %add3A_1657 = arith.constant 240 : i32
        %add3A_1658 = arith.addi %add3A_1657, %scan3A_826 : i32
        %get3A_1659 = arith.index_cast %rem3A_622 : i32 to index
        %get3A_1660 = arith.index_cast %add3A_1658 : i32 to index
        %get3A_1661 = arith.constant 80 : index
        %get3A_1662 = tpu.vector_load %arg8[%get3A_1659, %get3A_1660, %get3A_1661] {strides = array<i32>} : memref<2x272x128xf32, #tpu.memory_space<vmem>>, vector<1x1x16xf32>,
        %get3A_1663 = vector.shape_cast %get3A_1662 : vector<1x1x16xf32> to vector<16xf32>
        %add3A_1664 = arith.addf %add3A_1656, %get3A_1663 : vector<16xf32>
        %swap3A_1665 = arith.index_cast %rem3A_622 : i32 to index
        %swap3A_1666 = arith.index_cast %scan3A_826 : i32 to index
        %swap3A_1667 = arith.constant 80 : index
        %swap3A_1668 = tpu.vector_load %arg9[%swap3A_1665, %swap3A_1666, %swap3A_1667] {strides = array<i32>} : memref<2x16x128xf32, #tpu.memory_space<vmem>>, vector<1x1x16xf32>,
        %swap3A_1669 = vector.shape_cast %swap3A_1668 : vector<1x1x16xf32> to vector<16xf32>
        %swap3A_1670 = vector.shape_cast %add3A_1664 : vector<16xf32> to vector<1x1x16xf32>
        tpu.vector_store %arg9[%swap3A_1665, %swap3A_1666, %swap3A_1667], %swap3A_1670 {strides = array<i32>} : memref<2x16x128xf32, #tpu.memory_space<vmem>>, vector<1x1x16xf32>,
        %add3A_1671 = arith.constant 256 : i32
        %add3A_1672 = arith.addi %add3A_1671, %scan3A_826 : i32
        %get3A_1673 = arith.index_cast %rem3A_622 : i32 to index
        %get3A_1674 = arith.index_cast %add3A_1672 : i32 to index
        %get3A_1675 = arith.constant 96 : index
        %get3A_1676 = tpu.vector_load %arg8[%get3A_1673, %get3A_1674, %get3A_1675] {strides = array<i32>} : memref<2x272x128xf32, #tpu.memory_space<vmem>>, vector<1x1x16xf32>,
        %get3A_1677 = vector.shape_cast %get3A_1676 : vector<1x1x16xf32> to vector<16xf32>
        %add3A_1678 = arith.constant 0 : i32
        %add3A_1679 = arith.addi %add3A_1678, %scan3A_826 : i32
        %get3A_1680 = arith.index_cast %rem3A_622 : i32 to index
        %get3A_1681 = arith.index_cast %add3A_1679 : i32 to index
        %get3A_1682 = arith.constant 96 : index
        %get3A_1683 = tpu.vector_load %arg8[%get3A_1680, %get3A_1681, %get3A_1682] {strides = array<i32>} : memref<2x272x128xf32, #tpu.memory_space<vmem>>, vector<1x1x16xf32>,
        %get3A_1684 = vector.shape_cast %get3A_1683 : vector<1x1x16xf32> to vector<16xf32>
        %add3A_1685 = arith.addf %get3A_1677, %get3A_1684 : vector<16xf32>
        %add3A_1686 = arith.constant 16 : i32
        %add3A_1687 = arith.addi %add3A_1686, %scan3A_826 : i32
        %get3A_1688 = arith.index_cast %rem3A_622 : i32 to index
        %get3A_1689 = arith.index_cast %add3A_1687 : i32 to index
        %get3A_1690 = arith.constant 96 : index
        %get3A_1691 = tpu.vector_load %arg8[%get3A_1688, %get3A_1689, %get3A_1690] {strides = array<i32>} : memref<2x272x128xf32, #tpu.memory_space<vmem>>, vector<1x1x16xf32>,
        %get3A_1692 = vector.shape_cast %get3A_1691 : vector<1x1x16xf32> to vector<16xf32>
        %add3A_1693 = arith.addf %add3A_1685, %get3A_1692 : vector<16xf32>
        %add3A_1694 = arith.constant 32 : i32
        %add3A_1695 = arith.addi %add3A_1694, %scan3A_826 : i32
        %get3A_1696 = arith.index_cast %rem3A_622 : i32 to index
        %get3A_1697 = arith.index_cast %add3A_1695 : i32 to index
        %get3A_1698 = arith.constant 96 : index
        %get3A_1699 = tpu.vector_load %arg8[%get3A_1696, %get3A_1697, %get3A_1698] {strides = array<i32>} : memref<2x272x128xf32, #tpu.memory_space<vmem>>, vector<1x1x16xf32>,
        %get3A_1700 = vector.shape_cast %get3A_1699 : vector<1x1x16xf32> to vector<16xf32>
        %add3A_1701 = arith.addf %add3A_1693, %get3A_1700 : vector<16xf32>
        %add3A_1702 = arith.constant 48 : i32
        %add3A_1703 = arith.addi %add3A_1702, %scan3A_826 : i32
        %get3A_1704 = arith.index_cast %rem3A_622 : i32 to index
        %get3A_1705 = arith.index_cast %add3A_1703 : i32 to index
        %get3A_1706 = arith.constant 96 : index
        %get3A_1707 = tpu.vector_load %arg8[%get3A_1704, %get3A_1705, %get3A_1706] {strides = array<i32>} : memref<2x272x128xf32, #tpu.memory_space<vmem>>, vector<1x1x16xf32>,
        %get3A_1708 = vector.shape_cast %get3A_1707 : vector<1x1x16xf32> to vector<16xf32>
        %add3A_1709 = arith.addf %add3A_1701, %get3A_1708 : vector<16xf32>
        %add3A_1710 = arith.constant 64 : i32
        %add3A_1711 = arith.addi %add3A_1710, %scan3A_826 : i32
        %get3A_1712 = arith.index_cast %rem3A_622 : i32 to index
        %get3A_1713 = arith.index_cast %add3A_1711 : i32 to index
        %get3A_1714 = arith.constant 96 : index
        %get3A_1715 = tpu.vector_load %arg8[%get3A_1712, %get3A_1713, %get3A_1714] {strides = array<i32>} : memref<2x272x128xf32, #tpu.memory_space<vmem>>, vector<1x1x16xf32>,
        %get3A_1716 = vector.shape_cast %get3A_1715 : vector<1x1x16xf32> to vector<16xf32>
        %add3A_1717 = arith.addf %add3A_1709, %get3A_1716 : vector<16xf32>
        %add3A_1718 = arith.constant 80 : i32
        %add3A_1719 = arith.addi %add3A_1718, %scan3A_826 : i32
        %get3A_1720 = arith.index_cast %rem3A_622 : i32 to index
        %get3A_1721 = arith.index_cast %add3A_1719 : i32 to index
        %get3A_1722 = arith.constant 96 : index
        %get3A_1723 = tpu.vector_load %arg8[%get3A_1720, %get3A_1721, %get3A_1722] {strides = array<i32>} : memref<2x272x128xf32, #tpu.memory_space<vmem>>, vector<1x1x16xf32>,
        %get3A_1724 = vector.shape_cast %get3A_1723 : vector<1x1x16xf32> to vector<16xf32>
        %add3A_1725 = arith.addf %add3A_1717, %get3A_1724 : vector<16xf32>
        %add3A_1726 = arith.constant 96 : i32
        %add3A_1727 = arith.addi %add3A_1726, %scan3A_826 : i32
        %get3A_1728 = arith.index_cast %rem3A_622 : i32 to index
        %get3A_1729 = arith.index_cast %add3A_1727 : i32 to index
        %get3A_1730 = arith.constant 96 : index
        %get3A_1731 = tpu.vector_load %arg8[%get3A_1728, %get3A_1729, %get3A_1730] {strides = array<i32>} : memref<2x272x128xf32, #tpu.memory_space<vmem>>, vector<1x1x16xf32>,
        %get3A_1732 = vector.shape_cast %get3A_1731 : vector<1x1x16xf32> to vector<16xf32>
        %add3A_1733 = arith.addf %add3A_1725, %get3A_1732 : vector<16xf32>
        %add3A_1734 = arith.constant 112 : i32
        %add3A_1735 = arith.addi %add3A_1734, %scan3A_826 : i32
        %get3A_1736 = arith.index_cast %rem3A_622 : i32 to index
        %get3A_1737 = arith.index_cast %add3A_1735 : i32 to index
        %get3A_1738 = arith.constant 96 : index
        %get3A_1739 = tpu.vector_load %arg8[%get3A_1736, %get3A_1737, %get3A_1738] {strides = array<i32>} : memref<2x272x128xf32, #tpu.memory_space<vmem>>, vector<1x1x16xf32>,
        %get3A_1740 = vector.shape_cast %get3A_1739 : vector<1x1x16xf32> to vector<16xf32>
        %add3A_1741 = arith.addf %add3A_1733, %get3A_1740 : vector<16xf32>
        %add3A_1742 = arith.constant 128 : i32
        %add3A_1743 = arith.addi %add3A_1742, %scan3A_826 : i32
        %get3A_1744 = arith.index_cast %rem3A_622 : i32 to index
        %get3A_1745 = arith.index_cast %add3A_1743 : i32 to index
        %get3A_1746 = arith.constant 96 : index
        %get3A_1747 = tpu.vector_load %arg8[%get3A_1744, %get3A_1745, %get3A_1746] {strides = array<i32>} : memref<2x272x128xf32, #tpu.memory_space<vmem>>, vector<1x1x16xf32>,
        %get3A_1748 = vector.shape_cast %get3A_1747 : vector<1x1x16xf32> to vector<16xf32>
        %add3A_1749 = arith.addf %add3A_1741, %get3A_1748 : vector<16xf32>
        %add3A_1750 = arith.constant 144 : i32
        %add3A_1751 = arith.addi %add3A_1750, %scan3A_826 : i32
        %get3A_1752 = arith.index_cast %rem3A_622 : i32 to index
        %get3A_1753 = arith.index_cast %add3A_1751 : i32 to index
        %get3A_1754 = arith.constant 96 : index
        %get3A_1755 = tpu.vector_load %arg8[%get3A_1752, %get3A_1753, %get3A_1754] {strides = array<i32>} : memref<2x272x128xf32, #tpu.memory_space<vmem>>, vector<1x1x16xf32>,
        %get3A_1756 = vector.shape_cast %get3A_1755 : vector<1x1x16xf32> to vector<16xf32>
        %add3A_1757 = arith.addf %add3A_1749, %get3A_1756 : vector<16xf32>
        %add3A_1758 = arith.constant 160 : i32
        %add3A_1759 = arith.addi %add3A_1758, %scan3A_826 : i32
        %get3A_1760 = arith.index_cast %rem3A_622 : i32 to index
        %get3A_1761 = arith.index_cast %add3A_1759 : i32 to index
        %get3A_1762 = arith.constant 96 : index
        %get3A_1763 = tpu.vector_load %arg8[%get3A_1760, %get3A_1761, %get3A_1762] {strides = array<i32>} : memref<2x272x128xf32, #tpu.memory_space<vmem>>, vector<1x1x16xf32>,
        %get3A_1764 = vector.shape_cast %get3A_1763 : vector<1x1x16xf32> to vector<16xf32>
        %add3A_1765 = arith.addf %add3A_1757, %get3A_1764 : vector<16xf32>
        %add3A_1766 = arith.constant 176 : i32
        %add3A_1767 = arith.addi %add3A_1766, %scan3A_826 : i32
        %get3A_1768 = arith.index_cast %rem3A_622 : i32 to index
        %get3A_1769 = arith.index_cast %add3A_1767 : i32 to index
        %get3A_1770 = arith.constant 96 : index
        %get3A_1771 = tpu.vector_load %arg8[%get3A_1768, %get3A_1769, %get3A_1770] {strides = array<i32>} : memref<2x272x128xf32, #tpu.memory_space<vmem>>, vector<1x1x16xf32>,
        %get3A_1772 = vector.shape_cast %get3A_1771 : vector<1x1x16xf32> to vector<16xf32>
        %add3A_1773 = arith.addf %add3A_1765, %get3A_1772 : vector<16xf32>
        %add3A_1774 = arith.constant 192 : i32
        %add3A_1775 = arith.addi %add3A_1774, %scan3A_826 : i32
        %get3A_1776 = arith.index_cast %rem3A_622 : i32 to index
        %get3A_1777 = arith.index_cast %add3A_1775 : i32 to index
        %get3A_1778 = arith.constant 96 : index
        %get3A_1779 = tpu.vector_load %arg8[%get3A_1776, %get3A_1777, %get3A_1778] {strides = array<i32>} : memref<2x272x128xf32, #tpu.memory_space<vmem>>, vector<1x1x16xf32>,
        %get3A_1780 = vector.shape_cast %get3A_1779 : vector<1x1x16xf32> to vector<16xf32>
        %add3A_1781 = arith.addf %add3A_1773, %get3A_1780 : vector<16xf32>
        %add3A_1782 = arith.constant 208 : i32
        %add3A_1783 = arith.addi %add3A_1782, %scan3A_826 : i32
        %get3A_1784 = arith.index_cast %rem3A_622 : i32 to index
        %get3A_1785 = arith.index_cast %add3A_1783 : i32 to index
        %get3A_1786 = arith.constant 96 : index
        %get3A_1787 = tpu.vector_load %arg8[%get3A_1784, %get3A_1785, %get3A_1786] {strides = array<i32>} : memref<2x272x128xf32, #tpu.memory_space<vmem>>, vector<1x1x16xf32>,
        %get3A_1788 = vector.shape_cast %get3A_1787 : vector<1x1x16xf32> to vector<16xf32>
        %add3A_1789 = arith.addf %add3A_1781, %get3A_1788 : vector<16xf32>
        %add3A_1790 = arith.constant 224 : i32
        %add3A_1791 = arith.addi %add3A_1790, %scan3A_826 : i32
        %get3A_1792 = arith.index_cast %rem3A_622 : i32 to index
        %get3A_1793 = arith.index_cast %add3A_1791 : i32 to index
        %get3A_1794 = arith.constant 96 : index
        %get3A_1795 = tpu.vector_load %arg8[%get3A_1792, %get3A_1793, %get3A_1794] {strides = array<i32>} : memref<2x272x128xf32, #tpu.memory_space<vmem>>, vector<1x1x16xf32>,
        %get3A_1796 = vector.shape_cast %get3A_1795 : vector<1x1x16xf32> to vector<16xf32>
        %add3A_1797 = arith.addf %add3A_1789, %get3A_1796 : vector<16xf32>
        %add3A_1798 = arith.constant 240 : i32
        %add3A_1799 = arith.addi %add3A_1798, %scan3A_826 : i32
        %get3A_1800 = arith.index_cast %rem3A_622 : i32 to index
        %get3A_1801 = arith.index_cast %add3A_1799 : i32 to index
        %get3A_1802 = arith.constant 96 : index
        %get3A_1803 = tpu.vector_load %arg8[%get3A_1800, %get3A_1801, %get3A_1802] {strides = array<i32>} : memref<2x272x128xf32, #tpu.memory_space<vmem>>, vector<1x1x16xf32>,
        %get3A_1804 = vector.shape_cast %get3A_1803 : vector<1x1x16xf32> to vector<16xf32>
        %add3A_1805 = arith.addf %add3A_1797, %get3A_1804 : vector<16xf32>
        %swap3A_1806 = arith.index_cast %rem3A_622 : i32 to index
        %swap3A_1807 = arith.index_cast %scan3A_826 : i32 to index
        %swap3A_1808 = arith.constant 96 : index
        %swap3A_1809 = tpu.vector_load %arg9[%swap3A_1806, %swap3A_1807, %swap3A_1808] {strides = array<i32>} : memref<2x16x128xf32, #tpu.memory_space<vmem>>, vector<1x1x16xf32>,
        %swap3A_1810 = vector.shape_cast %swap3A_1809 : vector<1x1x16xf32> to vector<16xf32>
        %swap3A_1811 = vector.shape_cast %add3A_1805 : vector<16xf32> to vector<1x1x16xf32>
        tpu.vector_store %arg9[%swap3A_1806, %swap3A_1807, %swap3A_1808], %swap3A_1811 {strides = array<i32>} : memref<2x16x128xf32, #tpu.memory_space<vmem>>, vector<1x1x16xf32>,
        %add3A_1812 = arith.constant 256 : i32
        %add3A_1813 = arith.addi %add3A_1812, %scan3A_826 : i32
        %get3A_1814 = arith.index_cast %rem3A_622 : i32 to index
        %get3A_1815 = arith.index_cast %add3A_1813 : i32 to index
        %get3A_1816 = arith.constant 112 : index
        %get3A_1817 = tpu.vector_load %arg8[%get3A_1814, %get3A_1815, %get3A_1816] {strides = array<i32>} : memref<2x272x128xf32, #tpu.memory_space<vmem>>, vector<1x1x16xf32>,
        %get3A_1818 = vector.shape_cast %get3A_1817 : vector<1x1x16xf32> to vector<16xf32>
        %add3A_1819 = arith.constant 0 : i32
        %add3A_1820 = arith.addi %add3A_1819, %scan3A_826 : i32
        %get3A_1821 = arith.index_cast %rem3A_622 : i32 to index
        %get3A_1822 = arith.index_cast %add3A_1820 : i32 to index
        %get3A_1823 = arith.constant 112 : index
        %get3A_1824 = tpu.vector_load %arg8[%get3A_1821, %get3A_1822, %get3A_1823] {strides = array<i32>} : memref<2x272x128xf32, #tpu.memory_space<vmem>>, vector<1x1x16xf32>,
        %get3A_1825 = vector.shape_cast %get3A_1824 : vector<1x1x16xf32> to vector<16xf32>
        %add3A_1826 = arith.addf %get3A_1818, %get3A_1825 : vector<16xf32>
        %add3A_1827 = arith.constant 16 : i32
        %add3A_1828 = arith.addi %add3A_1827, %scan3A_826 : i32
        %get3A_1829 = arith.index_cast %rem3A_622 : i32 to index
        %get3A_1830 = arith.index_cast %add3A_1828 : i32 to index
        %get3A_1831 = arith.constant 112 : index
        %get3A_1832 = tpu.vector_load %arg8[%get3A_1829, %get3A_1830, %get3A_1831] {strides = array<i32>} : memref<2x272x128xf32, #tpu.memory_space<vmem>>, vector<1x1x16xf32>,
        %get3A_1833 = vector.shape_cast %get3A_1832 : vector<1x1x16xf32> to vector<16xf32>
        %add3A_1834 = arith.addf %add3A_1826, %get3A_1833 : vector<16xf32>
        %add3A_1835 = arith.constant 32 : i32
        %add3A_1836 = arith.addi %add3A_1835, %scan3A_826 : i32
        %get3A_1837 = arith.index_cast %rem3A_622 : i32 to index
        %get3A_1838 = arith.index_cast %add3A_1836 : i32 to index
        %get3A_1839 = arith.constant 112 : index
        %get3A_1840 = tpu.vector_load %arg8[%get3A_1837, %get3A_1838, %get3A_1839] {strides = array<i32>} : memref<2x272x128xf32, #tpu.memory_space<vmem>>, vector<1x1x16xf32>,
        %get3A_1841 = vector.shape_cast %get3A_1840 : vector<1x1x16xf32> to vector<16xf32>
        %add3A_1842 = arith.addf %add3A_1834, %get3A_1841 : vector<16xf32>
        %add3A_1843 = arith.constant 48 : i32
        %add3A_1844 = arith.addi %add3A_1843, %scan3A_826 : i32
        %get3A_1845 = arith.index_cast %rem3A_622 : i32 to index
        %get3A_1846 = arith.index_cast %add3A_1844 : i32 to index
        %get3A_1847 = arith.constant 112 : index
        %get3A_1848 = tpu.vector_load %arg8[%get3A_1845, %get3A_1846, %get3A_1847] {strides = array<i32>} : memref<2x272x128xf32, #tpu.memory_space<vmem>>, vector<1x1x16xf32>,
        %get3A_1849 = vector.shape_cast %get3A_1848 : vector<1x1x16xf32> to vector<16xf32>
        %add3A_1850 = arith.addf %add3A_1842, %get3A_1849 : vector<16xf32>
        %add3A_1851 = arith.constant 64 : i32
        %add3A_1852 = arith.addi %add3A_1851, %scan3A_826 : i32
        %get3A_1853 = arith.index_cast %rem3A_622 : i32 to index
        %get3A_1854 = arith.index_cast %add3A_1852 : i32 to index
        %get3A_1855 = arith.constant 112 : index
        %get3A_1856 = tpu.vector_load %arg8[%get3A_1853, %get3A_1854, %get3A_1855] {strides = array<i32>} : memref<2x272x128xf32, #tpu.memory_space<vmem>>, vector<1x1x16xf32>,
        %get3A_1857 = vector.shape_cast %get3A_1856 : vector<1x1x16xf32> to vector<16xf32>
        %add3A_1858 = arith.addf %add3A_1850, %get3A_1857 : vector<16xf32>
        %add3A_1859 = arith.constant 80 : i32
        %add3A_1860 = arith.addi %add3A_1859, %scan3A_826 : i32
        %get3A_1861 = arith.index_cast %rem3A_622 : i32 to index
        %get3A_1862 = arith.index_cast %add3A_1860 : i32 to index
        %get3A_1863 = arith.constant 112 : index
        %get3A_1864 = tpu.vector_load %arg8[%get3A_1861, %get3A_1862, %get3A_1863] {strides = array<i32>} : memref<2x272x128xf32, #tpu.memory_space<vmem>>, vector<1x1x16xf32>,
        %get3A_1865 = vector.shape_cast %get3A_1864 : vector<1x1x16xf32> to vector<16xf32>
        %add3A_1866 = arith.addf %add3A_1858, %get3A_1865 : vector<16xf32>
        %add3A_1867 = arith.constant 96 : i32
        %add3A_1868 = arith.addi %add3A_1867, %scan3A_826 : i32
        %get3A_1869 = arith.index_cast %rem3A_622 : i32 to index
        %get3A_1870 = arith.index_cast %add3A_1868 : i32 to index
        %get3A_1871 = arith.constant 112 : index
        %get3A_1872 = tpu.vector_load %arg8[%get3A_1869, %get3A_1870, %get3A_1871] {strides = array<i32>} : memref<2x272x128xf32, #tpu.memory_space<vmem>>, vector<1x1x16xf32>,
        %get3A_1873 = vector.shape_cast %get3A_1872 : vector<1x1x16xf32> to vector<16xf32>
        %add3A_1874 = arith.addf %add3A_1866, %get3A_1873 : vector<16xf32>
        %add3A_1875 = arith.constant 112 : i32
        %add3A_1876 = arith.addi %add3A_1875, %scan3A_826 : i32
        %get3A_1877 = arith.index_cast %rem3A_622 : i32 to index
        %get3A_1878 = arith.index_cast %add3A_1876 : i32 to index
        %get3A_1879 = arith.constant 112 : index
        %get3A_1880 = tpu.vector_load %arg8[%get3A_1877, %get3A_1878, %get3A_1879] {strides = array<i32>} : memref<2x272x128xf32, #tpu.memory_space<vmem>>, vector<1x1x16xf32>,
        %get3A_1881 = vector.shape_cast %get3A_1880 : vector<1x1x16xf32> to vector<16xf32>
        %add3A_1882 = arith.addf %add3A_1874, %get3A_1881 : vector<16xf32>
        %add3A_1883 = arith.constant 128 : i32
        %add3A_1884 = arith.addi %add3A_1883, %scan3A_826 : i32
        %get3A_1885 = arith.index_cast %rem3A_622 : i32 to index
        %get3A_1886 = arith.index_cast %add3A_1884 : i32 to index
        %get3A_1887 = arith.constant 112 : index
        %get3A_1888 = tpu.vector_load %arg8[%get3A_1885, %get3A_1886, %get3A_1887] {strides = array<i32>} : memref<2x272x128xf32, #tpu.memory_space<vmem>>, vector<1x1x16xf32>,
        %get3A_1889 = vector.shape_cast %get3A_1888 : vector<1x1x16xf32> to vector<16xf32>
        %add3A_1890 = arith.addf %add3A_1882, %get3A_1889 : vector<16xf32>
        %add3A_1891 = arith.constant 144 : i32
        %add3A_1892 = arith.addi %add3A_1891, %scan3A_826 : i32
        %get3A_1893 = arith.index_cast %rem3A_622 : i32 to index
        %get3A_1894 = arith.index_cast %add3A_1892 : i32 to index
        %get3A_1895 = arith.constant 112 : index
        %get3A_1896 = tpu.vector_load %arg8[%get3A_1893, %get3A_1894, %get3A_1895] {strides = array<i32>} : memref<2x272x128xf32, #tpu.memory_space<vmem>>, vector<1x1x16xf32>,
        %get3A_1897 = vector.shape_cast %get3A_1896 : vector<1x1x16xf32> to vector<16xf32>
        %add3A_1898 = arith.addf %add3A_1890, %get3A_1897 : vector<16xf32>
        %add3A_1899 = arith.constant 160 : i32
        %add3A_1900 = arith.addi %add3A_1899, %scan3A_826 : i32
        %get3A_1901 = arith.index_cast %rem3A_622 : i32 to index
        %get3A_1902 = arith.index_cast %add3A_1900 : i32 to index
        %get3A_1903 = arith.constant 112 : index
        %get3A_1904 = tpu.vector_load %arg8[%get3A_1901, %get3A_1902, %get3A_1903] {strides = array<i32>} : memref<2x272x128xf32, #tpu.memory_space<vmem>>, vector<1x1x16xf32>,
        %get3A_1905 = vector.shape_cast %get3A_1904 : vector<1x1x16xf32> to vector<16xf32>
        %add3A_1906 = arith.addf %add3A_1898, %get3A_1905 : vector<16xf32>
        %add3A_1907 = arith.constant 176 : i32
        %add3A_1908 = arith.addi %add3A_1907, %scan3A_826 : i32
        %get3A_1909 = arith.index_cast %rem3A_622 : i32 to index
        %get3A_1910 = arith.index_cast %add3A_1908 : i32 to index
        %get3A_1911 = arith.constant 112 : index
        %get3A_1912 = tpu.vector_load %arg8[%get3A_1909, %get3A_1910, %get3A_1911] {strides = array<i32>} : memref<2x272x128xf32, #tpu.memory_space<vmem>>, vector<1x1x16xf32>,
        %get3A_1913 = vector.shape_cast %get3A_1912 : vector<1x1x16xf32> to vector<16xf32>
        %add3A_1914 = arith.addf %add3A_1906, %get3A_1913 : vector<16xf32>
        %add3A_1915 = arith.constant 192 : i32
        %add3A_1916 = arith.addi %add3A_1915, %scan3A_826 : i32
        %get3A_1917 = arith.index_cast %rem3A_622 : i32 to index
        %get3A_1918 = arith.index_cast %add3A_1916 : i32 to index
        %get3A_1919 = arith.constant 112 : index
        %get3A_1920 = tpu.vector_load %arg8[%get3A_1917, %get3A_1918, %get3A_1919] {strides = array<i32>} : memref<2x272x128xf32, #tpu.memory_space<vmem>>, vector<1x1x16xf32>,
        %get3A_1921 = vector.shape_cast %get3A_1920 : vector<1x1x16xf32> to vector<16xf32>
        %add3A_1922 = arith.addf %add3A_1914, %get3A_1921 : vector<16xf32>
        %add3A_1923 = arith.constant 208 : i32
        %add3A_1924 = arith.addi %add3A_1923, %scan3A_826 : i32
        %get3A_1925 = arith.index_cast %rem3A_622 : i32 to index
        %get3A_1926 = arith.index_cast %add3A_1924 : i32 to index
        %get3A_1927 = arith.constant 112 : index
        %get3A_1928 = tpu.vector_load %arg8[%get3A_1925, %get3A_1926, %get3A_1927] {strides = array<i32>} : memref<2x272x128xf32, #tpu.memory_space<vmem>>, vector<1x1x16xf32>,
        %get3A_1929 = vector.shape_cast %get3A_1928 : vector<1x1x16xf32> to vector<16xf32>
        %add3A_1930 = arith.addf %add3A_1922, %get3A_1929 : vector<16xf32>
        %add3A_1931 = arith.constant 224 : i32
        %add3A_1932 = arith.addi %add3A_1931, %scan3A_826 : i32
        %get3A_1933 = arith.index_cast %rem3A_622 : i32 to index
        %get3A_1934 = arith.index_cast %add3A_1932 : i32 to index
        %get3A_1935 = arith.constant 112 : index
        %get3A_1936 = tpu.vector_load %arg8[%get3A_1933, %get3A_1934, %get3A_1935] {strides = array<i32>} : memref<2x272x128xf32, #tpu.memory_space<vmem>>, vector<1x1x16xf32>,
        %get3A_1937 = vector.shape_cast %get3A_1936 : vector<1x1x16xf32> to vector<16xf32>
        %add3A_1938 = arith.addf %add3A_1930, %get3A_1937 : vector<16xf32>
        %add3A_1939 = arith.constant 240 : i32
        %add3A_1940 = arith.addi %add3A_1939, %scan3A_826 : i32
        %get3A_1941 = arith.index_cast %rem3A_622 : i32 to index
        %get3A_1942 = arith.index_cast %add3A_1940 : i32 to index
        %get3A_1943 = arith.constant 112 : index
        %get3A_1944 = tpu.vector_load %arg8[%get3A_1941, %get3A_1942, %get3A_1943] {strides = array<i32>} : memref<2x272x128xf32, #tpu.memory_space<vmem>>, vector<1x1x16xf32>,
        %get3A_1945 = vector.shape_cast %get3A_1944 : vector<1x1x16xf32> to vector<16xf32>
        %add3A_1946 = arith.addf %add3A_1938, %get3A_1945 : vector<16xf32>
        %swap3A_1947 = arith.index_cast %rem3A_622 : i32 to index
        %swap3A_1948 = arith.index_cast %scan3A_826 : i32 to index
        %swap3A_1949 = arith.constant 112 : index
        %swap3A_1950 = tpu.vector_load %arg9[%swap3A_1947, %swap3A_1948, %swap3A_1949] {strides = array<i32>} : memref<2x16x128xf32, #tpu.memory_space<vmem>>, vector<1x1x16xf32>,
        %swap3A_1951 = vector.shape_cast %swap3A_1950 : vector<1x1x16xf32> to vector<16xf32>
        %swap3A_1952 = vector.shape_cast %add3A_1946 : vector<16xf32> to vector<1x1x16xf32>
        tpu.vector_store %arg9[%swap3A_1947, %swap3A_1948, %swap3A_1949], %swap3A_1952 {strides = array<i32>} : memref<2x16x128xf32, #tpu.memory_space<vmem>>, vector<1x1x16xf32>,
      }
      %scan3A_808 = arith.constant 16 : i32
      %rem3A_809 = arith.constant 2 : i32
      %rem3A_810 = arith.remsi %scan3A_620, %rem3A_809 : i32
      %mul3A_811 = arith.constant 16 : i32
      %mul3A_812 = arith.muli %scan3A_620, %mul3A_811 : i32
      %add3A_813 = arith.addi %mul3A_6, %mul3A_812 : i32
      %dma_start3A_814 = arith.constant 0 : i32
      %dma_start3A_815 = arith.constant 0 : i32
      %dma_start3A_816 = tpu.memref_slice %arg9[%rem3A_810, %dma_start3A_814, %dma_start3A_815] : memref<2x16x128xf32, #tpu.memory_space<vmem>> -> memref<1x16x128xf32, #tpu.memory_space<vmem>>
      %dma_start3A_817 = tpu.memref_squeeze %dma_start3A_816 : memref<1x16x128xf32, #tpu.memory_space<vmem>> -> memref<16x128xf32, #tpu.memory_space<vmem>>
      %dma_start3A_818 = arith.constant 0 : i32
      %dma_start3A_819 = tpu.memref_slice %arg5[%add3A_813, %dma_start3A_818] : memref<53248x128xf32, #tpu.memory_space<hbm>> -> memref<16x128xf32, #tpu.memory_space<hbm>>
      %dma_start3A_820 = arith.constant 0 : i32
      %dma_start3A_821 = tpu.memref_slice %arg5[%add3A_813, %dma_start3A_820] : memref<53248x128xf32, #tpu.memory_space<hbm>> -> memref<16x128xf32, #tpu.memory_space<hbm>>
      %dma_start3A_822 = arith.constant 0 : i32
      %dma_start3A_823 = arith.constant 0 : i32
      %dma_start3A_824 = tpu.memref_slice %arg9[%rem3A_810, %dma_start3A_822, %dma_start3A_823] : memref<2x16x128xf32, #tpu.memory_space<vmem>> -> memref<1x16x128xf32, #tpu.memory_space<vmem>>
      %dma_start3A_825 = tpu.memref_squeeze %dma_start3A_824 : memref<1x16x128xf32, #tpu.memory_space<vmem>> -> memref<16x128xf32, #tpu.memory_space<vmem>>
      tpu.enqueue_dma source(%dma_start3A_825 : memref<16x128xf32, #tpu.memory_space<vmem>>) target(%dma_start3A_821 : memref<16x128xf32, #tpu.memory_space<hbm>>) target_semaphore(%arg12 : memref<!tpu.dma_semaphore, #tpu.memory_space<semaphore_mem>>)
    }
    %scan3A_585 = arith.constant 104 : i32
    %rem3A_586 = arith.constant 0 : i32
    %rem3A_587 = arith.constant 2 : i32
    %rem3A_588 = arith.remsi %rem3A_586, %rem3A_587 : i32
    %add3A_589 = arith.constant 0 : i32
    %add3A_590 = arith.addi %mul3A_6, %add3A_589 : i32
    %dma_wait3A_591 = arith.constant 0 : i32
    %dma_wait3A_592 = arith.constant 0 : i32
    %dma_wait3A_593 = tpu.memref_slice %arg9[%rem3A_588, %dma_wait3A_591, %dma_wait3A_592] : memref<2x16x128xf32, #tpu.memory_space<vmem>> -> memref<1x16x128xf32, #tpu.memory_space<vmem>>
    %dma_wait3A_594 = tpu.memref_squeeze %dma_wait3A_593 : memref<1x16x128xf32, #tpu.memory_space<vmem>> -> memref<16x128xf32, #tpu.memory_space<vmem>>
    %dma_wait3A_595 = arith.constant 0 : i32
    %dma_wait3A_596 = tpu.memref_slice %arg5[%add3A_590, %dma_wait3A_595] : memref<53248x128xf32, #tpu.memory_space<hbm>> -> memref<16x128xf32, #tpu.memory_space<hbm>>
    %dma_wait3A_597 = arith.constant 0 : i32
    %dma_wait3A_598 = tpu.memref_slice %arg5[%add3A_590, %dma_wait3A_597] : memref<53248x128xf32, #tpu.memory_space<hbm>> -> memref<16x128xf32, #tpu.memory_space<hbm>>
    %dma_wait3A_599 = arith.constant 0 : i32
    %dma_wait3A_600 = arith.constant 0 : i32
    %dma_wait3A_601 = tpu.memref_slice %arg9[%rem3A_588, %dma_wait3A_599, %dma_wait3A_600] : memref<2x16x128xf32, #tpu.memory_space<vmem>> -> memref<1x16x128xf32, #tpu.memory_space<vmem>>
    %dma_wait3A_602 = tpu.memref_squeeze %dma_wait3A_601 : memref<1x16x128xf32, #tpu.memory_space<vmem>> -> memref<16x128xf32, #tpu.memory_space<vmem>>
    tpu.wait_dma2 semaphore(%arg12 : memref<!tpu.dma_semaphore, #tpu.memory_space<semaphore_mem>>) src(%dma_wait3A_602 : memref<16x128xf32, #tpu.memory_space<vmem>>) dst(%dma_wait3A_598 : memref<16x128xf32, #tpu.memory_space<hbm>>)
    %rem3A_603 = arith.constant 0 : i32
    %rem3A_604 = arith.constant 2 : i32
    %rem3A_605 = arith.remsi %rem3A_603, %rem3A_604 : i32
    %add3A_606 = arith.constant 0 : i32
    %add3A_607 = arith.addi %mul3A_6, %add3A_606 : i32
    %dma_wait3A_608 = arith.constant 0 : i32
    %dma_wait3A_609 = arith.constant 0 : i32
    %dma_wait3A_610 = tpu.memref_slice %arg9[%rem3A_605, %dma_wait3A_608, %dma_wait3A_609] : memref<2x16x128xf32, #tpu.memory_space<vmem>> -> memref<1x16x128xf32, #tpu.memory_space<vmem>>
    %dma_wait3A_611 = tpu.memref_squeeze %dma_wait3A_610 : memref<1x16x128xf32, #tpu.memory_space<vmem>> -> memref<16x128xf32, #tpu.memory_space<vmem>>
    %dma_wait3A_612 = arith.constant 0 : i32
    %dma_wait3A_613 = tpu.memref_slice %arg5[%add3A_607, %dma_wait3A_612] : memref<53248x128xf32, #tpu.memory_space<hbm>> -> memref<16x128xf32, #tpu.memory_space<hbm>>
    %dma_wait3A_614 = arith.constant 0 : i32
    %dma_wait3A_615 = tpu.memref_slice %arg5[%add3A_607, %dma_wait3A_614] : memref<53248x128xf32, #tpu.memory_space<hbm>> -> memref<16x128xf32, #tpu.memory_space<hbm>>
    %dma_wait3A_616 = arith.constant 0 : i32
    %dma_wait3A_617 = arith.constant 0 : i32
    %dma_wait3A_618 = tpu.memref_slice %arg9[%rem3A_605, %dma_wait3A_616, %dma_wait3A_617] : memref<2x16x128xf32, #tpu.memory_space<vmem>> -> memref<1x16x128xf32, #tpu.memory_space<vmem>>
    %dma_wait3A_619 = tpu.memref_squeeze %dma_wait3A_618 : memref<1x16x128xf32, #tpu.memory_space<vmem>> -> memref<16x128xf32, #tpu.memory_space<vmem>>
    tpu.wait_dma2 semaphore(%arg12 : memref<!tpu.dma_semaphore, #tpu.memory_space<semaphore_mem>>) src(%dma_wait3A_619 : memref<16x128xf32, #tpu.memory_space<vmem>>) dst(%dma_wait3A_615 : memref<16x128xf32, #tpu.memory_space<hbm>>)
    return
  }
}

module attributes {stable_mosaic.version = 14 : i64} {
  func.func @_mm_body(%arg0: i32, %arg1: i32, %arg2: memref<1x128x7168xf32, #tpu.memory_space<vmem>>, %arg3: memref<128x128xf32, #tpu.memory_space<vmem>>, %arg4: memref<1x7168x128xf32, #tpu.memory_space<vmem>>) attributes {dimension_semantics = [#tpu.dimension_semantics<arbitrary>, #tpu.dimension_semantics<arbitrary>], iteration_bounds = array<i64: 2, 7>, scalar_prefetch = 0 : i64, scratch_operands = 0 : i64, tpu.core_type = #tpu.core_type<tc>, window_params = [{transform_indices = @transform_0, window_bounds = array<i64: 1, 128, 7168>}, {pipeline_mode = #tpu.pipeline_mode<synchronous>, transform_indices = @transform_1, window_bounds = array<i64: 128, 128>}, {transform_indices = @transform_2, window_bounds = array<i64: 1, 7168, 128>}]} {
    %get3A = arith.constant 0 : index
    %get3A_0 = arith.constant 0 : index
    %get3A_1 = arith.constant 0 : index
    %get3A_2 = vector.load %arg2[%get3A, %get3A_0, %get3A_1] : memref<1x128x7168xf32, #tpu.memory_space<vmem>>, vector<1x128x7168xf32>
    %get3A_3 = vector.shape_cast %get3A_2 : vector<1x128x7168xf32> to vector<128x7168xf32>
    %get3A_4 = arith.constant 0 : index
    %get3A_5 = arith.constant 0 : index
    %get3A_6 = vector.load %arg3[%get3A_4, %get3A_5] : memref<128x128xf32, #tpu.memory_space<vmem>>, vector<128x128xf32>
    %dot_general3A = arith.constant dense<0.000000e+00> : vector<7168x128xf32>
    %dot_general3A_7 = tpu.matmul %get3A_3, %get3A_6, %dot_general3A {dimension_numbers = #tpu.dot_dimension_numbers<[0], [1], [1], [0], [0, 1, 1, 0], [], []>, transpose_lhs_hint = false} : vector<128x7168xf32>, vector<128x128xf32>, vector<7168x128xf32> -> vector<7168x128xf32>
    %swap3A = arith.constant 0 : index
    %swap3A_8 = arith.constant 0 : index
    %swap3A_9 = arith.constant 0 : index
    %swap3A_10 = vector.load %arg4[%swap3A, %swap3A_8, %swap3A_9] : memref<1x7168x128xf32, #tpu.memory_space<vmem>>, vector<1x7168x128xf32>
    %swap3A_11 = vector.shape_cast %swap3A_10 : vector<1x7168x128xf32> to vector<7168x128xf32>
    %swap3A_12 = vector.shape_cast %dot_general3A_7 : vector<7168x128xf32> to vector<1x7168x128xf32>
    tpu.vector_store %arg4[%swap3A, %swap3A_8, %swap3A_9], %swap3A_12 {strides = array<i32>} : memref<1x7168x128xf32, #tpu.memory_space<vmem>>, vector<1x7168x128xf32>,
    %eq3A = arith.constant 6 : i32
    %eq3A_13 = arith.cmpi eq, %arg1, %eq3A : i32
    %convert_element_type3A = arith.extui %eq3A_13 : i1 to i32
    %cond3A = arith.constant 0 : i32
    %cond3A_14 = arith.cmpi ne, %convert_element_type3A, %cond3A : i32
    scf.if %cond3A_14 {
      %broadcast_in_dim3A = arith.constant 0.000000e+00 : f32
      %broadcast_in_dim3A_15 = vector.broadcast %broadcast_in_dim3A : f32 to vector<176x128xf32>
      %swap3A_16 = arith.constant 0 : index
      %swap3A_17 = arith.constant 6992 : index
      %swap3A_18 = arith.constant 0 : index
      %swap3A_19 = vector.load %arg4[%swap3A_16, %swap3A_17, %swap3A_18] : memref<1x7168x128xf32, #tpu.memory_space<vmem>>, vector<1x176x128xf32>
      %swap3A_20 = vector.shape_cast %swap3A_19 : vector<1x176x128xf32> to vector<176x128xf32>
      %swap3A_21 = vector.shape_cast %broadcast_in_dim3A_15 : vector<176x128xf32> to vector<1x176x128xf32>
      tpu.vector_store %arg4[%swap3A_16, %swap3A_17, %swap3A_18], %swap3A_21 {strides = array<i32>} : memref<1x7168x128xf32, #tpu.memory_space<vmem>>, vector<1x176x128xf32>,
    } else {
    }
    return
  }
  func.func @transform_0(%arg0: i32, %arg1: i32) -> (i32, i32, i32) {
    %c0_i32 = arith.constant 0 : i32
    %c0_i32_0 = arith.constant 0 : i32
    return %arg0, %c0_i32, %arg1 : i32, i32, i32
  }
  func.func @transform_1(%arg0: i32, %arg1: i32) -> (i32, i32) {
    %c0_i32 = arith.constant 0 : i32
    %c0_i32_0 = arith.constant 0 : i32
    %c0_i32_1 = arith.constant 0 : i32
    return %c0_i32, %c0_i32_0 : i32, i32
  }
  func.func @transform_2(%arg0: i32, %arg1: i32) -> (i32, i32, i32) {
    %c0_i32 = arith.constant 0 : i32
    %c0_i32_0 = arith.constant 0 : i32
    return %arg0, %arg1, %c0_i32 : i32, i32, i32
  }
}

module attributes {stable_mosaic.version = 14 : i64} {
  func.func @_stats_body(%arg0: i32, %arg1: i32, %arg2: memref<1x5000x128xf32, #tpu.memory_space<vmem>>, %arg3: memref<1x128xf32, #tpu.memory_space<vmem>>, %arg4: memref<1x128xf32, #tpu.memory_space<vmem>>, %arg5: memref<1x128xf32, #tpu.memory_space<vmem>>, %arg6: memref<1x128xf32, #tpu.memory_space<vmem>>, %arg7: memref<8x128xf32, #tpu.memory_space<vmem>>) attributes {dimension_semantics = [#tpu.dimension_semantics<arbitrary>, #tpu.dimension_semantics<arbitrary>], iteration_bounds = array<i64: 2, 5>, scalar_prefetch = 0 : i64, scratch_operands = 1 : i64, tpu.core_type = #tpu.core_type<tc>, window_params = [{transform_indices = @transform_0, window_bounds = array<i64: 1, 5000, 128>}, {pipeline_mode = #tpu.pipeline_mode<synchronous>, transform_indices = @transform_1, window_bounds = array<i64: 1, 128>}, {pipeline_mode = #tpu.pipeline_mode<synchronous>, transform_indices = @transform_2, window_bounds = array<i64: 1, 128>}, {pipeline_mode = #tpu.pipeline_mode<synchronous>, transform_indices = @transform_3, window_bounds = array<i64: 1, 128>}, {pipeline_mode = #tpu.pipeline_mode<synchronous>, transform_indices = @transform_4, window_bounds = array<i64: 1, 128>}]} {
    %eq3A = arith.constant 0 : i32
    %eq3A_0 = arith.cmpi eq, %arg0, %eq3A : i32
    %eq3A_1 = arith.constant 0 : i32
    %eq3A_2 = arith.cmpi eq, %arg1, %eq3A_1 : i32
    %and3A = arith.andi %eq3A_0, %eq3A_2 : i1
    %convert_element_type3A = arith.extui %and3A : i1 to i32
    %cond3A = arith.constant 0 : i32
    %cond3A_3 = arith.cmpi ne, %convert_element_type3A, %cond3A : i32
    scf.if %cond3A_3 {
      %broadcast_in_dim3A_32 = arith.constant 0.000000e+00 : f32
      %broadcast_in_dim3A_33 = vector.broadcast %broadcast_in_dim3A_32 : f32 to vector<8x128xf32>
      %swap3A_34 = arith.constant 0 : index
      %swap3A_35 = arith.constant 0 : index
      %swap3A_36 = vector.load %arg7[%swap3A_34, %swap3A_35] : memref<8x128xf32, #tpu.memory_space<vmem>>, vector<8x128xf32>
      tpu.vector_store %arg7[%swap3A_34, %swap3A_35], %broadcast_in_dim3A_33 {strides = array<i32>} : memref<8x128xf32, #tpu.memory_space<vmem>>, vector<8x128xf32>,
    } else {
    }
    %get3A = arith.constant 0 : index
    %get3A_4 = arith.constant 0 : index
    %get3A_5 = arith.constant 0 : index
    %get3A_6 = vector.load %arg2[%get3A, %get3A_4, %get3A_5] : memref<1x5000x128xf32, #tpu.memory_space<vmem>>, vector<1x5000x128xf32>
    %get3A_7 = vector.shape_cast %get3A_6 : vector<1x5000x128xf32> to vector<5000x128xf32>
    %get3A_8 = arith.constant 0 : index
    %get3A_9 = arith.constant 0 : index
    %get3A_10 = vector.load %arg7[%get3A_8, %get3A_9] : memref<8x128xf32, #tpu.memory_space<vmem>>, vector<1x128xf32>
    %reduce_sum3A = arith.constant dense<0.000000e+00> : vector<128xf32>
    %reduce_sum3A_11 = vector.multi_reduction <add>, %get3A_7, %reduce_sum3A [0] : vector<5000x128xf32> to vector<128xf32>
    %broadcast_in_dim3A = vector.shape_cast %reduce_sum3A_11 : vector<128xf32> to vector<1x128xf32>
    %add3A = arith.addf %get3A_10, %broadcast_in_dim3A : vector<1x128xf32>
    %swap3A = arith.constant 0 : index
    %swap3A_12 = arith.constant 0 : index
    %swap3A_13 = vector.load %arg7[%swap3A, %swap3A_12] : memref<8x128xf32, #tpu.memory_space<vmem>>, vector<1x128xf32>
    tpu.vector_store %arg7[%swap3A, %swap3A_12], %add3A {strides = array<i32>} : memref<8x128xf32, #tpu.memory_space<vmem>>, vector<1x128xf32>,
    %get3A_14 = arith.constant 1 : index
    %get3A_15 = arith.constant 0 : index
    %get3A_16 = vector.load %arg7[%get3A_14, %get3A_15] : memref<8x128xf32, #tpu.memory_space<vmem>>, vector<1x128xf32>
    %mul3A = arith.mulf %get3A_7, %get3A_7 : vector<5000x128xf32>
    %reduce_sum3A_17 = arith.constant dense<0.000000e+00> : vector<128xf32>
    %reduce_sum3A_18 = vector.multi_reduction <add>, %mul3A, %reduce_sum3A_17 [0] : vector<5000x128xf32> to vector<128xf32>
    %broadcast_in_dim3A_19 = vector.shape_cast %reduce_sum3A_18 : vector<128xf32> to vector<1x128xf32>
    %add3A_20 = arith.addf %get3A_16, %broadcast_in_dim3A_19 : vector<1x128xf32>
    %swap3A_21 = arith.constant 1 : index
    %swap3A_22 = arith.constant 0 : index
    %swap3A_23 = vector.load %arg7[%swap3A_21, %swap3A_22] : memref<8x128xf32, #tpu.memory_space<vmem>>, vector<1x128xf32>
    tpu.vector_store %arg7[%swap3A_21, %swap3A_22], %add3A_20 {strides = array<i32>} : memref<8x128xf32, #tpu.memory_space<vmem>>, vector<1x128xf32>,
    %eq3A_24 = arith.constant 1 : i32
    %eq3A_25 = arith.cmpi eq, %arg0, %eq3A_24 : i32
    %eq3A_26 = arith.constant 4 : i32
    %eq3A_27 = arith.cmpi eq, %arg1, %eq3A_26 : i32
    %and3A_28 = arith.andi %eq3A_25, %eq3A_27 : i1
    %convert_element_type3A_29 = arith.extui %and3A_28 : i1 to i32
    %cond3A_30 = arith.constant 0 : i32
    %cond3A_31 = arith.cmpi ne, %convert_element_type3A_29, %cond3A_30 : i32
    scf.if %cond3A_31 {
      %get3A_32 = arith.constant 0 : index
      %get3A_33 = arith.constant 0 : index
      %get3A_34 = vector.load %arg7[%get3A_32, %get3A_33] : memref<8x128xf32, #tpu.memory_space<vmem>>, vector<1x128xf32>
      %div3A = arith.constant 5.000000e+04 : f32
      %div3A_35 = vector.broadcast %div3A : f32 to vector<1x128xf32>
      %div3A_36 = arith.divf %get3A_34, %div3A_35 : vector<1x128xf32>
      %get3A_37 = arith.constant 1 : index
      %get3A_38 = arith.constant 0 : index
      %get3A_39 = vector.load %arg7[%get3A_37, %get3A_38] : memref<8x128xf32, #tpu.memory_space<vmem>>, vector<1x128xf32>
      %div3A_40 = arith.constant 5.000000e+04 : f32
      %div3A_41 = vector.broadcast %div3A_40 : f32 to vector<1x128xf32>
      %div3A_42 = arith.divf %get3A_39, %div3A_41 : vector<1x128xf32>
      %mul3A_43 = arith.mulf %div3A_36, %div3A_36 : vector<1x128xf32>
      %sub3A = arith.subf %div3A_42, %mul3A_43 : vector<1x128xf32>
      %get3A_44 = arith.constant 0 : index
      %get3A_45 = arith.constant 0 : index
      %get3A_46 = vector.load %arg3[%get3A_44, %get3A_45] : memref<1x128xf32, #tpu.memory_space<vmem>>, vector<1x128xf32>
      %add3A_47 = arith.constant 9.99999974E-6 : f32
      %add3A_48 = vector.broadcast %add3A_47 : f32 to vector<1x128xf32>
      %add3A_49 = arith.addf %sub3A, %add3A_48 : vector<1x128xf32>
      %rsqrt3A = math.rsqrt %add3A_49 : vector<1x128xf32>
      %mul3A_50 = arith.mulf %get3A_46, %rsqrt3A : vector<1x128xf32>
      %swap3A_51 = arith.constant 0 : index
      %swap3A_52 = arith.constant 0 : index
      %swap3A_53 = vector.load %arg5[%swap3A_51, %swap3A_52] : memref<1x128xf32, #tpu.memory_space<vmem>>, vector<1x128xf32>
      tpu.vector_store %arg5[%swap3A_51, %swap3A_52], %mul3A_50 {strides = array<i32>} : memref<1x128xf32, #tpu.memory_space<vmem>>, vector<1x128xf32>,
      %get3A_54 = arith.constant 0 : index
      %get3A_55 = arith.constant 0 : index
      %get3A_56 = vector.load %arg4[%get3A_54, %get3A_55] : memref<1x128xf32, #tpu.memory_space<vmem>>, vector<1x128xf32>
      %mul3A_57 = arith.mulf %div3A_36, %mul3A_50 : vector<1x128xf32>
      %sub3A_58 = arith.subf %get3A_56, %mul3A_57 : vector<1x128xf32>
      %swap3A_59 = arith.constant 0 : index
      %swap3A_60 = arith.constant 0 : index
      %swap3A_61 = vector.load %arg6[%swap3A_59, %swap3A_60] : memref<1x128xf32, #tpu.memory_space<vmem>>, vector<1x128xf32>
      tpu.vector_store %arg6[%swap3A_59, %swap3A_60], %sub3A_58 {strides = array<i32>} : memref<1x128xf32, #tpu.memory_space<vmem>>, vector<1x128xf32>,
    } else {
    }
    return
  }
  func.func @transform_0(%arg0: i32, %arg1: i32) -> (i32, i32, i32) {
    %c0_i32 = arith.constant 0 : i32
    %c0_i32_0 = arith.constant 0 : i32
    return %arg0, %arg1, %c0_i32 : i32, i32, i32
  }
  func.func @transform_1(%arg0: i32, %arg1: i32) -> (i32, i32) {
    %c0_i32 = arith.constant 0 : i32
    %c0_i32_0 = arith.constant 0 : i32
    %c0_i32_1 = arith.constant 0 : i32
    return %c0_i32, %c0_i32_0 : i32, i32
  }
  func.func @transform_2(%arg0: i32, %arg1: i32) -> (i32, i32) {
    %c0_i32 = arith.constant 0 : i32
    %c0_i32_0 = arith.constant 0 : i32
    %c0_i32_1 = arith.constant 0 : i32
    return %c0_i32, %c0_i32_0 : i32, i32
  }
  func.func @transform_3(%arg0: i32, %arg1: i32) -> (i32, i32) {
    %c0_i32 = arith.constant 0 : i32
    %c0_i32_0 = arith.constant 0 : i32
    %c0_i32_1 = arith.constant 0 : i32
    return %c0_i32, %c0_i32_0 : i32, i32
  }
  func.func @transform_4(%arg0: i32, %arg1: i32) -> (i32, i32) {
    %c0_i32 = arith.constant 0 : i32
    %c0_i32_0 = arith.constant 0 : i32
    %c0_i32_1 = arith.constant 0 : i32
    return %c0_i32, %c0_i32_0 : i32, i32
  }
}

module attributes {stable_mosaic.version = 14 : i64} {
  func.func @_norm_body(%arg0: i32, %arg1: i32, %arg2: memref<1x2048x128xf32, #tpu.memory_space<vmem>>, %arg3: memref<1x128xf32, #tpu.memory_space<vmem>>, %arg4: memref<1x128xf32, #tpu.memory_space<vmem>>, %arg5: memref<1x128x2048xf32, #tpu.memory_space<vmem>>) attributes {dimension_semantics = [#tpu.dimension_semantics<arbitrary>, #tpu.dimension_semantics<arbitrary>], iteration_bounds = array<i64: 2, 13>, scalar_prefetch = 0 : i64, scratch_operands = 0 : i64, tpu.core_type = #tpu.core_type<tc>, window_params = [{transform_indices = @transform_0, window_bounds = array<i64: 1, 2048, 128>}, {pipeline_mode = #tpu.pipeline_mode<synchronous>, transform_indices = @transform_1, window_bounds = array<i64: 1, 128>}, {pipeline_mode = #tpu.pipeline_mode<synchronous>, transform_indices = @transform_2, window_bounds = array<i64: 1, 128>}, {transform_indices = @transform_3, window_bounds = array<i64: 1, 128, 2048>}]} {
    %get3A = arith.constant 0 : index
    %get3A_0 = arith.constant 0 : index
    %get3A_1 = arith.constant 0 : index
    %get3A_2 = vector.load %arg2[%get3A, %get3A_0, %get3A_1] : memref<1x2048x128xf32, #tpu.memory_space<vmem>>, vector<1x2048x128xf32>
    %get3A_3 = vector.shape_cast %get3A_2 : vector<1x2048x128xf32> to vector<2048x128xf32>
    %get3A_4 = arith.constant 0 : index
    %get3A_5 = arith.constant 0 : index
    %get3A_6 = vector.load %arg3[%get3A_4, %get3A_5] : memref<1x128xf32, #tpu.memory_space<vmem>>, vector<1x128xf32>
    %mul3A = vector.broadcast %get3A_6 : vector<1x128xf32> to vector<2048x128xf32>
    %mul3A_7 = arith.mulf %get3A_3, %mul3A : vector<2048x128xf32>
    %get3A_8 = arith.constant 0 : index
    %get3A_9 = arith.constant 0 : index
    %get3A_10 = vector.load %arg4[%get3A_8, %get3A_9] : memref<1x128xf32, #tpu.memory_space<vmem>>, vector<1x128xf32>
    %add3A = vector.broadcast %get3A_10 : vector<1x128xf32> to vector<2048x128xf32>
    %add3A_11 = arith.addf %mul3A_7, %add3A : vector<2048x128xf32>
    %max3A = arith.constant 0.000000e+00 : f32
    %max3A_12 = vector.broadcast %max3A : f32 to vector<2048x128xf32>
    %max3A_13 = arith.maximumf %add3A_11, %max3A_12 : vector<2048x128xf32>
    %transpose3A = tpu.transpose %max3A_13, [1, 0] : vector<2048x128xf32> -> vector<128x2048xf32>
    %swap3A = arith.constant 0 : index
    %swap3A_14 = arith.constant 0 : index
    %swap3A_15 = arith.constant 0 : index
    %swap3A_16 = vector.load %arg5[%swap3A, %swap3A_14, %swap3A_15] : memref<1x128x2048xf32, #tpu.memory_space<vmem>>, vector<1x128x2048xf32>
    %swap3A_17 = vector.shape_cast %swap3A_16 : vector<1x128x2048xf32> to vector<128x2048xf32>
    %swap3A_18 = vector.shape_cast %transpose3A : vector<128x2048xf32> to vector<1x128x2048xf32>
    tpu.vector_store %arg5[%swap3A, %swap3A_14, %swap3A_15], %swap3A_18 {strides = array<i32>} : memref<1x128x2048xf32, #tpu.memory_space<vmem>>, vector<1x128x2048xf32>,
    return
  }
  func.func @transform_0(%arg0: i32, %arg1: i32) -> (i32, i32, i32) {
    %c0_i32 = arith.constant 0 : i32
    %c0_i32_0 = arith.constant 0 : i32
    return %arg0, %arg1, %c0_i32 : i32, i32, i32
  }
  func.func @transform_1(%arg0: i32, %arg1: i32) -> (i32, i32) {
    %c0_i32 = arith.constant 0 : i32
    %c0_i32_0 = arith.constant 0 : i32
    %c0_i32_1 = arith.constant 0 : i32
    return %c0_i32, %c0_i32_0 : i32, i32
  }
  func.func @transform_2(%arg0: i32, %arg1: i32) -> (i32, i32) {
    %c0_i32 = arith.constant 0 : i32
    %c0_i32_0 = arith.constant 0 : i32
    %c0_i32_1 = arith.constant 0 : i32
    return %c0_i32, %c0_i32_0 : i32, i32
  }
  func.func @transform_3(%arg0: i32, %arg1: i32) -> (i32, i32, i32) {
    %c0_i32 = arith.constant 0 : i32
    %c0_i32_0 = arith.constant 0 : i32
    return %arg0, %c0_i32, %arg1 : i32, i32, i32
  }
}

</mosaic_0001>

<sc_bundles>
// kernel: kernel.6.cloned.1.call-start
scs
__scs_entry_jumppad:
0x0: {  	(pc) =	sbr.rel $0x88, $3  }
0x1: {  	(tag) =	ssettag $0x0;
	lr =	simm.s32 $0x1  }
0x2: {  	[smem:$0x3F9B] =	sst lr;
	_ =	strace $0xD0000000  }
0x3: {  	_ = 	snop  }
0x4: {  	_ = 	snop  }
0x5: {  	_ = 	snop  }
0x6: {  	_ = 	snop  }
0x7: {  	_ = 	snop  }
__scs_overlays_trampoline_lowered:
0x8: {  	[smem:$0x3FAA] =	sst s0  }
0x9: {  	[smem:$0x3FAB] =	sst s1  }
0xa: {  	[smem:$0x3FAC] =	sst s2  }
0xb: {  	[smem:$0x3FAD] =	sst s3  }
0xc: {  	[smem:$0x3FAE] =	sst s4  }
0xd: {  	[smem:$0x3FAF] =	sst s5  }
0xe: {  	[smem:$0x3FB0] =	sst s6  }
0xf: {  	[smem:$0x3FB1] =	sst s7  }
0x10: {  	[smem:$0x3FB2] =	sst s8  }
0x11: {  	[smem:$0x3FB3] =	sst s9;
	s0 =	simm.s32 @!p0 $0x0  }
0x12: {  	s1 =	sld [smem:$0x3F99];
	s0 =	simm.s32 @p0 $0x1  }
0x13: {  	[smem:$0x3FB4] =	sst s0;
	s0 =	simm.s32 @!p1 $0x0  }
0x14: {  	s2 =	sld [smem:$0x3F98];
	s0 =	simm.s32 @p1 $0x1  }
0x15: {  	[smem:$0x3FB5] =	sst s0;
	s0 =	simm.s32 @!p2 $0x0  }
0x16: {  	s3 =	sld [smem:$0x3FDB];
	s0 =	simm.s32 @p2 $0x1  }
0x17: {  	s4 =	simm.s32 $0x1BF5;
	[smem:$0x3FB7] =	sst s0  }
0x18: {  	s0 =	sld [smem:$0x3F9A];
	_ =	swait.ge [sflag:s4], $0x0  }
0x19: {  	s7 =	sld [smem:$0x3F9B]  }
0x1a: {  	s8 =	sadd.s32 $0xFFFFE003, lr  }
0x1b: {  	s9 =	sadd.s32 $0xFFFFFEF7, lr;
	s5 =	simm.s32 $0xFFFFFFFF;
	p2 =	slt.u32 s8, $0xFFFFF086  }
0x1c: {  	p1 =	slt.u32 s9, $0xF7A;
	s5 =	simm.s32 @!p2 $0x0  }
0x1d: {  	s5 =	simm.s32 @p1 $0x1;
	p0 =	seq.s32 s7, s2  }
0x1e: {  	s7 =	smul.u32 @!p0 $0xF7A, s2;
	p2 =	seq.s32 @!p0 s5, $0x0  }
0x1f: {  	s9 =	smul.u32 $0xF7A, s1;
	s8 =	simm.s32 @!p0 $0x1BF5;
	p2 =	por !p2, p0  }
0x20: {  	[sflag:s8] =	ssyncset.s32 @!p0 $0xFFFFF086;
	s6 =	sadd.s32 @!p0 s3, s7;
	s7 =	simm.s32 @!p0 $0x108  }
0x21: {  	s3 =	sadd.s32 s3, s9;
	s6 =	sadd.s32 @!p0 $0x88, s6;
	s7 =	simm.s32 @p2 $0x1082  }
0x22: {  	[simem:s7], [sflag:s8] =	dma.local @!p0 [hbm:s6], $0xF7A  }
0x23: {  	s9 =	sor.u32 $0xD0000000, s2;
	s6 =	simm.s32 $0x108;
	_ =	swait.ge @!p0 [sflag:s8], $0x0  }
0x24: {  	s3 =	sadd.s32 $0x88, s3;
	s6 =	simm.s32 @!p1 $0x1082;
	[sflag:s4] =	ssyncset.s32 $0xFFFFF086  }
0x25: {  	[simem:s6], [sflag:s4] =	dma.local [hbm:s3], $0xF7A  }
0x26: {  	[smem:$0x3F9B] =	sst s1;
	(tag) =	ssettag s2;
	_ =	strace s9  }
0x27: {  	s1 =	sld [smem:$0x3FAB]  }
0x28: {  	s2 =	sld [smem:$0x3FAC]  }
0x29: {  	s4 =	sld [smem:$0x3FAE]  }
0x2a: {  	p0 =	seq.s32 s5, $0x0;
	s5 =	sld [smem:$0x3FAF]  }
0x2b: {  	s6 =	sld [smem:$0x3FB0]  }
0x2c: {  	s7 =	sld [smem:$0x3FB1]  }
0x2d: {  	s3 =	simm.s32 $0x108;
	s8 =	sld [smem:$0x3FB2]  }
0x2e: {  	s3 =	simm.s32 @!p0 $0x1082;
	s9 =	sld [smem:$0x3FB3]  }
0x2f: {  	lr =	sadd.s32 s0, s3;
	s0 =	sld [smem:$0x3FAA]  }
0x30: {  	s3 =	sld [smem:$0x3FAD]  }
0x31: {  	[smem:$0x3FB6] =	sst s10  }
0x32: {  	s10 =	sld [smem:$0x3FB4];
	_ =	sdelay $0x3  }
0x33: {  	p0 =	seq.s32 s10, $0x1;
	s10 =	sld [smem:$0x3FB6];
	_ =	sdelay $0x3  }
0x34: {  	[smem:$0x3FB6] =	sst s10  }
0x35: {  	s10 =	sld [smem:$0x3FB5];
	_ =	sdelay $0x3  }
0x36: {  	p1 =	seq.s32 s10, $0x1;
	s10 =	sld [smem:$0x3FB6];
	_ =	sdelay $0x3  }
0x37: {  	[smem:$0x3FB6] =	sst s10  }
0x38: {  	s10 =	sld [smem:$0x3FB7]  }
0x39: {  	_ = 	snop;
	(pc) =	sbr.ind lr, $3  }
0x3a: {  	_ = 	snop  }
0x3b: {  	_ = 	snop  }
0x3c: {  	p2 =	seq.s32 s10, $0x1;
	s10 =	sld [smem:$0x3FB6]  }
0x3d: {  	_ =	shalt  }
0x3e: {  	_ =	shalt  }
0x3f: {  	_ =	shalt  }
0x40: {  	_ =	shalt  }
0x41: {  	_ =	shalt  }
0x42: {  	_ =	shalt  }
0x43: {  	_ =	shalt  }
0x44: {  	_ =	shalt  }
0x45: {  	_ =	shalt  }
0x46: {  	_ =	shalt  }
0x47: {  	_ =	shalt  }
0x48: {  	_ =	shalt  }
0x49: {  	_ =	shalt  }
0x4a: {  	_ =	shalt  }
0x4b: {  	_ =	shalt  }
0x4c: {  	_ =	shalt  }
0x4d: {  	_ =	shalt  }
0x4e: {  	_ =	shalt  }
0x4f: {  	_ =	shalt  }
0x50: {  	_ =	shalt  }
0x51: {  	_ =	shalt  }
0x52: {  	_ =	shalt  }
0x53: {  	_ =	shalt  }
0x54: {  	_ =	shalt  }
0x55: {  	_ =	shalt  }
0x56: {  	_ =	shalt  }
0x57: {  	_ =	shalt  }
0x58: {  	_ =	shalt  }
0x59: {  	_ =	shalt  }
0x5a: {  	_ =	shalt  }
0x5b: {  	_ =	shalt  }
0x5c: {  	_ =	shalt  }
0x5d: {  	_ =	shalt  }
0x5e: {  	_ =	shalt  }
0x5f: {  	_ =	shalt  }
0x60: {  	_ =	shalt  }
0x61: {  	_ =	shalt  }
0x62: {  	_ =	shalt  }
0x63: {  	_ =	shalt  }
0x64: {  	_ =	shalt  }
0x65: {  	_ =	shalt  }
0x66: {  	_ =	shalt  }
0x67: {  	_ =	shalt  }
0x68: {  	_ =	shalt  }
0x69: {  	_ =	shalt  }
0x6a: {  	_ =	shalt  }
0x6b: {  	_ =	shalt  }
0x6c: {  	_ =	shalt  }
0x6d: {  	_ =	shalt  }
0x6e: {  	_ =	shalt  }
0x6f: {  	_ =	shalt  }
0x70: {  	_ =	shalt  }
0x71: {  	_ =	shalt  }
0x72: {  	_ =	shalt  }
0x73: {  	_ =	shalt  }
0x74: {  	_ =	shalt  }
0x75: {  	_ =	shalt  }
0x76: {  	_ =	shalt  }
0x77: {  	_ =	shalt  }
0x78: {  	_ =	shalt  }
0x79: {  	_ =	shalt  }
0x7a: {  	_ =	shalt  }
0x7b: {  	_ =	shalt  }
0x7c: {  	_ =	shalt  }
0x7d: {  	_ =	shalt  }
0x7e: {  	_ =	shalt  }
0x7f: {  	_ =	shalt  }
0x80: {  	_ =	shalt  }
0x81: {  	_ =	shalt  }
0x82: {  	_ =	shalt  }
0x83: {  	_ =	shalt  }
0x84: {  	_ =	shalt  }
0x85: {  	_ =	shalt  }
0x86: {  	_ =	shalt  }
0x87: {  	_ =	shalt  }
.Lfunc_end0:
.L_simem_size_0:
called_computation_lowered:
.L_overlay_start_0:
0x88: {  	s2 =	sld [smem:$0x3FD9]  }
0x89: {  	s3 =	sld [smem:$0x3FFE];
	_ =	sdelay $0x1  }
0x8a: {  	s1 =	srdreg.scid  }
0x8b: {  	s0 =	sand.u32 $0x1, s1  }
0x8c: {  	s17 =	sshll.u32 s0, $0xA;
	s2 =	sadd.s32 s3, s2  }
0x8d: {  	s2 =	sadd.s32 s2, s17  }
0x8e: {  	[smem:$0x3FC2] =	sst s2  }
0x8f: {  	_ = 	snop  }
0x90: {  	s2 =	sld [smem:$0x3FD0];
	(tm) =	ssettm $0x1  }
0x91: {  	s18 =	sld [smem:$0x3FFB];
	_ =	sdelay $0x3  }
0x92: {  	_ =	strace s18  }
0x93: {  	s3 =	sld [smem:$0x3FFC];
	_ =	sdelay $0x3  }
0x94: {  	_ =	strace s3  }
0x95: {  	s3 =	sld [smem:$0x3FFD];
	_ =	sdelay $0x3  }
0x96: {  	_ =	strace s3  }
0x97: {  	_ =	strace $0x8FFFFFFF  }
0x98: {  	s19 =	sld [smem:$0x3FDB];
	_ =	sdelay $0x1  }
0x99: {  	s4 =	simm.s32 $_scs_section_size  }
0x9a: {  	s5 =	simm.s32 $_size__tile_overlayer_lowered;
	s6 =	simm.s32 $_tile_overlayer_lowered  }
0x9b: {  	s22 =	simm.s32 $0x1BFF;
	s21 =	sshll.u32 s6, $0x1;
	s3 =	sadd.s32 s4, s19  }
0x9c: {  	s7 =	simm.s32 $0x0;
	s20 =	sshll.u32 s5, $0x1;
	s5 =	sadd.s32 s21, s3  }
0x9d: {  	[timem:s7], [sflag:s22] =	dma.local [hbm:s5], s20  }
0x9e: {  	_ =	swait.ge [sflag:s22], s20  }
0x9f: {  	s4 =	ssub.s32 $0x0, s20;
	[sflag:s22] =	ssyncset.done $0x0  }
0xa0: {  	[sflag:s22] =	ssyncadd.s32 s4;
	_ =	sdelay $0x1  }
0xa1: {  	s23 =	simm.s32 $0x1B8B  }
0xa2: {  	_ =	swait.ge [sflag:s23], $0x1  }
0xa3: {  	[sflag:s23] =	ssyncset.done $0x0  }
0xa4: {  	s25 =	simm.s32 $0x1B8E;
	s24 =	sld [smem:$0x3FFE];
	[sflag:s23] =	ssyncadd.s32 $0xFFFFFFFF  }
0xa5: {  	s26 =	simm.s32 $execute0_lowered;
	[smem:$0x3FD2] =	sst s25  }
0xa6: {  	s5 =	sshll.u32 s26, $0x1;
	_ =	strace $0x80000046;
	[dreg:$0x1] =	wrdreg $0xFFFFFFFF  }
0xa7: {  	s28 =	simm.s32 $_size_execute0_lowered;
	s3 =	sadd.s32 s3, s5;
	[dreg:$0x0] =	wrdreg $0x0  }
0xa8: {  	s5 =	sshll.u32 s28, $0x1;
	[dreg:$0x2] =	wrdreg s3  }
0xa9: {  	[dreg:$0x3] =	wrdreg s5  }
0xaa: {  	[dreg:$0x4] =	wrdreg $0xC0  }
0xab: {  	_ =	task [dreg:s7], $0x5FFFF  }
0xac: {  	[dreg:$0x1] =	wrdreg $0xFFFFFFFF  }
0xad: {  	[dreg:$0x0] =	wrdreg $0x60  }
0xae: {  	[dreg:$0x2] =	wrdreg s24  }
0xaf: {  	[dreg:$0x3] =	wrdreg s2  }
0xb0: {  	[dreg:$0x4] =	wrdreg $0x9  }
0xb1: {  	_ =	task.clear_ibuf [dreg:s7], $0x5FFFF;
	_ =	strace $0x90000046  }
0xb2: {  	s29 =	simm.s32 $0x9;
	_ =	strace $0x80000048  }
0xb3: {  	_ =	swait.ge [sflag:s29], $0x1  }
0xb4: {  	[sflag:s29] =	ssyncadd.s32 $0xFFFFFFFF  }
0xb5: {  	_ =	strace $0x90000048  }
0xb6: {  	_ =	sfence  }
0xb7: {  	s30 =	sld [smem:$0x0];
	_ =	sdelay $0x2  }
0xb8: {  	s31 =	sshll.u32 s1, $0xD;
	s1 =	sshrl.u32 s1, $0x2  }
0xb9: {  	s3 =	sand.u32 $0x4000, s31;
	s1 =	sadd.s32 s1, s30  }
0xba: {  	s0 =	sor.u32 s3, s0;
	s1 =	sshll.u32 s1, $0x11  }
0xbb: {  	s0 =	sor.u32 s1, s0  }
0xbc: {  	s0 =	sadd.s32 $0x8F2B, s0  }
0xbd: {  	[sflag:s0] =	ssyncadd.remote.s32 $0x1  }
0xbe: {  	_ =	sfence.sel $0xFFFF  }
0xbf: {  	[dreg:$0x0] =	wrdreg $0xFFFFFFFF;
	(pc) =	sbr.abs _section_cstart, $3  }
0xc0: {  	[dreg:$0x1] =	wrdreg $0xFFFFFFFF  }
0xc1: {  	_ =	task.clear_ibuf [dreg:s7], $0x2FFFF;
	_ =	strace $0x9FFFFFFF  }
0xc2: {  	(tm) =	ssettm $0x7FFFFFFF  }
0xc3: {  	_ =	shalt  }
tec
execute0_lowered:
.L_overlay_start_1:
0x0: {  	(tag) =	ssettag $0x1  }
0x1: {  	s1 =	srdreg.scid;
	s8 =	stileid.u32  }
0x2: {  	s4 =	rddreg [dreg:$0x0];
	s5 =	sand.u32 $0x1, s1;
	s26 =	sshll.u32 s8, $0x1  }
0x3: {  	s0 =	rddreg [dreg:$0x1];
	s2 =	simm.s32 $0x0;
	s1 =	sor.u32 s5, s26  }
0x4: {  	[smem:$0x7FF] =	sst s2;
	s6 =	smul.u32 $0xD0, s1;
	s3 =	sand.u32 $0xF, s1  }
0x5: {  	s8 =	sshll.u32 s8, $0x4;
	_ =	strace $0x80000047;
	s7 =	smul.u32 $0xD00, s3  }
0x6: {  	s5 =	ssub.s32 $0x2, s5;
	s8 =	sand.u32 $0x80, s8;
	s6 =	sadd.s32 s6, s4  }
0x7: {  	s9 =	sshrl.u32 s5, $0x1;
	s19 =	sor.u32 s8, s7;
	s6 =	sadd.s32 $0x188200, s6  }
0x8: {  	s5 =	ssub.s32 s5, s9;
	s7 =	sshrl.u32 s19, $0x3;
	[dreg:$0x3] =	wrdreg s6  }
0x9: {  	s28 =	sadd.s32 $0xD000, s19;
	s8 =	sadd.s32 $0x1A000, s19;
	s29 =	sadd.s32 $0x27000, s19  }
0xa: {  	s10 =	sadd.s32 $0x34000, s19;
	s11 =	sadd.s32 $0x41000, s19;
	s12 =	sadd.s32 $0x4E000, s19  }
0xb: {  	s13 =	sadd.s32 $0x5B000, s19;
	s14 =	sadd.s32 $0x68000, s19;
	s15 =	sadd.s32 $0x75000, s19  }
0xc: {  	s16 =	sadd.s32 $0x82000, s19;
	s17 =	sadd.s32 $0x8F000, s19;
	s22 =	sadd.s32 $0xC3000, s19  }
0xd: {  	s31 =	sshrl.u32 s22, $0x3;
	s22 =	smul.u32 $0x34000, s1;
	s1 =	smax.u32 s5, $0x1  }
0xe: {  	s18 =	sadd.s32 $0x9C000, s19;
	s6 =	sadd.s32 s0, s7;
	[dreg:$0x7] =	wrdreg s1  }
0xf: {  	s20 =	sadd.s32 $0xA9000, s19;
	s5 =	sadd.s32 $0x20, s6;
	[dreg:$0x4] =	wrdreg s6  }
0x10: {  	s21 =	sadd.s32 $0xB6000, s19;
	s23 =	sadd.s32 $0x40, s6;
	[dreg:$0x8] =	wrdreg s5  }
0x11: {  	s7 =	sshrl.u32 s28, $0x3;
	s24 =	sadd.s32 $0x60, s6;
	[dreg:$0x9] =	wrdreg s23  }
0x12: {  	s9 =	sshrl.u32 s29, $0x3;
	s25 =	sadd.s32 $0x80, s6;
	[dreg:$0xa] =	wrdreg s24  }
0x13: {  	s20 =	sshrl.u32 s20, $0x3;
	s26 =	sadd.s32 $0xA0, s6;
	[dreg:$0xb] =	wrdreg s25  }
0x14: {  	s30 =	sshrl.u32 s21, $0x3;
	s28 =	sadd.s32 $0xC0, s6;
	[dreg:$0xc] =	wrdreg s26  }
0x15: {  	s19 =	sadd.s32 s0, s20;
	s29 =	sadd.s32 $0xE0, s6;
	[dreg:$0xd] =	wrdreg s28  }
0x16: {  	s20 =	sadd.s32 s0, s30;
	s30 =	sadd.s32 $0x100, s6;
	[dreg:$0xe] =	wrdreg s29  }
0x17: {  	s21 =	sadd.s32 s0, s31;
	s31 =	sadd.s32 $0x120, s6;
	[dreg:$0xf] =	wrdreg s30  }
0x18: {  	s1 =	sadd.s32 $0x140, s6;
	[dreg:$0x10] =	wrdreg s31  }
0x19: {  	s8 =	sshrl.u32 s8, $0x3;
	s7 =	sadd.s32 s0, s7;
	[dreg:$0x11] =	wrdreg s1  }
0x1a: {  	s8 =	sadd.s32 s0, s8;
	[dreg:$0x5] =	wrdreg s7  }
0x1b: {  	s10 =	sshrl.u32 s10, $0x3;
	s9 =	sadd.s32 s0, s9;
	[dreg:$0x6] =	wrdreg s8  }
0x1c: {  	s11 =	sshrl.u32 s11, $0x3;
	s10 =	sadd.s32 s0, s10;
	[smem:$0x764] =	sst s9  }
0x1d: {  	s12 =	sshrl.u32 s12, $0x3;
	s11 =	sadd.s32 s0, s11;
	[smem:$0x771] =	sst s10  }
0x1e: {  	s13 =	sshrl.u32 s13, $0x3;
	s12 =	sadd.s32 s0, s12;
	[smem:$0x77E] =	sst s11  }
0x1f: {  	s14 =	sshrl.u32 s14, $0x3;
	s13 =	sadd.s32 s0, s13;
	[smem:$0x78B] =	sst s12  }
0x20: {  	s15 =	sshrl.u32 s15, $0x3;
	s14 =	sadd.s32 s0, s14;
	[smem:$0x798] =	sst s13  }
0x21: {  	s16 =	sshrl.u32 s16, $0x3;
	s15 =	sadd.s32 s0, s15;
	[smem:$0x7A5] =	sst s14  }
0x22: {  	s17 =	sshrl.u32 s17, $0x3;
	s16 =	sadd.s32 s0, s16;
	[smem:$0x7B2] =	sst s15  }
0x23: {  	s17 =	sadd.s32 s0, s17;
	[smem:$0x7BF] =	sst s16  }
0x24: {  	s5 =	sadd.s32 $0x160, s6;
	[smem:$0x7CC] =	sst s17  }
0x25: {  	s6 =	sadd.s32 $0x180, s6;
	[dreg:$0x12] =	wrdreg s5  }
0x26: {  	s23 =	sadd.s32 $0x20, s7;
	[dreg:$0x13] =	wrdreg s6  }
0x27: {  	s24 =	sadd.s32 $0x40, s7;
	[dreg:$0x14] =	wrdreg s23  }
0x28: {  	s25 =	sadd.s32 $0x60, s7;
	[dreg:$0x15] =	wrdreg s24  }
0x29: {  	s26 =	sadd.s32 $0x80, s7;
	[dreg:$0x16] =	wrdreg s25  }
0x2a: {  	s28 =	sadd.s32 $0xA0, s7;
	[dreg:$0x17] =	wrdreg s26  }
0x2b: {  	s29 =	sadd.s32 $0xC0, s7;
	[dreg:$0x18] =	wrdreg s28  }
0x2c: {  	s30 =	sadd.s32 $0xE0, s7;
	[dreg:$0x19] =	wrdreg s29  }
0x2d: {  	s31 =	sadd.s32 $0x100, s7;
	[dreg:$0x1a] =	wrdreg s30  }
0x2e: {  	s1 =	sadd.s32 $0x120, s7;
	[dreg:$0x1b] =	wrdreg s31  }
0x2f: {  	[dreg:$0x1c] =	wrdreg s1;
	s5 =	sadd.s32 $0x140, s7  }
0x30: {  	s6 =	sadd.s32 $0x160, s7;
	[dreg:$0x1d] =	wrdreg s5  }
0x31: {  	s7 =	sadd.s32 $0x180, s7;
	[dreg:$0x1e] =	wrdreg s6  }
0x32: {  	s23 =	sadd.s32 $0x20, s8;
	[dreg:$0x1f] =	wrdreg s7  }
0x33: {  	s24 =	sadd.s32 $0x40, s8;
	[smem:$0x74D] =	sst s23  }
0x34: {  	s25 =	sadd.s32 $0x60, s8;
	[smem:$0x74E] =	sst s24  }
0x35: {  	s26 =	sadd.s32 $0x80, s8;
	[smem:$0x74F] =	sst s25  }
0x36: {  	s28 =	sadd.s32 $0xA0, s8;
	[smem:$0x750] =	sst s26  }
0x37: {  	s29 =	sadd.s32 $0xC0, s8;
	[smem:$0x751] =	sst s28  }
0x38: {  	s30 =	sadd.s32 $0xE0, s8;
	[smem:$0x752] =	sst s29  }
0x39: {  	s31 =	sadd.s32 $0x100, s8;
	[smem:$0x753] =	sst s30  }
0x3a: {  	s1 =	sadd.s32 $0x120, s8;
	[smem:$0x754] =	sst s31  }
0x3b: {  	[smem:$0x755] =	sst s1;
	s5 =	sadd.s32 $0x140, s8  }
0x3c: {  	s6 =	sadd.s32 $0x160, s8;
	[smem:$0x756] =	sst s5  }
0x3d: {  	s7 =	sadd.s32 $0x180, s8;
	[smem:$0x757] =	sst s6  }
0x3e: {  	s8 =	sadd.s32 $0x20, s9;
	[smem:$0x758] =	sst s7  }
0x3f: {  	s23 =	sadd.s32 $0x40, s9;
	[smem:$0x759] =	sst s8  }
0x40: {  	s24 =	sadd.s32 $0x60, s9;
	[smem:$0x75A] =	sst s23  }
0x41: {  	s25 =	sadd.s32 $0x80, s9;
	[smem:$0x75B] =	sst s24  }
0x42: {  	s26 =	sadd.s32 $0xA0, s9;
	[smem:$0x75C] =	sst s25  }
0x43: {  	s28 =	sadd.s32 $0xC0, s9;
	[smem:$0x75D] =	sst s26  }
0x44: {  	s29 =	sadd.s32 $0xE0, s9;
	[smem:$0x75E] =	sst s28  }
0x45: {  	s30 =	sadd.s32 $0x100, s9;
	[smem:$0x75F] =	sst s29  }
0x46: {  	s31 =	sadd.s32 $0x120, s9;
	[smem:$0x760] =	sst s30  }
0x47: {  	s1 =	sadd.s32 $0x140, s9;
	[smem:$0x761] =	sst s31  }
0x48: {  	[smem:$0x762] =	sst s1;
	s5 =	sadd.s32 $0x160, s9  }
0x49: {  	s6 =	sadd.s32 $0x180, s9;
	[smem:$0x763] =	sst s5  }
0x4a: {  	s7 =	sadd.s32 $0x20, s10;
	[smem:$0x765] =	sst s6  }
0x4b: {  	s8 =	sadd.s32 $0x40, s10;
	[smem:$0x766] =	sst s7  }
0x4c: {  	s9 =	sadd.s32 $0x60, s10;
	[smem:$0x767] =	sst s8  }
0x4d: {  	s23 =	sadd.s32 $0x80, s10;
	[smem:$0x768] =	sst s9  }
0x4e: {  	s24 =	sadd.s32 $0xA0, s10;
	[smem:$0x769] =	sst s23  }
0x4f: {  	s25 =	sadd.s32 $0xC0, s10;
	[smem:$0x76A] =	sst s24  }
0x50: {  	s26 =	sadd.s32 $0xE0, s10;
	[smem:$0x76B] =	sst s25  }
0x51: {  	s28 =	sadd.s32 $0x100, s10;
	[smem:$0x76C] =	sst s26  }
0x52: {  	s29 =	sadd.s32 $0x120, s10;
	[smem:$0x76D] =	sst s28  }
0x53: {  	s30 =	sadd.s32 $0x140, s10;
	[smem:$0x76E] =	sst s29  }
0x54: {  	s31 =	sadd.s32 $0x160, s10;
	[smem:$0x76F] =	sst s30  }
0x55: {  	s1 =	sadd.s32 $0x180, s10;
	[smem:$0x770] =	sst s31  }
0x56: {  	s10 =	sadd.s32 $0xC0, s11;
	[smem:$0x772] =	sst s1  }
0x57: {  	s5 =	sadd.s32 $0x20, s11;
	[smem:$0x778] =	sst s10  }
0x58: {  	s6 =	sadd.s32 $0x40, s11;
	[smem:$0x773] =	sst s5  }
0x59: {  	s7 =	sadd.s32 $0x60, s11;
	[smem:$0x774] =	sst s6  }
0x5a: {  	s8 =	sadd.s32 $0x80, s11;
	[smem:$0x775] =	sst s7  }
0x5b: {  	s9 =	sadd.s32 $0xA0, s11;
	[smem:$0x776] =	sst s8  }
0x5c: {  	s23 =	sadd.s32 $0xE0, s11;
	[smem:$0x777] =	sst s9  }
0x5d: {  	s24 =	sadd.s32 $0x100, s11;
	[smem:$0x779] =	sst s23  }
0x5e: {  	s25 =	sadd.s32 $0x120, s11;
	[smem:$0x77A] =	sst s24  }
0x5f: {  	s26 =	sadd.s32 $0x140, s11;
	[smem:$0x77B] =	sst s25  }
0x60: {  	s28 =	sadd.s32 $0x160, s11;
	[smem:$0x77C] =	sst s26  }
0x61: {  	s29 =	sadd.s32 $0x180, s11;
	[smem:$0x77D] =	sst s28  }
0x62: {  	s30 =	sadd.s32 $0x20, s12;
	[smem:$0x77F] =	sst s29  }
0x63: {  	s31 =	sadd.s32 $0x40, s12;
	[smem:$0x780] =	sst s30  }
0x64: {  	s1 =	sadd.s32 $0x60, s12;
	[smem:$0x781] =	sst s31  }
0x65: {  	s10 =	sadd.s32 $0x120, s12;
	[smem:$0x782] =	sst s1  }
0x66: {  	s11 =	sadd.s32 $0x140, s12;
	[smem:$0x788] =	sst s10  }
0x67: {  	s5 =	sadd.s32 $0x80, s12;
	[smem:$0x789] =	sst s11  }
0x68: {  	s6 =	sadd.s32 $0xA0, s12;
	[smem:$0x783] =	sst s5  }
0x69: {  	s7 =	sadd.s32 $0xC0, s12;
	[smem:$0x784] =	sst s6  }
0x6a: {  	s8 =	sadd.s32 $0xE0, s12;
	[smem:$0x785] =	sst s7  }
0x6b: {  	s9 =	sadd.s32 $0x100, s12;
	[smem:$0x786] =	sst s8  }
0x6c: {  	s23 =	sadd.s32 $0x160, s12;
	[smem:$0x787] =	sst s9  }
0x6d: {  	s24 =	sadd.s32 $0x180, s12;
	[smem:$0x78A] =	sst s23  }
0x6e: {  	s25 =	sadd.s32 $0x20, s13;
	[smem:$0x78C] =	sst s24  }
0x6f: {  	s26 =	sadd.s32 $0x40, s13;
	[smem:$0x78D] =	sst s25  }
0x70: {  	s28 =	sadd.s32 $0x60, s13;
	[smem:$0x78E] =	sst s26  }
0x71: {  	s29 =	sadd.s32 $0x80, s13;
	[smem:$0x78F] =	sst s28  }
0x72: {  	s30 =	sadd.s32 $0xA0, s13;
	[smem:$0x790] =	sst s29  }
0x73: {  	s31 =	sadd.s32 $0xC0, s13;
	[smem:$0x791] =	sst s30  }
0x74: {  	s1 =	sadd.s32 $0xE0, s13;
	[smem:$0x792] =	sst s31  }
0x75: {  	s10 =	sadd.s32 $0x20, s14;
	[smem:$0x793] =	sst s1  }
0x76: {  	s11 =	sadd.s32 $0x40, s14;
	[smem:$0x79A] =	sst s10  }
0x77: {  	s12 =	sadd.s32 $0x60, s14;
	[smem:$0x79B] =	sst s11  }
0x78: {  	s5 =	sadd.s32 $0x100, s13;
	[smem:$0x79C] =	sst s12  }
0x79: {  	s6 =	sadd.s32 $0x120, s13;
	[smem:$0x794] =	sst s5  }
0x7a: {  	s7 =	sadd.s32 $0x140, s13;
	[smem:$0x795] =	sst s6  }
0x7b: {  	s8 =	sadd.s32 $0x160, s13;
	[smem:$0x796] =	sst s7  }
0x7c: {  	s9 =	sadd.s32 $0x180, s13;
	[smem:$0x797] =	sst s8  }
0x7d: {  	s13 =	sadd.s32 $0x80, s14;
	[smem:$0x799] =	sst s9  }
0x7e: {  	s23 =	sadd.s32 $0xA0, s14;
	[smem:$0x79D] =	sst s13  }
0x7f: {  	s24 =	sadd.s32 $0xC0, s14;
	[smem:$0x79E] =	sst s23  }
0x80: {  	s25 =	sadd.s32 $0xE0, s14;
	[smem:$0x79F] =	sst s24  }
0x81: {  	s26 =	sadd.s32 $0x100, s14;
	[smem:$0x7A0] =	sst s25  }
0x82: {  	s28 =	sadd.s32 $0x120, s14;
	[smem:$0x7A1] =	sst s26  }
0x83: {  	s29 =	sadd.s32 $0x140, s14;
	[smem:$0x7A2] =	sst s28  }
0x84: {  	s30 =	sadd.s32 $0x160, s14;
	[smem:$0x7A3] =	sst s29  }
0x85: {  	s31 =	sadd.s32 $0x180, s14;
	[smem:$0x7A4] =	sst s30  }
0x86: {  	s1 =	sadd.s32 $0x20, s15;
	[smem:$0x7A6] =	sst s31  }
0x87: {  	s10 =	sadd.s32 $0xE0, s15;
	[smem:$0x7A7] =	sst s1  }
0x88: {  	s11 =	sadd.s32 $0x100, s15;
	[smem:$0x7AD] =	sst s10  }
0x89: {  	s12 =	sadd.s32 $0x120, s15;
	[smem:$0x7AE] =	sst s11  }
0x8a: {  	s14 =	sadd.s32 $0x160, s15;
	[smem:$0x7AF] =	sst s12  }
0x8b: {  	s5 =	sadd.s32 $0x40, s15;
	[smem:$0x7B1] =	sst s14  }
0x8c: {  	s6 =	sadd.s32 $0x60, s15;
	[smem:$0x7A8] =	sst s5  }
0x8d: {  	s7 =	sadd.s32 $0x80, s15;
	[smem:$0x7A9] =	sst s6  }
0x8e: {  	s8 =	sadd.s32 $0xA0, s15;
	[smem:$0x7AA] =	sst s7  }
0x8f: {  	s9 =	sadd.s32 $0xC0, s15;
	[smem:$0x7AB] =	sst s8  }
0x90: {  	s13 =	sadd.s32 $0x140, s15;
	[smem:$0x7AC] =	sst s9  }
0x91: {  	s23 =	sadd.s32 $0x180, s15;
	[smem:$0x7B0] =	sst s13  }
0x92: {  	s24 =	sadd.s32 $0x20, s16;
	[smem:$0x7B3] =	sst s23  }
0x93: {  	s25 =	sadd.s32 $0x40, s16;
	[smem:$0x7B4] =	sst s24  }
0x94: {  	s26 =	sadd.s32 $0x60, s16;
	[smem:$0x7B5] =	sst s25  }
0x95: {  	s28 =	sadd.s32 $0x80, s16;
	[smem:$0x7B6] =	sst s26  }
0x96: {  	s29 =	sadd.s32 $0xA0, s16;
	[smem:$0x7B7] =	sst s28  }
0x97: {  	s30 =	sadd.s32 $0xC0, s16;
	[smem:$0x7B8] =	sst s29  }
0x98: {  	s31 =	sadd.s32 $0xE0, s16;
	[smem:$0x7B9] =	sst s30  }
0x99: {  	s1 =	sadd.s32 $0x100, s16;
	[smem:$0x7BA] =	sst s31  }
0x9a: {  	s10 =	sadd.s32 $0x40, s17;
	[smem:$0x7BB] =	sst s1  }
0x9b: {  	s11 =	sadd.s32 $0x60, s17;
	[smem:$0x7C2] =	sst s10  }
0x9c: {  	s12 =	sadd.s32 $0x80, s17;
	[smem:$0x7C3] =	sst s11  }
0x9d: {  	s14 =	sadd.s32 $0xC0, s17;
	[smem:$0x7C4] =	sst s12  }
0x9e: {  	s15 =	sadd.s32 $0xE0, s17;
	[smem:$0x7C6] =	sst s14  }
0x9f: {  	s5 =	sadd.s32 $0x120, s16;
	[smem:$0x7C7] =	sst s15  }
0xa0: {  	s6 =	sadd.s32 $0x140, s16;
	[smem:$0x7BC] =	sst s5  }
0xa1: {  	s7 =	sadd.s32 $0x160, s16;
	[smem:$0x7BD] =	sst s6  }
0xa2: {  	s8 =	sadd.s32 $0x180, s16;
	[smem:$0x7BE] =	sst s7  }
0xa3: {  	s9 =	sadd.s32 $0x20, s17;
	[smem:$0x7C0] =	sst s8  }
0xa4: {  	s13 =	sadd.s32 $0xA0, s17;
	[smem:$0x7C1] =	sst s9  }
0xa5: {  	s16 =	sadd.s32 $0x100, s17;
	[smem:$0x7C5] =	sst s13  }
0xa6: {  	s23 =	sadd.s32 $0x120, s17;
	[smem:$0x7C8] =	sst s16  }
0xa7: {  	s24 =	sadd.s32 $0x140, s17;
	[smem:$0x7C9] =	sst s23  }
0xa8: {  	s18 =	sshrl.u32 s18, $0x3;
	s25 =	sadd.s32 $0x160, s17;
	[smem:$0x7CA] =	sst s24  }
0xa9: {  	s18 =	sadd.s32 s0, s18;
	s26 =	sadd.s32 $0x180, s17;
	[smem:$0x7CB] =	sst s25  }
0xaa: {  	s28 =	sadd.s32 $0x20, s18;
	[smem:$0x7CD] =	sst s26  }
0xab: {  	s29 =	sadd.s32 $0x40, s18;
	[smem:$0x7CE] =	sst s28  }
0xac: {  	s30 =	sadd.s32 $0x60, s18;
	[smem:$0x7CF] =	sst s29  }
0xad: {  	s31 =	sadd.s32 $0x80, s18;
	[smem:$0x7D0] =	sst s30  }
0xae: {  	s1 =	sadd.s32 $0xA0, s18;
	[smem:$0x7D1] =	sst s31  }
0xaf: {  	s10 =	sadd.s32 $0x160, s18;
	[smem:$0x7D2] =	sst s1  }
0xb0: {  	s11 =	sadd.s32 $0x180, s18;
	[smem:$0x7D8] =	sst s10  }
0xb1: {  	s12 =	sadd.s32 $0x20, s19;
	[smem:$0x7D9] =	sst s11  }
0xb2: {  	s14 =	sadd.s32 $0x60, s19;
	[smem:$0x7DA] =	sst s12  }
0xb3: {  	s15 =	sadd.s32 $0x80, s19;
	[smem:$0x7DC] =	sst s14  }
0xb4: {  	s17 =	sadd.s32 $0xC0, s19;
	[smem:$0x7DD] =	sst s15  }
0xb5: {  	s5 =	sadd.s32 $0xC0, s18;
	[smem:$0x7DF] =	sst s17  }
0xb6: {  	s6 =	sadd.s32 $0xE0, s18;
	[smem:$0x7D3] =	sst s5  }
0xb7: {  	s7 =	sadd.s32 $0x100, s18;
	[smem:$0x7D4] =	sst s6  }
0xb8: {  	s8 =	sadd.s32 $0x120, s18;
	[smem:$0x7D5] =	sst s7  }
0xb9: {  	s9 =	sadd.s32 $0x140, s18;
	[smem:$0x7D6] =	sst s8  }
0xba: {  	s13 =	sadd.s32 $0x40, s19;
	[smem:$0x7D7] =	sst s9  }
0xbb: {  	s16 =	sadd.s32 $0xA0, s19;
	[smem:$0x7DB] =	sst s13  }
0xbc: {  	s23 =	sadd.s32 $0xE0, s19;
	[smem:$0x7DE] =	sst s16  }
0xbd: {  	s24 =	sadd.s32 $0x100, s19;
	[smem:$0x7E0] =	sst s23  }
0xbe: {  	s25 =	sadd.s32 $0x120, s19;
	[smem:$0x7E1] =	sst s24  }
0xbf: {  	s26 =	sadd.s32 $0x140, s19;
	[smem:$0x7E2] =	sst s25  }
0xc0: {  	s28 =	sadd.s32 $0x160, s19;
	[smem:$0x7E3] =	sst s26  }
0xc1: {  	s29 =	sadd.s32 $0x180, s19;
	[smem:$0x7E4] =	sst s28  }
0xc2: {  	s30 =	sadd.s32 $0x20, s20;
	[smem:$0x7E5] =	sst s29  }
0xc3: {  	s31 =	sadd.s32 $0x40, s20;
	[smem:$0x7E6] =	sst s30  }
0xc4: {  	s1 =	sadd.s32 $0x60, s20;
	[smem:$0x7E7] =	sst s31  }
0xc5: {  	s10 =	sadd.s32 $0x120, s20;
	[smem:$0x7E8] =	sst s1  }
0xc6: {  	s11 =	sadd.s32 $0x140, s20;
	[smem:$0x7EE] =	sst s10  }
0xc7: {  	s12 =	sadd.s32 $0x160, s20;
	[smem:$0x7EF] =	sst s11  }
0xc8: {  	s14 =	sadd.s32 $0x20, s21;
	[smem:$0x7F0] =	sst s12  }
0xc9: {  	s15 =	sadd.s32 $0x40, s21;
	[smem:$0x7F2] =	sst s14  }
0xca: {  	s17 =	sadd.s32 $0x80, s21;
	[smem:$0x7F3] =	sst s15  }
0xcb: {  	s5 =	sadd.s32 $0x80, s20;
	[smem:$0x7F5] =	sst s17  }
0xcc: {  	s6 =	sadd.s32 $0xA0, s20;
	[smem:$0x7E9] =	sst s5  }
0xcd: {  	s7 =	sadd.s32 $0xC0, s20;
	[smem:$0x7EA] =	sst s6  }
0xce: {  	s8 =	sadd.s32 $0xE0, s20;
	[smem:$0x7EB] =	sst s7  }
0xcf: {  	s9 =	sadd.s32 $0x100, s20;
	[smem:$0x7EC] =	sst s8  }
0xd0: {  	s13 =	sadd.s32 $0x180, s20;
	[smem:$0x7ED] =	sst s9  }
0xd1: {  	s16 =	sadd.s32 $0x60, s21;
	[smem:$0x7F1] =	sst s13  }
0xd2: {  	s23 =	sadd.s32 $0xA0, s21;
	[smem:$0x7F4] =	sst s16  }
0xd3: {  	s24 =	sadd.s32 $0xC0, s21;
	[smem:$0x7F6] =	sst s23  }
0xd4: {  	s25 =	sadd.s32 $0xE0, s21;
	[smem:$0x7F7] =	sst s24  }
0xd5: {  	s26 =	sadd.s32 $0x100, s21;
	[smem:$0x7F8] =	sst s25  }
0xd6: {  	s28 =	sadd.s32 $0x120, s21;
	[smem:$0x7F9] =	sst s26  }
0xd7: {  	s29 =	sadd.s32 $0x140, s21;
	[smem:$0x7FA] =	sst s28  }
0xd8: {  	s3 =	sadd.s32 $0x189C00, s4;
	s30 =	sadd.s32 $0x160, s21;
	[smem:$0x7FB] =	sst s29  }
0xd9: {  	s4 =	sadd.s32 $0x1200, s4;
	s31 =	sadd.s32 $0x180, s21;
	[smem:$0x7FC] =	sst s30  }
0xda: {  	s0 =	simm.s32 $0x1;
	[smem:$0x7FD] =	sst s31;
	s5 =	simm.s32 $0x10  }
0xdb: {  	s23 =	simm.s32 $0x2;
	s24 =	simm.s32 $0x3;
	s25 =	simm.s32 $0x0  }
.LBB2_1:
0xdc: {  	s1 =	rddreg [dreg:$0x3]  }
0xdd: {  	s13 =	rddreg [dreg:$0x4]  }
0xde: {  	[tilespmem:s2], [sflag:$0x1] =	stream.linear.gather [hbm4b:s1+s2], $0x680, $0x38;
	[tilespmem:$0x18E80] =	vst v63  }
0xdf: {  	s6 =	simm.s32 $0x680;
	s14 =	rddreg [dreg:$0x8]  }
0xe0: {  	[tilespmem:s6], [sflag:$0x1] =	stream.linear.gather [hbm4b:s13+s2], $0x80, $0x38;
	[tilespmem:$0x18E80] =	vst v63  }
0xe1: {  	s7 =	simm.s32 $0xA80;
	s15 =	rddreg [dreg:$0x9]  }
0xe2: {  	[tilespmem:s7], [sflag:$0x1] =	stream.linear.gather [hbm4b:s14+s2], $0x80, $0x38;
	[tilespmem:$0x18E80] =	vst v63  }
0xe3: {  	s16 =	simm.s32 $0xE80;
	s17 =	rddreg [dreg:$0xa]  }
0xe4: {  	[tilespmem:s16], [sflag:$0x1] =	stream.linear.gather [hbm4b:s15+s2], $0x80, $0x38;
	[tilespmem:$0x18E80] =	vst v63  }
0xe5: {  	s26 =	simm.s32 $0x1280;
	s28 =	rddreg [dreg:$0xb]  }
0xe6: {  	[tilespmem:s26], [sflag:$0x1] =	stream.linear.gather [hbm4b:s17+s2], $0x80, $0x38;
	[tilespmem:$0x18E80] =	vst v63  }
0xe7: {  	s29 =	simm.s32 $0x1680;
	s30 =	rddreg [dreg:$0xc]  }
0xe8: {  	[tilespmem:s29], [sflag:$0x1] =	stream.linear.gather [hbm4b:s28+s2], $0x80, $0x38;
	[tilespmem:$0x18E80] =	vst v63  }
0xe9: {  	s31 =	simm.s32 $0x1A80;
	s9 =	rddreg [dreg:$0xe]  }
0xea: {  	[tilespmem:s31], [sflag:$0x1] =	stream.linear.gather [hbm4b:s30+s2], $0x80, $0x38;
	[tilespmem:$0x18E80] =	vst v63  }
0xeb: {  	s8 =	simm.s32 $0x1E80;
	s7 =	rddreg [dreg:$0xd]  }
0xec: {  	[tilespmem:s8], [sflag:$0x1] =	stream.linear.gather [hbm4b:s7+s2], $0x80, $0x38;
	[tilespmem:$0x18E80] =	vst v63  }
0xed: {  	s10 =	simm.s32 $0x2280;
	s11 =	rddreg [dreg:$0xf]  }
0xee: {  	[tilespmem:s10], [sflag:$0x1] =	stream.linear.gather [hbm4b:s9+s2], $0x80, $0x38;
	[tilespmem:$0x18E80] =	vst v63  }
0xef: {  	s12 =	simm.s32 $0x2680;
	s13 =	rddreg [dreg:$0x10]  }
0xf0: {  	[tilespmem:s12], [sflag:$0x1] =	stream.linear.gather [hbm4b:s11+s2], $0x80, $0x38;
	[tilespmem:$0x18E80] =	vst v63  }
0xf1: {  	s14 =	simm.s32 $0x2A80;
	s15 =	rddreg [dreg:$0x11]  }
0xf2: {  	[tilespmem:s14], [sflag:$0x1] =	stream.linear.gather [hbm4b:s13+s2], $0x80, $0x38;
	[tilespmem:$0x18E80] =	vst v63  }
0xf3: {  	s16 =	simm.s32 $0x2E80;
	s17 =	rddreg [dreg:$0x12]  }
0xf4: {  	[tilespmem:s16], [sflag:$0x1] =	stream.linear.gather [hbm4b:s15+s2], $0x80, $0x38;
	[tilespmem:$0x18E80] =	vst v63  }
0xf5: {  	s26 =	simm.s32 $0x3280;
	s28 =	rddreg [dreg:$0x13]  }
0xf6: {  	[tilespmem:s26], [sflag:$0x1] =	stream.linear.gather [hbm4b:s17+s2], $0x80, $0x38;
	[tilespmem:$0x18E80] =	vst v63  }
0xf7: {  	s29 =	simm.s32 $0x3680;
	s30 =	rddreg [dreg:$0x5]  }
0xf8: {  	[tilespmem:s29], [sflag:$0x1] =	stream.linear.gather [hbm4b:s28+s2], $0x80, $0x38;
	[tilespmem:$0x18E80] =	vst v63  }
0xf9: {  	s31 =	rddreg [dreg:$0x14];
	s7 =	simm.s32 $0x700  }
0xfa: {  	[tilespmem:s7], [sflag:$0x1] =	stream.linear.gather [hbm4b:s30+s2], $0x80, $0x38;
	[tilespmem:$0x18E80] =	vst v63  }
0xfb: {  	s8 =	simm.s32 $0xB00;
	s9 =	rddreg [dreg:$0x15]  }
0xfc: {  	[tilespmem:s8], [sflag:$0x1] =	stream.linear.gather [hbm4b:s31+s2], $0x80, $0x38;
	[tilespmem:$0x18E80] =	vst v63  }
0xfd: {  	s10 =	simm.s32 $0xF00;
	s11 =	rddreg [dreg:$0x16]  }
0xfe: {  	[tilespmem:s10], [sflag:$0x1] =	stream.linear.gather [hbm4b:s9+s2], $0x80, $0x38;
	[tilespmem:$0x18E80] =	vst v63  }
0xff: {  	s12 =	simm.s32 $0x1300;
	s13 =	rddreg [dreg:$0x17]  }
0x100: {  	[tilespmem:s12], [sflag:$0x1] =	stream.linear.gather [hbm4b:s11+s2], $0x80, $0x38;
	[tilespmem:$0x18E80] =	vst v63  }
0x101: {  	s14 =	simm.s32 $0x1700;
	s15 =	rddreg [dreg:$0x18]  }
0x102: {  	[tilespmem:s14], [sflag:$0x1] =	stream.linear.gather [hbm4b:s13+s2], $0x80, $0x38;
	[tilespmem:$0x18E80] =	vst v63  }
0x103: {  	s16 =	simm.s32 $0x1B00;
	s17 =	rddreg [dreg:$0x19]  }
0x104: {  	[tilespmem:s16], [sflag:$0x1] =	stream.linear.gather [hbm4b:s15+s2], $0x80, $0x38;
	[tilespmem:$0x18E80] =	vst v63  }
0x105: {  	s26 =	simm.s32 $0x1F00;
	s28 =	rddreg [dreg:$0x1a]  }
0x106: {  	[tilespmem:s26], [sflag:$0x1] =	stream.linear.gather [hbm4b:s17+s2], $0x80, $0x38;
	[tilespmem:$0x18E80] =	vst v63  }
0x107: {  	s29 =	simm.s32 $0x2300;
	s30 =	rddreg [dreg:$0x1b]  }
0x108: {  	[tilespmem:s29], [sflag:$0x1] =	stream.linear.gather [hbm4b:s28+s2], $0x80, $0x38;
	[tilespmem:$0x18E80] =	vst v63  }
0x109: {  	s31 =	simm.s32 $0x2700;
	s8 =	rddreg [dreg:$0x1c]  }
0x10a: {  	[tilespmem:s31], [sflag:$0x1] =	stream.linear.gather [hbm4b:s30+s2], $0x80, $0x38;
	[tilespmem:$0x18E80] =	vst v63  }
0x10b: {  	s9 =	simm.s32 $0x2B00;
	s10 =	rddreg [dreg:$0x1d]  }
0x10c: {  	[tilespmem:s9], [sflag:$0x1] =	stream.linear.gather [hbm4b:s8+s2], $0x80, $0x38;
	[tilespmem:$0x18E80] =	vst v63  }
0x10d: {  	s11 =	simm.s32 $0x2F00;
	s12 =	rddreg [dreg:$0x1e]  }
0x10e: {  	[tilespmem:s11], [sflag:$0x1] =	stream.linear.gather [hbm4b:s10+s2], $0x80, $0x38;
	[tilespmem:$0x18E80] =	vst v63  }
0x10f: {  	s13 =	simm.s32 $0x3300;
	s14 =	rddreg [dreg:$0x1f]  }
0x110: {  	[tilespmem:s13], [sflag:$0x1] =	stream.linear.gather [hbm4b:s12+s2], $0x80, $0x38;
	[tilespmem:$0x18E80] =	vst v63  }
0x111: {  	s15 =	simm.s32 $0x3700;
	s16 =	rddreg [dreg:$0x6]  }
0x112: {  	[tilespmem:s15], [sflag:$0x1] =	stream.linear.gather [hbm4b:s14+s2], $0x80, $0x38;
	[tilespmem:$0x18E80] =	vst v63  }
0x113: {  	s17 =	sld [smem:$0x74D];
	s8 =	simm.s32 $0x780  }
0x114: {  	[tilespmem:s8], [sflag:$0x1] =	stream.linear.gather [hbm4b:s16+s2], $0x80, $0x38;
	[tilespmem:$0x18E80] =	vst v63  }
0x115: {  	s26 =	simm.s32 $0xB80  }
0x116: {  	[tilespmem:s26], [sflag:$0x1] =	stream.linear.gather [hbm4b:s17+s2], $0x80, $0x38;
	[tilespmem:$0x18E80] =	vst v63  }
0x117: {  	s26 =	sld [smem:$0x74E];
	_ =	sdelay $0x1  }
0x118: {  	s28 =	simm.s32 $0xF80;
	s29 =	sld [smem:$0x74F]  }
0x119: {  	[tilespmem:s28], [sflag:$0x1] =	stream.linear.gather [hbm4b:s26+s2], $0x80, $0x38;
	[tilespmem:$0x18E80] =	vst v63  }
0x11a: {  	s30 =	simm.s32 $0x1380;
	s31 =	sld [smem:$0x750]  }
0x11b: {  	[tilespmem:s30], [sflag:$0x1] =	stream.linear.gather [hbm4b:s29+s2], $0x80, $0x38;
	[tilespmem:$0x18E80] =	vst v63  }
0x11c: {  	s9 =	simm.s32 $0x1780;
	s10 =	sld [smem:$0x751]  }
0x11d: {  	[tilespmem:s9], [sflag:$0x1] =	stream.linear.gather [hbm4b:s31+s2], $0x80, $0x38;
	[tilespmem:$0x18E80] =	vst v63  }
0x11e: {  	s11 =	simm.s32 $0x1B80;
	s12 =	sld [smem:$0x752]  }
0x11f: {  	[tilespmem:s11], [sflag:$0x1] =	stream.linear.gather [hbm4b:s10+s2], $0x80, $0x38;
	[tilespmem:$0x18E80] =	vst v63  }
0x120: {  	s13 =	simm.s32 $0x1F80;
	s14 =	sld [smem:$0x753]  }
0x121: {  	[tilespmem:s13], [sflag:$0x1] =	stream.linear.gather [hbm4b:s12+s2], $0x80, $0x38;
	[tilespmem:$0x18E80] =	vst v63  }
0x122: {  	s15 =	simm.s32 $0x2380;
	s16 =	sld [smem:$0x754]  }
0x123: {  	[tilespmem:s15], [sflag:$0x1] =	stream.linear.gather [hbm4b:s14+s2], $0x80, $0x38;
	[tilespmem:$0x18E80] =	vst v63  }
0x124: {  	s17 =	simm.s32 $0x2780;
	s26 =	sld [smem:$0x755]  }
0x125: {  	[tilespmem:s17], [sflag:$0x1] =	stream.linear.gather [hbm4b:s16+s2], $0x80, $0x38;
	[tilespmem:$0x18E80] =	vst v63  }
0x126: {  	s28 =	simm.s32 $0x2B80;
	s29 =	sld [smem:$0x756]  }
0x127: {  	[tilespmem:s28], [sflag:$0x1] =	stream.linear.gather [hbm4b:s26+s2], $0x80, $0x38;
	[tilespmem:$0x18E80] =	vst v63  }
0x128: {  	s30 =	simm.s32 $0x2F80;
	s31 =	sld [smem:$0x757]  }
0x129: {  	[tilespmem:s30], [sflag:$0x1] =	stream.linear.gather [hbm4b:s29+s2], $0x80, $0x38;
	[tilespmem:$0x18E80] =	vst v63  }
0x12a: {  	s9 =	simm.s32 $0x3380;
	s10 =	sld [smem:$0x758]  }
0x12b: {  	[tilespmem:s9], [sflag:$0x1] =	stream.linear.gather [hbm4b:s31+s2], $0x80, $0x38;
	[tilespmem:$0x18E80] =	vst v63  }
0x12c: {  	s11 =	simm.s32 $0x3780;
	s12 =	sld [smem:$0x764]  }
0x12d: {  	[tilespmem:s11], [sflag:$0x1] =	stream.linear.gather [hbm4b:s10+s2], $0x80, $0x38;
	[tilespmem:$0x18E80] =	vst v63  }
0x12e: {  	s13 =	sld [smem:$0x759];
	s26 =	simm.s32 $0x800  }
0x12f: {  	[tilespmem:s26], [sflag:$0x1] =	stream.linear.gather [hbm4b:s12+s2], $0x80, $0x38;
	[tilespmem:$0x18E80] =	vst v63  }
0x130: {  	s14 =	sld [smem:$0x75A];
	s28 =	simm.s32 $0xC00  }
0x131: {  	[tilespmem:s28], [sflag:$0x1] =	stream.linear.gather [hbm4b:s13+s2], $0x80, $0x38;
	[tilespmem:$0x18E80] =	vst v63  }
0x132: {  	s15 =	simm.s32 $0x1000;
	s16 =	sld [smem:$0x75B]  }
0x133: {  	[tilespmem:s15], [sflag:$0x1] =	stream.linear.gather [hbm4b:s14+s2], $0x80, $0x38;
	[tilespmem:$0x18E80] =	vst v63  }
0x134: {  	s17 =	simm.s32 $0x1400;
	s29 =	sld [smem:$0x75C]  }
0x135: {  	[tilespmem:s17], [sflag:$0x1] =	stream.linear.gather [hbm4b:s16+s2], $0x80, $0x38;
	[tilespmem:$0x18E80] =	vst v63  }
0x136: {  	s30 =	simm.s32 $0x1800;
	s31 =	sld [smem:$0x75D]  }
0x137: {  	[tilespmem:s30], [sflag:$0x1] =	stream.linear.gather [hbm4b:s29+s2], $0x80, $0x38;
	[tilespmem:$0x18E80] =	vst v63  }
0x138: {  	s9 =	simm.s32 $0x1C00;
	s10 =	sld [smem:$0x75E]  }
0x139: {  	[tilespmem:s9], [sflag:$0x1] =	stream.linear.gather [hbm4b:s31+s2], $0x80, $0x38;
	[tilespmem:$0x18E80] =	vst v63  }
0x13a: {  	s11 =	simm.s32 $0x2000;
	s12 =	sld [smem:$0x75F]  }
0x13b: {  	[tilespmem:s11], [sflag:$0x1] =	stream.linear.gather [hbm4b:s10+s2], $0x80, $0x38;
	[tilespmem:$0x18E80] =	vst v63  }
0x13c: {  	s13 =	simm.s32 $0x2400;
	s14 =	sld [smem:$0x760]  }
0x13d: {  	[tilespmem:s13], [sflag:$0x1] =	stream.linear.gather [hbm4b:s12+s2], $0x80, $0x38;
	[tilespmem:$0x18E80] =	vst v63  }
0x13e: {  	s15 =	simm.s32 $0x2800;
	s16 =	sld [smem:$0x761]  }
0x13f: {  	[tilespmem:s15], [sflag:$0x1] =	stream.linear.gather [hbm4b:s14+s2], $0x80, $0x38;
	[tilespmem:$0x18E80] =	vst v63  }
0x140: {  	s17 =	simm.s32 $0x2C00;
	s29 =	sld [smem:$0x762]  }
0x141: {  	[tilespmem:s17], [sflag:$0x1] =	stream.linear.gather [hbm4b:s16+s2], $0x80, $0x38;
	[tilespmem:$0x18E80] =	vst v63  }
0x142: {  	s30 =	simm.s32 $0x3000;
	s31 =	sld [smem:$0x763]  }
0x143: {  	[tilespmem:s30], [sflag:$0x1] =	stream.linear.gather [hbm4b:s29+s2], $0x80, $0x38;
	[tilespmem:$0x18E80] =	vst v63  }
0x144: {  	s9 =	simm.s32 $0x3400;
	s10 =	sld [smem:$0x765]  }
0x145: {  	[tilespmem:s9], [sflag:$0x1] =	stream.linear.gather [hbm4b:s31+s2], $0x80, $0x38;
	[tilespmem:$0x18E80] =	vst v63  }
0x146: {  	s11 =	simm.s32 $0x3800;
	s12 =	sld [smem:$0x771]  }
0x147: {  	[tilespmem:s11], [sflag:$0x1] =	stream.linear.gather [hbm4b:s10+s2], $0x80, $0x38;
	[tilespmem:$0x18E80] =	vst v63  }
0x148: {  	s28 =	simm.s32 $0x880;
	s13 =	sld [smem:$0x766]  }
0x149: {  	[tilespmem:s28], [sflag:$0x1] =	stream.linear.gather [hbm4b:s12+s2], $0x80, $0x38;
	[tilespmem:$0x18E80] =	vst v63  }
0x14a: {  	s14 =	sld [smem:$0x767];
	s29 =	simm.s32 $0xC80  }
0x14b: {  	[tilespmem:s29], [sflag:$0x1] =	stream.linear.gather [hbm4b:s13+s2], $0x80, $0x38;
	[tilespmem:$0x18E80] =	vst v63  }
0x14c: {  	s15 =	simm.s32 $0x1080;
	s16 =	sld [smem:$0x768]  }
0x14d: {  	[tilespmem:s15], [sflag:$0x1] =	stream.linear.gather [hbm4b:s14+s2], $0x80, $0x38;
	[tilespmem:$0x18E80] =	vst v63  }
0x14e: {  	s17 =	simm.s32 $0x1480;
	s30 =	sld [smem:$0x769]  }
0x14f: {  	[tilespmem:s17], [sflag:$0x1] =	stream.linear.gather [hbm4b:s16+s2], $0x80, $0x38;
	[tilespmem:$0x18E80] =	vst v63  }
0x150: {  	s31 =	simm.s32 $0x1880;
	s9 =	sld [smem:$0x76A]  }
0x151: {  	[tilespmem:s31], [sflag:$0x1] =	stream.linear.gather [hbm4b:s30+s2], $0x80, $0x38;
	[tilespmem:$0x18E80] =	vst v63  }
0x152: {  	s10 =	simm.s32 $0x1C80;
	s11 =	sld [smem:$0x76B]  }
0x153: {  	[tilespmem:s10], [sflag:$0x1] =	stream.linear.gather [hbm4b:s9+s2], $0x80, $0x38;
	[tilespmem:$0x18E80] =	vst v63  }
0x154: {  	s12 =	simm.s32 $0x2080;
	s13 =	sld [smem:$0x76C]  }
0x155: {  	[tilespmem:s12], [sflag:$0x1] =	stream.linear.gather [hbm4b:s11+s2], $0x80, $0x38;
	[tilespmem:$0x18E80] =	vst v63  }
0x156: {  	s14 =	simm.s32 $0x2480;
	s15 =	sld [smem:$0x76D]  }
0x157: {  	[tilespmem:s14], [sflag:$0x1] =	stream.linear.gather [hbm4b:s13+s2], $0x80, $0x38;
	[tilespmem:$0x18E80] =	vst v63  }
0x158: {  	s16 =	simm.s32 $0x2880;
	s17 =	sld [smem:$0x76E]  }
0x159: {  	[tilespmem:s16], [sflag:$0x1] =	stream.linear.gather [hbm4b:s15+s2], $0x80, $0x38;
	[tilespmem:$0x18E80] =	vst v63  }
0x15a: {  	s30 =	simm.s32 $0x2C80;
	s31 =	sld [smem:$0x76F]  }
0x15b: {  	[tilespmem:s30], [sflag:$0x1] =	stream.linear.gather [hbm4b:s17+s2], $0x80, $0x38;
	[tilespmem:$0x18E80] =	vst v63  }
0x15c: {  	s9 =	simm.s32 $0x3080;
	s10 =	sld [smem:$0x770]  }
0x15d: {  	[tilespmem:s9], [sflag:$0x1] =	stream.linear.gather [hbm4b:s31+s2], $0x80, $0x38;
	[tilespmem:$0x18E80] =	vst v63  }
0x15e: {  	s11 =	simm.s32 $0x3480;
	s12 =	sld [smem:$0x772]  }
0x15f: {  	[tilespmem:s11], [sflag:$0x1] =	stream.linear.gather [hbm4b:s10+s2], $0x80, $0x38;
	[tilespmem:$0x18E80] =	vst v63  }
0x160: {  	s13 =	simm.s32 $0x3880;
	s14 =	sld [smem:$0x77E]  }
0x161: {  	[tilespmem:s13], [sflag:$0x1] =	stream.linear.gather [hbm4b:s12+s2], $0x80, $0x38;
	[tilespmem:$0x18E80] =	vst v63  }
0x162: {  	s29 =	simm.s32 $0x900;
	s15 =	sld [smem:$0x773]  }
0x163: {  	[tilespmem:s29], [sflag:$0x1] =	stream.linear.gather [hbm4b:s14+s2], $0x80, $0x38;
	[tilespmem:$0x18E80] =	vst v63  }
0x164: {  	s16 =	sld [smem:$0x774];
	s30 =	simm.s32 $0xD00  }
0x165: {  	[tilespmem:s30], [sflag:$0x1] =	stream.linear.gather [hbm4b:s15+s2], $0x80, $0x38;
	[tilespmem:$0x18E80] =	vst v63  }
0x166: {  	s17 =	simm.s32 $0x1100;
	s31 =	sld [smem:$0x775]  }
0x167: {  	[tilespmem:s17], [sflag:$0x1] =	stream.linear.gather [hbm4b:s16+s2], $0x80, $0x38;
	[tilespmem:$0x18E80] =	vst v63  }
0x168: {  	s9 =	simm.s32 $0x1500;
	s10 =	sld [smem:$0x776]  }
0x169: {  	[tilespmem:s9], [sflag:$0x1] =	stream.linear.gather [hbm4b:s31+s2], $0x80, $0x38;
	[tilespmem:$0x18E80] =	vst v63  }
0x16a: {  	s11 =	simm.s32 $0x1900;
	s12 =	sld [smem:$0x777]  }
0x16b: {  	[tilespmem:s11], [sflag:$0x1] =	stream.linear.gather [hbm4b:s10+s2], $0x80, $0x38;
	[tilespmem:$0x18E80] =	vst v63  }
0x16c: {  	s13 =	simm.s32 $0x1D00;
	s14 =	sld [smem:$0x778]  }
0x16d: {  	[tilespmem:s13], [sflag:$0x1] =	stream.linear.gather [hbm4b:s12+s2], $0x80, $0x38;
	[tilespmem:$0x18E80] =	vst v63  }
0x16e: {  	s15 =	simm.s32 $0x2100;
	s16 =	sld [smem:$0x779]  }
0x16f: {  	[tilespmem:s15], [sflag:$0x1] =	stream.linear.gather [hbm4b:s14+s2], $0x80, $0x38;
	[tilespmem:$0x18E80] =	vst v63  }
0x170: {  	s17 =	simm.s32 $0x2500;
	s31 =	sld [smem:$0x77A]  }
0x171: {  	[tilespmem:s17], [sflag:$0x1] =	stream.linear.gather [hbm4b:s16+s2], $0x80, $0x38;
	[tilespmem:$0x18E80] =	vst v63  }
0x172: {  	s9 =	simm.s32 $0x2900;
	s10 =	sld [smem:$0x77B]  }
0x173: {  	[tilespmem:s9], [sflag:$0x1] =	stream.linear.gather [hbm4b:s31+s2], $0x80, $0x38;
	[tilespmem:$0x18E80] =	vst v63  }
0x174: {  	s11 =	simm.s32 $0x2D00;
	s12 =	sld [smem:$0x77C]  }
0x175: {  	[tilespmem:s11], [sflag:$0x1] =	stream.linear.gather [hbm4b:s10+s2], $0x80, $0x38;
	[tilespmem:$0x18E80] =	vst v63  }
0x176: {  	s13 =	simm.s32 $0x3100;
	s14 =	sld [smem:$0x77D]  }
0x177: {  	[tilespmem:s13], [sflag:$0x1] =	stream.linear.gather [hbm4b:s12+s2], $0x80, $0x38;
	[tilespmem:$0x18E80] =	vst v63  }
0x178: {  	s15 =	simm.s32 $0x3500;
	s16 =	sld [smem:$0x77F]  }
0x179: {  	[tilespmem:s15], [sflag:$0x1] =	stream.linear.gather [hbm4b:s14+s2], $0x80, $0x38;
	[tilespmem:$0x18E80] =	vst v63  }
0x17a: {  	s17 =	simm.s32 $0x3900;
	s31 =	sld [smem:$0x78B]  }
0x17b: {  	[tilespmem:s17], [sflag:$0x1] =	stream.linear.gather [hbm4b:s16+s2], $0x80, $0x38;
	[tilespmem:$0x18E80] =	vst v63  }
0x17c: {  	s30 =	simm.s32 $0x980;
	s9 =	sld [smem:$0x780]  }
0x17d: {  	[tilespmem:s30], [sflag:$0x1] =	stream.linear.gather [hbm4b:s31+s2], $0x80, $0x38;
	[tilespmem:$0x18E80] =	vst v63  }
0x17e: {  	s10 =	sld [smem:$0x781];
	s31 =	simm.s32 $0xD80  }
0x17f: {  	[tilespmem:s31], [sflag:$0x1] =	stream.linear.gather [hbm4b:s9+s2], $0x80, $0x38;
	[tilespmem:$0x18E80] =	vst v63  }
0x180: {  	s11 =	simm.s32 $0x1180;
	s12 =	sld [smem:$0x782]  }
0x181: {  	[tilespmem:s11], [sflag:$0x1] =	stream.linear.gather [hbm4b:s10+s2], $0x80, $0x38;
	[tilespmem:$0x18E80] =	vst v63  }
0x182: {  	s13 =	simm.s32 $0x1580;
	s14 =	sld [smem:$0x783]  }
0x183: {  	[tilespmem:s13], [sflag:$0x1] =	stream.linear.gather [hbm4b:s12+s2], $0x80, $0x38;
	[tilespmem:$0x18E80] =	vst v63  }
0x184: {  	s15 =	simm.s32 $0x1980;
	s16 =	sld [smem:$0x784]  }
0x185: {  	[tilespmem:s15], [sflag:$0x1] =	stream.linear.gather [hbm4b:s14+s2], $0x80, $0x38;
	[tilespmem:$0x18E80] =	vst v63  }
0x186: {  	s17 =	simm.s32 $0x1D80;
	s9 =	sld [smem:$0x785]  }
0x187: {  	[tilespmem:s17], [sflag:$0x1] =	stream.linear.gather [hbm4b:s16+s2], $0x80, $0x38;
	[tilespmem:$0x18E80] =	vst v63  }
0x188: {  	s10 =	simm.s32 $0x2180;
	s11 =	sld [smem:$0x786]  }
0x189: {  	[tilespmem:s10], [sflag:$0x1] =	stream.linear.gather [hbm4b:s9+s2], $0x80, $0x38;
	[tilespmem:$0x18E80] =	vst v63  }
0x18a: {  	s12 =	simm.s32 $0x2580;
	s13 =	sld [smem:$0x787]  }
0x18b: {  	[tilespmem:s12], [sflag:$0x1] =	stream.linear.gather [hbm4b:s11+s2], $0x80, $0x38;
	[tilespmem:$0x18E80] =	vst v63  }
0x18c: {  	s14 =	simm.s32 $0x2980;
	s15 =	sld [smem:$0x788]  }
0x18d: {  	[tilespmem:s14], [sflag:$0x1] =	stream.linear.gather [hbm4b:s13+s2], $0x80, $0x38;
	[tilespmem:$0x18E80] =	vst v63  }
0x18e: {  	s16 =	simm.s32 $0x2D80;
	s17 =	sld [smem:$0x789]  }
0x18f: {  	[tilespmem:s16], [sflag:$0x1] =	stream.linear.gather [hbm4b:s15+s2], $0x80, $0x38;
	[tilespmem:$0x18E80] =	vst v63  }
0x190: {  	s9 =	simm.s32 $0x3180;
	s10 =	sld [smem:$0x78A]  }
0x191: {  	[tilespmem:s9], [sflag:$0x1] =	stream.linear.gather [hbm4b:s17+s2], $0x80, $0x38;
	[tilespmem:$0x18E80] =	vst v63  }
0x192: {  	s11 =	simm.s32 $0x3580;
	s12 =	sld [smem:$0x78C]  }
0x193: {  	[tilespmem:s11], [sflag:$0x1] =	stream.linear.gather [hbm4b:s10+s2], $0x80, $0x38;
	[tilespmem:$0x18E80] =	vst v63  }
0x194: {  	s13 =	simm.s32 $0x3980;
	s14 =	sld [smem:$0x798]  }
0x195: {  	[tilespmem:s13], [sflag:$0x1] =	stream.linear.gather [hbm4b:s12+s2], $0x80, $0x38;
	[tilespmem:$0x18E80] =	vst v63  }
0x196: {  	s31 =	simm.s32 $0xA00;
	s15 =	sld [smem:$0x78D]  }
0x197: {  	[tilespmem:s31], [sflag:$0x1] =	stream.linear.gather [hbm4b:s14+s2], $0x80, $0x38;
	[tilespmem:$0x18E80] =	vst v63  }
0x198: {  	s16 =	sld [smem:$0x78E];
	s9 =	simm.s32 $0xE00  }
0x199: {  	[tilespmem:s9], [sflag:$0x1] =	stream.linear.gather [hbm4b:s15+s2], $0x80, $0x38;
	[tilespmem:$0x18E80] =	vst v63  }
0x19a: {  	s17 =	simm.s32 $0x1200;
	s10 =	sld [smem:$0x78F]  }
0x19b: {  	[tilespmem:s17], [sflag:$0x1] =	stream.linear.gather [hbm4b:s16+s2], $0x80, $0x38;
	[tilespmem:$0x18E80] =	vst v63  }
0x19c: {  	s11 =	simm.s32 $0x1600;
	s12 =	sld [smem:$0x790]  }
0x19d: {  	[tilespmem:s11], [sflag:$0x1] =	stream.linear.gather [hbm4b:s10+s2], $0x80, $0x38;
	[tilespmem:$0x18E80] =	vst v63  }
0x19e: {  	s13 =	simm.s32 $0x1A00;
	s14 =	sld [smem:$0x791]  }
0x19f: {  	[tilespmem:s13], [sflag:$0x1] =	stream.linear.gather [hbm4b:s12+s2], $0x80, $0x38;
	[tilespmem:$0x18E80] =	vst v63  }
0x1a0: {  	s15 =	simm.s32 $0x1E00;
	s16 =	sld [smem:$0x792]  }
0x1a1: {  	[tilespmem:s15], [sflag:$0x1] =	stream.linear.gather [hbm4b:s14+s2], $0x80, $0x38;
	[tilespmem:$0x18E80] =	vst v63  }
0x1a2: {  	s17 =	simm.s32 $0x2200;
	s10 =	sld [smem:$0x793]  }
0x1a3: {  	[tilespmem:s17], [sflag:$0x1] =	stream.linear.gather [hbm4b:s16+s2], $0x80, $0x38;
	[tilespmem:$0x18E80] =	vst v63  }
0x1a4: {  	s11 =	simm.s32 $0x2600;
	s12 =	sld [smem:$0x794]  }
0x1a5: {  	[tilespmem:s11], [sflag:$0x1] =	stream.linear.gather [hbm4b:s10+s2], $0x80, $0x38;
	[tilespmem:$0x18E80] =	vst v63  }
0x1a6: {  	s13 =	simm.s32 $0x2A00;
	s14 =	sld [smem:$0x795]  }
0x1a7: {  	[tilespmem:s13], [sflag:$0x1] =	stream.linear.gather [hbm4b:s12+s2], $0x80, $0x38;
	[tilespmem:$0x18E80] =	vst v63  }
0x1a8: {  	s15 =	simm.s32 $0x2E00;
	s16 =	sld [smem:$0x796]  }
0x1a9: {  	[tilespmem:s15], [sflag:$0x1] =	stream.linear.gather [hbm4b:s14+s2], $0x80, $0x38;
	[tilespmem:$0x18E80] =	vst v63  }
0x1aa: {  	s17 =	simm.s32 $0x3200;
	s10 =	sld [smem:$0x797]  }
0x1ab: {  	[tilespmem:s17], [sflag:$0x1] =	stream.linear.gather [hbm4b:s16+s2], $0x80, $0x38;
	[tilespmem:$0x18E80] =	vst v63  }
0x1ac: {  	s11 =	simm.s32 $0x3600;
	s12 =	sld [smem:$0x799]  }
0x1ad: {  	[tilespmem:s11], [sflag:$0x1] =	stream.linear.gather [hbm4b:s10+s2], $0x80, $0x38;
	[tilespmem:$0x18E80] =	vst v63  }
0x1ae: {  	s13 =	simm.s32 $0x3A00;
	s14 =	sld [smem:$0x7A5]  }
0x1af: {  	[tilespmem:s13], [sflag:$0x1] =	stream.linear.gather [hbm4b:s12+s2], $0x80, $0x38;
	[tilespmem:$0x18E80] =	vst v63  }
0x1b0: {  	s9 =	simm.s32 $0x3A80;
	s15 =	sld [smem:$0x79A]  }
0x1b1: {  	[tilespmem:s9], [sflag:$0x1] =	stream.linear.gather [hbm4b:s14+s2], $0x80, $0x38;
	[tilespmem:$0x18E80] =	vst v63  }
0x1b2: {  	s16 =	sld [smem:$0x79B];
	s10 =	simm.s32 $0x3E80  }
0x1b3: {  	[tilespmem:s10], [sflag:$0x1] =	stream.linear.gather [hbm4b:s15+s2], $0x80, $0x38;
	[tilespmem:$0x18E80] =	vst v63  }
0x1b4: {  	s17 =	simm.s32 $0x4280;
	s10 =	sld [smem:$0x79C]  }
0x1b5: {  	[tilespmem:s17], [sflag:$0x1] =	stream.linear.gather [hbm4b:s16+s2], $0x80, $0x38;
	[tilespmem:$0x18E80] =	vst v63  }
0x1b6: {  	s11 =	simm.s32 $0x4680;
	s12 =	sld [smem:$0x79D]  }
0x1b7: {  	[tilespmem:s11], [sflag:$0x1] =	stream.linear.gather [hbm4b:s10+s2], $0x80, $0x38;
	[tilespmem:$0x18E80] =	vst v63  }
0x1b8: {  	s13 =	simm.s32 $0x4A80;
	s14 =	sld [smem:$0x79E]  }
0x1b9: {  	[tilespmem:s13], [sflag:$0x1] =	stream.linear.gather [hbm4b:s12+s2], $0x80, $0x38;
	[tilespmem:$0x18E80] =	vst v63  }
0x1ba: {  	s15 =	simm.s32 $0x4E80;
	s16 =	sld [smem:$0x79F]  }
0x1bb: {  	[tilespmem:s15], [sflag:$0x1] =	stream.linear.gather [hbm4b:s14+s2], $0x80, $0x38;
	[tilespmem:$0x18E80] =	vst v63  }
0x1bc: {  	s17 =	simm.s32 $0x5280;
	s10 =	sld [smem:$0x7A0]  }
0x1bd: {  	[tilespmem:s17], [sflag:$0x1] =	stream.linear.gather [hbm4b:s16+s2], $0x80, $0x38;
	[tilespmem:$0x18E80] =	vst v63  }
0x1be: {  	s11 =	simm.s32 $0x5680;
	s12 =	sld [smem:$0x7A1]  }
0x1bf: {  	[tilespmem:s11], [sflag:$0x1] =	stream.linear.gather [hbm4b:s10+s2], $0x80, $0x38;
	[tilespmem:$0x18E80] =	vst v63  }
0x1c0: {  	s13 =	simm.s32 $0x5A80;
	s14 =	sld [smem:$0x7A2]  }
0x1c1: {  	[tilespmem:s13], [sflag:$0x1] =	stream.linear.gather [hbm4b:s12+s2], $0x80, $0x38;
	[tilespmem:$0x18E80] =	vst v63  }
0x1c2: {  	s15 =	simm.s32 $0x5E80;
	s16 =	sld [smem:$0x7A3]  }
0x1c3: {  	[tilespmem:s15], [sflag:$0x1] =	stream.linear.gather [hbm4b:s14+s2], $0x80, $0x38;
	[tilespmem:$0x18E80] =	vst v63  }
0x1c4: {  	s17 =	simm.s32 $0x6280;
	s10 =	sld [smem:$0x7A4]  }
0x1c5: {  	[tilespmem:s17], [sflag:$0x1] =	stream.linear.gather [hbm4b:s16+s2], $0x80, $0x38;
	[tilespmem:$0x18E80] =	vst v63  }
0x1c6: {  	s11 =	simm.s32 $0x6680;
	s12 =	sld [smem:$0x7A6]  }
0x1c7: {  	[tilespmem:s11], [sflag:$0x1] =	stream.linear.gather [hbm4b:s10+s2], $0x80, $0x38;
	[tilespmem:$0x18E80] =	vst v63  }
0x1c8: {  	s13 =	simm.s32 $0x6A80;
	s14 =	sld [smem:$0x7B2]  }
0x1c9: {  	[tilespmem:s13], [sflag:$0x1] =	stream.linear.gather [hbm4b:s12+s2], $0x80, $0x38;
	[tilespmem:$0x18E80] =	vst v63  }
0x1ca: {  	s15 =	sld [smem:$0x7A7];
	s10 =	simm.s32 $0x3B00  }
0x1cb: {  	[tilespmem:s10], [sflag:$0x1] =	stream.linear.gather [hbm4b:s14+s2], $0x80, $0x38;
	[tilespmem:$0x18E80] =	vst v63  }
0x1cc: {  	s16 =	sld [smem:$0x7A8];
	s11 =	simm.s32 $0x3F00  }
0x1cd: {  	[tilespmem:s11], [sflag:$0x1] =	stream.linear.gather [hbm4b:s15+s2], $0x80, $0x38;
	[tilespmem:$0x18E80] =	vst v63  }
0x1ce: {  	s17 =	simm.s32 $0x4300;
	s12 =	sld [smem:$0x7A9]  }
0x1cf: {  	[tilespmem:s17], [sflag:$0x1] =	stream.linear.gather [hbm4b:s16+s2], $0x80, $0x38;
	[tilespmem:$0x18E80] =	vst v63  }
0x1d0: {  	s13 =	simm.s32 $0x4700;
	s14 =	sld [smem:$0x7AA]  }
0x1d1: {  	[tilespmem:s13], [sflag:$0x1] =	stream.linear.gather [hbm4b:s12+s2], $0x80, $0x38;
	[tilespmem:$0x18E80] =	vst v63  }
0x1d2: {  	s15 =	simm.s32 $0x4B00;
	s16 =	sld [smem:$0x7AB]  }
0x1d3: {  	[tilespmem:s15], [sflag:$0x1] =	stream.linear.gather [hbm4b:s14+s2], $0x80, $0x38;
	[tilespmem:$0x18E80] =	vst v63  }
0x1d4: {  	s17 =	simm.s32 $0x4F00;
	s12 =	sld [smem:$0x7AC]  }
0x1d5: {  	[tilespmem:s17], [sflag:$0x1] =	stream.linear.gather [hbm4b:s16+s2], $0x80, $0x38;
	[tilespmem:$0x18E80] =	vst v63  }
0x1d6: {  	s13 =	simm.s32 $0x5300;
	s14 =	sld [smem:$0x7AD]  }
0x1d7: {  	[tilespmem:s13], [sflag:$0x1] =	stream.linear.gather [hbm4b:s12+s2], $0x80, $0x38;
	[tilespmem:$0x18E80] =	vst v63  }
0x1d8: {  	s15 =	simm.s32 $0x5700;
	s16 =	sld [smem:$0x7AE]  }
0x1d9: {  	[tilespmem:s15], [sflag:$0x1] =	stream.linear.gather [hbm4b:s14+s2], $0x80, $0x38;
	[tilespmem:$0x18E80] =	vst v63  }
0x1da: {  	s17 =	simm.s32 $0x5B00;
	s12 =	sld [smem:$0x7AF]  }
0x1db: {  	[tilespmem:s17], [sflag:$0x1] =	stream.linear.gather [hbm4b:s16+s2], $0x80, $0x38;
	[tilespmem:$0x18E80] =	vst v63  }
0x1dc: {  	s13 =	simm.s32 $0x5F00;
	s14 =	sld [smem:$0x7B0]  }
0x1dd: {  	[tilespmem:s13], [sflag:$0x1] =	stream.linear.gather [hbm4b:s12+s2], $0x80, $0x38;
	[tilespmem:$0x18E80] =	vst v63  }
0x1de: {  	s15 =	simm.s32 $0x6300;
	s16 =	sld [smem:$0x7B1]  }
0x1df: {  	[tilespmem:s15], [sflag:$0x1] =	stream.linear.gather [hbm4b:s14+s2], $0x80, $0x38;
	[tilespmem:$0x18E80] =	vst v63  }
0x1e0: {  	s17 =	simm.s32 $0x6700;
	s12 =	sld [smem:$0x7B3]  }
0x1e1: {  	[tilespmem:s17], [sflag:$0x1] =	stream.linear.gather [hbm4b:s16+s2], $0x80, $0x38;
	[tilespmem:$0x18E80] =	vst v63  }
0x1e2: {  	s13 =	simm.s32 $0x6B00;
	s14 =	sld [smem:$0x7BF]  }
0x1e3: {  	[tilespmem:s13], [sflag:$0x1] =	stream.linear.gather [hbm4b:s12+s2], $0x80, $0x38;
	[tilespmem:$0x18E80] =	vst v63  }
0x1e4: {  	s11 =	simm.s32 $0x3B80;
	s15 =	sld [smem:$0x7B4]  }
0x1e5: {  	[tilespmem:s11], [sflag:$0x1] =	stream.linear.gather [hbm4b:s14+s2], $0x80, $0x38;
	[tilespmem:$0x18E80] =	vst v63  }
0x1e6: {  	s16 =	sld [smem:$0x7B5];
	s12 =	simm.s32 $0x3F80  }
0x1e7: {  	[tilespmem:s12], [sflag:$0x1] =	stream.linear.gather [hbm4b:s15+s2], $0x80, $0x38;
	[tilespmem:$0x18E80] =	vst v63  }
0x1e8: {  	s17 =	simm.s32 $0x4380;
	s12 =	sld [smem:$0x7B6]  }
0x1e9: {  	[tilespmem:s17], [sflag:$0x1] =	stream.linear.gather [hbm4b:s16+s2], $0x80, $0x38;
	[tilespmem:$0x18E80] =	vst v63  }
0x1ea: {  	s13 =	simm.s32 $0x4780;
	s14 =	sld [smem:$0x7B7]  }
0x1eb: {  	[tilespmem:s13], [sflag:$0x1] =	stream.linear.gather [hbm4b:s12+s2], $0x80, $0x38;
	[tilespmem:$0x18E80] =	vst v63  }
0x1ec: {  	s15 =	simm.s32 $0x4B80;
	s16 =	sld [smem:$0x7B8]  }
0x1ed: {  	[tilespmem:s15], [sflag:$0x1] =	stream.linear.gather [hbm4b:s14+s2], $0x80, $0x38;
	[tilespmem:$0x18E80] =	vst v63  }
0x1ee: {  	s17 =	simm.s32 $0x4F80;
	s12 =	sld [smem:$0x7B9]  }
0x1ef: {  	[tilespmem:s17], [sflag:$0x1] =	stream.linear.gather [hbm4b:s16+s2], $0x80, $0x38;
	[tilespmem:$0x18E80] =	vst v63  }
0x1f0: {  	s13 =	simm.s32 $0x5380;
	s14 =	sld [smem:$0x7BA]  }
0x1f1: {  	[tilespmem:s13], [sflag:$0x1] =	stream.linear.gather [hbm4b:s12+s2], $0x80, $0x38;
	[tilespmem:$0x18E80] =	vst v63  }
0x1f2: {  	s15 =	simm.s32 $0x5780;
	s16 =	sld [smem:$0x7BB]  }
0x1f3: {  	[tilespmem:s15], [sflag:$0x1] =	stream.linear.gather [hbm4b:s14+s2], $0x80, $0x38;
	[tilespmem:$0x18E80] =	vst v63  }
0x1f4: {  	s17 =	simm.s32 $0x5B80;
	s12 =	sld [smem:$0x7BC]  }
0x1f5: {  	[tilespmem:s17], [sflag:$0x1] =	stream.linear.gather [hbm4b:s16+s2], $0x80, $0x38;
	[tilespmem:$0x18E80] =	vst v63  }
0x1f6: {  	s13 =	simm.s32 $0x5F80;
	s14 =	sld [smem:$0x7BD]  }
0x1f7: {  	[tilespmem:s13], [sflag:$0x1] =	stream.linear.gather [hbm4b:s12+s2], $0x80, $0x38;
	[tilespmem:$0x18E80] =	vst v63  }
0x1f8: {  	s15 =	simm.s32 $0x6380;
	s16 =	sld [smem:$0x7BE]  }
0x1f9: {  	[tilespmem:s15], [sflag:$0x1] =	stream.linear.gather [hbm4b:s14+s2], $0x80, $0x38;
	[tilespmem:$0x18E80] =	vst v63  }
0x1fa: {  	s17 =	simm.s32 $0x6780;
	s12 =	sld [smem:$0x7C0]  }
0x1fb: {  	[tilespmem:s17], [sflag:$0x1] =	stream.linear.gather [hbm4b:s16+s2], $0x80, $0x38;
	[tilespmem:$0x18E80] =	vst v63  }
0x1fc: {  	s13 =	simm.s32 $0x6B80;
	s14 =	sld [smem:$0x7CC]  }
0x1fd: {  	[tilespmem:s13], [sflag:$0x1] =	stream.linear.gather [hbm4b:s12+s2], $0x80, $0x38;
	[tilespmem:$0x18E80] =	vst v63  }
0x1fe: {  	s15 =	sld [smem:$0x7C1];
	s12 =	simm.s32 $0x3C00  }
0x1ff: {  	[tilespmem:s12], [sflag:$0x1] =	stream.linear.gather [hbm4b:s14+s2], $0x80, $0x38;
	[tilespmem:$0x18E80] =	vst v63  }
0x200: {  	s16 =	sld [smem:$0x7C2];
	s13 =	simm.s32 $0x4000  }
0x201: {  	[tilespmem:s13], [sflag:$0x1] =	stream.linear.gather [hbm4b:s15+s2], $0x80, $0x38;
	[tilespmem:$0x18E80] =	vst v63  }
0x202: {  	s17 =	simm.s32 $0x4400;
	s14 =	sld [smem:$0x7C3]  }
0x203: {  	[tilespmem:s17], [sflag:$0x1] =	stream.linear.gather [hbm4b:s16+s2], $0x80, $0x38;
	[tilespmem:$0x18E80] =	vst v63  }
0x204: {  	s15 =	simm.s32 $0x4800;
	s16 =	sld [smem:$0x7C4]  }
0x205: {  	[tilespmem:s15], [sflag:$0x1] =	stream.linear.gather [hbm4b:s14+s2], $0x80, $0x38;
	[tilespmem:$0x18E80] =	vst v63  }
0x206: {  	s17 =	simm.s32 $0x4C00;
	s14 =	sld [smem:$0x7C5]  }
0x207: {  	[tilespmem:s17], [sflag:$0x1] =	stream.linear.gather [hbm4b:s16+s2], $0x80, $0x38;
	[tilespmem:$0x18E80] =	vst v63  }
0x208: {  	s15 =	simm.s32 $0x5000;
	s16 =	sld [smem:$0x7C6]  }
0x209: {  	[tilespmem:s15], [sflag:$0x1] =	stream.linear.gather [hbm4b:s14+s2], $0x80, $0x38;
	[tilespmem:$0x18E80] =	vst v63  }
0x20a: {  	s17 =	simm.s32 $0x5400;
	s14 =	sld [smem:$0x7C7]  }
0x20b: {  	[tilespmem:s17], [sflag:$0x1] =	stream.linear.gather [hbm4b:s16+s2], $0x80, $0x38;
	[tilespmem:$0x18E80] =	vst v63  }
0x20c: {  	s15 =	simm.s32 $0x5800;
	s16 =	sld [smem:$0x7C8]  }
0x20d: {  	[tilespmem:s15], [sflag:$0x1] =	stream.linear.gather [hbm4b:s14+s2], $0x80, $0x38;
	[tilespmem:$0x18E80] =	vst v63  }
0x20e: {  	s17 =	simm.s32 $0x5C00;
	s14 =	sld [smem:$0x7C9]  }
0x20f: {  	[tilespmem:s17], [sflag:$0x1] =	stream.linear.gather [hbm4b:s16+s2], $0x80, $0x38;
	[tilespmem:$0x18E80] =	vst v63  }
0x210: {  	s15 =	simm.s32 $0x6000;
	s16 =	sld [smem:$0x7CA]  }
0x211: {  	[tilespmem:s15], [sflag:$0x1] =	stream.linear.gather [hbm4b:s14+s2], $0x80, $0x38;
	[tilespmem:$0x18E80] =	vst v63  }
0x212: {  	s13 =	sld [smem:$0x7CB];
	s17 =	simm.s32 $0x6400  }
0x213: {  	[tilespmem:s17], [sflag:$0x1] =	stream.linear.gather [hbm4b:s16+s2], $0x80, $0x38;
	[tilespmem:$0x18E80] =	vst v63  }
0x214: {  	s14 =	simm.s32 $0x6800;
	s15 =	sld [smem:$0x7CD]  }
0x215: {  	[tilespmem:s14], [sflag:$0x1] =	stream.linear.gather [hbm4b:s13+s2], $0x80, $0x38;
	[tilespmem:$0x18E80] =	vst v63  }
0x216: {  	s16 =	simm.s32 $0x6C00  }
0x217: {  	[tilespmem:s16], [sflag:$0x1] =	stream.linear.gather [hbm4b:s15+s2], $0x80, $0x38;
	[tilespmem:$0x18E80] =	vst v63  }
0x218: {  	s17 =	sld [smem:$0x7CE];
	s13 =	simm.s32 $0x3C80  }
0x219: {  	[tilespmem:s13], [sflag:$0x1] =	stream.linear.gather [hbm4b:s18+s2], $0x80, $0x38;
	[tilespmem:$0x18E80] =	vst v63  }
0x21a: {  	s14 =	simm.s32 $0x4080  }
0x21b: {  	[tilespmem:s14], [sflag:$0x1] =	stream.linear.gather [hbm4b:s17+s2], $0x80, $0x38;
	[tilespmem:$0x18E80] =	vst v63  }
0x21c: {  	s14 =	sld [smem:$0x7CF];
	_ =	sdelay $0x1  }
0x21d: {  	s15 =	simm.s32 $0x4480;
	s16 =	sld [smem:$0x7D0]  }
0x21e: {  	[tilespmem:s15], [sflag:$0x1] =	stream.linear.gather [hbm4b:s14+s2], $0x80, $0x38;
	[tilespmem:$0x18E80] =	vst v63  }
0x21f: {  	s17 =	simm.s32 $0x4880;
	s14 =	sld [smem:$0x7D1]  }
0x220: {  	[tilespmem:s17], [sflag:$0x1] =	stream.linear.gather [hbm4b:s16+s2], $0x80, $0x38;
	[tilespmem:$0x18E80] =	vst v63  }
0x221: {  	s15 =	simm.s32 $0x4C80;
	s16 =	sld [smem:$0x7D2]  }
0x222: {  	[tilespmem:s15], [sflag:$0x1] =	stream.linear.gather [hbm4b:s14+s2], $0x80, $0x38;
	[tilespmem:$0x18E80] =	vst v63  }
0x223: {  	s17 =	simm.s32 $0x5080;
	s14 =	sld [smem:$0x7D3]  }
0x224: {  	[tilespmem:s17], [sflag:$0x1] =	stream.linear.gather [hbm4b:s16+s2], $0x80, $0x38;
	[tilespmem:$0x18E80] =	vst v63  }
0x225: {  	s15 =	simm.s32 $0x5480;
	s16 =	sld [smem:$0x7D4]  }
0x226: {  	[tilespmem:s15], [sflag:$0x1] =	stream.linear.gather [hbm4b:s14+s2], $0x80, $0x38;
	[tilespmem:$0x18E80] =	vst v63  }
0x227: {  	s17 =	simm.s32 $0x5880;
	s14 =	sld [smem:$0x7D5]  }
0x228: {  	[tilespmem:s17], [sflag:$0x1] =	stream.linear.gather [hbm4b:s16+s2], $0x80, $0x38;
	[tilespmem:$0x18E80] =	vst v63  }
0x229: {  	s15 =	simm.s32 $0x5C80;
	s16 =	sld [smem:$0x7D6]  }
0x22a: {  	[tilespmem:s15], [sflag:$0x1] =	stream.linear.gather [hbm4b:s14+s2], $0x80, $0x38;
	[tilespmem:$0x18E80] =	vst v63  }
0x22b: {  	s17 =	simm.s32 $0x6080;
	s14 =	sld [smem:$0x7D7]  }
0x22c: {  	[tilespmem:s17], [sflag:$0x1] =	stream.linear.gather [hbm4b:s16+s2], $0x80, $0x38;
	[tilespmem:$0x18E80] =	vst v63  }
0x22d: {  	s15 =	simm.s32 $0x6480;
	s16 =	sld [smem:$0x7D8]  }
0x22e: {  	[tilespmem:s15], [sflag:$0x1] =	stream.linear.gather [hbm4b:s14+s2], $0x80, $0x38;
	[tilespmem:$0x18E80] =	vst v63  }
0x22f: {  	s17 =	simm.s32 $0x6880;
	s15 =	sld [smem:$0x7D9]  }
0x230: {  	[tilespmem:s17], [sflag:$0x1] =	stream.linear.gather [hbm4b:s16+s2], $0x80, $0x38;
	[tilespmem:$0x18E80] =	vst v63  }
0x231: {  	s16 =	simm.s32 $0x6C80  }
0x232: {  	[tilespmem:s16], [sflag:$0x1] =	stream.linear.gather [hbm4b:s15+s2], $0x80, $0x38;
	[tilespmem:$0x18E80] =	vst v63  }
0x233: {  	s14 =	simm.s32 $0x3D00;
	s17 =	sld [smem:$0x7DA]  }
0x234: {  	[tilespmem:s14], [sflag:$0x1] =	stream.linear.gather [hbm4b:s19+s2], $0x80, $0x38;
	[tilespmem:$0x18E80] =	vst v63  }
0x235: {  	s15 =	simm.s32 $0x4100;
	s16 =	sld [smem:$0x7DB]  }
0x236: {  	[tilespmem:s15], [sflag:$0x1] =	stream.linear.gather [hbm4b:s17+s2], $0x80, $0x38;
	[tilespmem:$0x18E80] =	vst v63  }
0x237: {  	s17 =	simm.s32 $0x4500  }
0x238: {  	[tilespmem:s17], [sflag:$0x1] =	stream.linear.gather [hbm4b:s16+s2], $0x80, $0x38;
	[tilespmem:$0x18E80] =	vst v63  }
0x239: {  	s16 =	sld [smem:$0x7DC];
	_ =	sdelay $0x1  }
0x23a: {  	s17 =	simm.s32 $0x4900  }
0x23b: {  	[tilespmem:s17], [sflag:$0x1] =	stream.linear.gather [hbm4b:s16+s2], $0x80, $0x38;
	[tilespmem:$0x18E80] =	vst v63  }
0x23c: {  	s16 =	sld [smem:$0x7DD];
	_ =	sdelay $0x1  }
0x23d: {  	s17 =	simm.s32 $0x4D00  }
0x23e: {  	[tilespmem:s17], [sflag:$0x1] =	stream.linear.gather [hbm4b:s16+s2], $0x80, $0x38;
	[tilespmem:$0x18E80] =	vst v63  }
0x23f: {  	s16 =	sld [smem:$0x7DE];
	_ =	sdelay $0x1  }
0x240: {  	s17 =	simm.s32 $0x5100  }
0x241: {  	[tilespmem:s17], [sflag:$0x1] =	stream.linear.gather [hbm4b:s16+s2], $0x80, $0x38;
	[tilespmem:$0x18E80] =	vst v63  }
0x242: {  	s16 =	sld [smem:$0x7DF];
	_ =	sdelay $0x1  }
0x243: {  	s17 =	simm.s32 $0x5500  }
0x244: {  	[tilespmem:s17], [sflag:$0x1] =	stream.linear.gather [hbm4b:s16+s2], $0x80, $0x38;
	[tilespmem:$0x18E80] =	vst v63  }
0x245: {  	s16 =	sld [smem:$0x7E0];
	_ =	sdelay $0x1  }
0x246: {  	s17 =	simm.s32 $0x5900  }
0x247: {  	[tilespmem:s17], [sflag:$0x1] =	stream.linear.gather [hbm4b:s16+s2], $0x80, $0x38;
	[tilespmem:$0x18E80] =	vst v63  }
0x248: {  	s16 =	sld [smem:$0x7E1];
	_ =	sdelay $0x1  }
0x249: {  	s17 =	simm.s32 $0x5D00  }
0x24a: {  	[tilespmem:s17], [sflag:$0x1] =	stream.linear.gather [hbm4b:s16+s2], $0x80, $0x38;
	[tilespmem:$0x18E80] =	vst v63  }
0x24b: {  	s16 =	sld [smem:$0x7E2];
	_ =	sdelay $0x1  }
0x24c: {  	s17 =	simm.s32 $0x6100  }
0x24d: {  	[tilespmem:s17], [sflag:$0x1] =	stream.linear.gather [hbm4b:s16+s2], $0x80, $0x38;
	[tilespmem:$0x18E80] =	vst v63  }
0x24e: {  	s16 =	sld [smem:$0x7E3];
	_ =	sdelay $0x1  }
0x24f: {  	s17 =	simm.s32 $0x6500  }
0x250: {  	[tilespmem:s17], [sflag:$0x1] =	stream.linear.gather [hbm4b:s16+s2], $0x80, $0x38;
	[tilespmem:$0x18E80] =	vst v63  }
0x251: {  	s16 =	sld [smem:$0x7E4];
	_ =	sdelay $0x1  }
0x252: {  	s15 =	sld [smem:$0x7E5];
	s17 =	simm.s32 $0x6900  }
0x253: {  	[tilespmem:s17], [sflag:$0x1] =	stream.linear.gather [hbm4b:s16+s2], $0x80, $0x38;
	[tilespmem:$0x18E80] =	vst v63  }
0x254: {  	s16 =	simm.s32 $0x6D00  }
0x255: {  	[tilespmem:s16], [sflag:$0x1] =	stream.linear.gather [hbm4b:s15+s2], $0x80, $0x38;
	[tilespmem:$0x18E80] =	vst v63  }
0x256: {  	s17 =	sld [smem:$0x7E6];
	s15 =	simm.s32 $0x3D80  }
0x257: {  	[tilespmem:s15], [sflag:$0x1] =	stream.linear.gather [hbm4b:s20+s2], $0x80, $0x38;
	[tilespmem:$0x18E80] =	vst v63  }
0x258: {  	s16 =	simm.s32 $0x4180  }
0x259: {  	[tilespmem:s16], [sflag:$0x1] =	stream.linear.gather [hbm4b:s17+s2], $0x80, $0x38;
	[tilespmem:$0x18E80] =	vst v63  }
0x25a: {  	s16 =	sld [smem:$0x7E7];
	_ =	sdelay $0x1  }
0x25b: {  	s17 =	simm.s32 $0x4580  }
0x25c: {  	[tilespmem:s17], [sflag:$0x1] =	stream.linear.gather [hbm4b:s16+s2], $0x80, $0x38;
	[tilespmem:$0x18E80] =	vst v63  }
0x25d: {  	s16 =	sld [smem:$0x7E8];
	_ =	sdelay $0x1  }
0x25e: {  	s17 =	simm.s32 $0x4980  }
0x25f: {  	[tilespmem:s17], [sflag:$0x1] =	stream.linear.gather [hbm4b:s16+s2], $0x80, $0x38;
	[tilespmem:$0x18E80] =	vst v63  }
0x260: {  	s16 =	sld [smem:$0x7E9];
	_ =	sdelay $0x1  }
0x261: {  	s17 =	simm.s32 $0x4D80  }
0x262: {  	[tilespmem:s17], [sflag:$0x1] =	stream.linear.gather [hbm4b:s16+s2], $0x80, $0x38;
	[tilespmem:$0x18E80] =	vst v63  }
0x263: {  	s16 =	sld [smem:$0x7EA];
	_ =	sdelay $0x1  }
0x264: {  	s17 =	simm.s32 $0x5180  }
0x265: {  	[tilespmem:s17], [sflag:$0x1] =	stream.linear.gather [hbm4b:s16+s2], $0x80, $0x38;
	[tilespmem:$0x18E80] =	vst v63  }
0x266: {  	s16 =	sld [smem:$0x7EB];
	_ =	sdelay $0x1  }
0x267: {  	s17 =	simm.s32 $0x5580  }
0x268: {  	[tilespmem:s17], [sflag:$0x1] =	stream.linear.gather [hbm4b:s16+s2], $0x80, $0x38;
	[tilespmem:$0x18E80] =	vst v63  }
0x269: {  	s16 =	sld [smem:$0x7EC];
	_ =	sdelay $0x1  }
0x26a: {  	s17 =	simm.s32 $0x5980  }
0x26b: {  	[tilespmem:s17], [sflag:$0x1] =	stream.linear.gather [hbm4b:s16+s2], $0x80, $0x38;
	[tilespmem:$0x18E80] =	vst v63  }
0x26c: {  	s16 =	sld [smem:$0x7ED];
	_ =	sdelay $0x1  }
0x26d: {  	s17 =	simm.s32 $0x5D80  }
0x26e: {  	[tilespmem:s17], [sflag:$0x1] =	stream.linear.gather [hbm4b:s16+s2], $0x80, $0x38;
	[tilespmem:$0x18E80] =	vst v63  }
0x26f: {  	s16 =	sld [smem:$0x7EE];
	_ =	sdelay $0x1  }
0x270: {  	s17 =	simm.s32 $0x6180  }
0x271: {  	[tilespmem:s17], [sflag:$0x1] =	stream.linear.gather [hbm4b:s16+s2], $0x80, $0x38;
	[tilespmem:$0x18E80] =	vst v63  }
0x272: {  	s16 =	sld [smem:$0x7EF];
	_ =	sdelay $0x1  }
0x273: {  	s17 =	simm.s32 $0x6580  }
0x274: {  	[tilespmem:s17], [sflag:$0x1] =	stream.linear.gather [hbm4b:s16+s2], $0x80, $0x38;
	[tilespmem:$0x18E80] =	vst v63  }
0x275: {  	s16 =	sld [smem:$0x7F0];
	_ =	sdelay $0x1  }
0x276: {  	s17 =	simm.s32 $0x6980  }
0x277: {  	[tilespmem:s17], [sflag:$0x1] =	stream.linear.gather [hbm4b:s16+s2], $0x80, $0x38;
	[tilespmem:$0x18E80] =	vst v63  }
0x278: {  	s16 =	sld [smem:$0x7F1];
	_ =	sdelay $0x1  }
0x279: {  	s17 =	simm.s32 $0x6D80  }
0x27a: {  	[tilespmem:s17], [sflag:$0x1] =	stream.linear.gather [hbm4b:s16+s2], $0x80, $0x38;
	[tilespmem:$0x18E80] =	vst v63  }
0x27b: {  	s1 =	sld [smem:$0x7F2];
	s16 =	simm.s32 $0x3E00  }
0x27c: {  	[tilespmem:s16], [sflag:$0x1] =	stream.linear.gather [hbm4b:s21+s2], $0x80, $0x38;
	[tilespmem:$0x18E80] =	vst v63  }
0x27d: {  	s17 =	simm.s32 $0x4200  }
0x27e: {  	[tilespmem:s17], [sflag:$0x1] =	stream.linear.gather [hbm4b:s1+s2], $0x80, $0x38;
	[tilespmem:$0x18E80] =	vst v63  }
0x27f: {  	s1 =	sld [smem:$0x7F3];
	_ =	sdelay $0x1  }
0x280: {  	s17 =	simm.s32 $0x4600  }
0x281: {  	[tilespmem:s17], [sflag:$0x1] =	stream.linear.gather [hbm4b:s1+s2], $0x80, $0x38;
	[tilespmem:$0x18E80] =	vst v63  }
0x282: {  	s1 =	sld [smem:$0x7F4];
	_ =	sdelay $0x1  }
0x283: {  	s17 =	simm.s32 $0x4A00  }
0x284: {  	[tilespmem:s17], [sflag:$0x1] =	stream.linear.gather [hbm4b:s1+s2], $0x80, $0x38;
	[tilespmem:$0x18E80] =	vst v63  }
0x285: {  	s1 =	sld [smem:$0x7F5];
	_ =	sdelay $0x1  }
0x286: {  	s17 =	simm.s32 $0x4E00  }
0x287: {  	[tilespmem:s17], [sflag:$0x1] =	stream.linear.gather [hbm4b:s1+s2], $0x80, $0x38;
	[tilespmem:$0x18E80] =	vst v63  }
0x288: {  	s1 =	sld [smem:$0x7F6];
	_ =	sdelay $0x1  }
0x289: {  	s17 =	simm.s32 $0x5200  }
0x28a: {  	[tilespmem:s17], [sflag:$0x1] =	stream.linear.gather [hbm4b:s1+s2], $0x80, $0x38;
	[tilespmem:$0x18E80] =	vst v63  }
0x28b: {  	s1 =	sld [smem:$0x7F7];
	_ =	sdelay $0x1  }
0x28c: {  	s17 =	simm.s32 $0x5600  }
0x28d: {  	[tilespmem:s17], [sflag:$0x1] =	stream.linear.gather [hbm4b:s1+s2], $0x80, $0x38;
	[tilespmem:$0x18E80] =	vst v63  }
0x28e: {  	s1 =	sld [smem:$0x7F8];
	_ =	sdelay $0x1  }
0x28f: {  	s17 =	simm.s32 $0x5A00  }
0x290: {  	[tilespmem:s17], [sflag:$0x1] =	stream.linear.gather [hbm4b:s1+s2], $0x80, $0x38;
	[tilespmem:$0x18E80] =	vst v63  }
0x291: {  	s1 =	sld [smem:$0x7F9];
	_ =	sdelay $0x1  }
0x292: {  	s17 =	simm.s32 $0x5E00  }
0x293: {  	[tilespmem:s17], [sflag:$0x1] =	stream.linear.gather [hbm4b:s1+s2], $0x80, $0x38;
	[tilespmem:$0x18E80] =	vst v63  }
0x294: {  	s1 =	sld [smem:$0x7FA];
	_ =	sdelay $0x1  }
0x295: {  	s17 =	simm.s32 $0x6200  }
0x296: {  	[tilespmem:s17], [sflag:$0x1] =	stream.linear.gather [hbm4b:s1+s2], $0x80, $0x38;
	[tilespmem:$0x18E80] =	vst v63  }
0x297: {  	s1 =	sld [smem:$0x7FB];
	_ =	sdelay $0x1  }
0x298: {  	s17 =	simm.s32 $0x6600  }
0x299: {  	[tilespmem:s17], [sflag:$0x1] =	stream.linear.gather [hbm4b:s1+s2], $0x80, $0x38;
	[tilespmem:$0x18E80] =	vst v63  }
0x29a: {  	s1 =	sld [smem:$0x7FC];
	_ =	sdelay $0x1  }
0x29b: {  	s17 =	simm.s32 $0x6A00  }
0x29c: {  	[tilespmem:s17], [sflag:$0x1] =	stream.linear.gather [hbm4b:s1+s2], $0x80, $0x38;
	[tilespmem:$0x18E80] =	vst v63  }
0x29d: {  	s1 =	sld [smem:$0x7FD];
	_ =	sdelay $0x1  }
0x29e: {  	s17 =	simm.s32 $0x6E00  }
0x29f: {  	[tilespmem:s17], [sflag:$0x1] =	stream.linear.gather [hbm4b:s1+s2], $0x80, $0x38;
	[tilespmem:$0x18E80] =	vst v63  }
0x2a0: {  	_ =	swait.ge [sflag:s0], $0x680  }
0x2a1: {  	[sflag:s0] =	ssyncset.done $0x0  }
0x2a2: {  	[sflag:s0] =	ssyncadd.s32 $0xFFFFF980  }
0x2a3: {  	_ =	swait.ge [sflag:s0], $0x680  }
0x2a4: {  	[sflag:s0] =	ssyncset.done $0x0  }
0x2a5: {  	[sflag:s0] =	ssyncadd.s32 $0xFFFFF980  }
0x2a6: {  	_ =	swait.ge [sflag:s0], $0x680  }
0x2a7: {  	[sflag:s0] =	ssyncset.done $0x0  }
0x2a8: {  	[sflag:s0] =	ssyncadd.s32 $0xFFFFF980  }
0x2a9: {  	_ =	swait.ge [sflag:s0], $0x680  }
0x2aa: {  	[sflag:s0] =	ssyncset.done $0x0  }
0x2ab: {  	[sflag:s0] =	ssyncadd.s32 $0xFFFFF980  }
0x2ac: {  	_ =	swait.ge [sflag:s0], $0x680  }
0x2ad: {  	[sflag:s0] =	ssyncset.done $0x0  }
0x2ae: {  	[sflag:s0] =	ssyncadd.s32 $0xFFFFF980  }
0x2af: {  	_ =	swait.ge [sflag:s0], $0x680  }
0x2b0: {  	[sflag:s0] =	ssyncset.done $0x0  }
0x2b1: {  	[sflag:s0] =	ssyncadd.s32 $0xFFFFF980  }
0x2b2: {  	_ =	swait.ge [sflag:s0], $0x680  }
0x2b3: {  	[sflag:s0] =	ssyncset.done $0x0  }
0x2b4: {  	[sflag:s0] =	ssyncadd.s32 $0xFFFFF980  }
0x2b5: {  	_ =	swait.ge [sflag:s0], $0x680  }
0x2b6: {  	[sflag:s0] =	ssyncset.done $0x0  }
0x2b7: {  	[sflag:s0] =	ssyncadd.s32 $0xFFFFF980  }
0x2b8: {  	_ =	swait.ge [sflag:s0], $0x680  }
0x2b9: {  	[sflag:s0] =	ssyncset.done $0x0  }
0x2ba: {  	[sflag:s0] =	ssyncadd.s32 $0xFFFFF980  }
0x2bb: {  	_ =	swait.ge [sflag:s0], $0x680  }
0x2bc: {  	[sflag:s0] =	ssyncset.done $0x0  }
0x2bd: {  	[sflag:s0] =	ssyncadd.s32 $0xFFFFF980  }
0x2be: {  	_ =	swait.ge [sflag:s0], $0x680  }
0x2bf: {  	[sflag:s0] =	ssyncset.done $0x0  }
0x2c0: {  	[sflag:s0] =	ssyncadd.s32 $0xFFFFF980  }
0x2c1: {  	_ =	swait.ge [sflag:s0], $0x680  }
0x2c2: {  	[sflag:s0] =	ssyncset.done $0x0  }
0x2c3: {  	[sflag:s0] =	ssyncadd.s32 $0xFFFFF980  }
0x2c4: {  	_ =	swait.ge [sflag:s0], $0x680  }
0x2c5: {  	[sflag:s0] =	ssyncset.done $0x0  }
0x2c6: {  	[sflag:s0] =	ssyncadd.s32 $0xFFFFF980  }
0x2c7: {  	_ =	swait.ge [sflag:s0], $0x680  }
0x2c8: {  	[sflag:s0] =	ssyncset.done $0x0  }
0x2c9: {  	[sflag:s0] =	ssyncadd.s32 $0xFFFFF980  }
0x2ca: {  	_ =	swait.ge [sflag:s0], $0x680  }
0x2cb: {  	[sflag:s0] =	ssyncset.done $0x0  }
0x2cc: {  	[sflag:s0] =	ssyncadd.s32 $0xFFFFF980  }
0x2cd: {  	_ =	swait.ge [sflag:s0], $0x680  }
0x2ce: {  	[sflag:s0] =	ssyncset.done $0x0  }
0x2cf: {  	[sflag:s0] =	ssyncadd.s32 $0xFFFFF980  }
0x2d0: {  	_ =	swait.ge [sflag:s0], $0x680  }
0x2d1: {  	[sflag:s0] =	ssyncset.done $0x0  }
0x2d2: {  	s17 =	simm.s32 $0xEE80;
	[sflag:s0] =	ssyncadd.s32 $0xFFFFF980  }
0x2d3: {  	[tilespmem:s17], [sflag:$0x2] =	stream.indirect.gather [hbm4b:s3+s5], $0x80, s2, s5, $0xb8;
	[tilespmem:$0x18E80] =	vst v63  }
0x2d4: {  	s17 =	simm.s32 $0x6E80  }
0x2d5: {  	[tilespmem:s17], [sflag:$0x2] =	stream.indirect.gather [hbm4b:s3+s5], $0x80, s6, s5, $0xb8;
	[tilespmem:$0x18E80] =	vst v63  }
0x2d6: {  	s6 =	simm.s32 $0x7680  }
0x2d7: {  	[tilespmem:s6], [sflag:$0x2] =	stream.indirect.gather [hbm4b:s3+s5], $0x80, s7, s5, $0xb8;
	[tilespmem:$0x18E80] =	vst v63  }
0x2d8: {  	s7 =	simm.s32 $0x7E80  }
0x2d9: {  	[tilespmem:s7], [sflag:$0x2] =	stream.indirect.gather [hbm4b:s3+s5], $0x80, s8, s5, $0xb8;
	[tilespmem:$0x18E80] =	vst v63  }
0x2da: {  	s17 =	simm.s32 $0x8680  }
0x2db: {  	[tilespmem:s17], [sflag:$0x2] =	stream.indirect.gather [hbm4b:s3+s5], $0x80, s26, s5, $0xb8;
	[tilespmem:$0x18E80] =	vst v63  }
0x2dc: {  	s26 =	simm.s32 $0x8E80  }
0x2dd: {  	[tilespmem:s26], [sflag:$0x2] =	stream.indirect.gather [hbm4b:s3+s5], $0x80, s28, s5, $0xb8;
	[tilespmem:$0x18E80] =	vst v63  }
0x2de: {  	s28 =	simm.s32 $0x9680  }
0x2df: {  	[tilespmem:s28], [sflag:$0x2] =	stream.indirect.gather [hbm4b:s3+s5], $0x80, s29, s5, $0xb8;
	[tilespmem:$0x18E80] =	vst v63  }
0x2e0: {  	s6 =	simm.s32 $0x9E80  }
0x2e1: {  	[tilespmem:s6], [sflag:$0x2] =	stream.indirect.gather [hbm4b:s3+s5], $0x80, s30, s5, $0xb8;
	[tilespmem:$0x18E80] =	vst v63  }
0x2e2: {  	s7 =	simm.s32 $0xA680  }
0x2e3: {  	[tilespmem:s7], [sflag:$0x2] =	stream.indirect.gather [hbm4b:s3+s5], $0x80, s31, s5, $0xb8;
	[tilespmem:$0x18E80] =	vst v63  }
0x2e4: {  	s8 =	simm.s32 $0xAE80  }
0x2e5: {  	[tilespmem:s8], [sflag:$0x2] =	stream.indirect.gather [hbm4b:s3+s5], $0x80, s9, s5, $0xb8;
	[tilespmem:$0x18E80] =	vst v63  }
0x2e6: {  	s9 =	simm.s32 $0xB680  }
0x2e7: {  	[tilespmem:s9], [sflag:$0x2] =	stream.indirect.gather [hbm4b:s3+s5], $0x80, s10, s5, $0xb8;
	[tilespmem:$0x18E80] =	vst v63  }
0x2e8: {  	s17 =	simm.s32 $0xBE80  }
0x2e9: {  	[tilespmem:s17], [sflag:$0x2] =	stream.indirect.gather [hbm4b:s3+s5], $0x80, s11, s5, $0xb8;
	[tilespmem:$0x18E80] =	vst v63  }
0x2ea: {  	s26 =	simm.s32 $0xC680  }
0x2eb: {  	[tilespmem:s26], [sflag:$0x2] =	stream.indirect.gather [hbm4b:s3+s5], $0x80, s12, s5, $0xb8;
	[tilespmem:$0x18E80] =	vst v63  }
0x2ec: {  	s28 =	simm.s32 $0xCE80  }
0x2ed: {  	[tilespmem:s28], [sflag:$0x2] =	stream.indirect.gather [hbm4b:s3+s5], $0x80, s13, s5, $0xb8;
	[tilespmem:$0x18E80] =	vst v63  }
0x2ee: {  	s29 =	simm.s32 $0xD680  }
0x2ef: {  	[tilespmem:s29], [sflag:$0x2] =	stream.indirect.gather [hbm4b:s3+s5], $0x80, s14, s5, $0xb8;
	[tilespmem:$0x18E80] =	vst v63  }
0x2f0: {  	s30 =	simm.s32 $0xDE80  }
0x2f1: {  	[tilespmem:s30], [sflag:$0x2] =	stream.indirect.gather [hbm4b:s3+s5], $0x80, s15, s5, $0xb8;
	[tilespmem:$0x18E80] =	vst v63  }
0x2f2: {  	p0 =	por $0x0, $0x0;
	s31 =	simm.s32 $0xE680;
	s26 =	simm.s32 $0x0  }
0x2f3: {  	[tilespmem:s31], [sflag:$0x2] =	stream.indirect.gather [hbm4b:s3+s5], $0x80, s16, s5, $0xb8;
	[tilespmem:$0x18E80] =	vst v63  }
.LBB2_2:
0x2f4: {  	s28 =	sadd.s32 $0x1, s26;
	p1 =	seq.s32 s26, $0x67  }
0x2f5: {  	s29 =	sand.u32 @!p1 $0x1, s28  }
0x2f6: {  	p2 =	seq.s32 @!p1 s29, $0x1  }
0x2f7: {  	s29 =	simm.s32 @!p1 $0x8800;
	p2 =	por !p2, p1  }
0x2f8: {  	s29 =	simm.s32 @p2 $0x0  }
0x2f9: {  	s30 =	sshll.u32 @!p1 s28, $0x4;
	s1 =	simm.s32 @!p1 $0x10;
	s31 =	sadd.s32 @!p1 $0xEE80, s29  }
0x2fa: {  	[tilespmem:s31], [sflag:$0x2] =	stream.indirect.gather @!p1 [hbm4b:s3+s1], $0x80, s30, s1, $0xb8;
	[tilespmem:$0x18E80] =	vst v63  }
0x2fb: {  	s31 =	sshll.u32 @!p1 s28, $0x7  }
0x2fc: {  	s30 =	sand.u32 @!p1 $0x70, s30;
	s6 =	sand.u32 @!p1 $0x7C00, s31  }
0x2fd: {  	s6 =	sor.u32 @!p1 s30, s6  }
0x2fe: {  	s7 =	sadd.s32 @!p1 $0x6E80, s29;
	s8 =	sadd.s32 @!p1 $0x680, s6  }
0x2ff: {  	[tilespmem:s7], [sflag:$0x2] =	stream.indirect.gather @!p1 [hbm4b:s3+s1], $0x80, s8, s1, $0xb8;
	[tilespmem:$0x18E80] =	vst v63  }
0x300: {  	s7 =	sor.u32 @!p1 $0x7680, s29;
	s8 =	sadd.s32 @!p1 $0x700, s6  }
0x301: {  	[tilespmem:s7], [sflag:$0x2] =	stream.indirect.gather @!p1 [hbm4b:s3+s1], $0x80, s8, s1, $0xb8;
	[tilespmem:$0x18E80] =	vst v63  }
0x302: {  	s7 =	sadd.s32 @!p1 $0x7E80, s29;
	s8 =	sadd.s32 @!p1 $0x780, s6  }
0x303: {  	[tilespmem:s7], [sflag:$0x2] =	stream.indirect.gather @!p1 [hbm4b:s3+s1], $0x80, s8, s1, $0xb8;
	[tilespmem:$0x18E80] =	vst v63  }
0x304: {  	s7 =	sadd.s32 @!p1 $0x8680, s29;
	s8 =	sadd.s32 @!p1 $0x800, s6  }
0x305: {  	[tilespmem:s7], [sflag:$0x2] =	stream.indirect.gather @!p1 [hbm4b:s3+s1], $0x80, s8, s1, $0xb8;
	[tilespmem:$0x18E80] =	vst v63  }
0x306: {  	s7 =	sadd.s32 @!p1 $0x8E80, s29;
	s8 =	sadd.s32 @!p1 $0x880, s6  }
0x307: {  	[tilespmem:s7], [sflag:$0x2] =	stream.indirect.gather @!p1 [hbm4b:s3+s1], $0x80, s8, s1, $0xb8;
	[tilespmem:$0x18E80] =	vst v63  }
0x308: {  	s7 =	sadd.s32 @!p1 $0x9680, s29;
	s8 =	sadd.s32 @!p1 $0x900, s6  }
0x309: {  	[tilespmem:s7], [sflag:$0x2] =	stream.indirect.gather @!p1 [hbm4b:s3+s1], $0x80, s8, s1, $0xb8;
	[tilespmem:$0x18E80] =	vst v63  }
0x30a: {  	s7 =	sadd.s32 @!p1 $0x9E80, s29;
	s8 =	sadd.s32 @!p1 $0x980, s6  }
0x30b: {  	[tilespmem:s7], [sflag:$0x2] =	stream.indirect.gather @!p1 [hbm4b:s3+s1], $0x80, s8, s1, $0xb8;
	[tilespmem:$0x18E80] =	vst v63  }
0x30c: {  	s7 =	sor.u32 @!p1 s30, s31  }
0x30d: {  	s7 =	sor.u32 @!p1 $0x380, s7  }
0x30e: {  	s8 =	sadd.s32 @!p1 $0xA680, s29;
	s7 =	sadd.s32 @!p1 $0x680, s7  }
0x30f: {  	[tilespmem:s8], [sflag:$0x2] =	stream.indirect.gather @!p1 [hbm4b:s3+s1], $0x80, s7, s1, $0xb8;
	[tilespmem:$0x18E80] =	vst v63  }
0x310: {  	s7 =	sadd.s32 @!p1 $0xAE80, s29;
	s8 =	sadd.s32 @!p1 $0x3A80, s6  }
0x311: {  	[tilespmem:s7], [sflag:$0x2] =	stream.indirect.gather @!p1 [hbm4b:s3+s1], $0x80, s8, s1, $0xb8;
	[tilespmem:$0x18E80] =	vst v63  }
0x312: {  	s7 =	sadd.s32 @!p1 $0xB680, s29;
	s8 =	sadd.s32 @!p1 $0x3B00, s6  }
0x313: {  	[tilespmem:s7], [sflag:$0x2] =	stream.indirect.gather @!p1 [hbm4b:s3+s1], $0x80, s8, s1, $0xb8;
	[tilespmem:$0x18E80] =	vst v63  }
0x314: {  	s7 =	sadd.s32 @!p1 $0xBE80, s29;
	s8 =	sadd.s32 @!p1 $0x3B80, s6  }
0x315: {  	[tilespmem:s7], [sflag:$0x2] =	stream.indirect.gather @!p1 [hbm4b:s3+s1], $0x80, s8, s1, $0xb8;
	[tilespmem:$0x18E80] =	vst v63  }
0x316: {  	s7 =	sadd.s32 @!p1 $0xC680, s29;
	s8 =	sadd.s32 @!p1 $0x3C00, s6  }
0x317: {  	[tilespmem:s7], [sflag:$0x2] =	stream.indirect.gather @!p1 [hbm4b:s3+s1], $0x80, s8, s1, $0xb8;
	[tilespmem:$0x18E80] =	vst v63  }
0x318: {  	s7 =	sadd.s32 @!p1 $0xCE80, s29;
	s8 =	sadd.s32 @!p1 $0x3C80, s6  }
0x319: {  	[tilespmem:s7], [sflag:$0x2] =	stream.indirect.gather @!p1 [hbm4b:s3+s1], $0x80, s8, s1, $0xb8;
	[tilespmem:$0x18E80] =	vst v63  }
0x31a: {  	s7 =	sadd.s32 @!p1 $0xD680, s29;
	s8 =	sadd.s32 @!p1 $0x3D00, s6  }
0x31b: {  	[tilespmem:s7], [sflag:$0x2] =	stream.indirect.gather @!p1 [hbm4b:s3+s1], $0x80, s8, s1, $0xb8;
	[tilespmem:$0x18E80] =	vst v63  }
0x31c: {  	s7 =	sadd.s32 @!p1 $0xDE80, s29;
	s8 =	sadd.s32 @!p1 $0x3D80, s6  }
0x31d: {  	[tilespmem:s7], [sflag:$0x2] =	stream.indirect.gather @!p1 [hbm4b:s3+s1], $0x80, s8, s1, $0xb8;
	[tilespmem:$0x18E80] =	vst v63  }
0x31e: {  	s6 =	sadd.s32 @!p1 $0x3E00, s6;
	s7 =	sadd.s32 @!p1 $0xE680, s29  }
0x31f: {  	[tilespmem:s7], [sflag:$0x2] =	stream.indirect.gather @!p1 [hbm4b:s3+s1], $0x80, s6, s1, $0xb8;
	[tilespmem:$0x18E80] =	vst v63  }
0x320: {  	_ =	swait.ge [sflag:s23], $0x800  }
0x321: {  	[sflag:s23] =	ssyncset.done $0x0  }
0x322: {  	[sflag:s23] =	ssyncadd.s32 $0xFFFFF800  }
0x323: {  	_ =	swait.ge [sflag:s23], $0x800  }
0x324: {  	[sflag:s23] =	ssyncset.done $0x0  }
0x325: {  	[sflag:s23] =	ssyncadd.s32 $0xFFFFF800  }
0x326: {  	_ =	swait.ge [sflag:s23], $0x800  }
0x327: {  	[sflag:s23] =	ssyncset.done $0x0  }
0x328: {  	[sflag:s23] =	ssyncadd.s32 $0xFFFFF800  }
0x329: {  	_ =	swait.ge [sflag:s23], $0x800  }
0x32a: {  	[sflag:s23] =	ssyncset.done $0x0  }
0x32b: {  	[sflag:s23] =	ssyncadd.s32 $0xFFFFF800  }
0x32c: {  	_ =	swait.ge [sflag:s23], $0x800  }
0x32d: {  	[sflag:s23] =	ssyncset.done $0x0  }
0x32e: {  	[sflag:s23] =	ssyncadd.s32 $0xFFFFF800  }
0x32f: {  	_ =	swait.ge [sflag:s23], $0x800  }
0x330: {  	[sflag:s23] =	ssyncset.done $0x0  }
0x331: {  	[sflag:s23] =	ssyncadd.s32 $0xFFFFF800  }
0x332: {  	_ =	swait.ge [sflag:s23], $0x800  }
0x333: {  	[sflag:s23] =	ssyncset.done $0x0  }
0x334: {  	[sflag:s23] =	ssyncadd.s32 $0xFFFFF800  }
0x335: {  	_ =	swait.ge [sflag:s23], $0x800  }
0x336: {  	[sflag:s23] =	ssyncset.done $0x0  }
0x337: {  	[sflag:s23] =	ssyncadd.s32 $0xFFFFF800  }
0x338: {  	_ =	swait.ge [sflag:s23], $0x800  }
0x339: {  	[sflag:s23] =	ssyncset.done $0x0  }
0x33a: {  	[sflag:s23] =	ssyncadd.s32 $0xFFFFF800  }
0x33b: {  	_ =	swait.ge [sflag:s23], $0x800  }
0x33c: {  	[sflag:s23] =	ssyncset.done $0x0  }
0x33d: {  	[sflag:s23] =	ssyncadd.s32 $0xFFFFF800  }
0x33e: {  	_ =	swait.ge [sflag:s23], $0x800  }
0x33f: {  	[sflag:s23] =	ssyncset.done $0x0  }
0x340: {  	[sflag:s23] =	ssyncadd.s32 $0xFFFFF800  }
0x341: {  	_ =	swait.ge [sflag:s23], $0x800  }
0x342: {  	[sflag:s23] =	ssyncset.done $0x0  }
0x343: {  	[sflag:s23] =	ssyncadd.s32 $0xFFFFF800  }
0x344: {  	_ =	swait.ge [sflag:s23], $0x800  }
0x345: {  	[sflag:s23] =	ssyncset.done $0x0  }
0x346: {  	[sflag:s23] =	ssyncadd.s32 $0xFFFFF800  }
0x347: {  	_ =	swait.ge [sflag:s23], $0x800  }
0x348: {  	[sflag:s23] =	ssyncset.done $0x0  }
0x349: {  	[sflag:s23] =	ssyncadd.s32 $0xFFFFF800  }
0x34a: {  	_ =	swait.ge [sflag:s23], $0x800  }
0x34b: {  	s1 =	simm.s32 $0x1;
	[sflag:s23] =	ssyncset.done $0x0  }
0x34c: {  	s1 =	simm.s32 @!p0 $0x0;
	[sflag:s23] =	ssyncadd.s32 $0xFFFFF800  }
0x34d: {  	s16 =	smul.u32 $0x22000, s1;
	_ =	swait.ge [sflag:s23], $0x800  }
0x34e: {  	[sflag:s23] =	ssyncset.done $0x0  }
0x34f: {  	s6 =	sshrl.u32 s16, $0x2;
	[sflag:s23] =	ssyncadd.s32 $0xFFFFF800  }
0x350: {  	s6 =	sadd.s32 $0x6E80, s6;
	_ =	swait.ge [sflag:s23], $0x800  }
0x351: {  	p1 =	slt.u32 s26, $0x2;
	v0 =	vmov s6;
	[sflag:s23] =	ssyncset.done $0x0  }
0x352: {  	s6 =	simm.s32 @!p1 $0x3;
	[sflag:s23] =	ssyncadd.s32 $0xFFFFF800  }
0x353: {  	_ =	swait.ge @!p1 [sflag:s6], $0x800  }
0x354: {  	[sflag:s6] =	ssyncset.done @!p1 $0x0  }
0x355: {  	s29 =	simm.s32 $0x0;
	[sflag:s6] =	ssyncadd.s32 @!p1 $0xFFFFF800  }
0x356: {  	v1 =	vld.idx.msk [tilespmem:v0+s29+$0x8000 ss:$0x1], $0xffff  }
0x357: {  	v2 =	vld.idx.msk [tilespmem:v0+s29+$0x0 ss:$0x1], $0xffff;
	_ =	sdelay $0x1  }
0x358: {  	v3 =	vld.idx.msk [tilespmem:v0+s29+$0x800 ss:$0x1], $0xffff;
	_ =	sdelay $0x1  }
0x359: {  	v4 =	vld.idx.msk [tilespmem:v0+s29+$0x1000 ss:$0x1], $0xffff  }
0x35a: {  	v1 =	vadd.f32 v2, v1  }
0x35b: {  	v2 =	vld.idx.msk [tilespmem:v0+s29+$0x1800 ss:$0x1], $0xffff  }
0x35c: {  	v1 =	vadd.f32 v3, v1  }
0x35d: {  	v3 =	vld.idx.msk [tilespmem:v0+s29+$0x2000 ss:$0x1], $0xffff  }
0x35e: {  	v1 =	vadd.f32 v4, v1  }
0x35f: {  	v4 =	vld.idx.msk [tilespmem:v0+s29+$0x2800 ss:$0x1], $0xffff  }
0x360: {  	v1 =	vadd.f32 v2, v1  }
0x361: {  	v2 =	vld.idx.msk [tilespmem:v0+s29+$0x3000 ss:$0x1], $0xffff  }
0x362: {  	v1 =	vadd.f32 v3, v1  }
0x363: {  	v3 =	vld.idx.msk [tilespmem:v0+s29+$0x3800 ss:$0x1], $0xffff  }
0x364: {  	v1 =	vadd.f32 v4, v1  }
0x365: {  	v4 =	vld.idx.msk [tilespmem:v0+s29+$0x4000 ss:$0x1], $0xffff  }
0x366: {  	v1 =	vadd.f32 v2, v1  }
0x367: {  	v2 =	vld.idx.msk [tilespmem:v0+s29+$0x4800 ss:$0x1], $0xffff  }
0x368: {  	v1 =	vadd.f32 v3, v1  }
0x369: {  	v3 =	vld.idx.msk [tilespmem:v0+s29+$0x5000 ss:$0x1], $0xffff  }
0x36a: {  	v1 =	vadd.f32 v4, v1  }
0x36b: {  	v4 =	vld.idx.msk [tilespmem:v0+s29+$0x5800 ss:$0x1], $0xffff  }
0x36c: {  	v1 =	vadd.f32 v2, v1  }
0x36d: {  	v2 =	vld.idx.msk [tilespmem:v0+s29+$0x6000 ss:$0x1], $0xffff  }
0x36e: {  	v1 =	vadd.f32 v3, v1  }
0x36f: {  	v3 =	vld.idx.msk [tilespmem:v0+s29+$0x6800 ss:$0x1], $0xffff  }
0x370: {  	v1 =	vadd.f32 v4, v1  }
0x371: {  	v4 =	vld.idx.msk [tilespmem:v0+s29+$0x7000 ss:$0x1], $0xffff  }
0x372: {  	v1 =	vadd.f32 v2, v1  }
0x373: {  	s1 =	sshll.u32 s1, $0xB;
	v2 =	vld.idx.msk [tilespmem:v0+s29+$0x7800 ss:$0x1], $0xffff  }
0x374: {  	s1 =	sadd.s32 $0x17EF0, s1;
	v3 =	vadd.f32 v3, v1  }
0x375: {  	v1 =	vmov s1  }
0x376: {  	v3 =	vadd.f32 v4, v3;
	_ =	sdelay $0x1  }
0x377: {  	v2 =	vadd.f32 v2, v3;
	_ =	sdelay $0x1  }
0x378: {  	[tilespmem:v1+s29+$0xFFFFFF90 ss:$0x1] =	vst.idx.msk $0xffff, v2  }
0x379: {  	v2 =	vld.idx.msk [tilespmem:v0+s29+$0x8010 ss:$0x1], $0xffff  }
0x37a: {  	v3 =	vld.idx.msk [tilespmem:v0+s29+$0x10 ss:$0x1], $0xffff;
	_ =	sdelay $0x1  }
0x37b: {  	v4 =	vld.idx.msk [tilespmem:v0+s29+$0x810 ss:$0x1], $0xffff;
	_ =	sdelay $0x1  }
0x37c: {  	v5 =	vld.idx.msk [tilespmem:v0+s29+$0x1010 ss:$0x1], $0xffff  }
0x37d: {  	v2 =	vadd.f32 v3, v2  }
0x37e: {  	v3 =	vld.idx.msk [tilespmem:v0+s29+$0x1810 ss:$0x1], $0xffff  }
0x37f: {  	v2 =	vadd.f32 v4, v2  }
0x380: {  	v4 =	vld.idx.msk [tilespmem:v0+s29+$0x2010 ss:$0x1], $0xffff  }
0x381: {  	v2 =	vadd.f32 v5, v2  }
0x382: {  	v5 =	vld.idx.msk [tilespmem:v0+s29+$0x2810 ss:$0x1], $0xffff  }
0x383: {  	v2 =	vadd.f32 v3, v2  }
0x384: {  	v3 =	vld.idx.msk [tilespmem:v0+s29+$0x3010 ss:$0x1], $0xffff  }
0x385: {  	v2 =	vadd.f32 v4, v2  }
0x386: {  	v4 =	vld.idx.msk [tilespmem:v0+s29+$0x3810 ss:$0x1], $0xffff  }
0x387: {  	v2 =	vadd.f32 v5, v2  }
0x388: {  	v5 =	vld.idx.msk [tilespmem:v0+s29+$0x4010 ss:$0x1], $0xffff  }
0x389: {  	v2 =	vadd.f32 v3, v2  }
0x38a: {  	v3 =	vld.idx.msk [tilespmem:v0+s29+$0x4810 ss:$0x1], $0xffff  }
0x38b: {  	v2 =	vadd.f32 v4, v2  }
0x38c: {  	v4 =	vld.idx.msk [tilespmem:v0+s29+$0x5010 ss:$0x1], $0xffff  }
0x38d: {  	v2 =	vadd.f32 v5, v2  }
0x38e: {  	v5 =	vld.idx.msk [tilespmem:v0+s29+$0x5810 ss:$0x1], $0xffff  }
0x38f: {  	v2 =	vadd.f32 v3, v2  }
0x390: {  	v3 =	vld.idx.msk [tilespmem:v0+s29+$0x6010 ss:$0x1], $0xffff  }
0x391: {  	v2 =	vadd.f32 v4, v2  }
0x392: {  	v4 =	vld.idx.msk [tilespmem:v0+s29+$0x6810 ss:$0x1], $0xffff  }
0x393: {  	v2 =	vadd.f32 v5, v2  }
0x394: {  	v5 =	vld.idx.msk [tilespmem:v0+s29+$0x7010 ss:$0x1], $0xffff  }
0x395: {  	v2 =	vadd.f32 v3, v2  }
0x396: {  	v3 =	vld.idx.msk [tilespmem:v0+s29+$0x7810 ss:$0x1], $0xffff  }
0x397: {  	v2 =	vadd.f32 v4, v2;
	_ =	sdelay $0x1  }
0x398: {  	v2 =	vadd.f32 v5, v2;
	_ =	sdelay $0x1  }
0x399: {  	v2 =	vadd.f32 v3, v2;
	_ =	sdelay $0x1  }
0x39a: {  	[tilespmem:v1+s29+$0xFFFFFFA0 ss:$0x1] =	vst.idx.msk $0xffff, v2  }
0x39b: {  	v2 =	vld.idx.msk [tilespmem:v0+s29+$0x8020 ss:$0x1], $0xffff  }
0x39c: {  	v3 =	vld.idx.msk [tilespmem:v0+s29+$0x20 ss:$0x1], $0xffff;
	_ =	sdelay $0x1  }
0x39d: {  	v4 =	vld.idx.msk [tilespmem:v0+s29+$0x820 ss:$0x1], $0xffff;
	_ =	sdelay $0x1  }
0x39e: {  	v5 =	vld.idx.msk [tilespmem:v0+s29+$0x1020 ss:$0x1], $0xffff  }
0x39f: {  	v2 =	vadd.f32 v3, v2  }
0x3a0: {  	v3 =	vld.idx.msk [tilespmem:v0+s29+$0x1820 ss:$0x1], $0xffff  }
0x3a1: {  	v2 =	vadd.f32 v4, v2  }
0x3a2: {  	v4 =	vld.idx.msk [tilespmem:v0+s29+$0x2020 ss:$0x1], $0xffff  }
0x3a3: {  	v2 =	vadd.f32 v5, v2  }
0x3a4: {  	v5 =	vld.idx.msk [tilespmem:v0+s29+$0x2820 ss:$0x1], $0xffff  }
0x3a5: {  	v2 =	vadd.f32 v3, v2  }
0x3a6: {  	v3 =	vld.idx.msk [tilespmem:v0+s29+$0x3020 ss:$0x1], $0xffff  }
0x3a7: {  	v2 =	vadd.f32 v4, v2  }
0x3a8: {  	v4 =	vld.idx.msk [tilespmem:v0+s29+$0x3820 ss:$0x1], $0xffff  }
0x3a9: {  	v2 =	vadd.f32 v5, v2  }
0x3aa: {  	v5 =	vld.idx.msk [tilespmem:v0+s29+$0x4020 ss:$0x1], $0xffff  }
0x3ab: {  	v2 =	vadd.f32 v3, v2  }
0x3ac: {  	v3 =	vld.idx.msk [tilespmem:v0+s29+$0x4820 ss:$0x1], $0xffff  }
0x3ad: {  	v2 =	vadd.f32 v4, v2  }
0x3ae: {  	v4 =	vld.idx.msk [tilespmem:v0+s29+$0x5020 ss:$0x1], $0xffff  }
0x3af: {  	v2 =	vadd.f32 v5, v2  }
0x3b0: {  	v5 =	vld.idx.msk [tilespmem:v0+s29+$0x5820 ss:$0x1], $0xffff  }
0x3b1: {  	v2 =	vadd.f32 v3, v2  }
0x3b2: {  	v3 =	vld.idx.msk [tilespmem:v0+s29+$0x6020 ss:$0x1], $0xffff  }
0x3b3: {  	v2 =	vadd.f32 v4, v2  }
0x3b4: {  	v4 =	vld.idx.msk [tilespmem:v0+s29+$0x6820 ss:$0x1], $0xffff  }
0x3b5: {  	v2 =	vadd.f32 v5, v2  }
0x3b6: {  	v5 =	vld.idx.msk [tilespmem:v0+s29+$0x7020 ss:$0x1], $0xffff  }
0x3b7: {  	v2 =	vadd.f32 v3, v2  }
0x3b8: {  	v3 =	vld.idx.msk [tilespmem:v0+s29+$0x7820 ss:$0x1], $0xffff  }
0x3b9: {  	v2 =	vadd.f32 v4, v2;
	_ =	sdelay $0x1  }
0x3ba: {  	v2 =	vadd.f32 v5, v2;
	_ =	sdelay $0x1  }
0x3bb: {  	v2 =	vadd.f32 v3, v2;
	_ =	sdelay $0x1  }
0x3bc: {  	[tilespmem:v1+s29+$0xFFFFFFB0 ss:$0x1] =	vst.idx.msk $0xffff, v2  }
0x3bd: {  	v2 =	vld.idx.msk [tilespmem:v0+s29+$0x8030 ss:$0x1], $0xffff  }
0x3be: {  	v3 =	vld.idx.msk [tilespmem:v0+s29+$0x30 ss:$0x1], $0xffff;
	_ =	sdelay $0x1  }
0x3bf: {  	v4 =	vld.idx.msk [tilespmem:v0+s29+$0x830 ss:$0x1], $0xffff;
	_ =	sdelay $0x1  }
0x3c0: {  	v5 =	vld.idx.msk [tilespmem:v0+s29+$0x1030 ss:$0x1], $0xffff  }
0x3c1: {  	v2 =	vadd.f32 v3, v2  }
0x3c2: {  	v3 =	vld.idx.msk [tilespmem:v0+s29+$0x1830 ss:$0x1], $0xffff  }
0x3c3: {  	v2 =	vadd.f32 v4, v2  }
0x3c4: {  	v4 =	vld.idx.msk [tilespmem:v0+s29+$0x2030 ss:$0x1], $0xffff  }
0x3c5: {  	v2 =	vadd.f32 v5, v2  }
0x3c6: {  	v5 =	vld.idx.msk [tilespmem:v0+s29+$0x2830 ss:$0x1], $0xffff  }
0x3c7: {  	v2 =	vadd.f32 v3, v2  }
0x3c8: {  	v3 =	vld.idx.msk [tilespmem:v0+s29+$0x3030 ss:$0x1], $0xffff  }
0x3c9: {  	v2 =	vadd.f32 v4, v2  }
0x3ca: {  	v4 =	vld.idx.msk [tilespmem:v0+s29+$0x3830 ss:$0x1], $0xffff  }
0x3cb: {  	v2 =	vadd.f32 v5, v2  }
0x3cc: {  	v5 =	vld.idx.msk [tilespmem:v0+s29+$0x4030 ss:$0x1], $0xffff  }
0x3cd: {  	v2 =	vadd.f32 v3, v2  }
0x3ce: {  	v3 =	vld.idx.msk [tilespmem:v0+s29+$0x4830 ss:$0x1], $0xffff  }
0x3cf: {  	v2 =	vadd.f32 v4, v2  }
0x3d0: {  	v4 =	vld.idx.msk [tilespmem:v0+s29+$0x5030 ss:$0x1], $0xffff  }
0x3d1: {  	v2 =	vadd.f32 v5, v2  }
0x3d2: {  	v5 =	vld.idx.msk [tilespmem:v0+s29+$0x5830 ss:$0x1], $0xffff  }
0x3d3: {  	v2 =	vadd.f32 v3, v2  }
0x3d4: {  	v3 =	vld.idx.msk [tilespmem:v0+s29+$0x6030 ss:$0x1], $0xffff  }
0x3d5: {  	v2 =	vadd.f32 v4, v2  }
0x3d6: {  	v4 =	vld.idx.msk [tilespmem:v0+s29+$0x6830 ss:$0x1], $0xffff  }
0x3d7: {  	v2 =	vadd.f32 v5, v2  }
0x3d8: {  	v5 =	vld.idx.msk [tilespmem:v0+s29+$0x7030 ss:$0x1], $0xffff  }
0x3d9: {  	v2 =	vadd.f32 v3, v2  }
0x3da: {  	v3 =	vld.idx.msk [tilespmem:v0+s29+$0x7830 ss:$0x1], $0xffff  }
0x3db: {  	v2 =	vadd.f32 v4, v2;
	_ =	sdelay $0x1  }
0x3dc: {  	v2 =	vadd.f32 v5, v2;
	_ =	sdelay $0x1  }
0x3dd: {  	v2 =	vadd.f32 v3, v2;
	_ =	sdelay $0x1  }
0x3de: {  	[tilespmem:v1+s29+$0xFFFFFFC0 ss:$0x1] =	vst.idx.msk $0xffff, v2  }
0x3df: {  	v2 =	vld.idx.msk [tilespmem:v0+s29+$0x8040 ss:$0x1], $0xffff  }
0x3e0: {  	v3 =	vld.idx.msk [tilespmem:v0+s29+$0x40 ss:$0x1], $0xffff;
	_ =	sdelay $0x1  }
0x3e1: {  	v4 =	vld.idx.msk [tilespmem:v0+s29+$0x840 ss:$0x1], $0xffff;
	_ =	sdelay $0x1  }
0x3e2: {  	v5 =	vld.idx.msk [tilespmem:v0+s29+$0x1040 ss:$0x1], $0xffff  }
0x3e3: {  	v2 =	vadd.f32 v3, v2  }
0x3e4: {  	v3 =	vld.idx.msk [tilespmem:v0+s29+$0x1840 ss:$0x1], $0xffff  }
0x3e5: {  	v2 =	vadd.f32 v4, v2  }
0x3e6: {  	v4 =	vld.idx.msk [tilespmem:v0+s29+$0x2040 ss:$0x1], $0xffff  }
0x3e7: {  	v2 =	vadd.f32 v5, v2  }
0x3e8: {  	v5 =	vld.idx.msk [tilespmem:v0+s29+$0x2840 ss:$0x1], $0xffff  }
0x3e9: {  	v2 =	vadd.f32 v3, v2  }
0x3ea: {  	v3 =	vld.idx.msk [tilespmem:v0+s29+$0x3040 ss:$0x1], $0xffff  }
0x3eb: {  	v2 =	vadd.f32 v4, v2  }
0x3ec: {  	v4 =	vld.idx.msk [tilespmem:v0+s29+$0x3840 ss:$0x1], $0xffff  }
0x3ed: {  	v2 =	vadd.f32 v5, v2  }
0x3ee: {  	v5 =	vld.idx.msk [tilespmem:v0+s29+$0x4040 ss:$0x1], $0xffff  }
0x3ef: {  	v2 =	vadd.f32 v3, v2  }
0x3f0: {  	v3 =	vld.idx.msk [tilespmem:v0+s29+$0x4840 ss:$0x1], $0xffff  }
0x3f1: {  	v2 =	vadd.f32 v4, v2  }
0x3f2: {  	v4 =	vld.idx.msk [tilespmem:v0+s29+$0x5040 ss:$0x1], $0xffff  }
0x3f3: {  	v2 =	vadd.f32 v5, v2  }
0x3f4: {  	v5 =	vld.idx.msk [tilespmem:v0+s29+$0x5840 ss:$0x1], $0xffff  }
0x3f5: {  	v2 =	vadd.f32 v3, v2  }
0x3f6: {  	v3 =	vld.idx.msk [tilespmem:v0+s29+$0x6040 ss:$0x1], $0xffff  }
0x3f7: {  	v2 =	vadd.f32 v4, v2  }
0x3f8: {  	v4 =	vld.idx.msk [tilespmem:v0+s29+$0x6840 ss:$0x1], $0xffff  }
0x3f9: {  	v2 =	vadd.f32 v5, v2  }
0x3fa: {  	v5 =	vld.idx.msk [tilespmem:v0+s29+$0x7040 ss:$0x1], $0xffff  }
0x3fb: {  	v2 =	vadd.f32 v3, v2  }
0x3fc: {  	v3 =	vld.idx.msk [tilespmem:v0+s29+$0x7840 ss:$0x1], $0xffff  }
0x3fd: {  	v2 =	vadd.f32 v4, v2;
	_ =	sdelay $0x1  }
0x3fe: {  	v2 =	vadd.f32 v5, v2;
	_ =	sdelay $0x1  }
0x3ff: {  	v2 =	vadd.f32 v3, v2;
	_ =	sdelay $0x1  }
0x400: {  	[tilespmem:v1+s29+$0xFFFFFFD0 ss:$0x1] =	vst.idx.msk $0xffff, v2  }
0x401: {  	v2 =	vld.idx.msk [tilespmem:v0+s29+$0x8050 ss:$0x1], $0xffff  }
0x402: {  	v3 =	vld.idx.msk [tilespmem:v0+s29+$0x50 ss:$0x1], $0xffff;
	_ =	sdelay $0x1  }
0x403: {  	v4 =	vld.idx.msk [tilespmem:v0+s29+$0x850 ss:$0x1], $0xffff;
	_ =	sdelay $0x1  }
0x404: {  	v5 =	vld.idx.msk [tilespmem:v0+s29+$0x1050 ss:$0x1], $0xffff  }
0x405: {  	v2 =	vadd.f32 v3, v2  }
0x406: {  	v3 =	vld.idx.msk [tilespmem:v0+s29+$0x1850 ss:$0x1], $0xffff  }
0x407: {  	v2 =	vadd.f32 v4, v2  }
0x408: {  	v4 =	vld.idx.msk [tilespmem:v0+s29+$0x2050 ss:$0x1], $0xffff  }
0x409: {  	v2 =	vadd.f32 v5, v2  }
0x40a: {  	v5 =	vld.idx.msk [tilespmem:v0+s29+$0x2850 ss:$0x1], $0xffff  }
0x40b: {  	v2 =	vadd.f32 v3, v2  }
0x40c: {  	v3 =	vld.idx.msk [tilespmem:v0+s29+$0x3050 ss:$0x1], $0xffff  }
0x40d: {  	v2 =	vadd.f32 v4, v2  }
0x40e: {  	v4 =	vld.idx.msk [tilespmem:v0+s29+$0x3850 ss:$0x1], $0xffff  }
0x40f: {  	v2 =	vadd.f32 v5, v2  }
0x410: {  	v5 =	vld.idx.msk [tilespmem:v0+s29+$0x4050 ss:$0x1], $0xffff  }
0x411: {  	v2 =	vadd.f32 v3, v2  }
0x412: {  	v3 =	vld.idx.msk [tilespmem:v0+s29+$0x4850 ss:$0x1], $0xffff  }
0x413: {  	v2 =	vadd.f32 v4, v2  }
0x414: {  	v4 =	vld.idx.msk [tilespmem:v0+s29+$0x5050 ss:$0x1], $0xffff  }
0x415: {  	v2 =	vadd.f32 v5, v2  }
0x416: {  	v5 =	vld.idx.msk [tilespmem:v0+s29+$0x5850 ss:$0x1], $0xffff  }
0x417: {  	v2 =	vadd.f32 v3, v2  }
0x418: {  	v3 =	vld.idx.msk [tilespmem:v0+s29+$0x6050 ss:$0x1], $0xffff  }
0x419: {  	v2 =	vadd.f32 v4, v2  }
0x41a: {  	v4 =	vld.idx.msk [tilespmem:v0+s29+$0x6850 ss:$0x1], $0xffff  }
0x41b: {  	v2 =	vadd.f32 v5, v2  }
0x41c: {  	v5 =	vld.idx.msk [tilespmem:v0+s29+$0x7050 ss:$0x1], $0xffff  }
0x41d: {  	v2 =	vadd.f32 v3, v2  }
0x41e: {  	v3 =	vld.idx.msk [tilespmem:v0+s29+$0x7850 ss:$0x1], $0xffff  }
0x41f: {  	v2 =	vadd.f32 v4, v2;
	_ =	sdelay $0x1  }
0x420: {  	v2 =	vadd.f32 v5, v2;
	_ =	sdelay $0x1  }
0x421: {  	v2 =	vadd.f32 v3, v2;
	_ =	sdelay $0x1  }
0x422: {  	[tilespmem:v1+s29+$0xFFFFFFE0 ss:$0x1] =	vst.idx.msk $0xffff, v2  }
0x423: {  	v2 =	vld.idx.msk [tilespmem:v0+s29+$0x8060 ss:$0x1], $0xffff  }
0x424: {  	v3 =	vld.idx.msk [tilespmem:v0+s29+$0x60 ss:$0x1], $0xffff;
	_ =	sdelay $0x1  }
0x425: {  	v4 =	vld.idx.msk [tilespmem:v0+s29+$0x860 ss:$0x1], $0xffff;
	_ =	sdelay $0x1  }
0x426: {  	v5 =	vld.idx.msk [tilespmem:v0+s29+$0x1060 ss:$0x1], $0xffff  }
0x427: {  	v2 =	vadd.f32 v3, v2  }
0x428: {  	v3 =	vld.idx.msk [tilespmem:v0+s29+$0x1860 ss:$0x1], $0xffff  }
0x429: {  	v2 =	vadd.f32 v4, v2  }
0x42a: {  	v4 =	vld.idx.msk [tilespmem:v0+s29+$0x2060 ss:$0x1], $0xffff  }
0x42b: {  	v2 =	vadd.f32 v5, v2  }
0x42c: {  	v5 =	vld.idx.msk [tilespmem:v0+s29+$0x2860 ss:$0x1], $0xffff  }
0x42d: {  	v2 =	vadd.f32 v3, v2  }
0x42e: {  	v3 =	vld.idx.msk [tilespmem:v0+s29+$0x3060 ss:$0x1], $0xffff  }
0x42f: {  	v2 =	vadd.f32 v4, v2  }
0x430: {  	v4 =	vld.idx.msk [tilespmem:v0+s29+$0x3860 ss:$0x1], $0xffff  }
0x431: {  	v2 =	vadd.f32 v5, v2  }
0x432: {  	v5 =	vld.idx.msk [tilespmem:v0+s29+$0x4060 ss:$0x1], $0xffff  }
0x433: {  	v2 =	vadd.f32 v3, v2  }
0x434: {  	v3 =	vld.idx.msk [tilespmem:v0+s29+$0x4860 ss:$0x1], $0xffff  }
0x435: {  	v2 =	vadd.f32 v4, v2  }
0x436: {  	v4 =	vld.idx.msk [tilespmem:v0+s29+$0x5060 ss:$0x1], $0xffff  }
0x437: {  	v2 =	vadd.f32 v5, v2  }
0x438: {  	v5 =	vld.idx.msk [tilespmem:v0+s29+$0x5860 ss:$0x1], $0xffff  }
0x439: {  	v2 =	vadd.f32 v3, v2  }
0x43a: {  	v3 =	vld.idx.msk [tilespmem:v0+s29+$0x6060 ss:$0x1], $0xffff  }
0x43b: {  	v2 =	vadd.f32 v4, v2  }
0x43c: {  	v4 =	vld.idx.msk [tilespmem:v0+s29+$0x6860 ss:$0x1], $0xffff  }
0x43d: {  	v2 =	vadd.f32 v5, v2  }
0x43e: {  	v5 =	vld.idx.msk [tilespmem:v0+s29+$0x7060 ss:$0x1], $0xffff  }
0x43f: {  	v2 =	vadd.f32 v3, v2  }
0x440: {  	v3 =	vld.idx.msk [tilespmem:v0+s29+$0x7860 ss:$0x1], $0xffff  }
0x441: {  	v2 =	vadd.f32 v4, v2;
	_ =	sdelay $0x1  }
0x442: {  	v2 =	vadd.f32 v5, v2;
	_ =	sdelay $0x1  }
0x443: {  	v2 =	vadd.f32 v3, v2;
	_ =	sdelay $0x1  }
0x444: {  	[tilespmem:v1+s29+$0xFFFFFFF0 ss:$0x1] =	vst.idx.msk $0xffff, v2  }
0x445: {  	v2 =	vld.idx.msk [tilespmem:v0+s29+$0x8070 ss:$0x1], $0xffff  }
0x446: {  	v3 =	vld.idx.msk [tilespmem:v0+s29+$0x70 ss:$0x1], $0xffff;
	_ =	sdelay $0x1  }
0x447: {  	v4 =	vld.idx.msk [tilespmem:v0+s29+$0x870 ss:$0x1], $0xffff;
	_ =	sdelay $0x1  }
0x448: {  	v5 =	vld.idx.msk [tilespmem:v0+s29+$0x1070 ss:$0x1], $0xffff  }
0x449: {  	v2 =	vadd.f32 v3, v2  }
0x44a: {  	v3 =	vld.idx.msk [tilespmem:v0+s29+$0x1870 ss:$0x1], $0xffff  }
0x44b: {  	v2 =	vadd.f32 v4, v2  }
0x44c: {  	v4 =	vld.idx.msk [tilespmem:v0+s29+$0x2070 ss:$0x1], $0xffff  }
0x44d: {  	v2 =	vadd.f32 v5, v2  }
0x44e: {  	v5 =	vld.idx.msk [tilespmem:v0+s29+$0x2870 ss:$0x1], $0xffff  }
0x44f: {  	v2 =	vadd.f32 v3, v2  }
0x450: {  	v3 =	vld.idx.msk [tilespmem:v0+s29+$0x3070 ss:$0x1], $0xffff  }
0x451: {  	v2 =	vadd.f32 v4, v2  }
0x452: {  	v4 =	vld.idx.msk [tilespmem:v0+s29+$0x3870 ss:$0x1], $0xffff  }
0x453: {  	v2 =	vadd.f32 v5, v2  }
0x454: {  	v5 =	vld.idx.msk [tilespmem:v0+s29+$0x4070 ss:$0x1], $0xffff  }
0x455: {  	v2 =	vadd.f32 v3, v2  }
0x456: {  	v3 =	vld.idx.msk [tilespmem:v0+s29+$0x4870 ss:$0x1], $0xffff  }
0x457: {  	v2 =	vadd.f32 v4, v2  }
0x458: {  	v4 =	vld.idx.msk [tilespmem:v0+s29+$0x5070 ss:$0x1], $0xffff  }
0x459: {  	v2 =	vadd.f32 v5, v2  }
0x45a: {  	v6 =	vld.idx.msk [tilespmem:v0+s29+$0x5870 ss:$0x1], $0xffff  }
0x45b: {  	v5 =	vadd.f32 v3, v2  }
0x45c: {  	v2 =	vld.idx.msk [tilespmem:v0+s29+$0x6070 ss:$0x1], $0xffff  }
0x45d: {  	s17 =	sand.u32 $0x1, s26;
	v3 =	vld.idx.msk [tilespmem:v0+s29+$0x6870 ss:$0x1], $0xffff;
	v7 =	vadd.f32 v4, v5  }
0x45e: {  	s1 =	sshll.u32 s17, $0xB;
	v4 =	vld.idx.msk [tilespmem:v0+s29+$0x7070 ss:$0x1], $0xffff  }
0x45f: {  	s31 =	simm.s32 $0x200;
	s30 =	sadd.s32 $0x17E80, s1;
	v5 =	vld.idx.msk [tilespmem:v0+s29+$0x7870 ss:$0x1], $0xffff;
	v6 =	vadd.f32 v6, v7  }
.LBB2_3:
0x460: {  	p1 =	sne.s32 s31, $0x1E00;
	s1 =	smov.u32 s31;
	s31 =	sadd.s32 $0x200, s31  }
0x461: {  	v2 =	vadd.f32 v2, v6;
	_ =	sdelay $0x1  }
0x462: {  	v2 =	vadd.f32 v3, v2;
	_ =	sdelay $0x1  }
0x463: {  	v2 =	vadd.f32 v4, v2;
	_ =	sdelay $0x1  }
0x464: {  	v2 =	vadd.f32 v5, v2  }
0x465: {  	s1 =	sshra.s32 s1, $0x2  }
0x466: {  	[tilespmem:v1+s29+$0x0 ss:$0x1] =	vst.idx.msk $0xffff, v2;
	s29 =	smov.u32 s1  }
0x467: {  	v2 =	vld.idx.msk [tilespmem:v0+s29+$0x8000 ss:$0x1], $0xffff  }
0x468: {  	v3 =	vld.idx.msk [tilespmem:v0+s29+$0x0 ss:$0x1], $0xffff  }
0x469: {  	v4 =	vld.idx.msk [tilespmem:v0+s29+$0x800 ss:$0x1], $0xffff;
	_ =	sdelay $0x1  }
0x46a: {  	v5 =	vld.idx.msk [tilespmem:v0+s29+$0x1000 ss:$0x1], $0xffff;
	_ =	sdelay $0x2  }
0x46b: {  	v2 =	vadd.f32 v3, v2;
	v3 =	vld.idx.msk [tilespmem:v0+s29+$0x1800 ss:$0x1], $0xffff;
	_ =	sdelay $0x1  }
0x46c: {  	v2 =	vadd.f32 v4, v2;
	v4 =	vld.idx.msk [tilespmem:v0+s29+$0x2000 ss:$0x1], $0xffff;
	_ =	sdelay $0x1  }
0x46d: {  	v2 =	vadd.f32 v5, v2;
	v5 =	vld.idx.msk [tilespmem:v0+s29+$0x2800 ss:$0x1], $0xffff;
	_ =	sdelay $0x1  }
0x46e: {  	v2 =	vadd.f32 v3, v2;
	v3 =	vld.idx.msk [tilespmem:v0+s29+$0x3000 ss:$0x1], $0xffff;
	_ =	sdelay $0x1  }
0x46f: {  	v2 =	vadd.f32 v4, v2;
	v4 =	vld.idx.msk [tilespmem:v0+s29+$0x3800 ss:$0x1], $0xffff;
	_ =	sdelay $0x1  }
0x470: {  	v2 =	vadd.f32 v5, v2;
	v5 =	vld.idx.msk [tilespmem:v0+s29+$0x4000 ss:$0x1], $0xffff;
	_ =	sdelay $0x1  }
0x471: {  	v2 =	vadd.f32 v3, v2;
	v3 =	vld.idx.msk [tilespmem:v0+s29+$0x4800 ss:$0x1], $0xffff;
	_ =	sdelay $0x1  }
0x472: {  	v2 =	vadd.f32 v4, v2;
	v4 =	vld.idx.msk [tilespmem:v0+s29+$0x5000 ss:$0x1], $0xffff;
	_ =	sdelay $0x1  }
0x473: {  	v2 =	vadd.f32 v5, v2;
	v5 =	vld.idx.msk [tilespmem:v0+s29+$0x5800 ss:$0x1], $0xffff;
	_ =	sdelay $0x1  }
0x474: {  	v2 =	vadd.f32 v3, v2;
	v3 =	vld.idx.msk [tilespmem:v0+s29+$0x6000 ss:$0x1], $0xffff;
	_ =	sdelay $0x1  }
0x475: {  	v2 =	vadd.f32 v4, v2;
	v4 =	vld.idx.msk [tilespmem:v0+s29+$0x6800 ss:$0x1], $0xffff;
	_ =	sdelay $0x1  }
0x476: {  	v2 =	vadd.f32 v5, v2;
	v5 =	vld.idx.msk [tilespmem:v0+s29+$0x7000 ss:$0x1], $0xffff;
	_ =	sdelay $0x1  }
0x477: {  	v2 =	vadd.f32 v3, v2;
	v3 =	vld.idx.msk [tilespmem:v0+s29+$0x7800 ss:$0x1], $0xffff;
	_ =	sdelay $0x1  }
0x478: {  	v2 =	vadd.f32 v4, v2;
	_ =	sdelay $0x1  }
0x479: {  	v2 =	vadd.f32 v5, v2;
	_ =	sdelay $0x1  }
0x47a: {  	v2 =	vadd.f32 v3, v2;
	_ =	sdelay $0x1  }
0x47b: {  	[tilespmem:v1+s29+$0xFFFFFF90 ss:$0x1] =	vst.idx.msk $0xffff, v2  }
0x47c: {  	v2 =	vld.idx.msk [tilespmem:v0+s29+$0x8010 ss:$0x1], $0xffff  }
0x47d: {  	v3 =	vld.idx.msk [tilespmem:v0+s29+$0x10 ss:$0x1], $0xffff;
	_ =	sdelay $0x1  }
0x47e: {  	v4 =	vld.idx.msk [tilespmem:v0+s29+$0x810 ss:$0x1], $0xffff;
	_ =	sdelay $0x1  }
0x47f: {  	v5 =	vld.idx.msk [tilespmem:v0+s29+$0x1010 ss:$0x1], $0xffff;
	_ =	sdelay $0x1  }
0x480: {  	v2 =	vadd.f32 v3, v2;
	v3 =	vld.idx.msk [tilespmem:v0+s29+$0x1810 ss:$0x1], $0xffff;
	_ =	sdelay $0x1  }
0x481: {  	v2 =	vadd.f32 v4, v2;
	v4 =	vld.idx.msk [tilespmem:v0+s29+$0x2010 ss:$0x1], $0xffff;
	_ =	sdelay $0x1  }
0x482: {  	v2 =	vadd.f32 v5, v2;
	v5 =	vld.idx.msk [tilespmem:v0+s29+$0x2810 ss:$0x1], $0xffff;
	_ =	sdelay $0x1  }
0x483: {  	v2 =	vadd.f32 v3, v2;
	v3 =	vld.idx.msk [tilespmem:v0+s29+$0x3010 ss:$0x1], $0xffff;
	_ =	sdelay $0x1  }
0x484: {  	v2 =	vadd.f32 v4, v2;
	v4 =	vld.idx.msk [tilespmem:v0+s29+$0x3810 ss:$0x1], $0xffff;
	_ =	sdelay $0x1  }
0x485: {  	v2 =	vadd.f32 v5, v2;
	v5 =	vld.idx.msk [tilespmem:v0+s29+$0x4010 ss:$0x1], $0xffff;
	_ =	sdelay $0x1  }
0x486: {  	v2 =	vadd.f32 v3, v2;
	v3 =	vld.idx.msk [tilespmem:v0+s29+$0x4810 ss:$0x1], $0xffff;
	_ =	sdelay $0x1  }
0x487: {  	v2 =	vadd.f32 v4, v2;
	v4 =	vld.idx.msk [tilespmem:v0+s29+$0x5010 ss:$0x1], $0xffff;
	_ =	sdelay $0x1  }
0x488: {  	v2 =	vadd.f32 v5, v2;
	v5 =	vld.idx.msk [tilespmem:v0+s29+$0x5810 ss:$0x1], $0xffff;
	_ =	sdelay $0x1  }
0x489: {  	v2 =	vadd.f32 v3, v2;
	v3 =	vld.idx.msk [tilespmem:v0+s29+$0x6010 ss:$0x1], $0xffff;
	_ =	sdelay $0x1  }
0x48a: {  	v2 =	vadd.f32 v4, v2;
	v4 =	vld.idx.msk [tilespmem:v0+s29+$0x6810 ss:$0x1], $0xffff;
	_ =	sdelay $0x1  }
0x48b: {  	v2 =	vadd.f32 v5, v2;
	v5 =	vld.idx.msk [tilespmem:v0+s29+$0x7010 ss:$0x1], $0xffff;
	_ =	sdelay $0x1  }
0x48c: {  	v2 =	vadd.f32 v3, v2;
	v3 =	vld.idx.msk [tilespmem:v0+s29+$0x7810 ss:$0x1], $0xffff;
	_ =	sdelay $0x1  }
0x48d: {  	v2 =	vadd.f32 v4, v2;
	_ =	sdelay $0x1  }
0x48e: {  	v2 =	vadd.f32 v5, v2;
	_ =	sdelay $0x1  }
0x48f: {  	v2 =	vadd.f32 v3, v2;
	_ =	sdelay $0x1  }
0x490: {  	[tilespmem:v1+s29+$0xFFFFFFA0 ss:$0x1] =	vst.idx.msk $0xffff, v2  }
0x491: {  	v2 =	vld.idx.msk [tilespmem:v0+s29+$0x8020 ss:$0x1], $0xffff  }
0x492: {  	v3 =	vld.idx.msk [tilespmem:v0+s29+$0x20 ss:$0x1], $0xffff;
	_ =	sdelay $0x1  }
0x493: {  	v4 =	vld.idx.msk [tilespmem:v0+s29+$0x820 ss:$0x1], $0xffff;
	_ =	sdelay $0x1  }
0x494: {  	v5 =	vld.idx.msk [tilespmem:v0+s29+$0x1020 ss:$0x1], $0xffff;
	_ =	sdelay $0x1  }
0x495: {  	v2 =	vadd.f32 v3, v2;
	v3 =	vld.idx.msk [tilespmem:v0+s29+$0x1820 ss:$0x1], $0xffff;
	_ =	sdelay $0x1  }
0x496: {  	v2 =	vadd.f32 v4, v2;
	v4 =	vld.idx.msk [tilespmem:v0+s29+$0x2020 ss:$0x1], $0xffff;
	_ =	sdelay $0x1  }
0x497: {  	v2 =	vadd.f32 v5, v2;
	v5 =	vld.idx.msk [tilespmem:v0+s29+$0x2820 ss:$0x1], $0xffff;
	_ =	sdelay $0x1  }
0x498: {  	v2 =	vadd.f32 v3, v2;
	v3 =	vld.idx.msk [tilespmem:v0+s29+$0x3020 ss:$0x1], $0xffff;
	_ =	sdelay $0x1  }
0x499: {  	v2 =	vadd.f32 v4, v2;
	v4 =	vld.idx.msk [tilespmem:v0+s29+$0x3820 ss:$0x1], $0xffff;
	_ =	sdelay $0x1  }
0x49a: {  	v2 =	vadd.f32 v5, v2;
	v5 =	vld.idx.msk [tilespmem:v0+s29+$0x4020 ss:$0x1], $0xffff;
	_ =	sdelay $0x1  }
0x49b: {  	v2 =	vadd.f32 v3, v2;
	v3 =	vld.idx.msk [tilespmem:v0+s29+$0x4820 ss:$0x1], $0xffff;
	_ =	sdelay $0x1  }
0x49c: {  	v2 =	vadd.f32 v4, v2;
	v4 =	vld.idx.msk [tilespmem:v0+s29+$0x5020 ss:$0x1], $0xffff;
	_ =	sdelay $0x1  }
0x49d: {  	v2 =	vadd.f32 v5, v2;
	v5 =	vld.idx.msk [tilespmem:v0+s29+$0x5820 ss:$0x1], $0xffff;
	_ =	sdelay $0x1  }
0x49e: {  	v2 =	vadd.f32 v3, v2;
	v3 =	vld.idx.msk [tilespmem:v0+s29+$0x6020 ss:$0x1], $0xffff;
	_ =	sdelay $0x1  }
0x49f: {  	v2 =	vadd.f32 v4, v2;
	v4 =	vld.idx.msk [tilespmem:v0+s29+$0x6820 ss:$0x1], $0xffff;
	_ =	sdelay $0x1  }
0x4a0: {  	v2 =	vadd.f32 v5, v2;
	v5 =	vld.idx.msk [tilespmem:v0+s29+$0x7020 ss:$0x1], $0xffff;
	_ =	sdelay $0x1  }
0x4a1: {  	v2 =	vadd.f32 v3, v2;
	v3 =	vld.idx.msk [tilespmem:v0+s29+$0x7820 ss:$0x1], $0xffff;
	_ =	sdelay $0x1  }
0x4a2: {  	v2 =	vadd.f32 v4, v2;
	_ =	sdelay $0x1  }
0x4a3: {  	v2 =	vadd.f32 v5, v2;
	_ =	sdelay $0x1  }
0x4a4: {  	v2 =	vadd.f32 v3, v2;
	_ =	sdelay $0x1  }
0x4a5: {  	[tilespmem:v1+s29+$0xFFFFFFB0 ss:$0x1] =	vst.idx.msk $0xffff, v2  }
0x4a6: {  	v2 =	vld.idx.msk [tilespmem:v0+s29+$0x8030 ss:$0x1], $0xffff  }
0x4a7: {  	v3 =	vld.idx.msk [tilespmem:v0+s29+$0x30 ss:$0x1], $0xffff  }
0x4a8: {  	v4 =	vld.idx.msk [tilespmem:v0+s29+$0x830 ss:$0x1], $0xffff;
	_ =	sdelay $0x2  }
0x4a9: {  	v5 =	vld.idx.msk [tilespmem:v0+s29+$0x1030 ss:$0x1], $0xffff;
	_ =	sdelay $0x1  }
0x4aa: {  	v2 =	vadd.f32 v3, v2;
	v3 =	vld.idx.msk [tilespmem:v0+s29+$0x1830 ss:$0x1], $0xffff;
	_ =	sdelay $0x1  }
0x4ab: {  	v2 =	vadd.f32 v4, v2;
	v4 =	vld.idx.msk [tilespmem:v0+s29+$0x2030 ss:$0x1], $0xffff;
	_ =	sdelay $0x1  }
0x4ac: {  	v2 =	vadd.f32 v5, v2;
	v5 =	vld.idx.msk [tilespmem:v0+s29+$0x2830 ss:$0x1], $0xffff;
	_ =	sdelay $0x1  }
0x4ad: {  	v2 =	vadd.f32 v3, v2;
	v3 =	vld.idx.msk [tilespmem:v0+s29+$0x3030 ss:$0x1], $0xffff;
	_ =	sdelay $0x1  }
0x4ae: {  	v2 =	vadd.f32 v4, v2;
	v4 =	vld.idx.msk [tilespmem:v0+s29+$0x3830 ss:$0x1], $0xffff;
	_ =	sdelay $0x1  }
0x4af: {  	v2 =	vadd.f32 v5, v2;
	v5 =	vld.idx.msk [tilespmem:v0+s29+$0x4030 ss:$0x1], $0xffff;
	_ =	sdelay $0x1  }
0x4b0: {  	v2 =	vadd.f32 v3, v2;
	v3 =	vld.idx.msk [tilespmem:v0+s29+$0x4830 ss:$0x1], $0xffff;
	_ =	sdelay $0x1  }
0x4b1: {  	v2 =	vadd.f32 v4, v2;
	v4 =	vld.idx.msk [tilespmem:v0+s29+$0x5030 ss:$0x1], $0xffff;
	_ =	sdelay $0x1  }
0x4b2: {  	v2 =	vadd.f32 v5, v2;
	v5 =	vld.idx.msk [tilespmem:v0+s29+$0x5830 ss:$0x1], $0xffff;
	_ =	sdelay $0x1  }
0x4b3: {  	v2 =	vadd.f32 v3, v2;
	v3 =	vld.idx.msk [tilespmem:v0+s29+$0x6030 ss:$0x1], $0xffff;
	_ =	sdelay $0x1  }
0x4b4: {  	v2 =	vadd.f32 v4, v2;
	v4 =	vld.idx.msk [tilespmem:v0+s29+$0x6830 ss:$0x1], $0xffff;
	_ =	sdelay $0x1  }
0x4b5: {  	v2 =	vadd.f32 v5, v2;
	v5 =	vld.idx.msk [tilespmem:v0+s29+$0x7030 ss:$0x1], $0xffff;
	_ =	sdelay $0x1  }
0x4b6: {  	v2 =	vadd.f32 v3, v2;
	v3 =	vld.idx.msk [tilespmem:v0+s29+$0x7830 ss:$0x1], $0xffff;
	_ =	sdelay $0x1  }
0x4b7: {  	v2 =	vadd.f32 v4, v2;
	_ =	sdelay $0x1  }
0x4b8: {  	v2 =	vadd.f32 v5, v2;
	_ =	sdelay $0x1  }
0x4b9: {  	v2 =	vadd.f32 v3, v2;
	_ =	sdelay $0x1  }
0x4ba: {  	[tilespmem:v1+s29+$0xFFFFFFC0 ss:$0x1] =	vst.idx.msk $0xffff, v2  }
0x4bb: {  	v2 =	vld.idx.msk [tilespmem:v0+s29+$0x8040 ss:$0x1], $0xffff  }
0x4bc: {  	v3 =	vld.idx.msk [tilespmem:v0+s29+$0x40 ss:$0x1], $0xffff  }
0x4bd: {  	v4 =	vld.idx.msk [tilespmem:v0+s29+$0x840 ss:$0x1], $0xffff;
	_ =	sdelay $0x2  }
0x4be: {  	v5 =	vld.idx.msk [tilespmem:v0+s29+$0x1040 ss:$0x1], $0xffff;
	_ =	sdelay $0x1  }
0x4bf: {  	v2 =	vadd.f32 v3, v2;
	v3 =	vld.idx.msk [tilespmem:v0+s29+$0x1840 ss:$0x1], $0xffff;
	_ =	sdelay $0x1  }
0x4c0: {  	v2 =	vadd.f32 v4, v2;
	v4 =	vld.idx.msk [tilespmem:v0+s29+$0x2040 ss:$0x1], $0xffff;
	_ =	sdelay $0x1  }
0x4c1: {  	v2 =	vadd.f32 v5, v2;
	v5 =	vld.idx.msk [tilespmem:v0+s29+$0x2840 ss:$0x1], $0xffff;
	_ =	sdelay $0x1  }
0x4c2: {  	v2 =	vadd.f32 v3, v2;
	v3 =	vld.idx.msk [tilespmem:v0+s29+$0x3040 ss:$0x1], $0xffff;
	_ =	sdelay $0x1  }
0x4c3: {  	v2 =	vadd.f32 v4, v2;
	v4 =	vld.idx.msk [tilespmem:v0+s29+$0x3840 ss:$0x1], $0xffff;
	_ =	sdelay $0x1  }
0x4c4: {  	v2 =	vadd.f32 v5, v2;
	v5 =	vld.idx.msk [tilespmem:v0+s29+$0x4040 ss:$0x1], $0xffff;
	_ =	sdelay $0x1  }
0x4c5: {  	v2 =	vadd.f32 v3, v2;
	v3 =	vld.idx.msk [tilespmem:v0+s29+$0x4840 ss:$0x1], $0xffff;
	_ =	sdelay $0x1  }
0x4c6: {  	v2 =	vadd.f32 v4, v2;
	v4 =	vld.idx.msk [tilespmem:v0+s29+$0x5040 ss:$0x1], $0xffff;
	_ =	sdelay $0x1  }
0x4c7: {  	v2 =	vadd.f32 v5, v2;
	v5 =	vld.idx.msk [tilespmem:v0+s29+$0x5840 ss:$0x1], $0xffff;
	_ =	sdelay $0x1  }
0x4c8: {  	v2 =	vadd.f32 v3, v2;
	v3 =	vld.idx.msk [tilespmem:v0+s29+$0x6040 ss:$0x1], $0xffff;
	_ =	sdelay $0x1  }
0x4c9: {  	v2 =	vadd.f32 v4, v2;
	v4 =	vld.idx.msk [tilespmem:v0+s29+$0x6840 ss:$0x1], $0xffff;
	_ =	sdelay $0x1  }
0x4ca: {  	v2 =	vadd.f32 v5, v2;
	v5 =	vld.idx.msk [tilespmem:v0+s29+$0x7040 ss:$0x1], $0xffff;
	_ =	sdelay $0x1  }
0x4cb: {  	v2 =	vadd.f32 v3, v2;
	v3 =	vld.idx.msk [tilespmem:v0+s29+$0x7840 ss:$0x1], $0xffff;
	_ =	sdelay $0x1  }
0x4cc: {  	v2 =	vadd.f32 v4, v2;
	_ =	sdelay $0x1  }
0x4cd: {  	v2 =	vadd.f32 v5, v2;
	_ =	sdelay $0x1  }
0x4ce: {  	v2 =	vadd.f32 v3, v2;
	_ =	sdelay $0x1  }
0x4cf: {  	[tilespmem:v1+s29+$0xFFFFFFD0 ss:$0x1] =	vst.idx.msk $0xffff, v2  }
0x4d0: {  	v2 =	vld.idx.msk [tilespmem:v0+s29+$0x8050 ss:$0x1], $0xffff  }
0x4d1: {  	v3 =	vld.idx.msk [tilespmem:v0+s29+$0x50 ss:$0x1], $0xffff  }
0x4d2: {  	v4 =	vld.idx.msk [tilespmem:v0+s29+$0x850 ss:$0x1], $0xffff  }
0x4d3: {  	v5 =	vld.idx.msk [tilespmem:v0+s29+$0x1050 ss:$0x1], $0xffff  }
0x4d4: {  	v6 =	vld.idx.msk [tilespmem:v0+s29+$0x1850 ss:$0x1], $0xffff  }
0x4d5: {  	v7 =	vld.idx.msk [tilespmem:v0+s29+$0x2050 ss:$0x1], $0xffff  }
0x4d6: {  	v8 =	vld.idx.msk [tilespmem:v0+s29+$0x2850 ss:$0x1], $0xffff  }
0x4d7: {  	v2 =	vadd.f32 v3, v2;
	v3 =	vld.idx.msk [tilespmem:v0+s29+$0x3050 ss:$0x1], $0xffff  }
0x4d8: {  	v9 =	vld.idx.msk [tilespmem:v0+s29+$0x3850 ss:$0x1], $0xffff  }
0x4d9: {  	v2 =	vadd.f32 v4, v2;
	v4 =	vld.idx.msk [tilespmem:v0+s29+$0x4050 ss:$0x1], $0xffff  }
0x4da: {  	v10 =	vld.idx.msk [tilespmem:v0+s29+$0x4850 ss:$0x1], $0xffff  }
0x4db: {  	v2 =	vadd.f32 v5, v2;
	v5 =	vld.idx.msk [tilespmem:v0+s29+$0x5050 ss:$0x1], $0xffff  }
0x4dc: {  	v11 =	vld.idx.msk [tilespmem:v0+s29+$0x5850 ss:$0x1], $0xffff  }
0x4dd: {  	v2 =	vadd.f32 v6, v2;
	v6 =	vld.idx.msk [tilespmem:v0+s29+$0x6050 ss:$0x1], $0xffff  }
0x4de: {  	v12 =	vld.idx.msk [tilespmem:v0+s29+$0x6850 ss:$0x1], $0xffff  }
0x4df: {  	v2 =	vadd.f32 v7, v2;
	v7 =	vld.idx.msk [tilespmem:v0+s29+$0x7050 ss:$0x1], $0xffff  }
0x4e0: {  	v13 =	vld.idx.msk [tilespmem:v0+s29+$0x7850 ss:$0x1], $0xffff  }
0x4e1: {  	v2 =	vadd.f32 v8, v2;
	_ =	sdelay $0x1  }
0x4e2: {  	v2 =	vadd.f32 v3, v2;
	_ =	sdelay $0x1  }
0x4e3: {  	v2 =	vadd.f32 v9, v2;
	_ =	sdelay $0x1  }
0x4e4: {  	v2 =	vadd.f32 v4, v2;
	_ =	sdelay $0x1  }
0x4e5: {  	v2 =	vadd.f32 v10, v2;
	_ =	sdelay $0x1  }
0x4e6: {  	v2 =	vadd.f32 v5, v2;
	_ =	sdelay $0x1  }
0x4e7: {  	v2 =	vadd.f32 v11, v2;
	_ =	sdelay $0x1  }
0x4e8: {  	v2 =	vadd.f32 v6, v2;
	_ =	sdelay $0x1  }
0x4e9: {  	v2 =	vadd.f32 v12, v2;
	_ =	sdelay $0x1  }
0x4ea: {  	v2 =	vadd.f32 v7, v2;
	_ =	sdelay $0x1  }
0x4eb: {  	v2 =	vadd.f32 v13, v2;
	_ =	sdelay $0x1  }
0x4ec: {  	[tilespmem:v1+s29+$0xFFFFFFE0 ss:$0x1] =	vst.idx.msk $0xffff, v2  }
0x4ed: {  	v2 =	vld.idx.msk [tilespmem:v0+s29+$0x8060 ss:$0x1], $0xffff  }
0x4ee: {  	v3 =	vld.idx.msk [tilespmem:v0+s29+$0x60 ss:$0x1], $0xffff  }
0x4ef: {  	v4 =	vld.idx.msk [tilespmem:v0+s29+$0x860 ss:$0x1], $0xffff  }
0x4f0: {  	v5 =	vld.idx.msk [tilespmem:v0+s29+$0x1060 ss:$0x1], $0xffff  }
0x4f1: {  	v6 =	vld.idx.msk [tilespmem:v0+s29+$0x1860 ss:$0x1], $0xffff  }
0x4f2: {  	v7 =	vld.idx.msk [tilespmem:v0+s29+$0x2060 ss:$0x1], $0xffff  }
0x4f3: {  	v8 =	vld.idx.msk [tilespmem:v0+s29+$0x2860 ss:$0x1], $0xffff  }
0x4f4: {  	v2 =	vadd.f32 v3, v2;
	v3 =	vld.idx.msk [tilespmem:v0+s29+$0x3060 ss:$0x1], $0xffff  }
0x4f5: {  	v9 =	vld.idx.msk [tilespmem:v0+s29+$0x3860 ss:$0x1], $0xffff  }
0x4f6: {  	v2 =	vadd.f32 v4, v2;
	v4 =	vld.idx.msk [tilespmem:v0+s29+$0x4060 ss:$0x1], $0xffff  }
0x4f7: {  	v10 =	vld.idx.msk [tilespmem:v0+s29+$0x4860 ss:$0x1], $0xffff  }
0x4f8: {  	v2 =	vadd.f32 v5, v2;
	v5 =	vld.idx.msk [tilespmem:v0+s29+$0x5060 ss:$0x1], $0xffff  }
0x4f9: {  	v11 =	vld.idx.msk [tilespmem:v0+s29+$0x5860 ss:$0x1], $0xffff  }
0x4fa: {  	v2 =	vadd.f32 v6, v2;
	v6 =	vld.idx.msk [tilespmem:v0+s29+$0x6060 ss:$0x1], $0xffff  }
0x4fb: {  	v12 =	vld.idx.msk [tilespmem:v0+s29+$0x6860 ss:$0x1], $0xffff  }
0x4fc: {  	v2 =	vadd.f32 v7, v2;
	v7 =	vld.idx.msk [tilespmem:v0+s29+$0x7060 ss:$0x1], $0xffff  }
0x4fd: {  	v13 =	vld.idx.msk [tilespmem:v0+s29+$0x7860 ss:$0x1], $0xffff  }
0x4fe: {  	v2 =	vadd.f32 v8, v2;
	_ =	sdelay $0x1  }
0x4ff: {  	v2 =	vadd.f32 v3, v2;
	_ =	sdelay $0x1  }
0x500: {  	v2 =	vadd.f32 v9, v2;
	_ =	sdelay $0x1  }
0x501: {  	v2 =	vadd.f32 v4, v2;
	_ =	sdelay $0x1  }
0x502: {  	v2 =	vadd.f32 v10, v2;
	_ =	sdelay $0x1  }
0x503: {  	v2 =	vadd.f32 v5, v2;
	_ =	sdelay $0x1  }
0x504: {  	v2 =	vadd.f32 v11, v2;
	_ =	sdelay $0x1  }
0x505: {  	v2 =	vadd.f32 v6, v2;
	_ =	sdelay $0x1  }
0x506: {  	v2 =	vadd.f32 v12, v2;
	_ =	sdelay $0x1  }
0x507: {  	v2 =	vadd.f32 v7, v2;
	_ =	sdelay $0x1  }
0x508: {  	v2 =	vadd.f32 v13, v2;
	_ =	sdelay $0x1  }
0x509: {  	[tilespmem:v1+s29+$0xFFFFFFF0 ss:$0x1] =	vst.idx.msk $0xffff, v2  }
0x50a: {  	v2 =	vld.idx.msk [tilespmem:v0+s29+$0x8070 ss:$0x1], $0xffff  }
0x50b: {  	v3 =	vld.idx.msk [tilespmem:v0+s29+$0x70 ss:$0x1], $0xffff  }
0x50c: {  	v4 =	vld.idx.msk [tilespmem:v0+s29+$0x870 ss:$0x1], $0xffff  }
0x50d: {  	v5 =	vld.idx.msk [tilespmem:v0+s29+$0x1070 ss:$0x1], $0xffff  }
0x50e: {  	v6 =	vld.idx.msk [tilespmem:v0+s29+$0x1870 ss:$0x1], $0xffff  }
0x50f: {  	v7 =	vld.idx.msk [tilespmem:v0+s29+$0x2070 ss:$0x1], $0xffff  }
0x510: {  	v8 =	vld.idx.msk [tilespmem:v0+s29+$0x2870 ss:$0x1], $0xffff  }
0x511: {  	v2 =	vadd.f32 v3, v2;
	v9 =	vld.idx.msk [tilespmem:v0+s29+$0x3070 ss:$0x1], $0xffff  }
0x512: {  	v10 =	vld.idx.msk [tilespmem:v0+s29+$0x3870 ss:$0x1], $0xffff  }
0x513: {  	v2 =	vadd.f32 v4, v2;
	v11 =	vld.idx.msk [tilespmem:v0+s29+$0x4070 ss:$0x1], $0xffff  }
0x514: {  	v12 =	vld.idx.msk [tilespmem:v0+s29+$0x4870 ss:$0x1], $0xffff  }
0x515: {  	v2 =	vadd.f32 v5, v2;
	v13 =	vld.idx.msk [tilespmem:v0+s29+$0x5070 ss:$0x1], $0xffff  }
0x516: {  	v14 =	vld.idx.msk [tilespmem:v0+s29+$0x5870 ss:$0x1], $0xffff  }
0x517: {  	v4 =	vadd.f32 v6, v2;
	v2 =	vld.idx.msk [tilespmem:v0+s29+$0x6070 ss:$0x1], $0xffff  }
0x518: {  	v3 =	vld.idx.msk [tilespmem:v0+s29+$0x6870 ss:$0x1], $0xffff  }
0x519: {  	v6 =	vadd.f32 v7, v4;
	v4 =	vld.idx.msk [tilespmem:v0+s29+$0x7070 ss:$0x1], $0xffff  }
0x51a: {  	v5 =	vld.idx.msk [tilespmem:v0+s29+$0x7870 ss:$0x1], $0xffff  }
0x51b: {  	v6 =	vadd.f32 v8, v6;
	_ =	sdelay $0x1  }
0x51c: {  	v6 =	vadd.f32 v9, v6;
	_ =	sdelay $0x1  }
0x51d: {  	v6 =	vadd.f32 v10, v6;
	_ =	sdelay $0x1  }
0x51e: {  	v6 =	vadd.f32 v11, v6;
	_ =	sdelay $0x1  }
.Ltmp0:
0x51f: {  	v6 =	vadd.f32 v12, v6;
	(pc) =	sbr.rel @p1 .LBB2_3-.Ltmp0, $3  }
0x520: {  	_ = 	snop  }
0x521: {  	v6 =	vadd.f32 v13, v6;
	_ =	sdelay $0x1  }
0x522: {  	v6 =	vadd.f32 v14, v6  }
0x523: {  	_ = 	snop  }
0x524: {  	v0 =	vadd.f32 v2, v6;
	_ =	sdelay $0x1  }
0x525: {  	v0 =	vadd.f32 v3, v0;
	_ =	sdelay $0x1  }
0x526: {  	p1 =	sne.s32 s28, $0x68;
	v0 =	vadd.f32 v4, v0  }
.Ltmp1:
0x527: {  	s1 =	sshll.u32 s26, $0xB;
	(pc) =	sbr.rel @p1 .LBB2_2-.Ltmp1, $4  }
0x528: {  	s1 =	sadd.s32 s22, s1;
	v0 =	vadd.f32 v5, v0  }
0x529: {  	s1 =	sshrl.u32 s1, $0x3  }
0x52a: {  	p0 =	por !p0, !p0;
	s26 =	smov.u32 s28;
	s1 =	sadd.s32 s4, s1;
	[tilespmem:v1+s29+$0x0 ss:$0x1] =	vst.idx.msk $0xffff, v0  }
0x52b: {  	[hbm4b:s1+s2] =	stream.linear.scatter [tilespmem:s30], [sflag:$0x3], $0x800, $0x38;
	[tilespmem:$0x18E80] =	vst v63  }
0x52c: {  	_ =	swait.ge [sflag:s24], $0x800  }
0x52d: {  	[sflag:s24] =	ssyncset.done $0x0  }
0x52e: {  	[sflag:s24] =	ssyncadd.s32 $0xFFFFF800  }
0x52f: {  	_ =	swait.ge [sflag:s24], $0x800  }
0x530: {  	s25 =	sadd.s32 $0x1, s25;
	s1 =	rddreg [dreg:$0x7]  }
0x531: {  	p0 =	sne.s32 s25, s1  }
.Ltmp2:
0x532: {  	_ = 	snop;
	(pc) =	sbr.rel @p0 .LBB2_1-.Ltmp2, $3  }
0x533: {  	_ =	sdelay $0x1  }
0x534: {  	[sflag:s24] =	ssyncset.done $0x0  }
0x535: {  	[sflag:s24] =	ssyncadd.s32 $0xFFFFF800  }
0x536: {  	_ =	sfence.sel $0x180000  }
0x537: {  	[bflag:$0x0] =	sbarrier.arrive $0xFFFF  }
0x538: {  	_ =	strace $0x90000047  }
0x539: {  	s0 =	stileid.u32;
	[bflag:$0x2] =	sbarrier.arrive $0xFFFF  }
0x53a: {  	p0 =	sne.s32 s0, $0x0;
	s0 =	rddreg [dreg:$0x2]  }
0x53b: {  	s0 =	sadd.s32 @!p0 $0x100000, s0  }
0x53c: {  	[sflag:s0] =	ssyncadd.tile.s32 @!p0 $0x1;
	_ =	shalt  }
.Lfunc_end2:
_tile_overlayer_lowered:
.L_overlay_start_2:
0x53d: {  	(tag) =	ssettag $0x2  }
0x53e: {  	s0 =	rddreg [dreg:$0x0];
	s2 =	stileid.u32  }
0x53f: {  	s1 =	rddreg [dreg:$0x1];
	p0 =	sne.s32 s2, $0x0  }
0x540: {  	s3 =	rddreg [dreg:$0x2];
	[bflag:$0x3] =	sbarrier.arrive $0xFFFF;
	s2 =	simm.s32 @!p0 $0x1C04  }
0x541: {  	[timem:s3], [sflag:s2] =	dma.local @!p0 [hbm:s0], s1  }
0x542: {  	s0 =	simm.s32 @!p0 $0x4  }
0x543: {  	_ =	swait.ge @!p0 [sflag:s0], s1  }
0x544: {  	s1 =	ssub.s32 @!p0 $0x0, s1;
	[sflag:s0] =	ssyncset.done @!p0 $0x0  }
0x545: {  	[sflag:s0] =	ssyncadd.s32 @!p0 s1  }
0x546: {  	[bflag:$0x3] =	sbarrier.arrive $0xFFFF  }
0x547: {  	_ =	shalt  }

</sc_bundles>
